<compile_context>
chip_gen: v7x
topology: tpu7x:2x2x1
jax: 0.10.2.dev20260603
libtpu: 0.0.44.dev20260713+nightly
codegen_flags: <defaults>
</compile_context>

<pallas_src>
import functools

import jax
import jax.numpy as jnp
from jax import lax
from jax.experimental import pallas as pl
from jax.experimental.pallas import tpu as pltpu
from jax.experimental.pallas import tpu_sc as plsc

N = 10000
E = 320000
H = 128
OUT = 64

NC = 2
NS = 16
NW = NC * NS

NP = 10240
K = 80
ROWS_PER_TILE = NP // NW
EMB_CHUNKS = ROWS_PER_TILE // K
EDGES_PER_TILE = E // NW
KE = 80
AGG_CHUNKS = EDGES_PER_TILE // KE
AGG_PAIRS = (AGG_CHUNKS - 1) // 2
ACC_ROWS = NP // NS
L_SHAPE = (2, 1, H)

_mesh = plsc.VectorSubcoreMesh(core_axis_name="c", subcore_axis_name="s")


@functools.partial(
    pl.kernel,
    out_type=(
        jax.ShapeDtypeStruct((NP, H), jnp.float32),
        jax.ShapeDtypeStruct((NP, H), jnp.float32),
    ),
    mesh=_mesh,
    scratch_types=[
        pltpu.VMEM((EMB_CHUNKS, K), jnp.int32),
        pltpu.VMEM((EMB_CHUNKS, K), jnp.int32),
        pltpu.VMEM((EMB_CHUNKS, K, H), jnp.float32),
        pltpu.VMEM((EMB_CHUNKS, K, H), jnp.float32),
        pltpu.SemaphoreType.DMA,
        pltpu.SemaphoreType.DMA,
    ],
)
def _emb_kernel(f0_hbm, f1_hbm, key_hbm, val_hbm, xk_hbm, xv_hbm,
                i0v, i1v, rows_k, rows_v, sem_g, sem_w):
    c = lax.axis_index("c")
    s = lax.axis_index("s")
    wid = s * NC + c
    pltpu.sync_copy(f0_hbm.at[wid], i0v)
    pltpu.sync_copy(f1_hbm.at[wid], i1v)
    for j in range(EMB_CHUNKS):
        pltpu.async_copy(key_hbm.at[i0v.at[j]], rows_k.at[j], sem_g)
        pltpu.async_copy(val_hbm.at[i1v.at[j]], rows_v.at[j], sem_g)
    for j in range(EMB_CHUNKS):
        pltpu.make_async_copy(key_hbm.at[i0v.at[j]], rows_k.at[j],
                              sem_g).wait()
        pltpu.make_async_copy(val_hbm.at[i1v.at[j]], rows_v.at[j],
                              sem_g).wait()
    for j in range(EMB_CHUNKS):
        row0 = (wid * EMB_CHUNKS + j) * K
        pltpu.async_copy(rows_k.at[j], xk_hbm.at[pl.ds(row0, K)], sem_w)
        pltpu.async_copy(rows_v.at[j], xv_hbm.at[pl.ds(row0, K)], sem_w)
    for j in range(EMB_CHUNKS):
        row0 = (wid * EMB_CHUNKS + j) * K
        pltpu.make_async_copy(rows_k.at[j], xk_hbm.at[pl.ds(row0, K)],
                              sem_w).wait()
        pltpu.make_async_copy(rows_v.at[j], xv_hbm.at[pl.ds(row0, K)],
                              sem_w).wait()


@functools.partial(
    pl.kernel,
    out_type=jax.ShapeDtypeStruct((NC, NP, H), jnp.float32),
    mesh=_mesh,
    scratch_types=[
        pltpu.VMEM((EDGES_PER_TILE,), jnp.int32),
        pltpu.VMEM((AGG_CHUNKS, KE), jnp.int32),
        pltpu.VMEM((KE, H), jnp.float32),
        pltpu.VMEM((KE, H), jnp.float32),
        pltpu.VMEM_SHARED((NP, H), jnp.float32),
        pltpu.SemaphoreType.DMA,
        pltpu.SemaphoreType.DMA,
    ],
)
def _agg_kernel(m_hbm, src_hbm, dst_hbm, z_hbm, out_hbm,
                srcv, dstv, rows_a, rows_b, acc, sem_a, sem_b):
    c = lax.axis_index("c")
    s = lax.axis_index("s")
    wid = s * NC + c
    pltpu.sync_copy(z_hbm, rows_a.at[pl.ds(0, 80)])
    for t in range(ACC_ROWS // 80):
        pltpu.async_copy(rows_a.at[pl.ds(0, 80)],
                         acc.at[pl.ds(s * ACC_ROWS + t * 80, 80)], sem_b)
    for t in range(ACC_ROWS // 80):
        pltpu.make_async_copy(rows_a.at[pl.ds(0, 80)],
                              acc.at[pl.ds(s * ACC_ROWS + t * 80, 80)],
                              sem_b).wait()
    pltpu.sync_copy(src_hbm.at[wid], srcv)
    pltpu.sync_copy(dst_hbm.at[wid], dstv)

    def sl(j):
        return srcv.at[pl.ds(j * KE, KE)]

    pltpu.async_copy(m_hbm.at[sl(0)], rows_a, sem_a)
    pltpu.async_copy(m_hbm.at[sl(1)], rows_b, sem_b)
    plsc.subcore_barrier()

    def body(p, carry):
        j = 2 * p
        pltpu.make_async_copy(m_hbm.at[sl(j)], rows_a, sem_a).wait()
        pltpu.sync_copy(rows_a, acc.at[dstv.at[j]], add=True)
        pltpu.async_copy(m_hbm.at[sl(j + 2)], rows_a, sem_a)

        pltpu.make_async_copy(m_hbm.at[sl(j + 1)], rows_b, sem_b).wait()
        pltpu.sync_copy(rows_b, acc.at[dstv.at[j + 1]], add=True)

        @pl.when(p < AGG_PAIRS - 1)
        def _():
            pltpu.async_copy(m_hbm.at[sl(j + 3)], rows_b, sem_b)

        return carry

    lax.fori_loop(0, AGG_PAIRS, body, 0)
    pltpu.make_async_copy(m_hbm.at[sl(AGG_CHUNKS - 1)], rows_a,
                          sem_a).wait()
    pltpu.sync_copy(rows_a, acc.at[dstv.at[AGG_CHUNKS - 1]], add=True)
    plsc.subcore_barrier()
    nwb = ACC_ROWS // 80

    def wb_slot(t):
        buf = (rows_a if t % 2 == 0 else rows_b).at[pl.ds(0, 80)]
        wsem = sem_a if t % 2 == 0 else sem_b
        dst = out_hbm.at[c, pl.ds(s * ACC_ROWS + t * 80, 80)]
        return buf, dst, wsem

    for t in range(nwb):
        buf, dst, wsem = wb_slot(t)
        if t >= 2:
            pbuf, pdst, psem = wb_slot(t - 2)
            pltpu.make_async_copy(pbuf, pdst, psem).wait()
        pltpu.sync_copy(acc.at[pl.ds(s * ACC_ROWS + t * 80, 80)], buf)
        pltpu.async_copy(buf, dst, wsem)
    for t in (nwb - 2, nwb - 1):
        buf, dst, wsem = wb_slot(t)
        pltpu.make_async_copy(buf, dst, wsem).wait()


def _tc_pre_body(xk_ref, xv_ref, mw_ref, mb_ref, rw_ref, rb_ref,
                 m_ref, r_ref):
    x = xk_ref[...] + xv_ref[...]
    m_ref[...] = jnp.dot(x, mw_ref[0],
                         preferred_element_type=jnp.float32) + mb_ref[0]
    r_ref[...] = jnp.dot(x, rw_ref[0],
                         preferred_element_type=jnp.float32) + rb_ref[0]


def _wspecs(li):
    return (pl.BlockSpec((1, H, H), lambda i: (li, 0, 0)),
            pl.BlockSpec((1, 1, H), lambda i: (li, 0, 0)))


def _tc_mid_body(r_ref, agg_ref, aw_ref, ab_ref, mw_ref, mb_ref,
                 rw_ref, rb_ref, m_ref, r2_ref):
    h = jnp.maximum(r_ref[...] + agg_ref[0] + agg_ref[1], 0.0)
    x = jnp.maximum(jnp.dot(h, aw_ref[...],
                            preferred_element_type=jnp.float32) + ab_ref[...],
                    0.0)
    m_ref[...] = jnp.dot(x, mw_ref[0],
                         preferred_element_type=jnp.float32) + mb_ref[0]
    r2_ref[...] = jnp.dot(x, rw_ref[0],
                          preferred_element_type=jnp.float32) + rb_ref[0]


def _tc_out_body(r_ref, agg_ref, aw_ref, ab_ref, cw_ref, o_ref):
    h = jnp.maximum(r_ref[pl.ds(0, N), :] + agg_ref[0, pl.ds(0, N), :]
                    + agg_ref[1, pl.ds(0, N), :], 0.0)
    x = jnp.maximum(jnp.dot(h, aw_ref[...],
                            preferred_element_type=jnp.float32) + ab_ref[...],
                    0.0)
    o_ref[...] = jnp.dot(x, cw_ref[...], preferred_element_type=jnp.float32)


def kernel(feats, edge_index, key_emb, val_emb, act_W, act_b,
           root_W, root_b, msg_W, msg_b, cls_W):
    f32 = jnp.float32
    f0 = jnp.pad(feats[:, 0], (0, NP - N)).astype(jnp.int32).reshape(
        NW, EMB_CHUNKS, K)
    f1 = jnp.pad(feats[:, 1], (0, NP - N)).astype(jnp.int32).reshape(
        NW, EMB_CHUNKS, K)
    src = edge_index[0].astype(jnp.int32).reshape(NW, EDGES_PER_TILE)
    dst = edge_index[1].astype(jnp.int32).reshape(NW, AGG_CHUNKS, KE)
    zrows = jnp.zeros((80, H), f32)

    xk, xv = _emb_kernel(f0, f1, key_emb, val_emb)

    ab = act_b.reshape(1, H)
    nph = pl.BlockSpec((NP, H), lambda i: (0, 0))
    w0, b0 = _wspecs(0)
    w1, b1 = _wspecs(1)

    m1, r1 = pl.pallas_call(
        _tc_pre_body,
        grid=(1,),
        in_specs=[nph, nph, w0, b0, w0, b0],
        out_specs=(nph, nph),
        out_shape=(jax.ShapeDtypeStruct((NP, H), f32),
                   jax.ShapeDtypeStruct((NP, H), f32)),
    )(xk, xv, msg_W, msg_b.reshape(L_SHAPE), root_W, root_b.reshape(L_SHAPE))

    agg1 = _agg_kernel(m1, src, dst, zrows)

    m2, r2 = pl.pallas_call(
        _tc_mid_body,
        grid=(1,),
        in_specs=[nph, pl.BlockSpec((NC, NP, H), lambda i: (0, 0, 0)),
                  pl.BlockSpec((H, H), lambda i: (0, 0)),
                  pl.BlockSpec((1, H), lambda i: (0, 0)),
                  w1, b1, w1, b1],
        out_specs=(nph, nph),
        out_shape=(jax.ShapeDtypeStruct((NP, H), f32),
                   jax.ShapeDtypeStruct((NP, H), f32)),
    )(r1, agg1, act_W, ab, msg_W, msg_b.reshape(L_SHAPE),
      root_W, root_b.reshape(L_SHAPE))

    agg2 = _agg_kernel(m2, src, dst, zrows)

    out = pl.pallas_call(
        _tc_out_body,
        out_shape=jax.ShapeDtypeStruct((N, OUT), f32),
    )(r2, agg2, act_W, ab, cls_W)

    return out

# --- scband reference (transcript-rebuilt; emitter-appended) ---
"""Pipeline reference for scband-sirmodel-38010460569652 (READ-ONLY COPY).

The authoritative reference and input builder live on the scoring server;
editing this copy changes nothing except your own understanding.
"""

import jax, jax.numpy as jnp
import numpy as np

N = 10000
E = 320000
H = 128
V = 1001  # input_dim + 1
OUT = 64
L = 2


def setup_inputs(seed: int = 0) -> dict:
    key = jax.random.key(seed)
    ks = jax.random.split(key, 12)
    s = 0.05
    feats = jax.random.randint(ks[0], (N, 2), 0, V, dtype=jnp.int64) if jax.config.jax_enable_x64 else jax.random.randint(ks[0], (N, 2), 0, V, dtype=jnp.int32)
    edge_index = jax.random.randint(ks[1], (2, E), 0, N, dtype=jnp.int64) if jax.config.jax_enable_x64 else jax.random.randint(ks[1], (2, E), 0, N, dtype=jnp.int32)
    key_emb = jax.random.normal(ks[2], (V, H), dtype=jnp.float32) * s
    val_emb = jax.random.normal(ks[3], (V, H), dtype=jnp.float32) * s
    act_W = jax.random.normal(ks[4], (H, H), dtype=jnp.float32) * s
    act_b = jnp.zeros((H,), dtype=jnp.float32)
    root_W = jax.random.normal(ks[5], (L, H, H), dtype=jnp.float32) * s
    root_b = jnp.zeros((L, H), dtype=jnp.float32)
    msg_W = jax.random.normal(ks[6], (L, H, H), dtype=jnp.float32) * s
    msg_b = jnp.zeros((L, H), dtype=jnp.float32)
    cls_W = jax.random.normal(ks[7], (H, OUT), dtype=jnp.float32) * s
    return {
        "feats": feats,
        "edge_index": edge_index,
        "key_emb": key_emb,
        "val_emb": val_emb,
        "act_W": act_W,
        "act_b": act_b,
        "root_W": root_W,
        "root_b": root_b,
        "msg_W": msg_W,
        "msg_b": msg_b,
        "cls_W": cls_W,
    }


def reference(feats, edge_index, key_emb, val_emb, act_W, act_b, root_W, root_b, msg_W, msg_b, cls_W):
    # key/val embedding lookup and sum
    x = jnp.take(key_emb, feats[:, 0], axis=0) + jnp.take(val_emb, feats[:, 1], axis=0)
    src = edge_index[0]
    dst = edge_index[1]
    for i in range(L):
        # SIRConv: transform messages, aggregate over incoming edges, combine with root transform
        m = x @ msg_W[i] + msg_b[i]
        agg = jax.ops.segment_sum(jnp.take(m, src, axis=0), dst, num_segments=N)
        h = x @ root_W[i] + root_b[i] + agg
        # shared activation: ReLU -> Linear(H,H) -> ReLU
        h = jax.nn.relu(h)
        h = h @ act_W + act_b
        x = jax.nn.relu(h)
        # dropout p=0 -> identity
    return x @ cls_W

if __name__ == "__main__":
    import jax
    _d = setup_inputs()
    print(jax.jit(kernel)(*tuple(_d.values())))

</pallas_src>

<mosaic_0001>
#map = affine_map<(d0, d1) -> (0, 0, 0)>
#map1 = affine_map<(d0, d1) -> (0, 0)>
module attributes {stable_mosaic.version = 14 : i64} {
  func.func @_emb_kernel(%arg0: i32, %arg1: i32, %arg2: memref<32x4x80xi32, #tpu.memory_space<hbm>>, %arg3: memref<32x4x80xi32, #tpu.memory_space<hbm>>, %arg4: memref<1001x128xf32, #tpu.memory_space<hbm>>, %arg5: memref<1001x128xf32, #tpu.memory_space<hbm>>, %arg6: memref<10240x128xf32, #tpu.memory_space<hbm>>, %arg7: memref<10240x128xf32, #tpu.memory_space<hbm>>, %arg8: memref<4x80xi32, #tpu.memory_space<vmem>>, %arg9: memref<4x80xi32, #tpu.memory_space<vmem>>, %arg10: memref<4x80x128xf32, #tpu.memory_space<vmem>>, %arg11: memref<4x80x128xf32, #tpu.memory_space<vmem>>, %arg12: memref<!tpu.dma_semaphore, #tpu.memory_space<semaphore_mem>>, %arg13: memref<!tpu.dma_semaphore, #tpu.memory_space<semaphore_mem>>) attributes {dimension_semantics = [#tpu.dimension_semantics<core_parallel>, #tpu.dimension_semantics<subcore_parallel>], iteration_bounds = array<i64: 2, 16>, scalar_prefetch = 0 : i64, scratch_operands = 6 : i64, tpu.core_type = #tpu.core_type<sc_vector_subcore>, window_params = [{transform_indices = #map}, {transform_indices = #map}, {transform_indices = #map1}, {transform_indices = #map1}, {transform_indices = #map1}, {transform_indices = #map1}]} {
    %mul3A = arith.constant 2 : i32
    %mul3A_0 = arith.muli %arg1, %mul3A : i32
    %add3A = arith.addi %mul3A_0, %arg0 : i32
    "tpu.region"() ({
      %run_scoped3A = tpu.sem_alloc : memref<!tpu.dma_semaphore, #tpu.memory_space<semaphore_mem>>
      %dma_start3A_447 = arith.constant 0 : i32
      %dma_start3A_448 = arith.constant 0 : i32
      %dma_start3A_449 = tpu.memref_slice %arg2[%add3A, %dma_start3A_447, %dma_start3A_448] : memref<32x4x80xi32, #tpu.memory_space<hbm>> -> memref<1x4x80xi32, #tpu.memory_space<hbm>>
      %dma_start3A_450 = tpu.memref_squeeze %dma_start3A_449 : memref<1x4x80xi32, #tpu.memory_space<hbm>> -> memref<4x80xi32, #tpu.memory_space<hbm>>
      %dma_start3A_451 = arith.constant 0 : i32
      %dma_start3A_452 = arith.constant 0 : i32
      %dma_start3A_453 = tpu.memref_slice %arg2[%add3A, %dma_start3A_451, %dma_start3A_452] : memref<32x4x80xi32, #tpu.memory_space<hbm>> -> memref<1x4x80xi32, #tpu.memory_space<hbm>>
      %dma_start3A_454 = tpu.memref_squeeze %dma_start3A_453 : memref<1x4x80xi32, #tpu.memory_space<hbm>> -> memref<4x80xi32, #tpu.memory_space<hbm>>
      tpu.enqueue_dma source(%dma_start3A_454 : memref<4x80xi32, #tpu.memory_space<hbm>>) target(%arg8 : memref<4x80xi32, #tpu.memory_space<vmem>>) target_semaphore(%run_scoped3A : memref<!tpu.dma_semaphore, #tpu.memory_space<semaphore_mem>>)
      %dma_wait3A_455 = arith.constant 0 : i32
      %dma_wait3A_456 = arith.constant 0 : i32
      %dma_wait3A_457 = tpu.memref_slice %arg2[%add3A, %dma_wait3A_455, %dma_wait3A_456] : memref<32x4x80xi32, #tpu.memory_space<hbm>> -> memref<1x4x80xi32, #tpu.memory_space<hbm>>
      %dma_wait3A_458 = tpu.memref_squeeze %dma_wait3A_457 : memref<1x4x80xi32, #tpu.memory_space<hbm>> -> memref<4x80xi32, #tpu.memory_space<hbm>>
      %dma_wait3A_459 = arith.constant 0 : i32
      %dma_wait3A_460 = arith.constant 0 : i32
      %dma_wait3A_461 = tpu.memref_slice %arg2[%add3A, %dma_wait3A_459, %dma_wait3A_460] : memref<32x4x80xi32, #tpu.memory_space<hbm>> -> memref<1x4x80xi32, #tpu.memory_space<hbm>>
      %dma_wait3A_462 = tpu.memref_squeeze %dma_wait3A_461 : memref<1x4x80xi32, #tpu.memory_space<hbm>> -> memref<4x80xi32, #tpu.memory_space<hbm>>
      tpu.wait_dma2 semaphore(%run_scoped3A : memref<!tpu.dma_semaphore, #tpu.memory_space<semaphore_mem>>) src(%dma_wait3A_462 : memref<4x80xi32, #tpu.memory_space<hbm>>) dst(%arg8 : memref<4x80xi32, #tpu.memory_space<vmem>>)
      tpu.yield
    }) : () -> ()
    "tpu.region"() ({
      %run_scoped3A = tpu.sem_alloc : memref<!tpu.dma_semaphore, #tpu.memory_space<semaphore_mem>>
      %dma_start3A_447 = arith.constant 0 : i32
      %dma_start3A_448 = arith.constant 0 : i32
      %dma_start3A_449 = tpu.memref_slice %arg3[%add3A, %dma_start3A_447, %dma_start3A_448] : memref<32x4x80xi32, #tpu.memory_space<hbm>> -> memref<1x4x80xi32, #tpu.memory_space<hbm>>
      %dma_start3A_450 = tpu.memref_squeeze %dma_start3A_449 : memref<1x4x80xi32, #tpu.memory_space<hbm>> -> memref<4x80xi32, #tpu.memory_space<hbm>>
      %dma_start3A_451 = arith.constant 0 : i32
      %dma_start3A_452 = arith.constant 0 : i32
      %dma_start3A_453 = tpu.memref_slice %arg3[%add3A, %dma_start3A_451, %dma_start3A_452] : memref<32x4x80xi32, #tpu.memory_space<hbm>> -> memref<1x4x80xi32, #tpu.memory_space<hbm>>
      %dma_start3A_454 = tpu.memref_squeeze %dma_start3A_453 : memref<1x4x80xi32, #tpu.memory_space<hbm>> -> memref<4x80xi32, #tpu.memory_space<hbm>>
      tpu.enqueue_dma source(%dma_start3A_454 : memref<4x80xi32, #tpu.memory_space<hbm>>) target(%arg9 : memref<4x80xi32, #tpu.memory_space<vmem>>) target_semaphore(%run_scoped3A : memref<!tpu.dma_semaphore, #tpu.memory_space<semaphore_mem>>)
      %dma_wait3A_455 = arith.constant 0 : i32
      %dma_wait3A_456 = arith.constant 0 : i32
      %dma_wait3A_457 = tpu.memref_slice %arg3[%add3A, %dma_wait3A_455, %dma_wait3A_456] : memref<32x4x80xi32, #tpu.memory_space<hbm>> -> memref<1x4x80xi32, #tpu.memory_space<hbm>>
      %dma_wait3A_458 = tpu.memref_squeeze %dma_wait3A_457 : memref<1x4x80xi32, #tpu.memory_space<hbm>> -> memref<4x80xi32, #tpu.memory_space<hbm>>
      %dma_wait3A_459 = arith.constant 0 : i32
      %dma_wait3A_460 = arith.constant 0 : i32
      %dma_wait3A_461 = tpu.memref_slice %arg3[%add3A, %dma_wait3A_459, %dma_wait3A_460] : memref<32x4x80xi32, #tpu.memory_space<hbm>> -> memref<1x4x80xi32, #tpu.memory_space<hbm>>
      %dma_wait3A_462 = tpu.memref_squeeze %dma_wait3A_461 : memref<1x4x80xi32, #tpu.memory_space<hbm>> -> memref<4x80xi32, #tpu.memory_space<hbm>>
      tpu.wait_dma2 semaphore(%run_scoped3A : memref<!tpu.dma_semaphore, #tpu.memory_space<semaphore_mem>>) src(%dma_wait3A_462 : memref<4x80xi32, #tpu.memory_space<hbm>>) dst(%arg9 : memref<4x80xi32, #tpu.memory_space<vmem>>)
      tpu.yield
    }) : () -> ()
    %dma_start3A = arith.constant 0 : i32
    %dma_start3A_1 = arith.constant 0 : i32
    %dma_start3A_2 = arith.constant 0 : i32
    %dma_start3A_3 = arith.constant 0 : i32
    %dma_start3A_4 = tpu.memref_slice %arg10[%dma_start3A_1, %dma_start3A_2, %dma_start3A_3] : memref<4x80x128xf32, #tpu.memory_space<vmem>> -> memref<1x80x128xf32, #tpu.memory_space<vmem>>
    %dma_start3A_5 = tpu.memref_squeeze %dma_start3A_4 : memref<1x80x128xf32, #tpu.memory_space<vmem>> -> memref<80x128xf32, #tpu.memory_space<vmem>>
    %dma_start3A_6 = arith.constant 0 : i32
    %dma_start3A_7 = tpu.memref_slice %arg8[%dma_start3A, %dma_start3A_6] : memref<4x80xi32, #tpu.memory_space<vmem>> -> memref<1x80xi32, #tpu.memory_space<vmem>>
    %dma_start3A_8 = tpu.memref_squeeze %dma_start3A_7 : memref<1x80xi32, #tpu.memory_space<vmem>> -> memref<80xi32, #tpu.memory_space<vmem>>
    %dma_start3A_9 = arith.constant 0 : i32
    %dma_start3A_10 = arith.constant 0 : i32
    %dma_start3A_11 = tpu.memref_slice %arg4[%dma_start3A_9, %dma_start3A_10] : memref<1001x128xf32, #tpu.memory_space<hbm>> -> memref<1001x128xf32, #tpu.memory_space<hbm>>
    tpu.enqueue_indirect_dma source(%dma_start3A_11 : memref<1001x128xf32, #tpu.memory_space<hbm>>) target(%dma_start3A_5 : memref<80x128xf32, #tpu.memory_space<vmem>>) offsets(%dma_start3A_8 : memref<80xi32, #tpu.memory_space<vmem>>) semaphore(%arg12 : memref<!tpu.dma_semaphore, #tpu.memory_space<semaphore_mem>>)
    %dma_start3A_12 = arith.constant 0 : i32
    %dma_start3A_13 = arith.constant 0 : i32
    %dma_start3A_14 = arith.constant 0 : i32
    %dma_start3A_15 = arith.constant 0 : i32
    %dma_start3A_16 = tpu.memref_slice %arg11[%dma_start3A_13, %dma_start3A_14, %dma_start3A_15] : memref<4x80x128xf32, #tpu.memory_space<vmem>> -> memref<1x80x128xf32, #tpu.memory_space<vmem>>
    %dma_start3A_17 = tpu.memref_squeeze %dma_start3A_16 : memref<1x80x128xf32, #tpu.memory_space<vmem>> -> memref<80x128xf32, #tpu.memory_space<vmem>>
    %dma_start3A_18 = arith.constant 0 : i32
    %dma_start3A_19 = tpu.memref_slice %arg9[%dma_start3A_12, %dma_start3A_18] : memref<4x80xi32, #tpu.memory_space<vmem>> -> memref<1x80xi32, #tpu.memory_space<vmem>>
    %dma_start3A_20 = tpu.memref_squeeze %dma_start3A_19 : memref<1x80xi32, #tpu.memory_space<vmem>> -> memref<80xi32, #tpu.memory_space<vmem>>
    %dma_start3A_21 = arith.constant 0 : i32
    %dma_start3A_22 = arith.constant 0 : i32
    %dma_start3A_23 = tpu.memref_slice %arg5[%dma_start3A_21, %dma_start3A_22] : memref<1001x128xf32, #tpu.memory_space<hbm>> -> memref<1001x128xf32, #tpu.memory_space<hbm>>
    tpu.enqueue_indirect_dma source(%dma_start3A_23 : memref<1001x128xf32, #tpu.memory_space<hbm>>) target(%dma_start3A_17 : memref<80x128xf32, #tpu.memory_space<vmem>>) offsets(%dma_start3A_20 : memref<80xi32, #tpu.memory_space<vmem>>) semaphore(%arg12 : memref<!tpu.dma_semaphore, #tpu.memory_space<semaphore_mem>>)
    %dma_start3A_24 = arith.constant 1 : i32
    %dma_start3A_25 = arith.constant 1 : i32
    %dma_start3A_26 = arith.constant 0 : i32
    %dma_start3A_27 = arith.constant 0 : i32
    %dma_start3A_28 = tpu.memref_slice %arg10[%dma_start3A_25, %dma_start3A_26, %dma_start3A_27] : memref<4x80x128xf32, #tpu.memory_space<vmem>> -> memref<1x80x128xf32, #tpu.memory_space<vmem>>
    %dma_start3A_29 = tpu.memref_squeeze %dma_start3A_28 : memref<1x80x128xf32, #tpu.memory_space<vmem>> -> memref<80x128xf32, #tpu.memory_space<vmem>>
    %dma_start3A_30 = arith.constant 0 : i32
    %dma_start3A_31 = tpu.memref_slice %arg8[%dma_start3A_24, %dma_start3A_30] : memref<4x80xi32, #tpu.memory_space<vmem>> -> memref<1x80xi32, #tpu.memory_space<vmem>>
    %dma_start3A_32 = tpu.memref_squeeze %dma_start3A_31 : memref<1x80xi32, #tpu.memory_space<vmem>> -> memref<80xi32, #tpu.memory_space<vmem>>
    %dma_start3A_33 = arith.constant 0 : i32
    %dma_start3A_34 = arith.constant 0 : i32
    %dma_start3A_35 = tpu.memref_slice %arg4[%dma_start3A_33, %dma_start3A_34] : memref<1001x128xf32, #tpu.memory_space<hbm>> -> memref<1001x128xf32, #tpu.memory_space<hbm>>
    tpu.enqueue_indirect_dma source(%dma_start3A_35 : memref<1001x128xf32, #tpu.memory_space<hbm>>) target(%dma_start3A_29 : memref<80x128xf32, #tpu.memory_space<vmem>>) offsets(%dma_start3A_32 : memref<80xi32, #tpu.memory_space<vmem>>) semaphore(%arg12 : memref<!tpu.dma_semaphore, #tpu.memory_space<semaphore_mem>>)
    %dma_start3A_36 = arith.constant 1 : i32
    %dma_start3A_37 = arith.constant 1 : i32
    %dma_start3A_38 = arith.constant 0 : i32
    %dma_start3A_39 = arith.constant 0 : i32
    %dma_start3A_40 = tpu.memref_slice %arg11[%dma_start3A_37, %dma_start3A_38, %dma_start3A_39] : memref<4x80x128xf32, #tpu.memory_space<vmem>> -> memref<1x80x128xf32, #tpu.memory_space<vmem>>
    %dma_start3A_41 = tpu.memref_squeeze %dma_start3A_40 : memref<1x80x128xf32, #tpu.memory_space<vmem>> -> memref<80x128xf32, #tpu.memory_space<vmem>>
    %dma_start3A_42 = arith.constant 0 : i32
    %dma_start3A_43 = tpu.memref_slice %arg9[%dma_start3A_36, %dma_start3A_42] : memref<4x80xi32, #tpu.memory_space<vmem>> -> memref<1x80xi32, #tpu.memory_space<vmem>>
    %dma_start3A_44 = tpu.memref_squeeze %dma_start3A_43 : memref<1x80xi32, #tpu.memory_space<vmem>> -> memref<80xi32, #tpu.memory_space<vmem>>
    %dma_start3A_45 = arith.constant 0 : i32
    %dma_start3A_46 = arith.constant 0 : i32
    %dma_start3A_47 = tpu.memref_slice %arg5[%dma_start3A_45, %dma_start3A_46] : memref<1001x128xf32, #tpu.memory_space<hbm>> -> memref<1001x128xf32, #tpu.memory_space<hbm>>
    tpu.enqueue_indirect_dma source(%dma_start3A_47 : memref<1001x128xf32, #tpu.memory_space<hbm>>) target(%dma_start3A_41 : memref<80x128xf32, #tpu.memory_space<vmem>>) offsets(%dma_start3A_44 : memref<80xi32, #tpu.memory_space<vmem>>) semaphore(%arg12 : memref<!tpu.dma_semaphore, #tpu.memory_space<semaphore_mem>>)
    %dma_start3A_48 = arith.constant 2 : i32
    %dma_start3A_49 = arith.constant 2 : i32
    %dma_start3A_50 = arith.constant 0 : i32
    %dma_start3A_51 = arith.constant 0 : i32
    %dma_start3A_52 = tpu.memref_slice %arg10[%dma_start3A_49, %dma_start3A_50, %dma_start3A_51] : memref<4x80x128xf32, #tpu.memory_space<vmem>> -> memref<1x80x128xf32, #tpu.memory_space<vmem>>
    %dma_start3A_53 = tpu.memref_squeeze %dma_start3A_52 : memref<1x80x128xf32, #tpu.memory_space<vmem>> -> memref<80x128xf32, #tpu.memory_space<vmem>>
    %dma_start3A_54 = arith.constant 0 : i32
    %dma_start3A_55 = tpu.memref_slice %arg8[%dma_start3A_48, %dma_start3A_54] : memref<4x80xi32, #tpu.memory_space<vmem>> -> memref<1x80xi32, #tpu.memory_space<vmem>>
    %dma_start3A_56 = tpu.memref_squeeze %dma_start3A_55 : memref<1x80xi32, #tpu.memory_space<vmem>> -> memref<80xi32, #tpu.memory_space<vmem>>
    %dma_start3A_57 = arith.constant 0 : i32
    %dma_start3A_58 = arith.constant 0 : i32
    %dma_start3A_59 = tpu.memref_slice %arg4[%dma_start3A_57, %dma_start3A_58] : memref<1001x128xf32, #tpu.memory_space<hbm>> -> memref<1001x128xf32, #tpu.memory_space<hbm>>
    tpu.enqueue_indirect_dma source(%dma_start3A_59 : memref<1001x128xf32, #tpu.memory_space<hbm>>) target(%dma_start3A_53 : memref<80x128xf32, #tpu.memory_space<vmem>>) offsets(%dma_start3A_56 : memref<80xi32, #tpu.memory_space<vmem>>) semaphore(%arg12 : memref<!tpu.dma_semaphore, #tpu.memory_space<semaphore_mem>>)
    %dma_start3A_60 = arith.constant 2 : i32
    %dma_start3A_61 = arith.constant 2 : i32
    %dma_start3A_62 = arith.constant 0 : i32
    %dma_start3A_63 = arith.constant 0 : i32
    %dma_start3A_64 = tpu.memref_slice %arg11[%dma_start3A_61, %dma_start3A_62, %dma_start3A_63] : memref<4x80x128xf32, #tpu.memory_space<vmem>> -> memref<1x80x128xf32, #tpu.memory_space<vmem>>
    %dma_start3A_65 = tpu.memref_squeeze %dma_start3A_64 : memref<1x80x128xf32, #tpu.memory_space<vmem>> -> memref<80x128xf32, #tpu.memory_space<vmem>>
    %dma_start3A_66 = arith.constant 0 : i32
    %dma_start3A_67 = tpu.memref_slice %arg9[%dma_start3A_60, %dma_start3A_66] : memref<4x80xi32, #tpu.memory_space<vmem>> -> memref<1x80xi32, #tpu.memory_space<vmem>>
    %dma_start3A_68 = tpu.memref_squeeze %dma_start3A_67 : memref<1x80xi32, #tpu.memory_space<vmem>> -> memref<80xi32, #tpu.memory_space<vmem>>
    %dma_start3A_69 = arith.constant 0 : i32
    %dma_start3A_70 = arith.constant 0 : i32
    %dma_start3A_71 = tpu.memref_slice %arg5[%dma_start3A_69, %dma_start3A_70] : memref<1001x128xf32, #tpu.memory_space<hbm>> -> memref<1001x128xf32, #tpu.memory_space<hbm>>
    tpu.enqueue_indirect_dma source(%dma_start3A_71 : memref<1001x128xf32, #tpu.memory_space<hbm>>) target(%dma_start3A_65 : memref<80x128xf32, #tpu.memory_space<vmem>>) offsets(%dma_start3A_68 : memref<80xi32, #tpu.memory_space<vmem>>) semaphore(%arg12 : memref<!tpu.dma_semaphore, #tpu.memory_space<semaphore_mem>>)
    %dma_start3A_72 = arith.constant 3 : i32
    %dma_start3A_73 = arith.constant 3 : i32
    %dma_start3A_74 = arith.constant 0 : i32
    %dma_start3A_75 = arith.constant 0 : i32
    %dma_start3A_76 = tpu.memref_slice %arg10[%dma_start3A_73, %dma_start3A_74, %dma_start3A_75] : memref<4x80x128xf32, #tpu.memory_space<vmem>> -> memref<1x80x128xf32, #tpu.memory_space<vmem>>
    %dma_start3A_77 = tpu.memref_squeeze %dma_start3A_76 : memref<1x80x128xf32, #tpu.memory_space<vmem>> -> memref<80x128xf32, #tpu.memory_space<vmem>>
    %dma_start3A_78 = arith.constant 0 : i32
    %dma_start3A_79 = tpu.memref_slice %arg8[%dma_start3A_72, %dma_start3A_78] : memref<4x80xi32, #tpu.memory_space<vmem>> -> memref<1x80xi32, #tpu.memory_space<vmem>>
    %dma_start3A_80 = tpu.memref_squeeze %dma_start3A_79 : memref<1x80xi32, #tpu.memory_space<vmem>> -> memref<80xi32, #tpu.memory_space<vmem>>
    %dma_start3A_81 = arith.constant 0 : i32
    %dma_start3A_82 = arith.constant 0 : i32
    %dma_start3A_83 = tpu.memref_slice %arg4[%dma_start3A_81, %dma_start3A_82] : memref<1001x128xf32, #tpu.memory_space<hbm>> -> memref<1001x128xf32, #tpu.memory_space<hbm>>
    tpu.enqueue_indirect_dma source(%dma_start3A_83 : memref<1001x128xf32, #tpu.memory_space<hbm>>) target(%dma_start3A_77 : memref<80x128xf32, #tpu.memory_space<vmem>>) offsets(%dma_start3A_80 : memref<80xi32, #tpu.memory_space<vmem>>) semaphore(%arg12 : memref<!tpu.dma_semaphore, #tpu.memory_space<semaphore_mem>>)
    %dma_start3A_84 = arith.constant 3 : i32
    %dma_start3A_85 = arith.constant 3 : i32
    %dma_start3A_86 = arith.constant 0 : i32
    %dma_start3A_87 = arith.constant 0 : i32
    %dma_start3A_88 = tpu.memref_slice %arg11[%dma_start3A_85, %dma_start3A_86, %dma_start3A_87] : memref<4x80x128xf32, #tpu.memory_space<vmem>> -> memref<1x80x128xf32, #tpu.memory_space<vmem>>
    %dma_start3A_89 = tpu.memref_squeeze %dma_start3A_88 : memref<1x80x128xf32, #tpu.memory_space<vmem>> -> memref<80x128xf32, #tpu.memory_space<vmem>>
    %dma_start3A_90 = arith.constant 0 : i32
    %dma_start3A_91 = tpu.memref_slice %arg9[%dma_start3A_84, %dma_start3A_90] : memref<4x80xi32, #tpu.memory_space<vmem>> -> memref<1x80xi32, #tpu.memory_space<vmem>>
    %dma_start3A_92 = tpu.memref_squeeze %dma_start3A_91 : memref<1x80xi32, #tpu.memory_space<vmem>> -> memref<80xi32, #tpu.memory_space<vmem>>
    %dma_start3A_93 = arith.constant 0 : i32
    %dma_start3A_94 = arith.constant 0 : i32
    %dma_start3A_95 = tpu.memref_slice %arg5[%dma_start3A_93, %dma_start3A_94] : memref<1001x128xf32, #tpu.memory_space<hbm>> -> memref<1001x128xf32, #tpu.memory_space<hbm>>
    tpu.enqueue_indirect_dma source(%dma_start3A_95 : memref<1001x128xf32, #tpu.memory_space<hbm>>) target(%dma_start3A_89 : memref<80x128xf32, #tpu.memory_space<vmem>>) offsets(%dma_start3A_92 : memref<80xi32, #tpu.memory_space<vmem>>) semaphore(%arg12 : memref<!tpu.dma_semaphore, #tpu.memory_space<semaphore_mem>>)
    %dma_wait3A = arith.constant 0 : i32
    %dma_wait3A_96 = arith.constant 0 : i32
    %dma_wait3A_97 = arith.constant 0 : i32
    %dma_wait3A_98 = arith.constant 0 : i32
    %dma_wait3A_99 = tpu.memref_slice %arg10[%dma_wait3A_96, %dma_wait3A_97, %dma_wait3A_98] : memref<4x80x128xf32, #tpu.memory_space<vmem>> -> memref<1x80x128xf32, #tpu.memory_space<vmem>>
    %dma_wait3A_100 = tpu.memref_squeeze %dma_wait3A_99 : memref<1x80x128xf32, #tpu.memory_space<vmem>> -> memref<80x128xf32, #tpu.memory_space<vmem>>
    %dma_wait3A_101 = arith.constant 0 : i32
    %dma_wait3A_102 = tpu.memref_slice %arg8[%dma_wait3A, %dma_wait3A_101] : memref<4x80xi32, #tpu.memory_space<vmem>> -> memref<1x80xi32, #tpu.memory_space<vmem>>
    %dma_wait3A_103 = tpu.memref_squeeze %dma_wait3A_102 : memref<1x80xi32, #tpu.memory_space<vmem>> -> memref<80xi32, #tpu.memory_space<vmem>>
    %dma_wait3A_104 = arith.constant 0 : i32
    %dma_wait3A_105 = arith.constant 0 : i32
    %dma_wait3A_106 = tpu.memref_slice %arg4[%dma_wait3A_104, %dma_wait3A_105] : memref<1001x128xf32, #tpu.memory_space<hbm>> -> memref<1001x128xf32, #tpu.memory_space<hbm>>
    tpu.wait_indirect_dma semaphore(%arg12 : memref<!tpu.dma_semaphore, #tpu.memory_space<semaphore_mem>>) src(%dma_wait3A_106 : memref<1001x128xf32, #tpu.memory_space<hbm>>) dst(%dma_wait3A_100 : memref<80x128xf32, #tpu.memory_space<vmem>>)
    %dma_wait3A_107 = arith.constant 0 : i32
    %dma_wait3A_108 = arith.constant 0 : i32
    %dma_wait3A_109 = arith.constant 0 : i32
    %dma_wait3A_110 = arith.constant 0 : i32
    %dma_wait3A_111 = tpu.memref_slice %arg11[%dma_wait3A_108, %dma_wait3A_109, %dma_wait3A_110] : memref<4x80x128xf32, #tpu.memory_space<vmem>> -> memref<1x80x128xf32, #tpu.memory_space<vmem>>
    %dma_wait3A_112 = tpu.memref_squeeze %dma_wait3A_111 : memref<1x80x128xf32, #tpu.memory_space<vmem>> -> memref<80x128xf32, #tpu.memory_space<vmem>>
    %dma_wait3A_113 = arith.constant 0 : i32
    %dma_wait3A_114 = tpu.memref_slice %arg9[%dma_wait3A_107, %dma_wait3A_113] : memref<4x80xi32, #tpu.memory_space<vmem>> -> memref<1x80xi32, #tpu.memory_space<vmem>>
    %dma_wait3A_115 = tpu.memref_squeeze %dma_wait3A_114 : memref<1x80xi32, #tpu.memory_space<vmem>> -> memref<80xi32, #tpu.memory_space<vmem>>
    %dma_wait3A_116 = arith.constant 0 : i32
    %dma_wait3A_117 = arith.constant 0 : i32
    %dma_wait3A_118 = tpu.memref_slice %arg5[%dma_wait3A_116, %dma_wait3A_117] : memref<1001x128xf32, #tpu.memory_space<hbm>> -> memref<1001x128xf32, #tpu.memory_space<hbm>>
    tpu.wait_indirect_dma semaphore(%arg12 : memref<!tpu.dma_semaphore, #tpu.memory_space<semaphore_mem>>) src(%dma_wait3A_118 : memref<1001x128xf32, #tpu.memory_space<hbm>>) dst(%dma_wait3A_112 : memref<80x128xf32, #tpu.memory_space<vmem>>)
    %dma_wait3A_119 = arith.constant 1 : i32
    %dma_wait3A_120 = arith.constant 1 : i32
    %dma_wait3A_121 = arith.constant 0 : i32
    %dma_wait3A_122 = arith.constant 0 : i32
    %dma_wait3A_123 = tpu.memref_slice %arg10[%dma_wait3A_120, %dma_wait3A_121, %dma_wait3A_122] : memref<4x80x128xf32, #tpu.memory_space<vmem>> -> memref<1x80x128xf32, #tpu.memory_space<vmem>>
    %dma_wait3A_124 = tpu.memref_squeeze %dma_wait3A_123 : memref<1x80x128xf32, #tpu.memory_space<vmem>> -> memref<80x128xf32, #tpu.memory_space<vmem>>
    %dma_wait3A_125 = arith.constant 0 : i32
    %dma_wait3A_126 = tpu.memref_slice %arg8[%dma_wait3A_119, %dma_wait3A_125] : memref<4x80xi32, #tpu.memory_space<vmem>> -> memref<1x80xi32, #tpu.memory_space<vmem>>
    %dma_wait3A_127 = tpu.memref_squeeze %dma_wait3A_126 : memref<1x80xi32, #tpu.memory_space<vmem>> -> memref<80xi32, #tpu.memory_space<vmem>>
    %dma_wait3A_128 = arith.constant 0 : i32
    %dma_wait3A_129 = arith.constant 0 : i32
    %dma_wait3A_130 = tpu.memref_slice %arg4[%dma_wait3A_128, %dma_wait3A_129] : memref<1001x128xf32, #tpu.memory_space<hbm>> -> memref<1001x128xf32, #tpu.memory_space<hbm>>
    tpu.wait_indirect_dma semaphore(%arg12 : memref<!tpu.dma_semaphore, #tpu.memory_space<semaphore_mem>>) src(%dma_wait3A_130 : memref<1001x128xf32, #tpu.memory_space<hbm>>) dst(%dma_wait3A_124 : memref<80x128xf32, #tpu.memory_space<vmem>>)
    %dma_wait3A_131 = arith.constant 1 : i32
    %dma_wait3A_132 = arith.constant 1 : i32
    %dma_wait3A_133 = arith.constant 0 : i32
    %dma_wait3A_134 = arith.constant 0 : i32
    %dma_wait3A_135 = tpu.memref_slice %arg11[%dma_wait3A_132, %dma_wait3A_133, %dma_wait3A_134] : memref<4x80x128xf32, #tpu.memory_space<vmem>> -> memref<1x80x128xf32, #tpu.memory_space<vmem>>
    %dma_wait3A_136 = tpu.memref_squeeze %dma_wait3A_135 : memref<1x80x128xf32, #tpu.memory_space<vmem>> -> memref<80x128xf32, #tpu.memory_space<vmem>>
    %dma_wait3A_137 = arith.constant 0 : i32
    %dma_wait3A_138 = tpu.memref_slice %arg9[%dma_wait3A_131, %dma_wait3A_137] : memref<4x80xi32, #tpu.memory_space<vmem>> -> memref<1x80xi32, #tpu.memory_space<vmem>>
    %dma_wait3A_139 = tpu.memref_squeeze %dma_wait3A_138 : memref<1x80xi32, #tpu.memory_space<vmem>> -> memref<80xi32, #tpu.memory_space<vmem>>
    %dma_wait3A_140 = arith.constant 0 : i32
    %dma_wait3A_141 = arith.constant 0 : i32
    %dma_wait3A_142 = tpu.memref_slice %arg5[%dma_wait3A_140, %dma_wait3A_141] : memref<1001x128xf32, #tpu.memory_space<hbm>> -> memref<1001x128xf32, #tpu.memory_space<hbm>>
    tpu.wait_indirect_dma semaphore(%arg12 : memref<!tpu.dma_semaphore, #tpu.memory_space<semaphore_mem>>) src(%dma_wait3A_142 : memref<1001x128xf32, #tpu.memory_space<hbm>>) dst(%dma_wait3A_136 : memref<80x128xf32, #tpu.memory_space<vmem>>)
    %dma_wait3A_143 = arith.constant 2 : i32
    %dma_wait3A_144 = arith.constant 2 : i32
    %dma_wait3A_145 = arith.constant 0 : i32
    %dma_wait3A_146 = arith.constant 0 : i32
    %dma_wait3A_147 = tpu.memref_slice %arg10[%dma_wait3A_144, %dma_wait3A_145, %dma_wait3A_146] : memref<4x80x128xf32, #tpu.memory_space<vmem>> -> memref<1x80x128xf32, #tpu.memory_space<vmem>>
    %dma_wait3A_148 = tpu.memref_squeeze %dma_wait3A_147 : memref<1x80x128xf32, #tpu.memory_space<vmem>> -> memref<80x128xf32, #tpu.memory_space<vmem>>
    %dma_wait3A_149 = arith.constant 0 : i32
    %dma_wait3A_150 = tpu.memref_slice %arg8[%dma_wait3A_143, %dma_wait3A_149] : memref<4x80xi32, #tpu.memory_space<vmem>> -> memref<1x80xi32, #tpu.memory_space<vmem>>
    %dma_wait3A_151 = tpu.memref_squeeze %dma_wait3A_150 : memref<1x80xi32, #tpu.memory_space<vmem>> -> memref<80xi32, #tpu.memory_space<vmem>>
    %dma_wait3A_152 = arith.constant 0 : i32
    %dma_wait3A_153 = arith.constant 0 : i32
    %dma_wait3A_154 = tpu.memref_slice %arg4[%dma_wait3A_152, %dma_wait3A_153] : memref<1001x128xf32, #tpu.memory_space<hbm>> -> memref<1001x128xf32, #tpu.memory_space<hbm>>
    tpu.wait_indirect_dma semaphore(%arg12 : memref<!tpu.dma_semaphore, #tpu.memory_space<semaphore_mem>>) src(%dma_wait3A_154 : memref<1001x128xf32, #tpu.memory_space<hbm>>) dst(%dma_wait3A_148 : memref<80x128xf32, #tpu.memory_space<vmem>>)
    %dma_wait3A_155 = arith.constant 2 : i32
    %dma_wait3A_156 = arith.constant 2 : i32
    %dma_wait3A_157 = arith.constant 0 : i32
    %dma_wait3A_158 = arith.constant 0 : i32
    %dma_wait3A_159 = tpu.memref_slice %arg11[%dma_wait3A_156, %dma_wait3A_157, %dma_wait3A_158] : memref<4x80x128xf32, #tpu.memory_space<vmem>> -> memref<1x80x128xf32, #tpu.memory_space<vmem>>
    %dma_wait3A_160 = tpu.memref_squeeze %dma_wait3A_159 : memref<1x80x128xf32, #tpu.memory_space<vmem>> -> memref<80x128xf32, #tpu.memory_space<vmem>>
    %dma_wait3A_161 = arith.constant 0 : i32
    %dma_wait3A_162 = tpu.memref_slice %arg9[%dma_wait3A_155, %dma_wait3A_161] : memref<4x80xi32, #tpu.memory_space<vmem>> -> memref<1x80xi32, #tpu.memory_space<vmem>>
    %dma_wait3A_163 = tpu.memref_squeeze %dma_wait3A_162 : memref<1x80xi32, #tpu.memory_space<vmem>> -> memref<80xi32, #tpu.memory_space<vmem>>
    %dma_wait3A_164 = arith.constant 0 : i32
    %dma_wait3A_165 = arith.constant 0 : i32
    %dma_wait3A_166 = tpu.memref_slice %arg5[%dma_wait3A_164, %dma_wait3A_165] : memref<1001x128xf32, #tpu.memory_space<hbm>> -> memref<1001x128xf32, #tpu.memory_space<hbm>>
    tpu.wait_indirect_dma semaphore(%arg12 : memref<!tpu.dma_semaphore, #tpu.memory_space<semaphore_mem>>) src(%dma_wait3A_166 : memref<1001x128xf32, #tpu.memory_space<hbm>>) dst(%dma_wait3A_160 : memref<80x128xf32, #tpu.memory_space<vmem>>)
    %dma_wait3A_167 = arith.constant 3 : i32
    %dma_wait3A_168 = arith.constant 3 : i32
    %dma_wait3A_169 = arith.constant 0 : i32
    %dma_wait3A_170 = arith.constant 0 : i32
    %dma_wait3A_171 = tpu.memref_slice %arg10[%dma_wait3A_168, %dma_wait3A_169, %dma_wait3A_170] : memref<4x80x128xf32, #tpu.memory_space<vmem>> -> memref<1x80x128xf32, #tpu.memory_space<vmem>>
    %dma_wait3A_172 = tpu.memref_squeeze %dma_wait3A_171 : memref<1x80x128xf32, #tpu.memory_space<vmem>> -> memref<80x128xf32, #tpu.memory_space<vmem>>
    %dma_wait3A_173 = arith.constant 0 : i32
    %dma_wait3A_174 = tpu.memref_slice %arg8[%dma_wait3A_167, %dma_wait3A_173] : memref<4x80xi32, #tpu.memory_space<vmem>> -> memref<1x80xi32, #tpu.memory_space<vmem>>
    %dma_wait3A_175 = tpu.memref_squeeze %dma_wait3A_174 : memref<1x80xi32, #tpu.memory_space<vmem>> -> memref<80xi32, #tpu.memory_space<vmem>>
    %dma_wait3A_176 = arith.constant 0 : i32
    %dma_wait3A_177 = arith.constant 0 : i32
    %dma_wait3A_178 = tpu.memref_slice %arg4[%dma_wait3A_176, %dma_wait3A_177] : memref<1001x128xf32, #tpu.memory_space<hbm>> -> memref<1001x128xf32, #tpu.memory_space<hbm>>
    tpu.wait_indirect_dma semaphore(%arg12 : memref<!tpu.dma_semaphore, #tpu.memory_space<semaphore_mem>>) src(%dma_wait3A_178 : memref<1001x128xf32, #tpu.memory_space<hbm>>) dst(%dma_wait3A_172 : memref<80x128xf32, #tpu.memory_space<vmem>>)
    %dma_wait3A_179 = arith.constant 3 : i32
    %dma_wait3A_180 = arith.constant 3 : i32
    %dma_wait3A_181 = arith.constant 0 : i32
    %dma_wait3A_182 = arith.constant 0 : i32
    %dma_wait3A_183 = tpu.memref_slice %arg11[%dma_wait3A_180, %dma_wait3A_181, %dma_wait3A_182] : memref<4x80x128xf32, #tpu.memory_space<vmem>> -> memref<1x80x128xf32, #tpu.memory_space<vmem>>
    %dma_wait3A_184 = tpu.memref_squeeze %dma_wait3A_183 : memref<1x80x128xf32, #tpu.memory_space<vmem>> -> memref<80x128xf32, #tpu.memory_space<vmem>>
    %dma_wait3A_185 = arith.constant 0 : i32
    %dma_wait3A_186 = tpu.memref_slice %arg9[%dma_wait3A_179, %dma_wait3A_185] : memref<4x80xi32, #tpu.memory_space<vmem>> -> memref<1x80xi32, #tpu.memory_space<vmem>>
    %dma_wait3A_187 = tpu.memref_squeeze %dma_wait3A_186 : memref<1x80xi32, #tpu.memory_space<vmem>> -> memref<80xi32, #tpu.memory_space<vmem>>
    %dma_wait3A_188 = arith.constant 0 : i32
    %dma_wait3A_189 = arith.constant 0 : i32
    %dma_wait3A_190 = tpu.memref_slice %arg5[%dma_wait3A_188, %dma_wait3A_189] : memref<1001x128xf32, #tpu.memory_space<hbm>> -> memref<1001x128xf32, #tpu.memory_space<hbm>>
    tpu.wait_indirect_dma semaphore(%arg12 : memref<!tpu.dma_semaphore, #tpu.memory_space<semaphore_mem>>) src(%dma_wait3A_190 : memref<1001x128xf32, #tpu.memory_space<hbm>>) dst(%dma_wait3A_184 : memref<80x128xf32, #tpu.memory_space<vmem>>)
    %mul3A_191 = arith.constant 4 : i32
    %mul3A_192 = arith.muli %add3A, %mul3A_191 : i32
    %add3A_193 = arith.constant 0 : i32
    %add3A_194 = arith.addi %mul3A_192, %add3A_193 : i32
    %mul3A_195 = arith.constant 80 : i32
    %mul3A_196 = arith.muli %add3A_194, %mul3A_195 : i32
    %dma_start3A_197 = arith.constant 0 : i32
    %dma_start3A_198 = arith.constant 0 : i32
    %dma_start3A_199 = arith.constant 0 : i32
    %dma_start3A_200 = tpu.memref_slice %arg10[%dma_start3A_197, %dma_start3A_198, %dma_start3A_199] : memref<4x80x128xf32, #tpu.memory_space<vmem>> -> memref<1x80x128xf32, #tpu.memory_space<vmem>>
    %dma_start3A_201 = tpu.memref_squeeze %dma_start3A_200 : memref<1x80x128xf32, #tpu.memory_space<vmem>> -> memref<80x128xf32, #tpu.memory_space<vmem>>
    %dma_start3A_202 = arith.constant 0 : i32
    %dma_start3A_203 = tpu.memref_slice %arg6[%mul3A_196, %dma_start3A_202] : memref<10240x128xf32, #tpu.memory_space<hbm>> -> memref<80x128xf32, #tpu.memory_space<hbm>>
    %dma_start3A_204 = arith.constant 0 : i32
    %dma_start3A_205 = tpu.memref_slice %arg6[%mul3A_196, %dma_start3A_204] : memref<10240x128xf32, #tpu.memory_space<hbm>> -> memref<80x128xf32, #tpu.memory_space<hbm>>
    %dma_start3A_206 = arith.constant 0 : i32
    %dma_start3A_207 = arith.constant 0 : i32
    %dma_start3A_208 = tpu.memref_slice %arg10[%dma_start3A_197, %dma_start3A_206, %dma_start3A_207] : memref<4x80x128xf32, #tpu.memory_space<vmem>> -> memref<1x80x128xf32, #tpu.memory_space<vmem>>
    %dma_start3A_209 = tpu.memref_squeeze %dma_start3A_208 : memref<1x80x128xf32, #tpu.memory_space<vmem>> -> memref<80x128xf32, #tpu.memory_space<vmem>>
    tpu.enqueue_dma source(%dma_start3A_209 : memref<80x128xf32, #tpu.memory_space<vmem>>) target(%dma_start3A_205 : memref<80x128xf32, #tpu.memory_space<hbm>>) target_semaphore(%arg13 : memref<!tpu.dma_semaphore, #tpu.memory_space<semaphore_mem>>)
    %dma_start3A_210 = arith.constant 0 : i32
    %dma_start3A_211 = arith.constant 0 : i32
    %dma_start3A_212 = arith.constant 0 : i32
    %dma_start3A_213 = tpu.memref_slice %arg11[%dma_start3A_210, %dma_start3A_211, %dma_start3A_212] : memref<4x80x128xf32, #tpu.memory_space<vmem>> -> memref<1x80x128xf32, #tpu.memory_space<vmem>>
    %dma_start3A_214 = tpu.memref_squeeze %dma_start3A_213 : memref<1x80x128xf32, #tpu.memory_space<vmem>> -> memref<80x128xf32, #tpu.memory_space<vmem>>
    %dma_start3A_215 = arith.constant 0 : i32
    %dma_start3A_216 = tpu.memref_slice %arg7[%mul3A_196, %dma_start3A_215] : memref<10240x128xf32, #tpu.memory_space<hbm>> -> memref<80x128xf32, #tpu.memory_space<hbm>>
    %dma_start3A_217 = arith.constant 0 : i32
    %dma_start3A_218 = tpu.memref_slice %arg7[%mul3A_196, %dma_start3A_217] : memref<10240x128xf32, #tpu.memory_space<hbm>> -> memref<80x128xf32, #tpu.memory_space<hbm>>
    %dma_start3A_219 = arith.constant 0 : i32
    %dma_start3A_220 = arith.constant 0 : i32
    %dma_start3A_221 = tpu.memref_slice %arg11[%dma_start3A_210, %dma_start3A_219, %dma_start3A_220] : memref<4x80x128xf32, #tpu.memory_space<vmem>> -> memref<1x80x128xf32, #tpu.memory_space<vmem>>
    %dma_start3A_222 = tpu.memref_squeeze %dma_start3A_221 : memref<1x80x128xf32, #tpu.memory_space<vmem>> -> memref<80x128xf32, #tpu.memory_space<vmem>>
    tpu.enqueue_dma source(%dma_start3A_222 : memref<80x128xf32, #tpu.memory_space<vmem>>) target(%dma_start3A_218 : memref<80x128xf32, #tpu.memory_space<hbm>>) target_semaphore(%arg13 : memref<!tpu.dma_semaphore, #tpu.memory_space<semaphore_mem>>)
    %mul3A_223 = arith.constant 4 : i32
    %mul3A_224 = arith.muli %add3A, %mul3A_223 : i32
    %add3A_225 = arith.constant 1 : i32
    %add3A_226 = arith.addi %mul3A_224, %add3A_225 : i32
    %mul3A_227 = arith.constant 80 : i32
    %mul3A_228 = arith.muli %add3A_226, %mul3A_227 : i32
    %dma_start3A_229 = arith.constant 1 : i32
    %dma_start3A_230 = arith.constant 0 : i32
    %dma_start3A_231 = arith.constant 0 : i32
    %dma_start3A_232 = tpu.memref_slice %arg10[%dma_start3A_229, %dma_start3A_230, %dma_start3A_231] : memref<4x80x128xf32, #tpu.memory_space<vmem>> -> memref<1x80x128xf32, #tpu.memory_space<vmem>>
    %dma_start3A_233 = tpu.memref_squeeze %dma_start3A_232 : memref<1x80x128xf32, #tpu.memory_space<vmem>> -> memref<80x128xf32, #tpu.memory_space<vmem>>
    %dma_start3A_234 = arith.constant 0 : i32
    %dma_start3A_235 = tpu.memref_slice %arg6[%mul3A_228, %dma_start3A_234] : memref<10240x128xf32, #tpu.memory_space<hbm>> -> memref<80x128xf32, #tpu.memory_space<hbm>>
    %dma_start3A_236 = arith.constant 0 : i32
    %dma_start3A_237 = tpu.memref_slice %arg6[%mul3A_228, %dma_start3A_236] : memref<10240x128xf32, #tpu.memory_space<hbm>> -> memref<80x128xf32, #tpu.memory_space<hbm>>
    %dma_start3A_238 = arith.constant 0 : i32
    %dma_start3A_239 = arith.constant 0 : i32
    %dma_start3A_240 = tpu.memref_slice %arg10[%dma_start3A_229, %dma_start3A_238, %dma_start3A_239] : memref<4x80x128xf32, #tpu.memory_space<vmem>> -> memref<1x80x128xf32, #tpu.memory_space<vmem>>
    %dma_start3A_241 = tpu.memref_squeeze %dma_start3A_240 : memref<1x80x128xf32, #tpu.memory_space<vmem>> -> memref<80x128xf32, #tpu.memory_space<vmem>>
    tpu.enqueue_dma source(%dma_start3A_241 : memref<80x128xf32, #tpu.memory_space<vmem>>) target(%dma_start3A_237 : memref<80x128xf32, #tpu.memory_space<hbm>>) target_semaphore(%arg13 : memref<!tpu.dma_semaphore, #tpu.memory_space<semaphore_mem>>)
    %dma_start3A_242 = arith.constant 1 : i32
    %dma_start3A_243 = arith.constant 0 : i32
    %dma_start3A_244 = arith.constant 0 : i32
    %dma_start3A_245 = tpu.memref_slice %arg11[%dma_start3A_242, %dma_start3A_243, %dma_start3A_244] : memref<4x80x128xf32, #tpu.memory_space<vmem>> -> memref<1x80x128xf32, #tpu.memory_space<vmem>>
    %dma_start3A_246 = tpu.memref_squeeze %dma_start3A_245 : memref<1x80x128xf32, #tpu.memory_space<vmem>> -> memref<80x128xf32, #tpu.memory_space<vmem>>
    %dma_start3A_247 = arith.constant 0 : i32
    %dma_start3A_248 = tpu.memref_slice %arg7[%mul3A_228, %dma_start3A_247] : memref<10240x128xf32, #tpu.memory_space<hbm>> -> memref<80x128xf32, #tpu.memory_space<hbm>>
    %dma_start3A_249 = arith.constant 0 : i32
    %dma_start3A_250 = tpu.memref_slice %arg7[%mul3A_228, %dma_start3A_249] : memref<10240x128xf32, #tpu.memory_space<hbm>> -> memref<80x128xf32, #tpu.memory_space<hbm>>
    %dma_start3A_251 = arith.constant 0 : i32
    %dma_start3A_252 = arith.constant 0 : i32
    %dma_start3A_253 = tpu.memref_slice %arg11[%dma_start3A_242, %dma_start3A_251, %dma_start3A_252] : memref<4x80x128xf32, #tpu.memory_space<vmem>> -> memref<1x80x128xf32, #tpu.memory_space<vmem>>
    %dma_start3A_254 = tpu.memref_squeeze %dma_start3A_253 : memref<1x80x128xf32, #tpu.memory_space<vmem>> -> memref<80x128xf32, #tpu.memory_space<vmem>>
    tpu.enqueue_dma source(%dma_start3A_254 : memref<80x128xf32, #tpu.memory_space<vmem>>) target(%dma_start3A_250 : memref<80x128xf32, #tpu.memory_space<hbm>>) target_semaphore(%arg13 : memref<!tpu.dma_semaphore, #tpu.memory_space<semaphore_mem>>)
    %mul3A_255 = arith.constant 4 : i32
    %mul3A_256 = arith.muli %add3A, %mul3A_255 : i32
    %add3A_257 = arith.constant 2 : i32
    %add3A_258 = arith.addi %mul3A_256, %add3A_257 : i32
    %mul3A_259 = arith.constant 80 : i32
    %mul3A_260 = arith.muli %add3A_258, %mul3A_259 : i32
    %dma_start3A_261 = arith.constant 2 : i32
    %dma_start3A_262 = arith.constant 0 : i32
    %dma_start3A_263 = arith.constant 0 : i32
    %dma_start3A_264 = tpu.memref_slice %arg10[%dma_start3A_261, %dma_start3A_262, %dma_start3A_263] : memref<4x80x128xf32, #tpu.memory_space<vmem>> -> memref<1x80x128xf32, #tpu.memory_space<vmem>>
    %dma_start3A_265 = tpu.memref_squeeze %dma_start3A_264 : memref<1x80x128xf32, #tpu.memory_space<vmem>> -> memref<80x128xf32, #tpu.memory_space<vmem>>
    %dma_start3A_266 = arith.constant 0 : i32
    %dma_start3A_267 = tpu.memref_slice %arg6[%mul3A_260, %dma_start3A_266] : memref<10240x128xf32, #tpu.memory_space<hbm>> -> memref<80x128xf32, #tpu.memory_space<hbm>>
    %dma_start3A_268 = arith.constant 0 : i32
    %dma_start3A_269 = tpu.memref_slice %arg6[%mul3A_260, %dma_start3A_268] : memref<10240x128xf32, #tpu.memory_space<hbm>> -> memref<80x128xf32, #tpu.memory_space<hbm>>
    %dma_start3A_270 = arith.constant 0 : i32
    %dma_start3A_271 = arith.constant 0 : i32
    %dma_start3A_272 = tpu.memref_slice %arg10[%dma_start3A_261, %dma_start3A_270, %dma_start3A_271] : memref<4x80x128xf32, #tpu.memory_space<vmem>> -> memref<1x80x128xf32, #tpu.memory_space<vmem>>
    %dma_start3A_273 = tpu.memref_squeeze %dma_start3A_272 : memref<1x80x128xf32, #tpu.memory_space<vmem>> -> memref<80x128xf32, #tpu.memory_space<vmem>>
    tpu.enqueue_dma source(%dma_start3A_273 : memref<80x128xf32, #tpu.memory_space<vmem>>) target(%dma_start3A_269 : memref<80x128xf32, #tpu.memory_space<hbm>>) target_semaphore(%arg13 : memref<!tpu.dma_semaphore, #tpu.memory_space<semaphore_mem>>)
    %dma_start3A_274 = arith.constant 2 : i32
    %dma_start3A_275 = arith.constant 0 : i32
    %dma_start3A_276 = arith.constant 0 : i32
    %dma_start3A_277 = tpu.memref_slice %arg11[%dma_start3A_274, %dma_start3A_275, %dma_start3A_276] : memref<4x80x128xf32, #tpu.memory_space<vmem>> -> memref<1x80x128xf32, #tpu.memory_space<vmem>>
    %dma_start3A_278 = tpu.memref_squeeze %dma_start3A_277 : memref<1x80x128xf32, #tpu.memory_space<vmem>> -> memref<80x128xf32, #tpu.memory_space<vmem>>
    %dma_start3A_279 = arith.constant 0 : i32
    %dma_start3A_280 = tpu.memref_slice %arg7[%mul3A_260, %dma_start3A_279] : memref<10240x128xf32, #tpu.memory_space<hbm>> -> memref<80x128xf32, #tpu.memory_space<hbm>>
    %dma_start3A_281 = arith.constant 0 : i32
    %dma_start3A_282 = tpu.memref_slice %arg7[%mul3A_260, %dma_start3A_281] : memref<10240x128xf32, #tpu.memory_space<hbm>> -> memref<80x128xf32, #tpu.memory_space<hbm>>
    %dma_start3A_283 = arith.constant 0 : i32
    %dma_start3A_284 = arith.constant 0 : i32
    %dma_start3A_285 = tpu.memref_slice %arg11[%dma_start3A_274, %dma_start3A_283, %dma_start3A_284] : memref<4x80x128xf32, #tpu.memory_space<vmem>> -> memref<1x80x128xf32, #tpu.memory_space<vmem>>
    %dma_start3A_286 = tpu.memref_squeeze %dma_start3A_285 : memref<1x80x128xf32, #tpu.memory_space<vmem>> -> memref<80x128xf32, #tpu.memory_space<vmem>>
    tpu.enqueue_dma source(%dma_start3A_286 : memref<80x128xf32, #tpu.memory_space<vmem>>) target(%dma_start3A_282 : memref<80x128xf32, #tpu.memory_space<hbm>>) target_semaphore(%arg13 : memref<!tpu.dma_semaphore, #tpu.memory_space<semaphore_mem>>)
    %mul3A_287 = arith.constant 4 : i32
    %mul3A_288 = arith.muli %add3A, %mul3A_287 : i32
    %add3A_289 = arith.constant 3 : i32
    %add3A_290 = arith.addi %mul3A_288, %add3A_289 : i32
    %mul3A_291 = arith.constant 80 : i32
    %mul3A_292 = arith.muli %add3A_290, %mul3A_291 : i32
    %dma_start3A_293 = arith.constant 3 : i32
    %dma_start3A_294 = arith.constant 0 : i32
    %dma_start3A_295 = arith.constant 0 : i32
    %dma_start3A_296 = tpu.memref_slice %arg10[%dma_start3A_293, %dma_start3A_294, %dma_start3A_295] : memref<4x80x128xf32, #tpu.memory_space<vmem>> -> memref<1x80x128xf32, #tpu.memory_space<vmem>>
    %dma_start3A_297 = tpu.memref_squeeze %dma_start3A_296 : memref<1x80x128xf32, #tpu.memory_space<vmem>> -> memref<80x128xf32, #tpu.memory_space<vmem>>
    %dma_start3A_298 = arith.constant 0 : i32
    %dma_start3A_299 = tpu.memref_slice %arg6[%mul3A_292, %dma_start3A_298] : memref<10240x128xf32, #tpu.memory_space<hbm>> -> memref<80x128xf32, #tpu.memory_space<hbm>>
    %dma_start3A_300 = arith.constant 0 : i32
    %dma_start3A_301 = tpu.memref_slice %arg6[%mul3A_292, %dma_start3A_300] : memref<10240x128xf32, #tpu.memory_space<hbm>> -> memref<80x128xf32, #tpu.memory_space<hbm>>
    %dma_start3A_302 = arith.constant 0 : i32
    %dma_start3A_303 = arith.constant 0 : i32
    %dma_start3A_304 = tpu.memref_slice %arg10[%dma_start3A_293, %dma_start3A_302, %dma_start3A_303] : memref<4x80x128xf32, #tpu.memory_space<vmem>> -> memref<1x80x128xf32, #tpu.memory_space<vmem>>
    %dma_start3A_305 = tpu.memref_squeeze %dma_start3A_304 : memref<1x80x128xf32, #tpu.memory_space<vmem>> -> memref<80x128xf32, #tpu.memory_space<vmem>>
    tpu.enqueue_dma source(%dma_start3A_305 : memref<80x128xf32, #tpu.memory_space<vmem>>) target(%dma_start3A_301 : memref<80x128xf32, #tpu.memory_space<hbm>>) target_semaphore(%arg13 : memref<!tpu.dma_semaphore, #tpu.memory_space<semaphore_mem>>)
    %dma_start3A_306 = arith.constant 3 : i32
    %dma_start3A_307 = arith.constant 0 : i32
    %dma_start3A_308 = arith.constant 0 : i32
    %dma_start3A_309 = tpu.memref_slice %arg11[%dma_start3A_306, %dma_start3A_307, %dma_start3A_308] : memref<4x80x128xf32, #tpu.memory_space<vmem>> -> memref<1x80x128xf32, #tpu.memory_space<vmem>>
    %dma_start3A_310 = tpu.memref_squeeze %dma_start3A_309 : memref<1x80x128xf32, #tpu.memory_space<vmem>> -> memref<80x128xf32, #tpu.memory_space<vmem>>
    %dma_start3A_311 = arith.constant 0 : i32
    %dma_start3A_312 = tpu.memref_slice %arg7[%mul3A_292, %dma_start3A_311] : memref<10240x128xf32, #tpu.memory_space<hbm>> -> memref<80x128xf32, #tpu.memory_space<hbm>>
    %dma_start3A_313 = arith.constant 0 : i32
    %dma_start3A_314 = tpu.memref_slice %arg7[%mul3A_292, %dma_start3A_313] : memref<10240x128xf32, #tpu.memory_space<hbm>> -> memref<80x128xf32, #tpu.memory_space<hbm>>
    %dma_start3A_315 = arith.constant 0 : i32
    %dma_start3A_316 = arith.constant 0 : i32
    %dma_start3A_317 = tpu.memref_slice %arg11[%dma_start3A_306, %dma_start3A_315, %dma_start3A_316] : memref<4x80x128xf32, #tpu.memory_space<vmem>> -> memref<1x80x128xf32, #tpu.memory_space<vmem>>
    %dma_start3A_318 = tpu.memref_squeeze %dma_start3A_317 : memref<1x80x128xf32, #tpu.memory_space<vmem>> -> memref<80x128xf32, #tpu.memory_space<vmem>>
    tpu.enqueue_dma source(%dma_start3A_318 : memref<80x128xf32, #tpu.memory_space<vmem>>) target(%dma_start3A_314 : memref<80x128xf32, #tpu.memory_space<hbm>>) target_semaphore(%arg13 : memref<!tpu.dma_semaphore, #tpu.memory_space<semaphore_mem>>)
    %mul3A_319 = arith.constant 4 : i32
    %mul3A_320 = arith.muli %add3A, %mul3A_319 : i32
    %add3A_321 = arith.constant 0 : i32
    %add3A_322 = arith.addi %mul3A_320, %add3A_321 : i32
    %mul3A_323 = arith.constant 80 : i32
    %mul3A_324 = arith.muli %add3A_322, %mul3A_323 : i32
    %dma_wait3A_325 = arith.constant 0 : i32
    %dma_wait3A_326 = arith.constant 0 : i32
    %dma_wait3A_327 = arith.constant 0 : i32
    %dma_wait3A_328 = tpu.memref_slice %arg10[%dma_wait3A_325, %dma_wait3A_326, %dma_wait3A_327] : memref<4x80x128xf32, #tpu.memory_space<vmem>> -> memref<1x80x128xf32, #tpu.memory_space<vmem>>
    %dma_wait3A_329 = tpu.memref_squeeze %dma_wait3A_328 : memref<1x80x128xf32, #tpu.memory_space<vmem>> -> memref<80x128xf32, #tpu.memory_space<vmem>>
    %dma_wait3A_330 = arith.constant 0 : i32
    %dma_wait3A_331 = tpu.memref_slice %arg6[%mul3A_324, %dma_wait3A_330] : memref<10240x128xf32, #tpu.memory_space<hbm>> -> memref<80x128xf32, #tpu.memory_space<hbm>>
    %dma_wait3A_332 = arith.constant 0 : i32
    %dma_wait3A_333 = tpu.memref_slice %arg6[%mul3A_324, %dma_wait3A_332] : memref<10240x128xf32, #tpu.memory_space<hbm>> -> memref<80x128xf32, #tpu.memory_space<hbm>>
    %dma_wait3A_334 = arith.constant 0 : i32
    %dma_wait3A_335 = arith.constant 0 : i32
    %dma_wait3A_336 = tpu.memref_slice %arg10[%dma_wait3A_325, %dma_wait3A_334, %dma_wait3A_335] : memref<4x80x128xf32, #tpu.memory_space<vmem>> -> memref<1x80x128xf32, #tpu.memory_space<vmem>>
    %dma_wait3A_337 = tpu.memref_squeeze %dma_wait3A_336 : memref<1x80x128xf32, #tpu.memory_space<vmem>> -> memref<80x128xf32, #tpu.memory_space<vmem>>
    tpu.wait_dma2 semaphore(%arg13 : memref<!tpu.dma_semaphore, #tpu.memory_space<semaphore_mem>>) src(%dma_wait3A_337 : memref<80x128xf32, #tpu.memory_space<vmem>>) dst(%dma_wait3A_333 : memref<80x128xf32, #tpu.memory_space<hbm>>)
    %dma_wait3A_338 = arith.constant 0 : i32
    %dma_wait3A_339 = arith.constant 0 : i32
    %dma_wait3A_340 = arith.constant 0 : i32
    %dma_wait3A_341 = tpu.memref_slice %arg11[%dma_wait3A_338, %dma_wait3A_339, %dma_wait3A_340] : memref<4x80x128xf32, #tpu.memory_space<vmem>> -> memref<1x80x128xf32, #tpu.memory_space<vmem>>
    %dma_wait3A_342 = tpu.memref_squeeze %dma_wait3A_341 : memref<1x80x128xf32, #tpu.memory_space<vmem>> -> memref<80x128xf32, #tpu.memory_space<vmem>>
    %dma_wait3A_343 = arith.constant 0 : i32
    %dma_wait3A_344 = tpu.memref_slice %arg7[%mul3A_324, %dma_wait3A_343] : memref<10240x128xf32, #tpu.memory_space<hbm>> -> memref<80x128xf32, #tpu.memory_space<hbm>>
    %dma_wait3A_345 = arith.constant 0 : i32
    %dma_wait3A_346 = tpu.memref_slice %arg7[%mul3A_324, %dma_wait3A_345] : memref<10240x128xf32, #tpu.memory_space<hbm>> -> memref<80x128xf32, #tpu.memory_space<hbm>>
    %dma_wait3A_347 = arith.constant 0 : i32
    %dma_wait3A_348 = arith.constant 0 : i32
    %dma_wait3A_349 = tpu.memref_slice %arg11[%dma_wait3A_338, %dma_wait3A_347, %dma_wait3A_348] : memref<4x80x128xf32, #tpu.memory_space<vmem>> -> memref<1x80x128xf32, #tpu.memory_space<vmem>>
    %dma_wait3A_350 = tpu.memref_squeeze %dma_wait3A_349 : memref<1x80x128xf32, #tpu.memory_space<vmem>> -> memref<80x128xf32, #tpu.memory_space<vmem>>
    tpu.wait_dma2 semaphore(%arg13 : memref<!tpu.dma_semaphore, #tpu.memory_space<semaphore_mem>>) src(%dma_wait3A_350 : memref<80x128xf32, #tpu.memory_space<vmem>>) dst(%dma_wait3A_346 : memref<80x128xf32, #tpu.memory_space<hbm>>)
    %mul3A_351 = arith.constant 4 : i32
    %mul3A_352 = arith.muli %add3A, %mul3A_351 : i32
    %add3A_353 = arith.constant 1 : i32
    %add3A_354 = arith.addi %mul3A_352, %add3A_353 : i32
    %mul3A_355 = arith.constant 80 : i32
    %mul3A_356 = arith.muli %add3A_354, %mul3A_355 : i32
    %dma_wait3A_357 = arith.constant 1 : i32
    %dma_wait3A_358 = arith.constant 0 : i32
    %dma_wait3A_359 = arith.constant 0 : i32
    %dma_wait3A_360 = tpu.memref_slice %arg10[%dma_wait3A_357, %dma_wait3A_358, %dma_wait3A_359] : memref<4x80x128xf32, #tpu.memory_space<vmem>> -> memref<1x80x128xf32, #tpu.memory_space<vmem>>
    %dma_wait3A_361 = tpu.memref_squeeze %dma_wait3A_360 : memref<1x80x128xf32, #tpu.memory_space<vmem>> -> memref<80x128xf32, #tpu.memory_space<vmem>>
    %dma_wait3A_362 = arith.constant 0 : i32
    %dma_wait3A_363 = tpu.memref_slice %arg6[%mul3A_356, %dma_wait3A_362] : memref<10240x128xf32, #tpu.memory_space<hbm>> -> memref<80x128xf32, #tpu.memory_space<hbm>>
    %dma_wait3A_364 = arith.constant 0 : i32
    %dma_wait3A_365 = tpu.memref_slice %arg6[%mul3A_356, %dma_wait3A_364] : memref<10240x128xf32, #tpu.memory_space<hbm>> -> memref<80x128xf32, #tpu.memory_space<hbm>>
    %dma_wait3A_366 = arith.constant 0 : i32
    %dma_wait3A_367 = arith.constant 0 : i32
    %dma_wait3A_368 = tpu.memref_slice %arg10[%dma_wait3A_357, %dma_wait3A_366, %dma_wait3A_367] : memref<4x80x128xf32, #tpu.memory_space<vmem>> -> memref<1x80x128xf32, #tpu.memory_space<vmem>>
    %dma_wait3A_369 = tpu.memref_squeeze %dma_wait3A_368 : memref<1x80x128xf32, #tpu.memory_space<vmem>> -> memref<80x128xf32, #tpu.memory_space<vmem>>
    tpu.wait_dma2 semaphore(%arg13 : memref<!tpu.dma_semaphore, #tpu.memory_space<semaphore_mem>>) src(%dma_wait3A_369 : memref<80x128xf32, #tpu.memory_space<vmem>>) dst(%dma_wait3A_365 : memref<80x128xf32, #tpu.memory_space<hbm>>)
    %dma_wait3A_370 = arith.constant 1 : i32
    %dma_wait3A_371 = arith.constant 0 : i32
    %dma_wait3A_372 = arith.constant 0 : i32
    %dma_wait3A_373 = tpu.memref_slice %arg11[%dma_wait3A_370, %dma_wait3A_371, %dma_wait3A_372] : memref<4x80x128xf32, #tpu.memory_space<vmem>> -> memref<1x80x128xf32, #tpu.memory_space<vmem>>
    %dma_wait3A_374 = tpu.memref_squeeze %dma_wait3A_373 : memref<1x80x128xf32, #tpu.memory_space<vmem>> -> memref<80x128xf32, #tpu.memory_space<vmem>>
    %dma_wait3A_375 = arith.constant 0 : i32
    %dma_wait3A_376 = tpu.memref_slice %arg7[%mul3A_356, %dma_wait3A_375] : memref<10240x128xf32, #tpu.memory_space<hbm>> -> memref<80x128xf32, #tpu.memory_space<hbm>>
    %dma_wait3A_377 = arith.constant 0 : i32
    %dma_wait3A_378 = tpu.memref_slice %arg7[%mul3A_356, %dma_wait3A_377] : memref<10240x128xf32, #tpu.memory_space<hbm>> -> memref<80x128xf32, #tpu.memory_space<hbm>>
    %dma_wait3A_379 = arith.constant 0 : i32
    %dma_wait3A_380 = arith.constant 0 : i32
    %dma_wait3A_381 = tpu.memref_slice %arg11[%dma_wait3A_370, %dma_wait3A_379, %dma_wait3A_380] : memref<4x80x128xf32, #tpu.memory_space<vmem>> -> memref<1x80x128xf32, #tpu.memory_space<vmem>>
    %dma_wait3A_382 = tpu.memref_squeeze %dma_wait3A_381 : memref<1x80x128xf32, #tpu.memory_space<vmem>> -> memref<80x128xf32, #tpu.memory_space<vmem>>
    tpu.wait_dma2 semaphore(%arg13 : memref<!tpu.dma_semaphore, #tpu.memory_space<semaphore_mem>>) src(%dma_wait3A_382 : memref<80x128xf32, #tpu.memory_space<vmem>>) dst(%dma_wait3A_378 : memref<80x128xf32, #tpu.memory_space<hbm>>)
    %mul3A_383 = arith.constant 4 : i32
    %mul3A_384 = arith.muli %add3A, %mul3A_383 : i32
    %add3A_385 = arith.constant 2 : i32
    %add3A_386 = arith.addi %mul3A_384, %add3A_385 : i32
    %mul3A_387 = arith.constant 80 : i32
    %mul3A_388 = arith.muli %add3A_386, %mul3A_387 : i32
    %dma_wait3A_389 = arith.constant 2 : i32
    %dma_wait3A_390 = arith.constant 0 : i32
    %dma_wait3A_391 = arith.constant 0 : i32
    %dma_wait3A_392 = tpu.memref_slice %arg10[%dma_wait3A_389, %dma_wait3A_390, %dma_wait3A_391] : memref<4x80x128xf32, #tpu.memory_space<vmem>> -> memref<1x80x128xf32, #tpu.memory_space<vmem>>
    %dma_wait3A_393 = tpu.memref_squeeze %dma_wait3A_392 : memref<1x80x128xf32, #tpu.memory_space<vmem>> -> memref<80x128xf32, #tpu.memory_space<vmem>>
    %dma_wait3A_394 = arith.constant 0 : i32
    %dma_wait3A_395 = tpu.memref_slice %arg6[%mul3A_388, %dma_wait3A_394] : memref<10240x128xf32, #tpu.memory_space<hbm>> -> memref<80x128xf32, #tpu.memory_space<hbm>>
    %dma_wait3A_396 = arith.constant 0 : i32
    %dma_wait3A_397 = tpu.memref_slice %arg6[%mul3A_388, %dma_wait3A_396] : memref<10240x128xf32, #tpu.memory_space<hbm>> -> memref<80x128xf32, #tpu.memory_space<hbm>>
    %dma_wait3A_398 = arith.constant 0 : i32
    %dma_wait3A_399 = arith.constant 0 : i32
    %dma_wait3A_400 = tpu.memref_slice %arg10[%dma_wait3A_389, %dma_wait3A_398, %dma_wait3A_399] : memref<4x80x128xf32, #tpu.memory_space<vmem>> -> memref<1x80x128xf32, #tpu.memory_space<vmem>>
    %dma_wait3A_401 = tpu.memref_squeeze %dma_wait3A_400 : memref<1x80x128xf32, #tpu.memory_space<vmem>> -> memref<80x128xf32, #tpu.memory_space<vmem>>
    tpu.wait_dma2 semaphore(%arg13 : memref<!tpu.dma_semaphore, #tpu.memory_space<semaphore_mem>>) src(%dma_wait3A_401 : memref<80x128xf32, #tpu.memory_space<vmem>>) dst(%dma_wait3A_397 : memref<80x128xf32, #tpu.memory_space<hbm>>)
    %dma_wait3A_402 = arith.constant 2 : i32
    %dma_wait3A_403 = arith.constant 0 : i32
    %dma_wait3A_404 = arith.constant 0 : i32
    %dma_wait3A_405 = tpu.memref_slice %arg11[%dma_wait3A_402, %dma_wait3A_403, %dma_wait3A_404] : memref<4x80x128xf32, #tpu.memory_space<vmem>> -> memref<1x80x128xf32, #tpu.memory_space<vmem>>
    %dma_wait3A_406 = tpu.memref_squeeze %dma_wait3A_405 : memref<1x80x128xf32, #tpu.memory_space<vmem>> -> memref<80x128xf32, #tpu.memory_space<vmem>>
    %dma_wait3A_407 = arith.constant 0 : i32
    %dma_wait3A_408 = tpu.memref_slice %arg7[%mul3A_388, %dma_wait3A_407] : memref<10240x128xf32, #tpu.memory_space<hbm>> -> memref<80x128xf32, #tpu.memory_space<hbm>>
    %dma_wait3A_409 = arith.constant 0 : i32
    %dma_wait3A_410 = tpu.memref_slice %arg7[%mul3A_388, %dma_wait3A_409] : memref<10240x128xf32, #tpu.memory_space<hbm>> -> memref<80x128xf32, #tpu.memory_space<hbm>>
    %dma_wait3A_411 = arith.constant 0 : i32
    %dma_wait3A_412 = arith.constant 0 : i32
    %dma_wait3A_413 = tpu.memref_slice %arg11[%dma_wait3A_402, %dma_wait3A_411, %dma_wait3A_412] : memref<4x80x128xf32, #tpu.memory_space<vmem>> -> memref<1x80x128xf32, #tpu.memory_space<vmem>>
    %dma_wait3A_414 = tpu.memref_squeeze %dma_wait3A_413 : memref<1x80x128xf32, #tpu.memory_space<vmem>> -> memref<80x128xf32, #tpu.memory_space<vmem>>
    tpu.wait_dma2 semaphore(%arg13 : memref<!tpu.dma_semaphore, #tpu.memory_space<semaphore_mem>>) src(%dma_wait3A_414 : memref<80x128xf32, #tpu.memory_space<vmem>>) dst(%dma_wait3A_410 : memref<80x128xf32, #tpu.memory_space<hbm>>)
    %mul3A_415 = arith.constant 4 : i32
    %mul3A_416 = arith.muli %add3A, %mul3A_415 : i32
    %add3A_417 = arith.constant 3 : i32
    %add3A_418 = arith.addi %mul3A_416, %add3A_417 : i32
    %mul3A_419 = arith.constant 80 : i32
    %mul3A_420 = arith.muli %add3A_418, %mul3A_419 : i32
    %dma_wait3A_421 = arith.constant 3 : i32
    %dma_wait3A_422 = arith.constant 0 : i32
    %dma_wait3A_423 = arith.constant 0 : i32
    %dma_wait3A_424 = tpu.memref_slice %arg10[%dma_wait3A_421, %dma_wait3A_422, %dma_wait3A_423] : memref<4x80x128xf32, #tpu.memory_space<vmem>> -> memref<1x80x128xf32, #tpu.memory_space<vmem>>
    %dma_wait3A_425 = tpu.memref_squeeze %dma_wait3A_424 : memref<1x80x128xf32, #tpu.memory_space<vmem>> -> memref<80x128xf32, #tpu.memory_space<vmem>>
    %dma_wait3A_426 = arith.constant 0 : i32
    %dma_wait3A_427 = tpu.memref_slice %arg6[%mul3A_420, %dma_wait3A_426] : memref<10240x128xf32, #tpu.memory_space<hbm>> -> memref<80x128xf32, #tpu.memory_space<hbm>>
    %dma_wait3A_428 = arith.constant 0 : i32
    %dma_wait3A_429 = tpu.memref_slice %arg6[%mul3A_420, %dma_wait3A_428] : memref<10240x128xf32, #tpu.memory_space<hbm>> -> memref<80x128xf32, #tpu.memory_space<hbm>>
    %dma_wait3A_430 = arith.constant 0 : i32
    %dma_wait3A_431 = arith.constant 0 : i32
    %dma_wait3A_432 = tpu.memref_slice %arg10[%dma_wait3A_421, %dma_wait3A_430, %dma_wait3A_431] : memref<4x80x128xf32, #tpu.memory_space<vmem>> -> memref<1x80x128xf32, #tpu.memory_space<vmem>>
    %dma_wait3A_433 = tpu.memref_squeeze %dma_wait3A_432 : memref<1x80x128xf32, #tpu.memory_space<vmem>> -> memref<80x128xf32, #tpu.memory_space<vmem>>
    tpu.wait_dma2 semaphore(%arg13 : memref<!tpu.dma_semaphore, #tpu.memory_space<semaphore_mem>>) src(%dma_wait3A_433 : memref<80x128xf32, #tpu.memory_space<vmem>>) dst(%dma_wait3A_429 : memref<80x128xf32, #tpu.memory_space<hbm>>)
    %dma_wait3A_434 = arith.constant 3 : i32
    %dma_wait3A_435 = arith.constant 0 : i32
    %dma_wait3A_436 = arith.constant 0 : i32
    %dma_wait3A_437 = tpu.memref_slice %arg11[%dma_wait3A_434, %dma_wait3A_435, %dma_wait3A_436] : memref<4x80x128xf32, #tpu.memory_space<vmem>> -> memref<1x80x128xf32, #tpu.memory_space<vmem>>
    %dma_wait3A_438 = tpu.memref_squeeze %dma_wait3A_437 : memref<1x80x128xf32, #tpu.memory_space<vmem>> -> memref<80x128xf32, #tpu.memory_space<vmem>>
    %dma_wait3A_439 = arith.constant 0 : i32
    %dma_wait3A_440 = tpu.memref_slice %arg7[%mul3A_420, %dma_wait3A_439] : memref<10240x128xf32, #tpu.memory_space<hbm>> -> memref<80x128xf32, #tpu.memory_space<hbm>>
    %dma_wait3A_441 = arith.constant 0 : i32
    %dma_wait3A_442 = tpu.memref_slice %arg7[%mul3A_420, %dma_wait3A_441] : memref<10240x128xf32, #tpu.memory_space<hbm>> -> memref<80x128xf32, #tpu.memory_space<hbm>>
    %dma_wait3A_443 = arith.constant 0 : i32
    %dma_wait3A_444 = arith.constant 0 : i32
    %dma_wait3A_445 = tpu.memref_slice %arg11[%dma_wait3A_434, %dma_wait3A_443, %dma_wait3A_444] : memref<4x80x128xf32, #tpu.memory_space<vmem>> -> memref<1x80x128xf32, #tpu.memory_space<vmem>>
    %dma_wait3A_446 = tpu.memref_squeeze %dma_wait3A_445 : memref<1x80x128xf32, #tpu.memory_space<vmem>> -> memref<80x128xf32, #tpu.memory_space<vmem>>
    tpu.wait_dma2 semaphore(%arg13 : memref<!tpu.dma_semaphore, #tpu.memory_space<semaphore_mem>>) src(%dma_wait3A_446 : memref<80x128xf32, #tpu.memory_space<vmem>>) dst(%dma_wait3A_442 : memref<80x128xf32, #tpu.memory_space<hbm>>)
    return
  }
}

#map = affine_map<(d0, d1) -> (0, 0)>
#map1 = affine_map<(d0, d1) -> (0, 0, 0)>
module attributes {stable_mosaic.version = 14 : i64} {
  func.func @_agg_kernel(%arg0: i32, %arg1: i32, %arg2: memref<10240x128xf32, #tpu.memory_space<hbm>>, %arg3: memref<32x10000xi32, #tpu.memory_space<hbm>>, %arg4: memref<32x125x80xi32, #tpu.memory_space<hbm>>, %arg5: memref<80x128xf32, #tpu.memory_space<hbm>>, %arg6: memref<2x10240x128xf32, #tpu.memory_space<hbm>>, %arg7: memref<10000xi32, #tpu.memory_space<vmem>>, %arg8: memref<125x80xi32, #tpu.memory_space<vmem>>, %arg9: memref<80x128xf32, #tpu.memory_space<vmem>>, %arg10: memref<80x128xf32, #tpu.memory_space<vmem>>, %arg11: memref<10240x128xf32, #tpu.memory_space<vmem_shared>>, %arg12: memref<!tpu.dma_semaphore, #tpu.memory_space<semaphore_mem>>, %arg13: memref<!tpu.dma_semaphore, #tpu.memory_space<semaphore_mem>>) attributes {dimension_semantics = [#tpu.dimension_semantics<core_parallel>, #tpu.dimension_semantics<subcore_parallel>], iteration_bounds = array<i64: 2, 16>, scalar_prefetch = 0 : i64, scratch_operands = 7 : i64, tpu.core_type = #tpu.core_type<sc_vector_subcore>, window_params = [{transform_indices = #map}, {transform_indices = #map}, {transform_indices = #map1}, {transform_indices = #map}, {transform_indices = #map1}]} {
    %mul3A = arith.constant 2 : i32
    %mul3A_0 = arith.muli %arg1, %mul3A : i32
    %add3A = arith.addi %mul3A_0, %arg0 : i32
    "tpu.region"() ({
      %run_scoped3A_532 = tpu.sem_alloc : memref<!tpu.dma_semaphore, #tpu.memory_space<semaphore_mem>>
      %dma_start3A_533 = arith.constant 0 : i32
      %dma_start3A_534 = arith.constant 0 : i32
      %dma_start3A_535 = tpu.memref_slice %arg9[%dma_start3A_533, %dma_start3A_534] : memref<80x128xf32, #tpu.memory_space<vmem>> -> memref<80x128xf32, #tpu.memory_space<vmem>>
      %dma_start3A_536 = arith.constant 0 : i32
      %dma_start3A_537 = arith.constant 0 : i32
      %dma_start3A_538 = tpu.memref_slice %arg9[%dma_start3A_536, %dma_start3A_537] : memref<80x128xf32, #tpu.memory_space<vmem>> -> memref<80x128xf32, #tpu.memory_space<vmem>>
      tpu.enqueue_dma source(%arg5 : memref<80x128xf32, #tpu.memory_space<hbm>>) target(%dma_start3A_538 : memref<80x128xf32, #tpu.memory_space<vmem>>) target_semaphore(%run_scoped3A_532 : memref<!tpu.dma_semaphore, #tpu.memory_space<semaphore_mem>>)
      %dma_wait3A_539 = arith.constant 0 : i32
      %dma_wait3A_540 = arith.constant 0 : i32
      %dma_wait3A_541 = tpu.memref_slice %arg9[%dma_wait3A_539, %dma_wait3A_540] : memref<80x128xf32, #tpu.memory_space<vmem>> -> memref<80x128xf32, #tpu.memory_space<vmem>>
      %dma_wait3A_542 = arith.constant 0 : i32
      %dma_wait3A_543 = arith.constant 0 : i32
      %dma_wait3A_544 = tpu.memref_slice %arg9[%dma_wait3A_542, %dma_wait3A_543] : memref<80x128xf32, #tpu.memory_space<vmem>> -> memref<80x128xf32, #tpu.memory_space<vmem>>
      tpu.wait_dma2 semaphore(%run_scoped3A_532 : memref<!tpu.dma_semaphore, #tpu.memory_space<semaphore_mem>>) src(%arg5 : memref<80x128xf32, #tpu.memory_space<hbm>>) dst(%dma_wait3A_544 : memref<80x128xf32, #tpu.memory_space<vmem>>)
      tpu.yield
    }) : () -> ()
    %mul3A_1 = arith.constant 640 : i32
    %mul3A_2 = arith.muli %arg1, %mul3A_1 : i32
    %add3A_3 = arith.constant 0 : i32
    %add3A_4 = arith.addi %mul3A_2, %add3A_3 : i32
    %dma_start3A = arith.constant 0 : i32
    %dma_start3A_5 = arith.constant 0 : i32
    %dma_start3A_6 = tpu.memref_slice %arg9[%dma_start3A, %dma_start3A_5] : memref<80x128xf32, #tpu.memory_space<vmem>> -> memref<80x128xf32, #tpu.memory_space<vmem>>
    %dma_start3A_7 = arith.constant 0 : i32
    %dma_start3A_8 = tpu.memref_slice %arg11[%add3A_4, %dma_start3A_7] : memref<10240x128xf32, #tpu.memory_space<vmem_shared>> -> memref<80x128xf32, #tpu.memory_space<vmem_shared>>
    %dma_start3A_9 = arith.constant 0 : i32
    %dma_start3A_10 = tpu.memref_slice %arg11[%add3A_4, %dma_start3A_9] : memref<10240x128xf32, #tpu.memory_space<vmem_shared>> -> memref<80x128xf32, #tpu.memory_space<vmem_shared>>
    %dma_start3A_11 = arith.constant 0 : i32
    %dma_start3A_12 = arith.constant 0 : i32
    %dma_start3A_13 = tpu.memref_slice %arg9[%dma_start3A_11, %dma_start3A_12] : memref<80x128xf32, #tpu.memory_space<vmem>> -> memref<80x128xf32, #tpu.memory_space<vmem>>
    tpu.enqueue_dma source(%dma_start3A_13 : memref<80x128xf32, #tpu.memory_space<vmem>>) target(%dma_start3A_10 : memref<80x128xf32, #tpu.memory_space<vmem_shared>>) target_semaphore(%arg13 : memref<!tpu.dma_semaphore, #tpu.memory_space<semaphore_mem>>)
    %mul3A_14 = arith.constant 640 : i32
    %mul3A_15 = arith.muli %arg1, %mul3A_14 : i32
    %add3A_16 = arith.constant 80 : i32
    %add3A_17 = arith.addi %mul3A_15, %add3A_16 : i32
    %dma_start3A_18 = arith.constant 0 : i32
    %dma_start3A_19 = arith.constant 0 : i32
    %dma_start3A_20 = tpu.memref_slice %arg9[%dma_start3A_18, %dma_start3A_19] : memref<80x128xf32, #tpu.memory_space<vmem>> -> memref<80x128xf32, #tpu.memory_space<vmem>>
    %dma_start3A_21 = arith.constant 0 : i32
    %dma_start3A_22 = tpu.memref_slice %arg11[%add3A_17, %dma_start3A_21] : memref<10240x128xf32, #tpu.memory_space<vmem_shared>> -> memref<80x128xf32, #tpu.memory_space<vmem_shared>>
    %dma_start3A_23 = arith.constant 0 : i32
    %dma_start3A_24 = tpu.memref_slice %arg11[%add3A_17, %dma_start3A_23] : memref<10240x128xf32, #tpu.memory_space<vmem_shared>> -> memref<80x128xf32, #tpu.memory_space<vmem_shared>>
    %dma_start3A_25 = arith.constant 0 : i32
    %dma_start3A_26 = arith.constant 0 : i32
    %dma_start3A_27 = tpu.memref_slice %arg9[%dma_start3A_25, %dma_start3A_26] : memref<80x128xf32, #tpu.memory_space<vmem>> -> memref<80x128xf32, #tpu.memory_space<vmem>>
    tpu.enqueue_dma source(%dma_start3A_27 : memref<80x128xf32, #tpu.memory_space<vmem>>) target(%dma_start3A_24 : memref<80x128xf32, #tpu.memory_space<vmem_shared>>) target_semaphore(%arg13 : memref<!tpu.dma_semaphore, #tpu.memory_space<semaphore_mem>>)
    %mul3A_28 = arith.constant 640 : i32
    %mul3A_29 = arith.muli %arg1, %mul3A_28 : i32
    %add3A_30 = arith.constant 160 : i32
    %add3A_31 = arith.addi %mul3A_29, %add3A_30 : i32
    %dma_start3A_32 = arith.constant 0 : i32
    %dma_start3A_33 = arith.constant 0 : i32
    %dma_start3A_34 = tpu.memref_slice %arg9[%dma_start3A_32, %dma_start3A_33] : memref<80x128xf32, #tpu.memory_space<vmem>> -> memref<80x128xf32, #tpu.memory_space<vmem>>
    %dma_start3A_35 = arith.constant 0 : i32
    %dma_start3A_36 = tpu.memref_slice %arg11[%add3A_31, %dma_start3A_35] : memref<10240x128xf32, #tpu.memory_space<vmem_shared>> -> memref<80x128xf32, #tpu.memory_space<vmem_shared>>
    %dma_start3A_37 = arith.constant 0 : i32
    %dma_start3A_38 = tpu.memref_slice %arg11[%add3A_31, %dma_start3A_37] : memref<10240x128xf32, #tpu.memory_space<vmem_shared>> -> memref<80x128xf32, #tpu.memory_space<vmem_shared>>
    %dma_start3A_39 = arith.constant 0 : i32
    %dma_start3A_40 = arith.constant 0 : i32
    %dma_start3A_41 = tpu.memref_slice %arg9[%dma_start3A_39, %dma_start3A_40] : memref<80x128xf32, #tpu.memory_space<vmem>> -> memref<80x128xf32, #tpu.memory_space<vmem>>
    tpu.enqueue_dma source(%dma_start3A_41 : memref<80x128xf32, #tpu.memory_space<vmem>>) target(%dma_start3A_38 : memref<80x128xf32, #tpu.memory_space<vmem_shared>>) target_semaphore(%arg13 : memref<!tpu.dma_semaphore, #tpu.memory_space<semaphore_mem>>)
    %mul3A_42 = arith.constant 640 : i32
    %mul3A_43 = arith.muli %arg1, %mul3A_42 : i32
    %add3A_44 = arith.constant 240 : i32
    %add3A_45 = arith.addi %mul3A_43, %add3A_44 : i32
    %dma_start3A_46 = arith.constant 0 : i32
    %dma_start3A_47 = arith.constant 0 : i32
    %dma_start3A_48 = tpu.memref_slice %arg9[%dma_start3A_46, %dma_start3A_47] : memref<80x128xf32, #tpu.memory_space<vmem>> -> memref<80x128xf32, #tpu.memory_space<vmem>>
    %dma_start3A_49 = arith.constant 0 : i32
    %dma_start3A_50 = tpu.memref_slice %arg11[%add3A_45, %dma_start3A_49] : memref<10240x128xf32, #tpu.memory_space<vmem_shared>> -> memref<80x128xf32, #tpu.memory_space<vmem_shared>>
    %dma_start3A_51 = arith.constant 0 : i32
    %dma_start3A_52 = tpu.memref_slice %arg11[%add3A_45, %dma_start3A_51] : memref<10240x128xf32, #tpu.memory_space<vmem_shared>> -> memref<80x128xf32, #tpu.memory_space<vmem_shared>>
    %dma_start3A_53 = arith.constant 0 : i32
    %dma_start3A_54 = arith.constant 0 : i32
    %dma_start3A_55 = tpu.memref_slice %arg9[%dma_start3A_53, %dma_start3A_54] : memref<80x128xf32, #tpu.memory_space<vmem>> -> memref<80x128xf32, #tpu.memory_space<vmem>>
    tpu.enqueue_dma source(%dma_start3A_55 : memref<80x128xf32, #tpu.memory_space<vmem>>) target(%dma_start3A_52 : memref<80x128xf32, #tpu.memory_space<vmem_shared>>) target_semaphore(%arg13 : memref<!tpu.dma_semaphore, #tpu.memory_space<semaphore_mem>>)
    %mul3A_56 = arith.constant 640 : i32
    %mul3A_57 = arith.muli %arg1, %mul3A_56 : i32
    %add3A_58 = arith.constant 320 : i32
    %add3A_59 = arith.addi %mul3A_57, %add3A_58 : i32
    %dma_start3A_60 = arith.constant 0 : i32
    %dma_start3A_61 = arith.constant 0 : i32
    %dma_start3A_62 = tpu.memref_slice %arg9[%dma_start3A_60, %dma_start3A_61] : memref<80x128xf32, #tpu.memory_space<vmem>> -> memref<80x128xf32, #tpu.memory_space<vmem>>
    %dma_start3A_63 = arith.constant 0 : i32
    %dma_start3A_64 = tpu.memref_slice %arg11[%add3A_59, %dma_start3A_63] : memref<10240x128xf32, #tpu.memory_space<vmem_shared>> -> memref<80x128xf32, #tpu.memory_space<vmem_shared>>
    %dma_start3A_65 = arith.constant 0 : i32
    %dma_start3A_66 = tpu.memref_slice %arg11[%add3A_59, %dma_start3A_65] : memref<10240x128xf32, #tpu.memory_space<vmem_shared>> -> memref<80x128xf32, #tpu.memory_space<vmem_shared>>
    %dma_start3A_67 = arith.constant 0 : i32
    %dma_start3A_68 = arith.constant 0 : i32
    %dma_start3A_69 = tpu.memref_slice %arg9[%dma_start3A_67, %dma_start3A_68] : memref<80x128xf32, #tpu.memory_space<vmem>> -> memref<80x128xf32, #tpu.memory_space<vmem>>
    tpu.enqueue_dma source(%dma_start3A_69 : memref<80x128xf32, #tpu.memory_space<vmem>>) target(%dma_start3A_66 : memref<80x128xf32, #tpu.memory_space<vmem_shared>>) target_semaphore(%arg13 : memref<!tpu.dma_semaphore, #tpu.memory_space<semaphore_mem>>)
    %mul3A_70 = arith.constant 640 : i32
    %mul3A_71 = arith.muli %arg1, %mul3A_70 : i32
    %add3A_72 = arith.constant 400 : i32
    %add3A_73 = arith.addi %mul3A_71, %add3A_72 : i32
    %dma_start3A_74 = arith.constant 0 : i32
    %dma_start3A_75 = arith.constant 0 : i32
    %dma_start3A_76 = tpu.memref_slice %arg9[%dma_start3A_74, %dma_start3A_75] : memref<80x128xf32, #tpu.memory_space<vmem>> -> memref<80x128xf32, #tpu.memory_space<vmem>>
    %dma_start3A_77 = arith.constant 0 : i32
    %dma_start3A_78 = tpu.memref_slice %arg11[%add3A_73, %dma_start3A_77] : memref<10240x128xf32, #tpu.memory_space<vmem_shared>> -> memref<80x128xf32, #tpu.memory_space<vmem_shared>>
    %dma_start3A_79 = arith.constant 0 : i32
    %dma_start3A_80 = tpu.memref_slice %arg11[%add3A_73, %dma_start3A_79] : memref<10240x128xf32, #tpu.memory_space<vmem_shared>> -> memref<80x128xf32, #tpu.memory_space<vmem_shared>>
    %dma_start3A_81 = arith.constant 0 : i32
    %dma_start3A_82 = arith.constant 0 : i32
    %dma_start3A_83 = tpu.memref_slice %arg9[%dma_start3A_81, %dma_start3A_82] : memref<80x128xf32, #tpu.memory_space<vmem>> -> memref<80x128xf32, #tpu.memory_space<vmem>>
    tpu.enqueue_dma source(%dma_start3A_83 : memref<80x128xf32, #tpu.memory_space<vmem>>) target(%dma_start3A_80 : memref<80x128xf32, #tpu.memory_space<vmem_shared>>) target_semaphore(%arg13 : memref<!tpu.dma_semaphore, #tpu.memory_space<semaphore_mem>>)
    %mul3A_84 = arith.constant 640 : i32
    %mul3A_85 = arith.muli %arg1, %mul3A_84 : i32
    %add3A_86 = arith.constant 480 : i32
    %add3A_87 = arith.addi %mul3A_85, %add3A_86 : i32
    %dma_start3A_88 = arith.constant 0 : i32
    %dma_start3A_89 = arith.constant 0 : i32
    %dma_start3A_90 = tpu.memref_slice %arg9[%dma_start3A_88, %dma_start3A_89] : memref<80x128xf32, #tpu.memory_space<vmem>> -> memref<80x128xf32, #tpu.memory_space<vmem>>
    %dma_start3A_91 = arith.constant 0 : i32
    %dma_start3A_92 = tpu.memref_slice %arg11[%add3A_87, %dma_start3A_91] : memref<10240x128xf32, #tpu.memory_space<vmem_shared>> -> memref<80x128xf32, #tpu.memory_space<vmem_shared>>
    %dma_start3A_93 = arith.constant 0 : i32
    %dma_start3A_94 = tpu.memref_slice %arg11[%add3A_87, %dma_start3A_93] : memref<10240x128xf32, #tpu.memory_space<vmem_shared>> -> memref<80x128xf32, #tpu.memory_space<vmem_shared>>
    %dma_start3A_95 = arith.constant 0 : i32
    %dma_start3A_96 = arith.constant 0 : i32
    %dma_start3A_97 = tpu.memref_slice %arg9[%dma_start3A_95, %dma_start3A_96] : memref<80x128xf32, #tpu.memory_space<vmem>> -> memref<80x128xf32, #tpu.memory_space<vmem>>
    tpu.enqueue_dma source(%dma_start3A_97 : memref<80x128xf32, #tpu.memory_space<vmem>>) target(%dma_start3A_94 : memref<80x128xf32, #tpu.memory_space<vmem_shared>>) target_semaphore(%arg13 : memref<!tpu.dma_semaphore, #tpu.memory_space<semaphore_mem>>)
    %mul3A_98 = arith.constant 640 : i32
    %mul3A_99 = arith.muli %arg1, %mul3A_98 : i32
    %add3A_100 = arith.constant 560 : i32
    %add3A_101 = arith.addi %mul3A_99, %add3A_100 : i32
    %dma_start3A_102 = arith.constant 0 : i32
    %dma_start3A_103 = arith.constant 0 : i32
    %dma_start3A_104 = tpu.memref_slice %arg9[%dma_start3A_102, %dma_start3A_103] : memref<80x128xf32, #tpu.memory_space<vmem>> -> memref<80x128xf32, #tpu.memory_space<vmem>>
    %dma_start3A_105 = arith.constant 0 : i32
    %dma_start3A_106 = tpu.memref_slice %arg11[%add3A_101, %dma_start3A_105] : memref<10240x128xf32, #tpu.memory_space<vmem_shared>> -> memref<80x128xf32, #tpu.memory_space<vmem_shared>>
    %dma_start3A_107 = arith.constant 0 : i32
    %dma_start3A_108 = tpu.memref_slice %arg11[%add3A_101, %dma_start3A_107] : memref<10240x128xf32, #tpu.memory_space<vmem_shared>> -> memref<80x128xf32, #tpu.memory_space<vmem_shared>>
    %dma_start3A_109 = arith.constant 0 : i32
    %dma_start3A_110 = arith.constant 0 : i32
    %dma_start3A_111 = tpu.memref_slice %arg9[%dma_start3A_109, %dma_start3A_110] : memref<80x128xf32, #tpu.memory_space<vmem>> -> memref<80x128xf32, #tpu.memory_space<vmem>>
    tpu.enqueue_dma source(%dma_start3A_111 : memref<80x128xf32, #tpu.memory_space<vmem>>) target(%dma_start3A_108 : memref<80x128xf32, #tpu.memory_space<vmem_shared>>) target_semaphore(%arg13 : memref<!tpu.dma_semaphore, #tpu.memory_space<semaphore_mem>>)
    %mul3A_112 = arith.constant 640 : i32
    %mul3A_113 = arith.muli %arg1, %mul3A_112 : i32
    %add3A_114 = arith.constant 0 : i32
    %add3A_115 = arith.addi %mul3A_113, %add3A_114 : i32
    %dma_wait3A = arith.constant 0 : i32
    %dma_wait3A_116 = arith.constant 0 : i32
    %dma_wait3A_117 = tpu.memref_slice %arg9[%dma_wait3A, %dma_wait3A_116] : memref<80x128xf32, #tpu.memory_space<vmem>> -> memref<80x128xf32, #tpu.memory_space<vmem>>
    %dma_wait3A_118 = arith.constant 0 : i32
    %dma_wait3A_119 = tpu.memref_slice %arg11[%add3A_115, %dma_wait3A_118] : memref<10240x128xf32, #tpu.memory_space<vmem_shared>> -> memref<80x128xf32, #tpu.memory_space<vmem_shared>>
    %dma_wait3A_120 = arith.constant 0 : i32
    %dma_wait3A_121 = tpu.memref_slice %arg11[%add3A_115, %dma_wait3A_120] : memref<10240x128xf32, #tpu.memory_space<vmem_shared>> -> memref<80x128xf32, #tpu.memory_space<vmem_shared>>
    %dma_wait3A_122 = arith.constant 0 : i32
    %dma_wait3A_123 = arith.constant 0 : i32
    %dma_wait3A_124 = tpu.memref_slice %arg9[%dma_wait3A_122, %dma_wait3A_123] : memref<80x128xf32, #tpu.memory_space<vmem>> -> memref<80x128xf32, #tpu.memory_space<vmem>>
    tpu.wait_dma2 semaphore(%arg13 : memref<!tpu.dma_semaphore, #tpu.memory_space<semaphore_mem>>) src(%dma_wait3A_124 : memref<80x128xf32, #tpu.memory_space<vmem>>) dst(%dma_wait3A_121 : memref<80x128xf32, #tpu.memory_space<vmem_shared>>)
    %mul3A_125 = arith.constant 640 : i32
    %mul3A_126 = arith.muli %arg1, %mul3A_125 : i32
    %add3A_127 = arith.constant 80 : i32
    %add3A_128 = arith.addi %mul3A_126, %add3A_127 : i32
    %dma_wait3A_129 = arith.constant 0 : i32
    %dma_wait3A_130 = arith.constant 0 : i32
    %dma_wait3A_131 = tpu.memref_slice %arg9[%dma_wait3A_129, %dma_wait3A_130] : memref<80x128xf32, #tpu.memory_space<vmem>> -> memref<80x128xf32, #tpu.memory_space<vmem>>
    %dma_wait3A_132 = arith.constant 0 : i32
    %dma_wait3A_133 = tpu.memref_slice %arg11[%add3A_128, %dma_wait3A_132] : memref<10240x128xf32, #tpu.memory_space<vmem_shared>> -> memref<80x128xf32, #tpu.memory_space<vmem_shared>>
    %dma_wait3A_134 = arith.constant 0 : i32
    %dma_wait3A_135 = tpu.memref_slice %arg11[%add3A_128, %dma_wait3A_134] : memref<10240x128xf32, #tpu.memory_space<vmem_shared>> -> memref<80x128xf32, #tpu.memory_space<vmem_shared>>
    %dma_wait3A_136 = arith.constant 0 : i32
    %dma_wait3A_137 = arith.constant 0 : i32
    %dma_wait3A_138 = tpu.memref_slice %arg9[%dma_wait3A_136, %dma_wait3A_137] : memref<80x128xf32, #tpu.memory_space<vmem>> -> memref<80x128xf32, #tpu.memory_space<vmem>>
    tpu.wait_dma2 semaphore(%arg13 : memref<!tpu.dma_semaphore, #tpu.memory_space<semaphore_mem>>) src(%dma_wait3A_138 : memref<80x128xf32, #tpu.memory_space<vmem>>) dst(%dma_wait3A_135 : memref<80x128xf32, #tpu.memory_space<vmem_shared>>)
    %mul3A_139 = arith.constant 640 : i32
    %mul3A_140 = arith.muli %arg1, %mul3A_139 : i32
    %add3A_141 = arith.constant 160 : i32
    %add3A_142 = arith.addi %mul3A_140, %add3A_141 : i32
    %dma_wait3A_143 = arith.constant 0 : i32
    %dma_wait3A_144 = arith.constant 0 : i32
    %dma_wait3A_145 = tpu.memref_slice %arg9[%dma_wait3A_143, %dma_wait3A_144] : memref<80x128xf32, #tpu.memory_space<vmem>> -> memref<80x128xf32, #tpu.memory_space<vmem>>
    %dma_wait3A_146 = arith.constant 0 : i32
    %dma_wait3A_147 = tpu.memref_slice %arg11[%add3A_142, %dma_wait3A_146] : memref<10240x128xf32, #tpu.memory_space<vmem_shared>> -> memref<80x128xf32, #tpu.memory_space<vmem_shared>>
    %dma_wait3A_148 = arith.constant 0 : i32
    %dma_wait3A_149 = tpu.memref_slice %arg11[%add3A_142, %dma_wait3A_148] : memref<10240x128xf32, #tpu.memory_space<vmem_shared>> -> memref<80x128xf32, #tpu.memory_space<vmem_shared>>
    %dma_wait3A_150 = arith.constant 0 : i32
    %dma_wait3A_151 = arith.constant 0 : i32
    %dma_wait3A_152 = tpu.memref_slice %arg9[%dma_wait3A_150, %dma_wait3A_151] : memref<80x128xf32, #tpu.memory_space<vmem>> -> memref<80x128xf32, #tpu.memory_space<vmem>>
    tpu.wait_dma2 semaphore(%arg13 : memref<!tpu.dma_semaphore, #tpu.memory_space<semaphore_mem>>) src(%dma_wait3A_152 : memref<80x128xf32, #tpu.memory_space<vmem>>) dst(%dma_wait3A_149 : memref<80x128xf32, #tpu.memory_space<vmem_shared>>)
    %mul3A_153 = arith.constant 640 : i32
    %mul3A_154 = arith.muli %arg1, %mul3A_153 : i32
    %add3A_155 = arith.constant 240 : i32
    %add3A_156 = arith.addi %mul3A_154, %add3A_155 : i32
    %dma_wait3A_157 = arith.constant 0 : i32
    %dma_wait3A_158 = arith.constant 0 : i32
    %dma_wait3A_159 = tpu.memref_slice %arg9[%dma_wait3A_157, %dma_wait3A_158] : memref<80x128xf32, #tpu.memory_space<vmem>> -> memref<80x128xf32, #tpu.memory_space<vmem>>
    %dma_wait3A_160 = arith.constant 0 : i32
    %dma_wait3A_161 = tpu.memref_slice %arg11[%add3A_156, %dma_wait3A_160] : memref<10240x128xf32, #tpu.memory_space<vmem_shared>> -> memref<80x128xf32, #tpu.memory_space<vmem_shared>>
    %dma_wait3A_162 = arith.constant 0 : i32
    %dma_wait3A_163 = tpu.memref_slice %arg11[%add3A_156, %dma_wait3A_162] : memref<10240x128xf32, #tpu.memory_space<vmem_shared>> -> memref<80x128xf32, #tpu.memory_space<vmem_shared>>
    %dma_wait3A_164 = arith.constant 0 : i32
    %dma_wait3A_165 = arith.constant 0 : i32
    %dma_wait3A_166 = tpu.memref_slice %arg9[%dma_wait3A_164, %dma_wait3A_165] : memref<80x128xf32, #tpu.memory_space<vmem>> -> memref<80x128xf32, #tpu.memory_space<vmem>>
    tpu.wait_dma2 semaphore(%arg13 : memref<!tpu.dma_semaphore, #tpu.memory_space<semaphore_mem>>) src(%dma_wait3A_166 : memref<80x128xf32, #tpu.memory_space<vmem>>) dst(%dma_wait3A_163 : memref<80x128xf32, #tpu.memory_space<vmem_shared>>)
    %mul3A_167 = arith.constant 640 : i32
    %mul3A_168 = arith.muli %arg1, %mul3A_167 : i32
    %add3A_169 = arith.constant 320 : i32
    %add3A_170 = arith.addi %mul3A_168, %add3A_169 : i32
    %dma_wait3A_171 = arith.constant 0 : i32
    %dma_wait3A_172 = arith.constant 0 : i32
    %dma_wait3A_173 = tpu.memref_slice %arg9[%dma_wait3A_171, %dma_wait3A_172] : memref<80x128xf32, #tpu.memory_space<vmem>> -> memref<80x128xf32, #tpu.memory_space<vmem>>
    %dma_wait3A_174 = arith.constant 0 : i32
    %dma_wait3A_175 = tpu.memref_slice %arg11[%add3A_170, %dma_wait3A_174] : memref<10240x128xf32, #tpu.memory_space<vmem_shared>> -> memref<80x128xf32, #tpu.memory_space<vmem_shared>>
    %dma_wait3A_176 = arith.constant 0 : i32
    %dma_wait3A_177 = tpu.memref_slice %arg11[%add3A_170, %dma_wait3A_176] : memref<10240x128xf32, #tpu.memory_space<vmem_shared>> -> memref<80x128xf32, #tpu.memory_space<vmem_shared>>
    %dma_wait3A_178 = arith.constant 0 : i32
    %dma_wait3A_179 = arith.constant 0 : i32
    %dma_wait3A_180 = tpu.memref_slice %arg9[%dma_wait3A_178, %dma_wait3A_179] : memref<80x128xf32, #tpu.memory_space<vmem>> -> memref<80x128xf32, #tpu.memory_space<vmem>>
    tpu.wait_dma2 semaphore(%arg13 : memref<!tpu.dma_semaphore, #tpu.memory_space<semaphore_mem>>) src(%dma_wait3A_180 : memref<80x128xf32, #tpu.memory_space<vmem>>) dst(%dma_wait3A_177 : memref<80x128xf32, #tpu.memory_space<vmem_shared>>)
    %mul3A_181 = arith.constant 640 : i32
    %mul3A_182 = arith.muli %arg1, %mul3A_181 : i32
    %add3A_183 = arith.constant 400 : i32
    %add3A_184 = arith.addi %mul3A_182, %add3A_183 : i32
    %dma_wait3A_185 = arith.constant 0 : i32
    %dma_wait3A_186 = arith.constant 0 : i32
    %dma_wait3A_187 = tpu.memref_slice %arg9[%dma_wait3A_185, %dma_wait3A_186] : memref<80x128xf32, #tpu.memory_space<vmem>> -> memref<80x128xf32, #tpu.memory_space<vmem>>
    %dma_wait3A_188 = arith.constant 0 : i32
    %dma_wait3A_189 = tpu.memref_slice %arg11[%add3A_184, %dma_wait3A_188] : memref<10240x128xf32, #tpu.memory_space<vmem_shared>> -> memref<80x128xf32, #tpu.memory_space<vmem_shared>>
    %dma_wait3A_190 = arith.constant 0 : i32
    %dma_wait3A_191 = tpu.memref_slice %arg11[%add3A_184, %dma_wait3A_190] : memref<10240x128xf32, #tpu.memory_space<vmem_shared>> -> memref<80x128xf32, #tpu.memory_space<vmem_shared>>
    %dma_wait3A_192 = arith.constant 0 : i32
    %dma_wait3A_193 = arith.constant 0 : i32
    %dma_wait3A_194 = tpu.memref_slice %arg9[%dma_wait3A_192, %dma_wait3A_193] : memref<80x128xf32, #tpu.memory_space<vmem>> -> memref<80x128xf32, #tpu.memory_space<vmem>>
    tpu.wait_dma2 semaphore(%arg13 : memref<!tpu.dma_semaphore, #tpu.memory_space<semaphore_mem>>) src(%dma_wait3A_194 : memref<80x128xf32, #tpu.memory_space<vmem>>) dst(%dma_wait3A_191 : memref<80x128xf32, #tpu.memory_space<vmem_shared>>)
    %mul3A_195 = arith.constant 640 : i32
    %mul3A_196 = arith.muli %arg1, %mul3A_195 : i32
    %add3A_197 = arith.constant 480 : i32
    %add3A_198 = arith.addi %mul3A_196, %add3A_197 : i32
    %dma_wait3A_199 = arith.constant 0 : i32
    %dma_wait3A_200 = arith.constant 0 : i32
    %dma_wait3A_201 = tpu.memref_slice %arg9[%dma_wait3A_199, %dma_wait3A_200] : memref<80x128xf32, #tpu.memory_space<vmem>> -> memref<80x128xf32, #tpu.memory_space<vmem>>
    %dma_wait3A_202 = arith.constant 0 : i32
    %dma_wait3A_203 = tpu.memref_slice %arg11[%add3A_198, %dma_wait3A_202] : memref<10240x128xf32, #tpu.memory_space<vmem_shared>> -> memref<80x128xf32, #tpu.memory_space<vmem_shared>>
    %dma_wait3A_204 = arith.constant 0 : i32
    %dma_wait3A_205 = tpu.memref_slice %arg11[%add3A_198, %dma_wait3A_204] : memref<10240x128xf32, #tpu.memory_space<vmem_shared>> -> memref<80x128xf32, #tpu.memory_space<vmem_shared>>
    %dma_wait3A_206 = arith.constant 0 : i32
    %dma_wait3A_207 = arith.constant 0 : i32
    %dma_wait3A_208 = tpu.memref_slice %arg9[%dma_wait3A_206, %dma_wait3A_207] : memref<80x128xf32, #tpu.memory_space<vmem>> -> memref<80x128xf32, #tpu.memory_space<vmem>>
    tpu.wait_dma2 semaphore(%arg13 : memref<!tpu.dma_semaphore, #tpu.memory_space<semaphore_mem>>) src(%dma_wait3A_208 : memref<80x128xf32, #tpu.memory_space<vmem>>) dst(%dma_wait3A_205 : memref<80x128xf32, #tpu.memory_space<vmem_shared>>)
    %mul3A_209 = arith.constant 640 : i32
    %mul3A_210 = arith.muli %arg1, %mul3A_209 : i32
    %add3A_211 = arith.constant 560 : i32
    %add3A_212 = arith.addi %mul3A_210, %add3A_211 : i32
    %dma_wait3A_213 = arith.constant 0 : i32
    %dma_wait3A_214 = arith.constant 0 : i32
    %dma_wait3A_215 = tpu.memref_slice %arg9[%dma_wait3A_213, %dma_wait3A_214] : memref<80x128xf32, #tpu.memory_space<vmem>> -> memref<80x128xf32, #tpu.memory_space<vmem>>
    %dma_wait3A_216 = arith.constant 0 : i32
    %dma_wait3A_217 = tpu.memref_slice %arg11[%add3A_212, %dma_wait3A_216] : memref<10240x128xf32, #tpu.memory_space<vmem_shared>> -> memref<80x128xf32, #tpu.memory_space<vmem_shared>>
    %dma_wait3A_218 = arith.constant 0 : i32
    %dma_wait3A_219 = tpu.memref_slice %arg11[%add3A_212, %dma_wait3A_218] : memref<10240x128xf32, #tpu.memory_space<vmem_shared>> -> memref<80x128xf32, #tpu.memory_space<vmem_shared>>
    %dma_wait3A_220 = arith.constant 0 : i32
    %dma_wait3A_221 = arith.constant 0 : i32
    %dma_wait3A_222 = tpu.memref_slice %arg9[%dma_wait3A_220, %dma_wait3A_221] : memref<80x128xf32, #tpu.memory_space<vmem>> -> memref<80x128xf32, #tpu.memory_space<vmem>>
    tpu.wait_dma2 semaphore(%arg13 : memref<!tpu.dma_semaphore, #tpu.memory_space<semaphore_mem>>) src(%dma_wait3A_222 : memref<80x128xf32, #tpu.memory_space<vmem>>) dst(%dma_wait3A_219 : memref<80x128xf32, #tpu.memory_space<vmem_shared>>)
    "tpu.region"() ({
      %run_scoped3A_532 = tpu.sem_alloc : memref<!tpu.dma_semaphore, #tpu.memory_space<semaphore_mem>>
      %dma_start3A_533 = arith.constant 0 : i32
      %dma_start3A_534 = tpu.memref_slice %arg3[%add3A, %dma_start3A_533] : memref<32x10000xi32, #tpu.memory_space<hbm>> -> memref<1x10000xi32, #tpu.memory_space<hbm>>
      %dma_start3A_535 = tpu.memref_squeeze %dma_start3A_534 : memref<1x10000xi32, #tpu.memory_space<hbm>> -> memref<10000xi32, #tpu.memory_space<hbm>>
      %dma_start3A_536 = arith.constant 0 : i32
      %dma_start3A_537 = tpu.memref_slice %arg3[%add3A, %dma_start3A_536] : memref<32x10000xi32, #tpu.memory_space<hbm>> -> memref<1x10000xi32, #tpu.memory_space<hbm>>
      %dma_start3A_538 = tpu.memref_squeeze %dma_start3A_537 : memref<1x10000xi32, #tpu.memory_space<hbm>> -> memref<10000xi32, #tpu.memory_space<hbm>>
      tpu.enqueue_dma source(%dma_start3A_538 : memref<10000xi32, #tpu.memory_space<hbm>>) target(%arg7 : memref<10000xi32, #tpu.memory_space<vmem>>) target_semaphore(%run_scoped3A_532 : memref<!tpu.dma_semaphore, #tpu.memory_space<semaphore_mem>>)
      %dma_wait3A_539 = arith.constant 0 : i32
      %dma_wait3A_540 = tpu.memref_slice %arg3[%add3A, %dma_wait3A_539] : memref<32x10000xi32, #tpu.memory_space<hbm>> -> memref<1x10000xi32, #tpu.memory_space<hbm>>
      %dma_wait3A_541 = tpu.memref_squeeze %dma_wait3A_540 : memref<1x10000xi32, #tpu.memory_space<hbm>> -> memref<10000xi32, #tpu.memory_space<hbm>>
      %dma_wait3A_542 = arith.constant 0 : i32
      %dma_wait3A_543 = tpu.memref_slice %arg3[%add3A, %dma_wait3A_542] : memref<32x10000xi32, #tpu.memory_space<hbm>> -> memref<1x10000xi32, #tpu.memory_space<hbm>>
      %dma_wait3A_544 = tpu.memref_squeeze %dma_wait3A_543 : memref<1x10000xi32, #tpu.memory_space<hbm>> -> memref<10000xi32, #tpu.memory_space<hbm>>
      tpu.wait_dma2 semaphore(%run_scoped3A_532 : memref<!tpu.dma_semaphore, #tpu.memory_space<semaphore_mem>>) src(%dma_wait3A_544 : memref<10000xi32, #tpu.memory_space<hbm>>) dst(%arg7 : memref<10000xi32, #tpu.memory_space<vmem>>)
      tpu.yield
    }) : () -> ()
    "tpu.region"() ({
      %run_scoped3A_532 = tpu.sem_alloc : memref<!tpu.dma_semaphore, #tpu.memory_space<semaphore_mem>>
      %dma_start3A_533 = arith.constant 0 : i32
      %dma_start3A_534 = arith.constant 0 : i32
      %dma_start3A_535 = tpu.memref_slice %arg4[%add3A, %dma_start3A_533, %dma_start3A_534] : memref<32x125x80xi32, #tpu.memory_space<hbm>> -> memref<1x125x80xi32, #tpu.memory_space<hbm>>
      %dma_start3A_536 = tpu.memref_squeeze %dma_start3A_535 : memref<1x125x80xi32, #tpu.memory_space<hbm>> -> memref<125x80xi32, #tpu.memory_space<hbm>>
      %dma_start3A_537 = arith.constant 0 : i32
      %dma_start3A_538 = arith.constant 0 : i32
      %dma_start3A_539 = tpu.memref_slice %arg4[%add3A, %dma_start3A_537, %dma_start3A_538] : memref<32x125x80xi32, #tpu.memory_space<hbm>> -> memref<1x125x80xi32, #tpu.memory_space<hbm>>
      %dma_start3A_540 = tpu.memref_squeeze %dma_start3A_539 : memref<1x125x80xi32, #tpu.memory_space<hbm>> -> memref<125x80xi32, #tpu.memory_space<hbm>>
      tpu.enqueue_dma source(%dma_start3A_540 : memref<125x80xi32, #tpu.memory_space<hbm>>) target(%arg8 : memref<125x80xi32, #tpu.memory_space<vmem>>) target_semaphore(%run_scoped3A_532 : memref<!tpu.dma_semaphore, #tpu.memory_space<semaphore_mem>>)
      %dma_wait3A_541 = arith.constant 0 : i32
      %dma_wait3A_542 = arith.constant 0 : i32
      %dma_wait3A_543 = tpu.memref_slice %arg4[%add3A, %dma_wait3A_541, %dma_wait3A_542] : memref<32x125x80xi32, #tpu.memory_space<hbm>> -> memref<1x125x80xi32, #tpu.memory_space<hbm>>
      %dma_wait3A_544 = tpu.memref_squeeze %dma_wait3A_543 : memref<1x125x80xi32, #tpu.memory_space<hbm>> -> memref<125x80xi32, #tpu.memory_space<hbm>>
      %dma_wait3A_545 = arith.constant 0 : i32
      %dma_wait3A_546 = arith.constant 0 : i32
      %dma_wait3A_547 = tpu.memref_slice %arg4[%add3A, %dma_wait3A_545, %dma_wait3A_546] : memref<32x125x80xi32, #tpu.memory_space<hbm>> -> memref<1x125x80xi32, #tpu.memory_space<hbm>>
      %dma_wait3A_548 = tpu.memref_squeeze %dma_wait3A_547 : memref<1x125x80xi32, #tpu.memory_space<hbm>> -> memref<125x80xi32, #tpu.memory_space<hbm>>
      tpu.wait_dma2 semaphore(%run_scoped3A_532 : memref<!tpu.dma_semaphore, #tpu.memory_space<semaphore_mem>>) src(%dma_wait3A_548 : memref<125x80xi32, #tpu.memory_space<hbm>>) dst(%arg8 : memref<125x80xi32, #tpu.memory_space<vmem>>)
      tpu.yield
    }) : () -> ()
    %dma_start3A_223 = arith.constant 0 : i32
    %dma_start3A_224 = tpu.memref_slice %arg7[%dma_start3A_223] : memref<10000xi32, #tpu.memory_space<vmem>> -> memref<80xi32, #tpu.memory_space<vmem>>
    %dma_start3A_225 = arith.constant 0 : i32
    %dma_start3A_226 = arith.constant 0 : i32
    %dma_start3A_227 = tpu.memref_slice %arg2[%dma_start3A_225, %dma_start3A_226] : memref<10240x128xf32, #tpu.memory_space<hbm>> -> memref<10240x128xf32, #tpu.memory_space<hbm>>
    tpu.enqueue_indirect_dma source(%dma_start3A_227 : memref<10240x128xf32, #tpu.memory_space<hbm>>) target(%arg9 : memref<80x128xf32, #tpu.memory_space<vmem>>) offsets(%dma_start3A_224 : memref<80xi32, #tpu.memory_space<vmem>>) semaphore(%arg12 : memref<!tpu.dma_semaphore, #tpu.memory_space<semaphore_mem>>)
    %dma_start3A_228 = arith.constant 80 : i32
    %dma_start3A_229 = tpu.memref_slice %arg7[%dma_start3A_228] : memref<10000xi32, #tpu.memory_space<vmem>> -> memref<80xi32, #tpu.memory_space<vmem>>
    %dma_start3A_230 = arith.constant 0 : i32
    %dma_start3A_231 = arith.constant 0 : i32
    %dma_start3A_232 = tpu.memref_slice %arg2[%dma_start3A_230, %dma_start3A_231] : memref<10240x128xf32, #tpu.memory_space<hbm>> -> memref<10240x128xf32, #tpu.memory_space<hbm>>
    tpu.enqueue_indirect_dma source(%dma_start3A_232 : memref<10240x128xf32, #tpu.memory_space<hbm>>) target(%arg10 : memref<80x128xf32, #tpu.memory_space<vmem>>) offsets(%dma_start3A_229 : memref<80xi32, #tpu.memory_space<vmem>>) semaphore(%arg13 : memref<!tpu.dma_semaphore, #tpu.memory_space<semaphore_mem>>)
    %barrier3A = arith.constant 0 : index
    tpu.barrier barrier_id(%barrier3A)
    %scan3A = arith.constant 0 : i32
    %scan3A_233 = arith.constant 0 : i32
    %scan3A_234 = arith.constant 62 : i32
    %scan3A_235 = arith.addi %scan3A_233, %scan3A_234 : i32
    %scan3A_236 = arith.constant 1 : i32
    scf.for %scan3A_532 = %scan3A_233 to %scan3A_235 step %scan3A_236  : i32 {
      %mul3A_533 = arith.constant 2 : i32
      %mul3A_534 = arith.muli %mul3A_533, %scan3A_532 : i32
      %mul3A_535 = arith.constant 80 : i32
      %mul3A_536 = arith.muli %mul3A_534, %mul3A_535 : i32
      %dma_wait3A_537 = tpu.memref_slice %arg7[%mul3A_536] : memref<10000xi32, #tpu.memory_space<vmem>> -> memref<80xi32, #tpu.memory_space<vmem>>
      %dma_wait3A_538 = arith.constant 0 : i32
      %dma_wait3A_539 = arith.constant 0 : i32
      %dma_wait3A_540 = tpu.memref_slice %arg2[%dma_wait3A_538, %dma_wait3A_539] : memref<10240x128xf32, #tpu.memory_space<hbm>> -> memref<10240x128xf32, #tpu.memory_space<hbm>>
      tpu.wait_indirect_dma semaphore(%arg12 : memref<!tpu.dma_semaphore, #tpu.memory_space<semaphore_mem>>) src(%dma_wait3A_540 : memref<10240x128xf32, #tpu.memory_space<hbm>>) dst(%arg9 : memref<80x128xf32, #tpu.memory_space<vmem>>)
      "tpu.region"() ({
        %run_scoped3A_561 = tpu.sem_alloc : memref<!tpu.dma_semaphore, #tpu.memory_space<semaphore_mem>>
        %dma_start3A_562 = arith.constant 0 : i32
        %dma_start3A_563 = tpu.memref_slice %arg8[%mul3A_534, %dma_start3A_562] : memref<125x80xi32, #tpu.memory_space<vmem>> -> memref<1x80xi32, #tpu.memory_space<vmem>>
        %dma_start3A_564 = tpu.memref_squeeze %dma_start3A_563 : memref<1x80xi32, #tpu.memory_space<vmem>> -> memref<80xi32, #tpu.memory_space<vmem>>
        %dma_start3A_565 = arith.constant 0 : i32
        %dma_start3A_566 = arith.constant 0 : i32
        %dma_start3A_567 = tpu.memref_slice %arg11[%dma_start3A_565, %dma_start3A_566] : memref<10240x128xf32, #tpu.memory_space<vmem_shared>> -> memref<10240x128xf32, #tpu.memory_space<vmem_shared>>
        tpu.enqueue_indirect_dma source(%arg9 : memref<80x128xf32, #tpu.memory_space<vmem>>) target(%dma_start3A_567 : memref<10240x128xf32, #tpu.memory_space<vmem_shared>>) offsets(%dma_start3A_564 : memref<80xi32, #tpu.memory_space<vmem>>) semaphore(%run_scoped3A_561 : memref<!tpu.dma_semaphore, #tpu.memory_space<semaphore_mem>>) {add = true}
        %dma_wait3A_568 = arith.constant 0 : i32
        %dma_wait3A_569 = tpu.memref_slice %arg8[%mul3A_534, %dma_wait3A_568] : memref<125x80xi32, #tpu.memory_space<vmem>> -> memref<1x80xi32, #tpu.memory_space<vmem>>
        %dma_wait3A_570 = tpu.memref_squeeze %dma_wait3A_569 : memref<1x80xi32, #tpu.memory_space<vmem>> -> memref<80xi32, #tpu.memory_space<vmem>>
        %dma_wait3A_571 = arith.constant 0 : i32
        %dma_wait3A_572 = arith.constant 0 : i32
        %dma_wait3A_573 = tpu.memref_slice %arg11[%dma_wait3A_571, %dma_wait3A_572] : memref<10240x128xf32, #tpu.memory_space<vmem_shared>> -> memref<10240x128xf32, #tpu.memory_space<vmem_shared>>
        tpu.wait_indirect_dma semaphore(%run_scoped3A_561 : memref<!tpu.dma_semaphore, #tpu.memory_space<semaphore_mem>>) src(%arg9 : memref<80x128xf32, #tpu.memory_space<vmem>>) dst(%dma_wait3A_573 : memref<10240x128xf32, #tpu.memory_space<vmem_shared>>)
        tpu.yield
      }) : () -> ()
      %add3A_541 = arith.constant 2 : i32
      %add3A_542 = arith.addi %mul3A_534, %add3A_541 : i32
      %mul3A_543 = arith.constant 80 : i32
      %mul3A_544 = arith.muli %add3A_542, %mul3A_543 : i32
      %dma_start3A_545 = tpu.memref_slice %arg7[%mul3A_544] : memref<10000xi32, #tpu.memory_space<vmem>> -> memref<80xi32, #tpu.memory_space<vmem>>
      %dma_start3A_546 = arith.constant 0 : i32
      %dma_start3A_547 = arith.constant 0 : i32
      %dma_start3A_548 = tpu.memref_slice %arg2[%dma_start3A_546, %dma_start3A_547] : memref<10240x128xf32, #tpu.memory_space<hbm>> -> memref<10240x128xf32, #tpu.memory_space<hbm>>
      tpu.enqueue_indirect_dma source(%dma_start3A_548 : memref<10240x128xf32, #tpu.memory_space<hbm>>) target(%arg9 : memref<80x128xf32, #tpu.memory_space<vmem>>) offsets(%dma_start3A_545 : memref<80xi32, #tpu.memory_space<vmem>>) semaphore(%arg12 : memref<!tpu.dma_semaphore, #tpu.memory_space<semaphore_mem>>)
      %add3A_549 = arith.constant 1 : i32
      %add3A_550 = arith.addi %mul3A_534, %add3A_549 : i32
      %mul3A_551 = arith.constant 80 : i32
      %mul3A_552 = arith.muli %add3A_550, %mul3A_551 : i32
      %dma_wait3A_553 = tpu.memref_slice %arg7[%mul3A_552] : memref<10000xi32, #tpu.memory_space<vmem>> -> memref<80xi32, #tpu.memory_space<vmem>>
      %dma_wait3A_554 = arith.constant 0 : i32
      %dma_wait3A_555 = arith.constant 0 : i32
      %dma_wait3A_556 = tpu.memref_slice %arg2[%dma_wait3A_554, %dma_wait3A_555] : memref<10240x128xf32, #tpu.memory_space<hbm>> -> memref<10240x128xf32, #tpu.memory_space<hbm>>
      tpu.wait_indirect_dma semaphore(%arg13 : memref<!tpu.dma_semaphore, #tpu.memory_space<semaphore_mem>>) src(%dma_wait3A_556 : memref<10240x128xf32, #tpu.memory_space<hbm>>) dst(%arg10 : memref<80x128xf32, #tpu.memory_space<vmem>>)
      %add3A_557 = arith.constant 1 : i32
      %add3A_558 = arith.addi %mul3A_534, %add3A_557 : i32
      "tpu.region"() ({
        %run_scoped3A_561 = tpu.sem_alloc : memref<!tpu.dma_semaphore, #tpu.memory_space<semaphore_mem>>
        %dma_start3A_562 = arith.constant 0 : i32
        %dma_start3A_563 = tpu.memref_slice %arg8[%add3A_558, %dma_start3A_562] : memref<125x80xi32, #tpu.memory_space<vmem>> -> memref<1x80xi32, #tpu.memory_space<vmem>>
        %dma_start3A_564 = tpu.memref_squeeze %dma_start3A_563 : memref<1x80xi32, #tpu.memory_space<vmem>> -> memref<80xi32, #tpu.memory_space<vmem>>
        %dma_start3A_565 = arith.constant 0 : i32
        %dma_start3A_566 = arith.constant 0 : i32
        %dma_start3A_567 = tpu.memref_slice %arg11[%dma_start3A_565, %dma_start3A_566] : memref<10240x128xf32, #tpu.memory_space<vmem_shared>> -> memref<10240x128xf32, #tpu.memory_space<vmem_shared>>
        tpu.enqueue_indirect_dma source(%arg10 : memref<80x128xf32, #tpu.memory_space<vmem>>) target(%dma_start3A_567 : memref<10240x128xf32, #tpu.memory_space<vmem_shared>>) offsets(%dma_start3A_564 : memref<80xi32, #tpu.memory_space<vmem>>) semaphore(%run_scoped3A_561 : memref<!tpu.dma_semaphore, #tpu.memory_space<semaphore_mem>>) {add = true}
        %dma_wait3A_568 = arith.constant 0 : i32
        %dma_wait3A_569 = tpu.memref_slice %arg8[%add3A_558, %dma_wait3A_568] : memref<125x80xi32, #tpu.memory_space<vmem>> -> memref<1x80xi32, #tpu.memory_space<vmem>>
        %dma_wait3A_570 = tpu.memref_squeeze %dma_wait3A_569 : memref<1x80xi32, #tpu.memory_space<vmem>> -> memref<80xi32, #tpu.memory_space<vmem>>
        %dma_wait3A_571 = arith.constant 0 : i32
        %dma_wait3A_572 = arith.constant 0 : i32
        %dma_wait3A_573 = tpu.memref_slice %arg11[%dma_wait3A_571, %dma_wait3A_572] : memref<10240x128xf32, #tpu.memory_space<vmem_shared>> -> memref<10240x128xf32, #tpu.memory_space<vmem_shared>>
        tpu.wait_indirect_dma semaphore(%run_scoped3A_561 : memref<!tpu.dma_semaphore, #tpu.memory_space<semaphore_mem>>) src(%arg10 : memref<80x128xf32, #tpu.memory_space<vmem>>) dst(%dma_wait3A_573 : memref<10240x128xf32, #tpu.memory_space<vmem_shared>>)
        tpu.yield
      }) : () -> ()
      %lt3A = arith.constant 61 : i32
      %lt3A_559 = arith.cmpi slt, %scan3A_532, %lt3A : i32
      %convert_element_type3A = arith.extui %lt3A_559 : i1 to i32
      %cond3A = arith.constant 0 : i32
      %cond3A_560 = arith.cmpi ne, %convert_element_type3A, %cond3A : i32
      scf.if %cond3A_560 {
        %add3A_561 = arith.constant 3 : i32
        %add3A_562 = arith.addi %mul3A_534, %add3A_561 : i32
        %mul3A_563 = arith.constant 80 : i32
        %mul3A_564 = arith.muli %add3A_562, %mul3A_563 : i32
        %dma_start3A_565 = tpu.memref_slice %arg7[%mul3A_564] : memref<10000xi32, #tpu.memory_space<vmem>> -> memref<80xi32, #tpu.memory_space<vmem>>
        %dma_start3A_566 = arith.constant 0 : i32
        %dma_start3A_567 = arith.constant 0 : i32
        %dma_start3A_568 = tpu.memref_slice %arg2[%dma_start3A_566, %dma_start3A_567] : memref<10240x128xf32, #tpu.memory_space<hbm>> -> memref<10240x128xf32, #tpu.memory_space<hbm>>
        tpu.enqueue_indirect_dma source(%dma_start3A_568 : memref<10240x128xf32, #tpu.memory_space<hbm>>) target(%arg10 : memref<80x128xf32, #tpu.memory_space<vmem>>) offsets(%dma_start3A_565 : memref<80xi32, #tpu.memory_space<vmem>>) semaphore(%arg13 : memref<!tpu.dma_semaphore, #tpu.memory_space<semaphore_mem>>)
      } else {
      }
    }
    %scan3A_237 = arith.constant 62 : i32
    %dma_wait3A_238 = arith.constant 9920 : i32
    %dma_wait3A_239 = tpu.memref_slice %arg7[%dma_wait3A_238] : memref<10000xi32, #tpu.memory_space<vmem>> -> memref<80xi32, #tpu.memory_space<vmem>>
    %dma_wait3A_240 = arith.constant 0 : i32
    %dma_wait3A_241 = arith.constant 0 : i32
    %dma_wait3A_242 = tpu.memref_slice %arg2[%dma_wait3A_240, %dma_wait3A_241] : memref<10240x128xf32, #tpu.memory_space<hbm>> -> memref<10240x128xf32, #tpu.memory_space<hbm>>
    tpu.wait_indirect_dma semaphore(%arg12 : memref<!tpu.dma_semaphore, #tpu.memory_space<semaphore_mem>>) src(%dma_wait3A_242 : memref<10240x128xf32, #tpu.memory_space<hbm>>) dst(%arg9 : memref<80x128xf32, #tpu.memory_space<vmem>>)
    %run_scoped3A = arith.constant 124 : i32
    "tpu.region"() ({
      %run_scoped3A_532 = tpu.sem_alloc : memref<!tpu.dma_semaphore, #tpu.memory_space<semaphore_mem>>
      %dma_start3A_533 = arith.constant 0 : i32
      %dma_start3A_534 = tpu.memref_slice %arg8[%run_scoped3A, %dma_start3A_533] : memref<125x80xi32, #tpu.memory_space<vmem>> -> memref<1x80xi32, #tpu.memory_space<vmem>>
      %dma_start3A_535 = tpu.memref_squeeze %dma_start3A_534 : memref<1x80xi32, #tpu.memory_space<vmem>> -> memref<80xi32, #tpu.memory_space<vmem>>
      %dma_start3A_536 = arith.constant 0 : i32
      %dma_start3A_537 = arith.constant 0 : i32
      %dma_start3A_538 = tpu.memref_slice %arg11[%dma_start3A_536, %dma_start3A_537] : memref<10240x128xf32, #tpu.memory_space<vmem_shared>> -> memref<10240x128xf32, #tpu.memory_space<vmem_shared>>
      tpu.enqueue_indirect_dma source(%arg9 : memref<80x128xf32, #tpu.memory_space<vmem>>) target(%dma_start3A_538 : memref<10240x128xf32, #tpu.memory_space<vmem_shared>>) offsets(%dma_start3A_535 : memref<80xi32, #tpu.memory_space<vmem>>) semaphore(%run_scoped3A_532 : memref<!tpu.dma_semaphore, #tpu.memory_space<semaphore_mem>>) {add = true}
      %dma_wait3A_539 = arith.constant 0 : i32
      %dma_wait3A_540 = tpu.memref_slice %arg8[%run_scoped3A, %dma_wait3A_539] : memref<125x80xi32, #tpu.memory_space<vmem>> -> memref<1x80xi32, #tpu.memory_space<vmem>>
      %dma_wait3A_541 = tpu.memref_squeeze %dma_wait3A_540 : memref<1x80xi32, #tpu.memory_space<vmem>> -> memref<80xi32, #tpu.memory_space<vmem>>
      %dma_wait3A_542 = arith.constant 0 : i32
      %dma_wait3A_543 = arith.constant 0 : i32
      %dma_wait3A_544 = tpu.memref_slice %arg11[%dma_wait3A_542, %dma_wait3A_543] : memref<10240x128xf32, #tpu.memory_space<vmem_shared>> -> memref<10240x128xf32, #tpu.memory_space<vmem_shared>>
      tpu.wait_indirect_dma semaphore(%run_scoped3A_532 : memref<!tpu.dma_semaphore, #tpu.memory_space<semaphore_mem>>) src(%arg9 : memref<80x128xf32, #tpu.memory_space<vmem>>) dst(%dma_wait3A_544 : memref<10240x128xf32, #tpu.memory_space<vmem_shared>>)
      tpu.yield
    }) : () -> ()
    %barrier3A_243 = arith.constant 0 : index
    tpu.barrier barrier_id(%barrier3A_243)
    %mul3A_244 = arith.constant 640 : i32
    %mul3A_245 = arith.muli %arg1, %mul3A_244 : i32
    %add3A_246 = arith.constant 0 : i32
    %add3A_247 = arith.addi %mul3A_245, %add3A_246 : i32
    %mul3A_248 = arith.constant 640 : i32
    %mul3A_249 = arith.muli %arg1, %mul3A_248 : i32
    %add3A_250 = arith.constant 0 : i32
    %add3A_251 = arith.addi %mul3A_249, %add3A_250 : i32
    "tpu.region"() ({
      %run_scoped3A_532 = tpu.sem_alloc : memref<!tpu.dma_semaphore, #tpu.memory_space<semaphore_mem>>
      %dma_start3A_533 = arith.constant 0 : i32
      %dma_start3A_534 = arith.constant 0 : i32
      %dma_start3A_535 = tpu.memref_slice %arg9[%dma_start3A_533, %dma_start3A_534] : memref<80x128xf32, #tpu.memory_space<vmem>> -> memref<80x128xf32, #tpu.memory_space<vmem>>
      %dma_start3A_536 = arith.constant 0 : i32
      %dma_start3A_537 = tpu.memref_slice %arg11[%add3A_251, %dma_start3A_536] : memref<10240x128xf32, #tpu.memory_space<vmem_shared>> -> memref<80x128xf32, #tpu.memory_space<vmem_shared>>
      %dma_start3A_538 = arith.constant 0 : i32
      %dma_start3A_539 = arith.constant 0 : i32
      %dma_start3A_540 = tpu.memref_slice %arg9[%dma_start3A_538, %dma_start3A_539] : memref<80x128xf32, #tpu.memory_space<vmem>> -> memref<80x128xf32, #tpu.memory_space<vmem>>
      %dma_start3A_541 = arith.constant 0 : i32
      %dma_start3A_542 = tpu.memref_slice %arg11[%add3A_251, %dma_start3A_541] : memref<10240x128xf32, #tpu.memory_space<vmem_shared>> -> memref<80x128xf32, #tpu.memory_space<vmem_shared>>
      tpu.enqueue_dma source(%dma_start3A_542 : memref<80x128xf32, #tpu.memory_space<vmem_shared>>) target(%dma_start3A_540 : memref<80x128xf32, #tpu.memory_space<vmem>>) target_semaphore(%run_scoped3A_532 : memref<!tpu.dma_semaphore, #tpu.memory_space<semaphore_mem>>)
      %dma_wait3A_543 = arith.constant 0 : i32
      %dma_wait3A_544 = arith.constant 0 : i32
      %dma_wait3A_545 = tpu.memref_slice %arg9[%dma_wait3A_543, %dma_wait3A_544] : memref<80x128xf32, #tpu.memory_space<vmem>> -> memref<80x128xf32, #tpu.memory_space<vmem>>
      %dma_wait3A_546 = arith.constant 0 : i32
      %dma_wait3A_547 = tpu.memref_slice %arg11[%add3A_251, %dma_wait3A_546] : memref<10240x128xf32, #tpu.memory_space<vmem_shared>> -> memref<80x128xf32, #tpu.memory_space<vmem_shared>>
      %dma_wait3A_548 = arith.constant 0 : i32
      %dma_wait3A_549 = arith.constant 0 : i32
      %dma_wait3A_550 = tpu.memref_slice %arg9[%dma_wait3A_548, %dma_wait3A_549] : memref<80x128xf32, #tpu.memory_space<vmem>> -> memref<80x128xf32, #tpu.memory_space<vmem>>
      %dma_wait3A_551 = arith.constant 0 : i32
      %dma_wait3A_552 = tpu.memref_slice %arg11[%add3A_251, %dma_wait3A_551] : memref<10240x128xf32, #tpu.memory_space<vmem_shared>> -> memref<80x128xf32, #tpu.memory_space<vmem_shared>>
      tpu.wait_dma2 semaphore(%run_scoped3A_532 : memref<!tpu.dma_semaphore, #tpu.memory_space<semaphore_mem>>) src(%dma_wait3A_552 : memref<80x128xf32, #tpu.memory_space<vmem_shared>>) dst(%dma_wait3A_550 : memref<80x128xf32, #tpu.memory_space<vmem>>)
      tpu.yield
    }) : () -> ()
    %dma_start3A_252 = arith.constant 0 : i32
    %dma_start3A_253 = arith.constant 0 : i32
    %dma_start3A_254 = tpu.memref_slice %arg9[%dma_start3A_252, %dma_start3A_253] : memref<80x128xf32, #tpu.memory_space<vmem>> -> memref<80x128xf32, #tpu.memory_space<vmem>>
    %dma_start3A_255 = arith.constant 0 : i32
    %dma_start3A_256 = tpu.memref_slice %arg6[%arg0, %add3A_247, %dma_start3A_255] : memref<2x10240x128xf32, #tpu.memory_space<hbm>> -> memref<1x80x128xf32, #tpu.memory_space<hbm>>
    %dma_start3A_257 = tpu.memref_squeeze %dma_start3A_256 : memref<1x80x128xf32, #tpu.memory_space<hbm>> -> memref<80x128xf32, #tpu.memory_space<hbm>>
    %dma_start3A_258 = arith.constant 0 : i32
    %dma_start3A_259 = tpu.memref_slice %arg6[%arg0, %add3A_247, %dma_start3A_258] : memref<2x10240x128xf32, #tpu.memory_space<hbm>> -> memref<1x80x128xf32, #tpu.memory_space<hbm>>
    %dma_start3A_260 = tpu.memref_squeeze %dma_start3A_259 : memref<1x80x128xf32, #tpu.memory_space<hbm>> -> memref<80x128xf32, #tpu.memory_space<hbm>>
    %dma_start3A_261 = arith.constant 0 : i32
    %dma_start3A_262 = arith.constant 0 : i32
    %dma_start3A_263 = tpu.memref_slice %arg9[%dma_start3A_261, %dma_start3A_262] : memref<80x128xf32, #tpu.memory_space<vmem>> -> memref<80x128xf32, #tpu.memory_space<vmem>>
    tpu.enqueue_dma source(%dma_start3A_263 : memref<80x128xf32, #tpu.memory_space<vmem>>) target(%dma_start3A_260 : memref<80x128xf32, #tpu.memory_space<hbm>>) target_semaphore(%arg12 : memref<!tpu.dma_semaphore, #tpu.memory_space<semaphore_mem>>)
    %mul3A_264 = arith.constant 640 : i32
    %mul3A_265 = arith.muli %arg1, %mul3A_264 : i32
    %add3A_266 = arith.constant 80 : i32
    %add3A_267 = arith.addi %mul3A_265, %add3A_266 : i32
    %mul3A_268 = arith.constant 640 : i32
    %mul3A_269 = arith.muli %arg1, %mul3A_268 : i32
    %add3A_270 = arith.constant 80 : i32
    %add3A_271 = arith.addi %mul3A_269, %add3A_270 : i32
    "tpu.region"() ({
      %run_scoped3A_532 = tpu.sem_alloc : memref<!tpu.dma_semaphore, #tpu.memory_space<semaphore_mem>>
      %dma_start3A_533 = arith.constant 0 : i32
      %dma_start3A_534 = arith.constant 0 : i32
      %dma_start3A_535 = tpu.memref_slice %arg10[%dma_start3A_533, %dma_start3A_534] : memref<80x128xf32, #tpu.memory_space<vmem>> -> memref<80x128xf32, #tpu.memory_space<vmem>>
      %dma_start3A_536 = arith.constant 0 : i32
      %dma_start3A_537 = tpu.memref_slice %arg11[%add3A_271, %dma_start3A_536] : memref<10240x128xf32, #tpu.memory_space<vmem_shared>> -> memref<80x128xf32, #tpu.memory_space<vmem_shared>>
      %dma_start3A_538 = arith.constant 0 : i32
      %dma_start3A_539 = arith.constant 0 : i32
      %dma_start3A_540 = tpu.memref_slice %arg10[%dma_start3A_538, %dma_start3A_539] : memref<80x128xf32, #tpu.memory_space<vmem>> -> memref<80x128xf32, #tpu.memory_space<vmem>>
      %dma_start3A_541 = arith.constant 0 : i32
      %dma_start3A_542 = tpu.memref_slice %arg11[%add3A_271, %dma_start3A_541] : memref<10240x128xf32, #tpu.memory_space<vmem_shared>> -> memref<80x128xf32, #tpu.memory_space<vmem_shared>>
      tpu.enqueue_dma source(%dma_start3A_542 : memref<80x128xf32, #tpu.memory_space<vmem_shared>>) target(%dma_start3A_540 : memref<80x128xf32, #tpu.memory_space<vmem>>) target_semaphore(%run_scoped3A_532 : memref<!tpu.dma_semaphore, #tpu.memory_space<semaphore_mem>>)
      %dma_wait3A_543 = arith.constant 0 : i32
      %dma_wait3A_544 = arith.constant 0 : i32
      %dma_wait3A_545 = tpu.memref_slice %arg10[%dma_wait3A_543, %dma_wait3A_544] : memref<80x128xf32, #tpu.memory_space<vmem>> -> memref<80x128xf32, #tpu.memory_space<vmem>>
      %dma_wait3A_546 = arith.constant 0 : i32
      %dma_wait3A_547 = tpu.memref_slice %arg11[%add3A_271, %dma_wait3A_546] : memref<10240x128xf32, #tpu.memory_space<vmem_shared>> -> memref<80x128xf32, #tpu.memory_space<vmem_shared>>
      %dma_wait3A_548 = arith.constant 0 : i32
      %dma_wait3A_549 = arith.constant 0 : i32
      %dma_wait3A_550 = tpu.memref_slice %arg10[%dma_wait3A_548, %dma_wait3A_549] : memref<80x128xf32, #tpu.memory_space<vmem>> -> memref<80x128xf32, #tpu.memory_space<vmem>>
      %dma_wait3A_551 = arith.constant 0 : i32
      %dma_wait3A_552 = tpu.memref_slice %arg11[%add3A_271, %dma_wait3A_551] : memref<10240x128xf32, #tpu.memory_space<vmem_shared>> -> memref<80x128xf32, #tpu.memory_space<vmem_shared>>
      tpu.wait_dma2 semaphore(%run_scoped3A_532 : memref<!tpu.dma_semaphore, #tpu.memory_space<semaphore_mem>>) src(%dma_wait3A_552 : memref<80x128xf32, #tpu.memory_space<vmem_shared>>) dst(%dma_wait3A_550 : memref<80x128xf32, #tpu.memory_space<vmem>>)
      tpu.yield
    }) : () -> ()
    %dma_start3A_272 = arith.constant 0 : i32
    %dma_start3A_273 = arith.constant 0 : i32
    %dma_start3A_274 = tpu.memref_slice %arg10[%dma_start3A_272, %dma_start3A_273] : memref<80x128xf32, #tpu.memory_space<vmem>> -> memref<80x128xf32, #tpu.memory_space<vmem>>
    %dma_start3A_275 = arith.constant 0 : i32
    %dma_start3A_276 = tpu.memref_slice %arg6[%arg0, %add3A_267, %dma_start3A_275] : memref<2x10240x128xf32, #tpu.memory_space<hbm>> -> memref<1x80x128xf32, #tpu.memory_space<hbm>>
    %dma_start3A_277 = tpu.memref_squeeze %dma_start3A_276 : memref<1x80x128xf32, #tpu.memory_space<hbm>> -> memref<80x128xf32, #tpu.memory_space<hbm>>
    %dma_start3A_278 = arith.constant 0 : i32
    %dma_start3A_279 = tpu.memref_slice %arg6[%arg0, %add3A_267, %dma_start3A_278] : memref<2x10240x128xf32, #tpu.memory_space<hbm>> -> memref<1x80x128xf32, #tpu.memory_space<hbm>>
    %dma_start3A_280 = tpu.memref_squeeze %dma_start3A_279 : memref<1x80x128xf32, #tpu.memory_space<hbm>> -> memref<80x128xf32, #tpu.memory_space<hbm>>
    %dma_start3A_281 = arith.constant 0 : i32
    %dma_start3A_282 = arith.constant 0 : i32
    %dma_start3A_283 = tpu.memref_slice %arg10[%dma_start3A_281, %dma_start3A_282] : memref<80x128xf32, #tpu.memory_space<vmem>> -> memref<80x128xf32, #tpu.memory_space<vmem>>
    tpu.enqueue_dma source(%dma_start3A_283 : memref<80x128xf32, #tpu.memory_space<vmem>>) target(%dma_start3A_280 : memref<80x128xf32, #tpu.memory_space<hbm>>) target_semaphore(%arg13 : memref<!tpu.dma_semaphore, #tpu.memory_space<semaphore_mem>>)
    %mul3A_284 = arith.constant 640 : i32
    %mul3A_285 = arith.muli %arg1, %mul3A_284 : i32
    %add3A_286 = arith.constant 160 : i32
    %add3A_287 = arith.addi %mul3A_285, %add3A_286 : i32
    %mul3A_288 = arith.constant 640 : i32
    %mul3A_289 = arith.muli %arg1, %mul3A_288 : i32
    %add3A_290 = arith.constant 0 : i32
    %add3A_291 = arith.addi %mul3A_289, %add3A_290 : i32
    %dma_wait3A_292 = arith.constant 0 : i32
    %dma_wait3A_293 = arith.constant 0 : i32
    %dma_wait3A_294 = tpu.memref_slice %arg9[%dma_wait3A_292, %dma_wait3A_293] : memref<80x128xf32, #tpu.memory_space<vmem>> -> memref<80x128xf32, #tpu.memory_space<vmem>>
    %dma_wait3A_295 = arith.constant 0 : i32
    %dma_wait3A_296 = tpu.memref_slice %arg6[%arg0, %add3A_291, %dma_wait3A_295] : memref<2x10240x128xf32, #tpu.memory_space<hbm>> -> memref<1x80x128xf32, #tpu.memory_space<hbm>>
    %dma_wait3A_297 = tpu.memref_squeeze %dma_wait3A_296 : memref<1x80x128xf32, #tpu.memory_space<hbm>> -> memref<80x128xf32, #tpu.memory_space<hbm>>
    %dma_wait3A_298 = arith.constant 0 : i32
    %dma_wait3A_299 = tpu.memref_slice %arg6[%arg0, %add3A_291, %dma_wait3A_298] : memref<2x10240x128xf32, #tpu.memory_space<hbm>> -> memref<1x80x128xf32, #tpu.memory_space<hbm>>
    %dma_wait3A_300 = tpu.memref_squeeze %dma_wait3A_299 : memref<1x80x128xf32, #tpu.memory_space<hbm>> -> memref<80x128xf32, #tpu.memory_space<hbm>>
    %dma_wait3A_301 = arith.constant 0 : i32
    %dma_wait3A_302 = arith.constant 0 : i32
    %dma_wait3A_303 = tpu.memref_slice %arg9[%dma_wait3A_301, %dma_wait3A_302] : memref<80x128xf32, #tpu.memory_space<vmem>> -> memref<80x128xf32, #tpu.memory_space<vmem>>
    tpu.wait_dma2 semaphore(%arg12 : memref<!tpu.dma_semaphore, #tpu.memory_space<semaphore_mem>>) src(%dma_wait3A_303 : memref<80x128xf32, #tpu.memory_space<vmem>>) dst(%dma_wait3A_300 : memref<80x128xf32, #tpu.memory_space<hbm>>)
    %mul3A_304 = arith.constant 640 : i32
    %mul3A_305 = arith.muli %arg1, %mul3A_304 : i32
    %add3A_306 = arith.constant 160 : i32
    %add3A_307 = arith.addi %mul3A_305, %add3A_306 : i32
    "tpu.region"() ({
      %run_scoped3A_532 = tpu.sem_alloc : memref<!tpu.dma_semaphore, #tpu.memory_space<semaphore_mem>>
      %dma_start3A_533 = arith.constant 0 : i32
      %dma_start3A_534 = arith.constant 0 : i32
      %dma_start3A_535 = tpu.memref_slice %arg9[%dma_start3A_533, %dma_start3A_534] : memref<80x128xf32, #tpu.memory_space<vmem>> -> memref<80x128xf32, #tpu.memory_space<vmem>>
      %dma_start3A_536 = arith.constant 0 : i32
      %dma_start3A_537 = tpu.memref_slice %arg11[%add3A_307, %dma_start3A_536] : memref<10240x128xf32, #tpu.memory_space<vmem_shared>> -> memref<80x128xf32, #tpu.memory_space<vmem_shared>>
      %dma_start3A_538 = arith.constant 0 : i32
      %dma_start3A_539 = arith.constant 0 : i32
      %dma_start3A_540 = tpu.memref_slice %arg9[%dma_start3A_538, %dma_start3A_539] : memref<80x128xf32, #tpu.memory_space<vmem>> -> memref<80x128xf32, #tpu.memory_space<vmem>>
      %dma_start3A_541 = arith.constant 0 : i32
      %dma_start3A_542 = tpu.memref_slice %arg11[%add3A_307, %dma_start3A_541] : memref<10240x128xf32, #tpu.memory_space<vmem_shared>> -> memref<80x128xf32, #tpu.memory_space<vmem_shared>>
      tpu.enqueue_dma source(%dma_start3A_542 : memref<80x128xf32, #tpu.memory_space<vmem_shared>>) target(%dma_start3A_540 : memref<80x128xf32, #tpu.memory_space<vmem>>) target_semaphore(%run_scoped3A_532 : memref<!tpu.dma_semaphore, #tpu.memory_space<semaphore_mem>>)
      %dma_wait3A_543 = arith.constant 0 : i32
      %dma_wait3A_544 = arith.constant 0 : i32
      %dma_wait3A_545 = tpu.memref_slice %arg9[%dma_wait3A_543, %dma_wait3A_544] : memref<80x128xf32, #tpu.memory_space<vmem>> -> memref<80x128xf32, #tpu.memory_space<vmem>>
      %dma_wait3A_546 = arith.constant 0 : i32
      %dma_wait3A_547 = tpu.memref_slice %arg11[%add3A_307, %dma_wait3A_546] : memref<10240x128xf32, #tpu.memory_space<vmem_shared>> -> memref<80x128xf32, #tpu.memory_space<vmem_shared>>
      %dma_wait3A_548 = arith.constant 0 : i32
      %dma_wait3A_549 = arith.constant 0 : i32
      %dma_wait3A_550 = tpu.memref_slice %arg9[%dma_wait3A_548, %dma_wait3A_549] : memref<80x128xf32, #tpu.memory_space<vmem>> -> memref<80x128xf32, #tpu.memory_space<vmem>>
      %dma_wait3A_551 = arith.constant 0 : i32
      %dma_wait3A_552 = tpu.memref_slice %arg11[%add3A_307, %dma_wait3A_551] : memref<10240x128xf32, #tpu.memory_space<vmem_shared>> -> memref<80x128xf32, #tpu.memory_space<vmem_shared>>
      tpu.wait_dma2 semaphore(%run_scoped3A_532 : memref<!tpu.dma_semaphore, #tpu.memory_space<semaphore_mem>>) src(%dma_wait3A_552 : memref<80x128xf32, #tpu.memory_space<vmem_shared>>) dst(%dma_wait3A_550 : memref<80x128xf32, #tpu.memory_space<vmem>>)
      tpu.yield
    }) : () -> ()
    %dma_start3A_308 = arith.constant 0 : i32
    %dma_start3A_309 = arith.constant 0 : i32
    %dma_start3A_310 = tpu.memref_slice %arg9[%dma_start3A_308, %dma_start3A_309] : memref<80x128xf32, #tpu.memory_space<vmem>> -> memref<80x128xf32, #tpu.memory_space<vmem>>
    %dma_start3A_311 = arith.constant 0 : i32
    %dma_start3A_312 = tpu.memref_slice %arg6[%arg0, %add3A_287, %dma_start3A_311] : memref<2x10240x128xf32, #tpu.memory_space<hbm>> -> memref<1x80x128xf32, #tpu.memory_space<hbm>>
    %dma_start3A_313 = tpu.memref_squeeze %dma_start3A_312 : memref<1x80x128xf32, #tpu.memory_space<hbm>> -> memref<80x128xf32, #tpu.memory_space<hbm>>
    %dma_start3A_314 = arith.constant 0 : i32
    %dma_start3A_315 = tpu.memref_slice %arg6[%arg0, %add3A_287, %dma_start3A_314] : memref<2x10240x128xf32, #tpu.memory_space<hbm>> -> memref<1x80x128xf32, #tpu.memory_space<hbm>>
    %dma_start3A_316 = tpu.memref_squeeze %dma_start3A_315 : memref<1x80x128xf32, #tpu.memory_space<hbm>> -> memref<80x128xf32, #tpu.memory_space<hbm>>
    %dma_start3A_317 = arith.constant 0 : i32
    %dma_start3A_318 = arith.constant 0 : i32
    %dma_start3A_319 = tpu.memref_slice %arg9[%dma_start3A_317, %dma_start3A_318] : memref<80x128xf32, #tpu.memory_space<vmem>> -> memref<80x128xf32, #tpu.memory_space<vmem>>
    tpu.enqueue_dma source(%dma_start3A_319 : memref<80x128xf32, #tpu.memory_space<vmem>>) target(%dma_start3A_316 : memref<80x128xf32, #tpu.memory_space<hbm>>) target_semaphore(%arg12 : memref<!tpu.dma_semaphore, #tpu.memory_space<semaphore_mem>>)
    %mul3A_320 = arith.constant 640 : i32
    %mul3A_321 = arith.muli %arg1, %mul3A_320 : i32
    %add3A_322 = arith.constant 240 : i32
    %add3A_323 = arith.addi %mul3A_321, %add3A_322 : i32
    %mul3A_324 = arith.constant 640 : i32
    %mul3A_325 = arith.muli %arg1, %mul3A_324 : i32
    %add3A_326 = arith.constant 80 : i32
    %add3A_327 = arith.addi %mul3A_325, %add3A_326 : i32
    %dma_wait3A_328 = arith.constant 0 : i32
    %dma_wait3A_329 = arith.constant 0 : i32
    %dma_wait3A_330 = tpu.memref_slice %arg10[%dma_wait3A_328, %dma_wait3A_329] : memref<80x128xf32, #tpu.memory_space<vmem>> -> memref<80x128xf32, #tpu.memory_space<vmem>>
    %dma_wait3A_331 = arith.constant 0 : i32
    %dma_wait3A_332 = tpu.memref_slice %arg6[%arg0, %add3A_327, %dma_wait3A_331] : memref<2x10240x128xf32, #tpu.memory_space<hbm>> -> memref<1x80x128xf32, #tpu.memory_space<hbm>>
    %dma_wait3A_333 = tpu.memref_squeeze %dma_wait3A_332 : memref<1x80x128xf32, #tpu.memory_space<hbm>> -> memref<80x128xf32, #tpu.memory_space<hbm>>
    %dma_wait3A_334 = arith.constant 0 : i32
    %dma_wait3A_335 = tpu.memref_slice %arg6[%arg0, %add3A_327, %dma_wait3A_334] : memref<2x10240x128xf32, #tpu.memory_space<hbm>> -> memref<1x80x128xf32, #tpu.memory_space<hbm>>
    %dma_wait3A_336 = tpu.memref_squeeze %dma_wait3A_335 : memref<1x80x128xf32, #tpu.memory_space<hbm>> -> memref<80x128xf32, #tpu.memory_space<hbm>>
    %dma_wait3A_337 = arith.constant 0 : i32
    %dma_wait3A_338 = arith.constant 0 : i32
    %dma_wait3A_339 = tpu.memref_slice %arg10[%dma_wait3A_337, %dma_wait3A_338] : memref<80x128xf32, #tpu.memory_space<vmem>> -> memref<80x128xf32, #tpu.memory_space<vmem>>
    tpu.wait_dma2 semaphore(%arg13 : memref<!tpu.dma_semaphore, #tpu.memory_space<semaphore_mem>>) src(%dma_wait3A_339 : memref<80x128xf32, #tpu.memory_space<vmem>>) dst(%dma_wait3A_336 : memref<80x128xf32, #tpu.memory_space<hbm>>)
    %mul3A_340 = arith.constant 640 : i32
    %mul3A_341 = arith.muli %arg1, %mul3A_340 : i32
    %add3A_342 = arith.constant 240 : i32
    %add3A_343 = arith.addi %mul3A_341, %add3A_342 : i32
    "tpu.region"() ({
      %run_scoped3A_532 = tpu.sem_alloc : memref<!tpu.dma_semaphore, #tpu.memory_space<semaphore_mem>>
      %dma_start3A_533 = arith.constant 0 : i32
      %dma_start3A_534 = arith.constant 0 : i32
      %dma_start3A_535 = tpu.memref_slice %arg10[%dma_start3A_533, %dma_start3A_534] : memref<80x128xf32, #tpu.memory_space<vmem>> -> memref<80x128xf32, #tpu.memory_space<vmem>>
      %dma_start3A_536 = arith.constant 0 : i32
      %dma_start3A_537 = tpu.memref_slice %arg11[%add3A_343, %dma_start3A_536] : memref<10240x128xf32, #tpu.memory_space<vmem_shared>> -> memref<80x128xf32, #tpu.memory_space<vmem_shared>>
      %dma_start3A_538 = arith.constant 0 : i32
      %dma_start3A_539 = arith.constant 0 : i32
      %dma_start3A_540 = tpu.memref_slice %arg10[%dma_start3A_538, %dma_start3A_539] : memref<80x128xf32, #tpu.memory_space<vmem>> -> memref<80x128xf32, #tpu.memory_space<vmem>>
      %dma_start3A_541 = arith.constant 0 : i32
      %dma_start3A_542 = tpu.memref_slice %arg11[%add3A_343, %dma_start3A_541] : memref<10240x128xf32, #tpu.memory_space<vmem_shared>> -> memref<80x128xf32, #tpu.memory_space<vmem_shared>>
      tpu.enqueue_dma source(%dma_start3A_542 : memref<80x128xf32, #tpu.memory_space<vmem_shared>>) target(%dma_start3A_540 : memref<80x128xf32, #tpu.memory_space<vmem>>) target_semaphore(%run_scoped3A_532 : memref<!tpu.dma_semaphore, #tpu.memory_space<semaphore_mem>>)
      %dma_wait3A_543 = arith.constant 0 : i32
      %dma_wait3A_544 = arith.constant 0 : i32
      %dma_wait3A_545 = tpu.memref_slice %arg10[%dma_wait3A_543, %dma_wait3A_544] : memref<80x128xf32, #tpu.memory_space<vmem>> -> memref<80x128xf32, #tpu.memory_space<vmem>>
      %dma_wait3A_546 = arith.constant 0 : i32
      %dma_wait3A_547 = tpu.memref_slice %arg11[%add3A_343, %dma_wait3A_546] : memref<10240x128xf32, #tpu.memory_space<vmem_shared>> -> memref<80x128xf32, #tpu.memory_space<vmem_shared>>
      %dma_wait3A_548 = arith.constant 0 : i32
      %dma_wait3A_549 = arith.constant 0 : i32
      %dma_wait3A_550 = tpu.memref_slice %arg10[%dma_wait3A_548, %dma_wait3A_549] : memref<80x128xf32, #tpu.memory_space<vmem>> -> memref<80x128xf32, #tpu.memory_space<vmem>>
      %dma_wait3A_551 = arith.constant 0 : i32
      %dma_wait3A_552 = tpu.memref_slice %arg11[%add3A_343, %dma_wait3A_551] : memref<10240x128xf32, #tpu.memory_space<vmem_shared>> -> memref<80x128xf32, #tpu.memory_space<vmem_shared>>
      tpu.wait_dma2 semaphore(%run_scoped3A_532 : memref<!tpu.dma_semaphore, #tpu.memory_space<semaphore_mem>>) src(%dma_wait3A_552 : memref<80x128xf32, #tpu.memory_space<vmem_shared>>) dst(%dma_wait3A_550 : memref<80x128xf32, #tpu.memory_space<vmem>>)
      tpu.yield
    }) : () -> ()
    %dma_start3A_344 = arith.constant 0 : i32
    %dma_start3A_345 = arith.constant 0 : i32
    %dma_start3A_346 = tpu.memref_slice %arg10[%dma_start3A_344, %dma_start3A_345] : memref<80x128xf32, #tpu.memory_space<vmem>> -> memref<80x128xf32, #tpu.memory_space<vmem>>
    %dma_start3A_347 = arith.constant 0 : i32
    %dma_start3A_348 = tpu.memref_slice %arg6[%arg0, %add3A_323, %dma_start3A_347] : memref<2x10240x128xf32, #tpu.memory_space<hbm>> -> memref<1x80x128xf32, #tpu.memory_space<hbm>>
    %dma_start3A_349 = tpu.memref_squeeze %dma_start3A_348 : memref<1x80x128xf32, #tpu.memory_space<hbm>> -> memref<80x128xf32, #tpu.memory_space<hbm>>
    %dma_start3A_350 = arith.constant 0 : i32
    %dma_start3A_351 = tpu.memref_slice %arg6[%arg0, %add3A_323, %dma_start3A_350] : memref<2x10240x128xf32, #tpu.memory_space<hbm>> -> memref<1x80x128xf32, #tpu.memory_space<hbm>>
    %dma_start3A_352 = tpu.memref_squeeze %dma_start3A_351 : memref<1x80x128xf32, #tpu.memory_space<hbm>> -> memref<80x128xf32, #tpu.memory_space<hbm>>
    %dma_start3A_353 = arith.constant 0 : i32
    %dma_start3A_354 = arith.constant 0 : i32
    %dma_start3A_355 = tpu.memref_slice %arg10[%dma_start3A_353, %dma_start3A_354] : memref<80x128xf32, #tpu.memory_space<vmem>> -> memref<80x128xf32, #tpu.memory_space<vmem>>
    tpu.enqueue_dma source(%dma_start3A_355 : memref<80x128xf32, #tpu.memory_space<vmem>>) target(%dma_start3A_352 : memref<80x128xf32, #tpu.memory_space<hbm>>) target_semaphore(%arg13 : memref<!tpu.dma_semaphore, #tpu.memory_space<semaphore_mem>>)
    %mul3A_356 = arith.constant 640 : i32
    %mul3A_357 = arith.muli %arg1, %mul3A_356 : i32
    %add3A_358 = arith.constant 320 : i32
    %add3A_359 = arith.addi %mul3A_357, %add3A_358 : i32
    %mul3A_360 = arith.constant 640 : i32
    %mul3A_361 = arith.muli %arg1, %mul3A_360 : i32
    %add3A_362 = arith.constant 160 : i32
    %add3A_363 = arith.addi %mul3A_361, %add3A_362 : i32
    %dma_wait3A_364 = arith.constant 0 : i32
    %dma_wait3A_365 = arith.constant 0 : i32
    %dma_wait3A_366 = tpu.memref_slice %arg9[%dma_wait3A_364, %dma_wait3A_365] : memref<80x128xf32, #tpu.memory_space<vmem>> -> memref<80x128xf32, #tpu.memory_space<vmem>>
    %dma_wait3A_367 = arith.constant 0 : i32
    %dma_wait3A_368 = tpu.memref_slice %arg6[%arg0, %add3A_363, %dma_wait3A_367] : memref<2x10240x128xf32, #tpu.memory_space<hbm>> -> memref<1x80x128xf32, #tpu.memory_space<hbm>>
    %dma_wait3A_369 = tpu.memref_squeeze %dma_wait3A_368 : memref<1x80x128xf32, #tpu.memory_space<hbm>> -> memref<80x128xf32, #tpu.memory_space<hbm>>
    %dma_wait3A_370 = arith.constant 0 : i32
    %dma_wait3A_371 = tpu.memref_slice %arg6[%arg0, %add3A_363, %dma_wait3A_370] : memref<2x10240x128xf32, #tpu.memory_space<hbm>> -> memref<1x80x128xf32, #tpu.memory_space<hbm>>
    %dma_wait3A_372 = tpu.memref_squeeze %dma_wait3A_371 : memref<1x80x128xf32, #tpu.memory_space<hbm>> -> memref<80x128xf32, #tpu.memory_space<hbm>>
    %dma_wait3A_373 = arith.constant 0 : i32
    %dma_wait3A_374 = arith.constant 0 : i32
    %dma_wait3A_375 = tpu.memref_slice %arg9[%dma_wait3A_373, %dma_wait3A_374] : memref<80x128xf32, #tpu.memory_space<vmem>> -> memref<80x128xf32, #tpu.memory_space<vmem>>
    tpu.wait_dma2 semaphore(%arg12 : memref<!tpu.dma_semaphore, #tpu.memory_space<semaphore_mem>>) src(%dma_wait3A_375 : memref<80x128xf32, #tpu.memory_space<vmem>>) dst(%dma_wait3A_372 : memref<80x128xf32, #tpu.memory_space<hbm>>)
    %mul3A_376 = arith.constant 640 : i32
    %mul3A_377 = arith.muli %arg1, %mul3A_376 : i32
    %add3A_378 = arith.constant 320 : i32
    %add3A_379 = arith.addi %mul3A_377, %add3A_378 : i32
    "tpu.region"() ({
      %run_scoped3A_532 = tpu.sem_alloc : memref<!tpu.dma_semaphore, #tpu.memory_space<semaphore_mem>>
      %dma_start3A_533 = arith.constant 0 : i32
      %dma_start3A_534 = arith.constant 0 : i32
      %dma_start3A_535 = tpu.memref_slice %arg9[%dma_start3A_533, %dma_start3A_534] : memref<80x128xf32, #tpu.memory_space<vmem>> -> memref<80x128xf32, #tpu.memory_space<vmem>>
      %dma_start3A_536 = arith.constant 0 : i32
      %dma_start3A_537 = tpu.memref_slice %arg11[%add3A_379, %dma_start3A_536] : memref<10240x128xf32, #tpu.memory_space<vmem_shared>> -> memref<80x128xf32, #tpu.memory_space<vmem_shared>>
      %dma_start3A_538 = arith.constant 0 : i32
      %dma_start3A_539 = arith.constant 0 : i32
      %dma_start3A_540 = tpu.memref_slice %arg9[%dma_start3A_538, %dma_start3A_539] : memref<80x128xf32, #tpu.memory_space<vmem>> -> memref<80x128xf32, #tpu.memory_space<vmem>>
      %dma_start3A_541 = arith.constant 0 : i32
      %dma_start3A_542 = tpu.memref_slice %arg11[%add3A_379, %dma_start3A_541] : memref<10240x128xf32, #tpu.memory_space<vmem_shared>> -> memref<80x128xf32, #tpu.memory_space<vmem_shared>>
      tpu.enqueue_dma source(%dma_start3A_542 : memref<80x128xf32, #tpu.memory_space<vmem_shared>>) target(%dma_start3A_540 : memref<80x128xf32, #tpu.memory_space<vmem>>) target_semaphore(%run_scoped3A_532 : memref<!tpu.dma_semaphore, #tpu.memory_space<semaphore_mem>>)
      %dma_wait3A_543 = arith.constant 0 : i32
      %dma_wait3A_544 = arith.constant 0 : i32
      %dma_wait3A_545 = tpu.memref_slice %arg9[%dma_wait3A_543, %dma_wait3A_544] : memref<80x128xf32, #tpu.memory_space<vmem>> -> memref<80x128xf32, #tpu.memory_space<vmem>>
      %dma_wait3A_546 = arith.constant 0 : i32
      %dma_wait3A_547 = tpu.memref_slice %arg11[%add3A_379, %dma_wait3A_546] : memref<10240x128xf32, #tpu.memory_space<vmem_shared>> -> memref<80x128xf32, #tpu.memory_space<vmem_shared>>
      %dma_wait3A_548 = arith.constant 0 : i32
      %dma_wait3A_549 = arith.constant 0 : i32
      %dma_wait3A_550 = tpu.memref_slice %arg9[%dma_wait3A_548, %dma_wait3A_549] : memref<80x128xf32, #tpu.memory_space<vmem>> -> memref<80x128xf32, #tpu.memory_space<vmem>>
      %dma_wait3A_551 = arith.constant 0 : i32
      %dma_wait3A_552 = tpu.memref_slice %arg11[%add3A_379, %dma_wait3A_551] : memref<10240x128xf32, #tpu.memory_space<vmem_shared>> -> memref<80x128xf32, #tpu.memory_space<vmem_shared>>
      tpu.wait_dma2 semaphore(%run_scoped3A_532 : memref<!tpu.dma_semaphore, #tpu.memory_space<semaphore_mem>>) src(%dma_wait3A_552 : memref<80x128xf32, #tpu.memory_space<vmem_shared>>) dst(%dma_wait3A_550 : memref<80x128xf32, #tpu.memory_space<vmem>>)
      tpu.yield
    }) : () -> ()
    %dma_start3A_380 = arith.constant 0 : i32
    %dma_start3A_381 = arith.constant 0 : i32
    %dma_start3A_382 = tpu.memref_slice %arg9[%dma_start3A_380, %dma_start3A_381] : memref<80x128xf32, #tpu.memory_space<vmem>> -> memref<80x128xf32, #tpu.memory_space<vmem>>
    %dma_start3A_383 = arith.constant 0 : i32
    %dma_start3A_384 = tpu.memref_slice %arg6[%arg0, %add3A_359, %dma_start3A_383] : memref<2x10240x128xf32, #tpu.memory_space<hbm>> -> memref<1x80x128xf32, #tpu.memory_space<hbm>>
    %dma_start3A_385 = tpu.memref_squeeze %dma_start3A_384 : memref<1x80x128xf32, #tpu.memory_space<hbm>> -> memref<80x128xf32, #tpu.memory_space<hbm>>
    %dma_start3A_386 = arith.constant 0 : i32
    %dma_start3A_387 = tpu.memref_slice %arg6[%arg0, %add3A_359, %dma_start3A_386] : memref<2x10240x128xf32, #tpu.memory_space<hbm>> -> memref<1x80x128xf32, #tpu.memory_space<hbm>>
    %dma_start3A_388 = tpu.memref_squeeze %dma_start3A_387 : memref<1x80x128xf32, #tpu.memory_space<hbm>> -> memref<80x128xf32, #tpu.memory_space<hbm>>
    %dma_start3A_389 = arith.constant 0 : i32
    %dma_start3A_390 = arith.constant 0 : i32
    %dma_start3A_391 = tpu.memref_slice %arg9[%dma_start3A_389, %dma_start3A_390] : memref<80x128xf32, #tpu.memory_space<vmem>> -> memref<80x128xf32, #tpu.memory_space<vmem>>
    tpu.enqueue_dma source(%dma_start3A_391 : memref<80x128xf32, #tpu.memory_space<vmem>>) target(%dma_start3A_388 : memref<80x128xf32, #tpu.memory_space<hbm>>) target_semaphore(%arg12 : memref<!tpu.dma_semaphore, #tpu.memory_space<semaphore_mem>>)
    %mul3A_392 = arith.constant 640 : i32
    %mul3A_393 = arith.muli %arg1, %mul3A_392 : i32
    %add3A_394 = arith.constant 400 : i32
    %add3A_395 = arith.addi %mul3A_393, %add3A_394 : i32
    %mul3A_396 = arith.constant 640 : i32
    %mul3A_397 = arith.muli %arg1, %mul3A_396 : i32
    %add3A_398 = arith.constant 240 : i32
    %add3A_399 = arith.addi %mul3A_397, %add3A_398 : i32
    %dma_wait3A_400 = arith.constant 0 : i32
    %dma_wait3A_401 = arith.constant 0 : i32
    %dma_wait3A_402 = tpu.memref_slice %arg10[%dma_wait3A_400, %dma_wait3A_401] : memref<80x128xf32, #tpu.memory_space<vmem>> -> memref<80x128xf32, #tpu.memory_space<vmem>>
    %dma_wait3A_403 = arith.constant 0 : i32
    %dma_wait3A_404 = tpu.memref_slice %arg6[%arg0, %add3A_399, %dma_wait3A_403] : memref<2x10240x128xf32, #tpu.memory_space<hbm>> -> memref<1x80x128xf32, #tpu.memory_space<hbm>>
    %dma_wait3A_405 = tpu.memref_squeeze %dma_wait3A_404 : memref<1x80x128xf32, #tpu.memory_space<hbm>> -> memref<80x128xf32, #tpu.memory_space<hbm>>
    %dma_wait3A_406 = arith.constant 0 : i32
    %dma_wait3A_407 = tpu.memref_slice %arg6[%arg0, %add3A_399, %dma_wait3A_406] : memref<2x10240x128xf32, #tpu.memory_space<hbm>> -> memref<1x80x128xf32, #tpu.memory_space<hbm>>
    %dma_wait3A_408 = tpu.memref_squeeze %dma_wait3A_407 : memref<1x80x128xf32, #tpu.memory_space<hbm>> -> memref<80x128xf32, #tpu.memory_space<hbm>>
    %dma_wait3A_409 = arith.constant 0 : i32
    %dma_wait3A_410 = arith.constant 0 : i32
    %dma_wait3A_411 = tpu.memref_slice %arg10[%dma_wait3A_409, %dma_wait3A_410] : memref<80x128xf32, #tpu.memory_space<vmem>> -> memref<80x128xf32, #tpu.memory_space<vmem>>
    tpu.wait_dma2 semaphore(%arg13 : memref<!tpu.dma_semaphore, #tpu.memory_space<semaphore_mem>>) src(%dma_wait3A_411 : memref<80x128xf32, #tpu.memory_space<vmem>>) dst(%dma_wait3A_408 : memref<80x128xf32, #tpu.memory_space<hbm>>)
    %mul3A_412 = arith.constant 640 : i32
    %mul3A_413 = arith.muli %arg1, %mul3A_412 : i32
    %add3A_414 = arith.constant 400 : i32
    %add3A_415 = arith.addi %mul3A_413, %add3A_414 : i32
    "tpu.region"() ({
      %run_scoped3A_532 = tpu.sem_alloc : memref<!tpu.dma_semaphore, #tpu.memory_space<semaphore_mem>>
      %dma_start3A_533 = arith.constant 0 : i32
      %dma_start3A_534 = arith.constant 0 : i32
      %dma_start3A_535 = tpu.memref_slice %arg10[%dma_start3A_533, %dma_start3A_534] : memref<80x128xf32, #tpu.memory_space<vmem>> -> memref<80x128xf32, #tpu.memory_space<vmem>>
      %dma_start3A_536 = arith.constant 0 : i32
      %dma_start3A_537 = tpu.memref_slice %arg11[%add3A_415, %dma_start3A_536] : memref<10240x128xf32, #tpu.memory_space<vmem_shared>> -> memref<80x128xf32, #tpu.memory_space<vmem_shared>>
      %dma_start3A_538 = arith.constant 0 : i32
      %dma_start3A_539 = arith.constant 0 : i32
      %dma_start3A_540 = tpu.memref_slice %arg10[%dma_start3A_538, %dma_start3A_539] : memref<80x128xf32, #tpu.memory_space<vmem>> -> memref<80x128xf32, #tpu.memory_space<vmem>>
      %dma_start3A_541 = arith.constant 0 : i32
      %dma_start3A_542 = tpu.memref_slice %arg11[%add3A_415, %dma_start3A_541] : memref<10240x128xf32, #tpu.memory_space<vmem_shared>> -> memref<80x128xf32, #tpu.memory_space<vmem_shared>>
      tpu.enqueue_dma source(%dma_start3A_542 : memref<80x128xf32, #tpu.memory_space<vmem_shared>>) target(%dma_start3A_540 : memref<80x128xf32, #tpu.memory_space<vmem>>) target_semaphore(%run_scoped3A_532 : memref<!tpu.dma_semaphore, #tpu.memory_space<semaphore_mem>>)
      %dma_wait3A_543 = arith.constant 0 : i32
      %dma_wait3A_544 = arith.constant 0 : i32
      %dma_wait3A_545 = tpu.memref_slice %arg10[%dma_wait3A_543, %dma_wait3A_544] : memref<80x128xf32, #tpu.memory_space<vmem>> -> memref<80x128xf32, #tpu.memory_space<vmem>>
      %dma_wait3A_546 = arith.constant 0 : i32
      %dma_wait3A_547 = tpu.memref_slice %arg11[%add3A_415, %dma_wait3A_546] : memref<10240x128xf32, #tpu.memory_space<vmem_shared>> -> memref<80x128xf32, #tpu.memory_space<vmem_shared>>
      %dma_wait3A_548 = arith.constant 0 : i32
      %dma_wait3A_549 = arith.constant 0 : i32
      %dma_wait3A_550 = tpu.memref_slice %arg10[%dma_wait3A_548, %dma_wait3A_549] : memref<80x128xf32, #tpu.memory_space<vmem>> -> memref<80x128xf32, #tpu.memory_space<vmem>>
      %dma_wait3A_551 = arith.constant 0 : i32
      %dma_wait3A_552 = tpu.memref_slice %arg11[%add3A_415, %dma_wait3A_551] : memref<10240x128xf32, #tpu.memory_space<vmem_shared>> -> memref<80x128xf32, #tpu.memory_space<vmem_shared>>
      tpu.wait_dma2 semaphore(%run_scoped3A_532 : memref<!tpu.dma_semaphore, #tpu.memory_space<semaphore_mem>>) src(%dma_wait3A_552 : memref<80x128xf32, #tpu.memory_space<vmem_shared>>) dst(%dma_wait3A_550 : memref<80x128xf32, #tpu.memory_space<vmem>>)
      tpu.yield
    }) : () -> ()
    %dma_start3A_416 = arith.constant 0 : i32
    %dma_start3A_417 = arith.constant 0 : i32
    %dma_start3A_418 = tpu.memref_slice %arg10[%dma_start3A_416, %dma_start3A_417] : memref<80x128xf32, #tpu.memory_space<vmem>> -> memref<80x128xf32, #tpu.memory_space<vmem>>
    %dma_start3A_419 = arith.constant 0 : i32
    %dma_start3A_420 = tpu.memref_slice %arg6[%arg0, %add3A_395, %dma_start3A_419] : memref<2x10240x128xf32, #tpu.memory_space<hbm>> -> memref<1x80x128xf32, #tpu.memory_space<hbm>>
    %dma_start3A_421 = tpu.memref_squeeze %dma_start3A_420 : memref<1x80x128xf32, #tpu.memory_space<hbm>> -> memref<80x128xf32, #tpu.memory_space<hbm>>
    %dma_start3A_422 = arith.constant 0 : i32
    %dma_start3A_423 = tpu.memref_slice %arg6[%arg0, %add3A_395, %dma_start3A_422] : memref<2x10240x128xf32, #tpu.memory_space<hbm>> -> memref<1x80x128xf32, #tpu.memory_space<hbm>>
    %dma_start3A_424 = tpu.memref_squeeze %dma_start3A_423 : memref<1x80x128xf32, #tpu.memory_space<hbm>> -> memref<80x128xf32, #tpu.memory_space<hbm>>
    %dma_start3A_425 = arith.constant 0 : i32
    %dma_start3A_426 = arith.constant 0 : i32
    %dma_start3A_427 = tpu.memref_slice %arg10[%dma_start3A_425, %dma_start3A_426] : memref<80x128xf32, #tpu.memory_space<vmem>> -> memref<80x128xf32, #tpu.memory_space<vmem>>
    tpu.enqueue_dma source(%dma_start3A_427 : memref<80x128xf32, #tpu.memory_space<vmem>>) target(%dma_start3A_424 : memref<80x128xf32, #tpu.memory_space<hbm>>) target_semaphore(%arg13 : memref<!tpu.dma_semaphore, #tpu.memory_space<semaphore_mem>>)
    %mul3A_428 = arith.constant 640 : i32
    %mul3A_429 = arith.muli %arg1, %mul3A_428 : i32
    %add3A_430 = arith.constant 480 : i32
    %add3A_431 = arith.addi %mul3A_429, %add3A_430 : i32
    %mul3A_432 = arith.constant 640 : i32
    %mul3A_433 = arith.muli %arg1, %mul3A_432 : i32
    %add3A_434 = arith.constant 320 : i32
    %add3A_435 = arith.addi %mul3A_433, %add3A_434 : i32
    %dma_wait3A_436 = arith.constant 0 : i32
    %dma_wait3A_437 = arith.constant 0 : i32
    %dma_wait3A_438 = tpu.memref_slice %arg9[%dma_wait3A_436, %dma_wait3A_437] : memref<80x128xf32, #tpu.memory_space<vmem>> -> memref<80x128xf32, #tpu.memory_space<vmem>>
    %dma_wait3A_439 = arith.constant 0 : i32
    %dma_wait3A_440 = tpu.memref_slice %arg6[%arg0, %add3A_435, %dma_wait3A_439] : memref<2x10240x128xf32, #tpu.memory_space<hbm>> -> memref<1x80x128xf32, #tpu.memory_space<hbm>>
    %dma_wait3A_441 = tpu.memref_squeeze %dma_wait3A_440 : memref<1x80x128xf32, #tpu.memory_space<hbm>> -> memref<80x128xf32, #tpu.memory_space<hbm>>
    %dma_wait3A_442 = arith.constant 0 : i32
    %dma_wait3A_443 = tpu.memref_slice %arg6[%arg0, %add3A_435, %dma_wait3A_442] : memref<2x10240x128xf32, #tpu.memory_space<hbm>> -> memref<1x80x128xf32, #tpu.memory_space<hbm>>
    %dma_wait3A_444 = tpu.memref_squeeze %dma_wait3A_443 : memref<1x80x128xf32, #tpu.memory_space<hbm>> -> memref<80x128xf32, #tpu.memory_space<hbm>>
    %dma_wait3A_445 = arith.constant 0 : i32
    %dma_wait3A_446 = arith.constant 0 : i32
    %dma_wait3A_447 = tpu.memref_slice %arg9[%dma_wait3A_445, %dma_wait3A_446] : memref<80x128xf32, #tpu.memory_space<vmem>> -> memref<80x128xf32, #tpu.memory_space<vmem>>
    tpu.wait_dma2 semaphore(%arg12 : memref<!tpu.dma_semaphore, #tpu.memory_space<semaphore_mem>>) src(%dma_wait3A_447 : memref<80x128xf32, #tpu.memory_space<vmem>>) dst(%dma_wait3A_444 : memref<80x128xf32, #tpu.memory_space<hbm>>)
    %mul3A_448 = arith.constant 640 : i32
    %mul3A_449 = arith.muli %arg1, %mul3A_448 : i32
    %add3A_450 = arith.constant 480 : i32
    %add3A_451 = arith.addi %mul3A_449, %add3A_450 : i32
    "tpu.region"() ({
      %run_scoped3A_532 = tpu.sem_alloc : memref<!tpu.dma_semaphore, #tpu.memory_space<semaphore_mem>>
      %dma_start3A_533 = arith.constant 0 : i32
      %dma_start3A_534 = arith.constant 0 : i32
      %dma_start3A_535 = tpu.memref_slice %arg9[%dma_start3A_533, %dma_start3A_534] : memref<80x128xf32, #tpu.memory_space<vmem>> -> memref<80x128xf32, #tpu.memory_space<vmem>>
      %dma_start3A_536 = arith.constant 0 : i32
      %dma_start3A_537 = tpu.memref_slice %arg11[%add3A_451, %dma_start3A_536] : memref<10240x128xf32, #tpu.memory_space<vmem_shared>> -> memref<80x128xf32, #tpu.memory_space<vmem_shared>>
      %dma_start3A_538 = arith.constant 0 : i32
      %dma_start3A_539 = arith.constant 0 : i32
      %dma_start3A_540 = tpu.memref_slice %arg9[%dma_start3A_538, %dma_start3A_539] : memref<80x128xf32, #tpu.memory_space<vmem>> -> memref<80x128xf32, #tpu.memory_space<vmem>>
      %dma_start3A_541 = arith.constant 0 : i32
      %dma_start3A_542 = tpu.memref_slice %arg11[%add3A_451, %dma_start3A_541] : memref<10240x128xf32, #tpu.memory_space<vmem_shared>> -> memref<80x128xf32, #tpu.memory_space<vmem_shared>>
      tpu.enqueue_dma source(%dma_start3A_542 : memref<80x128xf32, #tpu.memory_space<vmem_shared>>) target(%dma_start3A_540 : memref<80x128xf32, #tpu.memory_space<vmem>>) target_semaphore(%run_scoped3A_532 : memref<!tpu.dma_semaphore, #tpu.memory_space<semaphore_mem>>)
      %dma_wait3A_543 = arith.constant 0 : i32
      %dma_wait3A_544 = arith.constant 0 : i32
      %dma_wait3A_545 = tpu.memref_slice %arg9[%dma_wait3A_543, %dma_wait3A_544] : memref<80x128xf32, #tpu.memory_space<vmem>> -> memref<80x128xf32, #tpu.memory_space<vmem>>
      %dma_wait3A_546 = arith.constant 0 : i32
      %dma_wait3A_547 = tpu.memref_slice %arg11[%add3A_451, %dma_wait3A_546] : memref<10240x128xf32, #tpu.memory_space<vmem_shared>> -> memref<80x128xf32, #tpu.memory_space<vmem_shared>>
      %dma_wait3A_548 = arith.constant 0 : i32
      %dma_wait3A_549 = arith.constant 0 : i32
      %dma_wait3A_550 = tpu.memref_slice %arg9[%dma_wait3A_548, %dma_wait3A_549] : memref<80x128xf32, #tpu.memory_space<vmem>> -> memref<80x128xf32, #tpu.memory_space<vmem>>
      %dma_wait3A_551 = arith.constant 0 : i32
      %dma_wait3A_552 = tpu.memref_slice %arg11[%add3A_451, %dma_wait3A_551] : memref<10240x128xf32, #tpu.memory_space<vmem_shared>> -> memref<80x128xf32, #tpu.memory_space<vmem_shared>>
      tpu.wait_dma2 semaphore(%run_scoped3A_532 : memref<!tpu.dma_semaphore, #tpu.memory_space<semaphore_mem>>) src(%dma_wait3A_552 : memref<80x128xf32, #tpu.memory_space<vmem_shared>>) dst(%dma_wait3A_550 : memref<80x128xf32, #tpu.memory_space<vmem>>)
      tpu.yield
    }) : () -> ()
    %dma_start3A_452 = arith.constant 0 : i32
    %dma_start3A_453 = arith.constant 0 : i32
    %dma_start3A_454 = tpu.memref_slice %arg9[%dma_start3A_452, %dma_start3A_453] : memref<80x128xf32, #tpu.memory_space<vmem>> -> memref<80x128xf32, #tpu.memory_space<vmem>>
    %dma_start3A_455 = arith.constant 0 : i32
    %dma_start3A_456 = tpu.memref_slice %arg6[%arg0, %add3A_431, %dma_start3A_455] : memref<2x10240x128xf32, #tpu.memory_space<hbm>> -> memref<1x80x128xf32, #tpu.memory_space<hbm>>
    %dma_start3A_457 = tpu.memref_squeeze %dma_start3A_456 : memref<1x80x128xf32, #tpu.memory_space<hbm>> -> memref<80x128xf32, #tpu.memory_space<hbm>>
    %dma_start3A_458 = arith.constant 0 : i32
    %dma_start3A_459 = tpu.memref_slice %arg6[%arg0, %add3A_431, %dma_start3A_458] : memref<2x10240x128xf32, #tpu.memory_space<hbm>> -> memref<1x80x128xf32, #tpu.memory_space<hbm>>
    %dma_start3A_460 = tpu.memref_squeeze %dma_start3A_459 : memref<1x80x128xf32, #tpu.memory_space<hbm>> -> memref<80x128xf32, #tpu.memory_space<hbm>>
    %dma_start3A_461 = arith.constant 0 : i32
    %dma_start3A_462 = arith.constant 0 : i32
    %dma_start3A_463 = tpu.memref_slice %arg9[%dma_start3A_461, %dma_start3A_462] : memref<80x128xf32, #tpu.memory_space<vmem>> -> memref<80x128xf32, #tpu.memory_space<vmem>>
    tpu.enqueue_dma source(%dma_start3A_463 : memref<80x128xf32, #tpu.memory_space<vmem>>) target(%dma_start3A_460 : memref<80x128xf32, #tpu.memory_space<hbm>>) target_semaphore(%arg12 : memref<!tpu.dma_semaphore, #tpu.memory_space<semaphore_mem>>)
    %mul3A_464 = arith.constant 640 : i32
    %mul3A_465 = arith.muli %arg1, %mul3A_464 : i32
    %add3A_466 = arith.constant 560 : i32
    %add3A_467 = arith.addi %mul3A_465, %add3A_466 : i32
    %mul3A_468 = arith.constant 640 : i32
    %mul3A_469 = arith.muli %arg1, %mul3A_468 : i32
    %add3A_470 = arith.constant 400 : i32
    %add3A_471 = arith.addi %mul3A_469, %add3A_470 : i32
    %dma_wait3A_472 = arith.constant 0 : i32
    %dma_wait3A_473 = arith.constant 0 : i32
    %dma_wait3A_474 = tpu.memref_slice %arg10[%dma_wait3A_472, %dma_wait3A_473] : memref<80x128xf32, #tpu.memory_space<vmem>> -> memref<80x128xf32, #tpu.memory_space<vmem>>
    %dma_wait3A_475 = arith.constant 0 : i32
    %dma_wait3A_476 = tpu.memref_slice %arg6[%arg0, %add3A_471, %dma_wait3A_475] : memref<2x10240x128xf32, #tpu.memory_space<hbm>> -> memref<1x80x128xf32, #tpu.memory_space<hbm>>
    %dma_wait3A_477 = tpu.memref_squeeze %dma_wait3A_476 : memref<1x80x128xf32, #tpu.memory_space<hbm>> -> memref<80x128xf32, #tpu.memory_space<hbm>>
    %dma_wait3A_478 = arith.constant 0 : i32
    %dma_wait3A_479 = tpu.memref_slice %arg6[%arg0, %add3A_471, %dma_wait3A_478] : memref<2x10240x128xf32, #tpu.memory_space<hbm>> -> memref<1x80x128xf32, #tpu.memory_space<hbm>>
    %dma_wait3A_480 = tpu.memref_squeeze %dma_wait3A_479 : memref<1x80x128xf32, #tpu.memory_space<hbm>> -> memref<80x128xf32, #tpu.memory_space<hbm>>
    %dma_wait3A_481 = arith.constant 0 : i32
    %dma_wait3A_482 = arith.constant 0 : i32
    %dma_wait3A_483 = tpu.memref_slice %arg10[%dma_wait3A_481, %dma_wait3A_482] : memref<80x128xf32, #tpu.memory_space<vmem>> -> memref<80x128xf32, #tpu.memory_space<vmem>>
    tpu.wait_dma2 semaphore(%arg13 : memref<!tpu.dma_semaphore, #tpu.memory_space<semaphore_mem>>) src(%dma_wait3A_483 : memref<80x128xf32, #tpu.memory_space<vmem>>) dst(%dma_wait3A_480 : memref<80x128xf32, #tpu.memory_space<hbm>>)
    %mul3A_484 = arith.constant 640 : i32
    %mul3A_485 = arith.muli %arg1, %mul3A_484 : i32
    %add3A_486 = arith.constant 560 : i32
    %add3A_487 = arith.addi %mul3A_485, %add3A_486 : i32
    "tpu.region"() ({
      %run_scoped3A_532 = tpu.sem_alloc : memref<!tpu.dma_semaphore, #tpu.memory_space<semaphore_mem>>
      %dma_start3A_533 = arith.constant 0 : i32
      %dma_start3A_534 = arith.constant 0 : i32
      %dma_start3A_535 = tpu.memref_slice %arg10[%dma_start3A_533, %dma_start3A_534] : memref<80x128xf32, #tpu.memory_space<vmem>> -> memref<80x128xf32, #tpu.memory_space<vmem>>
      %dma_start3A_536 = arith.constant 0 : i32
      %dma_start3A_537 = tpu.memref_slice %arg11[%add3A_487, %dma_start3A_536] : memref<10240x128xf32, #tpu.memory_space<vmem_shared>> -> memref<80x128xf32, #tpu.memory_space<vmem_shared>>
      %dma_start3A_538 = arith.constant 0 : i32
      %dma_start3A_539 = arith.constant 0 : i32
      %dma_start3A_540 = tpu.memref_slice %arg10[%dma_start3A_538, %dma_start3A_539] : memref<80x128xf32, #tpu.memory_space<vmem>> -> memref<80x128xf32, #tpu.memory_space<vmem>>
      %dma_start3A_541 = arith.constant 0 : i32
      %dma_start3A_542 = tpu.memref_slice %arg11[%add3A_487, %dma_start3A_541] : memref<10240x128xf32, #tpu.memory_space<vmem_shared>> -> memref<80x128xf32, #tpu.memory_space<vmem_shared>>
      tpu.enqueue_dma source(%dma_start3A_542 : memref<80x128xf32, #tpu.memory_space<vmem_shared>>) target(%dma_start3A_540 : memref<80x128xf32, #tpu.memory_space<vmem>>) target_semaphore(%run_scoped3A_532 : memref<!tpu.dma_semaphore, #tpu.memory_space<semaphore_mem>>)
      %dma_wait3A_543 = arith.constant 0 : i32
      %dma_wait3A_544 = arith.constant 0 : i32
      %dma_wait3A_545 = tpu.memref_slice %arg10[%dma_wait3A_543, %dma_wait3A_544] : memref<80x128xf32, #tpu.memory_space<vmem>> -> memref<80x128xf32, #tpu.memory_space<vmem>>
      %dma_wait3A_546 = arith.constant 0 : i32
      %dma_wait3A_547 = tpu.memref_slice %arg11[%add3A_487, %dma_wait3A_546] : memref<10240x128xf32, #tpu.memory_space<vmem_shared>> -> memref<80x128xf32, #tpu.memory_space<vmem_shared>>
      %dma_wait3A_548 = arith.constant 0 : i32
      %dma_wait3A_549 = arith.constant 0 : i32
      %dma_wait3A_550 = tpu.memref_slice %arg10[%dma_wait3A_548, %dma_wait3A_549] : memref<80x128xf32, #tpu.memory_space<vmem>> -> memref<80x128xf32, #tpu.memory_space<vmem>>
      %dma_wait3A_551 = arith.constant 0 : i32
      %dma_wait3A_552 = tpu.memref_slice %arg11[%add3A_487, %dma_wait3A_551] : memref<10240x128xf32, #tpu.memory_space<vmem_shared>> -> memref<80x128xf32, #tpu.memory_space<vmem_shared>>
      tpu.wait_dma2 semaphore(%run_scoped3A_532 : memref<!tpu.dma_semaphore, #tpu.memory_space<semaphore_mem>>) src(%dma_wait3A_552 : memref<80x128xf32, #tpu.memory_space<vmem_shared>>) dst(%dma_wait3A_550 : memref<80x128xf32, #tpu.memory_space<vmem>>)
      tpu.yield
    }) : () -> ()
    %dma_start3A_488 = arith.constant 0 : i32
    %dma_start3A_489 = arith.constant 0 : i32
    %dma_start3A_490 = tpu.memref_slice %arg10[%dma_start3A_488, %dma_start3A_489] : memref<80x128xf32, #tpu.memory_space<vmem>> -> memref<80x128xf32, #tpu.memory_space<vmem>>
    %dma_start3A_491 = arith.constant 0 : i32
    %dma_start3A_492 = tpu.memref_slice %arg6[%arg0, %add3A_467, %dma_start3A_491] : memref<2x10240x128xf32, #tpu.memory_space<hbm>> -> memref<1x80x128xf32, #tpu.memory_space<hbm>>
    %dma_start3A_493 = tpu.memref_squeeze %dma_start3A_492 : memref<1x80x128xf32, #tpu.memory_space<hbm>> -> memref<80x128xf32, #tpu.memory_space<hbm>>
    %dma_start3A_494 = arith.constant 0 : i32
    %dma_start3A_495 = tpu.memref_slice %arg6[%arg0, %add3A_467, %dma_start3A_494] : memref<2x10240x128xf32, #tpu.memory_space<hbm>> -> memref<1x80x128xf32, #tpu.memory_space<hbm>>
    %dma_start3A_496 = tpu.memref_squeeze %dma_start3A_495 : memref<1x80x128xf32, #tpu.memory_space<hbm>> -> memref<80x128xf32, #tpu.memory_space<hbm>>
    %dma_start3A_497 = arith.constant 0 : i32
    %dma_start3A_498 = arith.constant 0 : i32
    %dma_start3A_499 = tpu.memref_slice %arg10[%dma_start3A_497, %dma_start3A_498] : memref<80x128xf32, #tpu.memory_space<vmem>> -> memref<80x128xf32, #tpu.memory_space<vmem>>
    tpu.enqueue_dma source(%dma_start3A_499 : memref<80x128xf32, #tpu.memory_space<vmem>>) target(%dma_start3A_496 : memref<80x128xf32, #tpu.memory_space<hbm>>) target_semaphore(%arg13 : memref<!tpu.dma_semaphore, #tpu.memory_space<semaphore_mem>>)
    %mul3A_500 = arith.constant 640 : i32
    %mul3A_501 = arith.muli %arg1, %mul3A_500 : i32
    %add3A_502 = arith.constant 480 : i32
    %add3A_503 = arith.addi %mul3A_501, %add3A_502 : i32
    %dma_wait3A_504 = arith.constant 0 : i32
    %dma_wait3A_505 = arith.constant 0 : i32
    %dma_wait3A_506 = tpu.memref_slice %arg9[%dma_wait3A_504, %dma_wait3A_505] : memref<80x128xf32, #tpu.memory_space<vmem>> -> memref<80x128xf32, #tpu.memory_space<vmem>>
    %dma_wait3A_507 = arith.constant 0 : i32
    %dma_wait3A_508 = tpu.memref_slice %arg6[%arg0, %add3A_503, %dma_wait3A_507] : memref<2x10240x128xf32, #tpu.memory_space<hbm>> -> memref<1x80x128xf32, #tpu.memory_space<hbm>>
    %dma_wait3A_509 = tpu.memref_squeeze %dma_wait3A_508 : memref<1x80x128xf32, #tpu.memory_space<hbm>> -> memref<80x128xf32, #tpu.memory_space<hbm>>
    %dma_wait3A_510 = arith.constant 0 : i32
    %dma_wait3A_511 = tpu.memref_slice %arg6[%arg0, %add3A_503, %dma_wait3A_510] : memref<2x10240x128xf32, #tpu.memory_space<hbm>> -> memref<1x80x128xf32, #tpu.memory_space<hbm>>
    %dma_wait3A_512 = tpu.memref_squeeze %dma_wait3A_511 : memref<1x80x128xf32, #tpu.memory_space<hbm>> -> memref<80x128xf32, #tpu.memory_space<hbm>>
    %dma_wait3A_513 = arith.constant 0 : i32
    %dma_wait3A_514 = arith.constant 0 : i32
    %dma_wait3A_515 = tpu.memref_slice %arg9[%dma_wait3A_513, %dma_wait3A_514] : memref<80x128xf32, #tpu.memory_space<vmem>> -> memref<80x128xf32, #tpu.memory_space<vmem>>
    tpu.wait_dma2 semaphore(%arg12 : memref<!tpu.dma_semaphore, #tpu.memory_space<semaphore_mem>>) src(%dma_wait3A_515 : memref<80x128xf32, #tpu.memory_space<vmem>>) dst(%dma_wait3A_512 : memref<80x128xf32, #tpu.memory_space<hbm>>)
    %mul3A_516 = arith.constant 640 : i32
    %mul3A_517 = arith.muli %arg1, %mul3A_516 : i32
    %add3A_518 = arith.constant 560 : i32
    %add3A_519 = arith.addi %mul3A_517, %add3A_518 : i32
    %dma_wait3A_520 = arith.constant 0 : i32
    %dma_wait3A_521 = arith.constant 0 : i32
    %dma_wait3A_522 = tpu.memref_slice %arg10[%dma_wait3A_520, %dma_wait3A_521] : memref<80x128xf32, #tpu.memory_space<vmem>> -> memref<80x128xf32, #tpu.memory_space<vmem>>
    %dma_wait3A_523 = arith.constant 0 : i32
    %dma_wait3A_524 = tpu.memref_slice %arg6[%arg0, %add3A_519, %dma_wait3A_523] : memref<2x10240x128xf32, #tpu.memory_space<hbm>> -> memref<1x80x128xf32, #tpu.memory_space<hbm>>
    %dma_wait3A_525 = tpu.memref_squeeze %dma_wait3A_524 : memref<1x80x128xf32, #tpu.memory_space<hbm>> -> memref<80x128xf32, #tpu.memory_space<hbm>>
    %dma_wait3A_526 = arith.constant 0 : i32
    %dma_wait3A_527 = tpu.memref_slice %arg6[%arg0, %add3A_519, %dma_wait3A_526] : memref<2x10240x128xf32, #tpu.memory_space<hbm>> -> memref<1x80x128xf32, #tpu.memory_space<hbm>>
    %dma_wait3A_528 = tpu.memref_squeeze %dma_wait3A_527 : memref<1x80x128xf32, #tpu.memory_space<hbm>> -> memref<80x128xf32, #tpu.memory_space<hbm>>
    %dma_wait3A_529 = arith.constant 0 : i32
    %dma_wait3A_530 = arith.constant 0 : i32
    %dma_wait3A_531 = tpu.memref_slice %arg10[%dma_wait3A_529, %dma_wait3A_530] : memref<80x128xf32, #tpu.memory_space<vmem>> -> memref<80x128xf32, #tpu.memory_space<vmem>>
    tpu.wait_dma2 semaphore(%arg13 : memref<!tpu.dma_semaphore, #tpu.memory_space<semaphore_mem>>) src(%dma_wait3A_531 : memref<80x128xf32, #tpu.memory_space<vmem>>) dst(%dma_wait3A_528 : memref<80x128xf32, #tpu.memory_space<hbm>>)
    return
  }
}

#map = affine_map<(d0, d1) -> (0, 0)>
#map1 = affine_map<(d0, d1) -> (0, 0, 0)>
module attributes {stable_mosaic.version = 14 : i64} {
  func.func @_agg_kernel(%arg0: i32, %arg1: i32, %arg2: memref<10240x128xf32, #tpu.memory_space<hbm>>, %arg3: memref<32x10000xi32, #tpu.memory_space<hbm>>, %arg4: memref<32x125x80xi32, #tpu.memory_space<hbm>>, %arg5: memref<80x128xf32, #tpu.memory_space<hbm>>, %arg6: memref<2x10240x128xf32, #tpu.memory_space<hbm>>, %arg7: memref<10000xi32, #tpu.memory_space<vmem>>, %arg8: memref<125x80xi32, #tpu.memory_space<vmem>>, %arg9: memref<80x128xf32, #tpu.memory_space<vmem>>, %arg10: memref<80x128xf32, #tpu.memory_space<vmem>>, %arg11: memref<10240x128xf32, #tpu.memory_space<vmem_shared>>, %arg12: memref<!tpu.dma_semaphore, #tpu.memory_space<semaphore_mem>>, %arg13: memref<!tpu.dma_semaphore, #tpu.memory_space<semaphore_mem>>) attributes {dimension_semantics = [#tpu.dimension_semantics<core_parallel>, #tpu.dimension_semantics<subcore_parallel>], iteration_bounds = array<i64: 2, 16>, scalar_prefetch = 0 : i64, scratch_operands = 7 : i64, tpu.core_type = #tpu.core_type<sc_vector_subcore>, window_params = [{transform_indices = #map}, {transform_indices = #map}, {transform_indices = #map1}, {transform_indices = #map}, {transform_indices = #map1}]} {
    %mul3A = arith.constant 2 : i32
    %mul3A_0 = arith.muli %arg1, %mul3A : i32
    %add3A = arith.addi %mul3A_0, %arg0 : i32
    "tpu.region"() ({
      %run_scoped3A_532 = tpu.sem_alloc : memref<!tpu.dma_semaphore, #tpu.memory_space<semaphore_mem>>
      %dma_start3A_533 = arith.constant 0 : i32
      %dma_start3A_534 = arith.constant 0 : i32
      %dma_start3A_535 = tpu.memref_slice %arg9[%dma_start3A_533, %dma_start3A_534] : memref<80x128xf32, #tpu.memory_space<vmem>> -> memref<80x128xf32, #tpu.memory_space<vmem>>
      %dma_start3A_536 = arith.constant 0 : i32
      %dma_start3A_537 = arith.constant 0 : i32
      %dma_start3A_538 = tpu.memref_slice %arg9[%dma_start3A_536, %dma_start3A_537] : memref<80x128xf32, #tpu.memory_space<vmem>> -> memref<80x128xf32, #tpu.memory_space<vmem>>
      tpu.enqueue_dma source(%arg5 : memref<80x128xf32, #tpu.memory_space<hbm>>) target(%dma_start3A_538 : memref<80x128xf32, #tpu.memory_space<vmem>>) target_semaphore(%run_scoped3A_532 : memref<!tpu.dma_semaphore, #tpu.memory_space<semaphore_mem>>)
      %dma_wait3A_539 = arith.constant 0 : i32
      %dma_wait3A_540 = arith.constant 0 : i32
      %dma_wait3A_541 = tpu.memref_slice %arg9[%dma_wait3A_539, %dma_wait3A_540] : memref<80x128xf32, #tpu.memory_space<vmem>> -> memref<80x128xf32, #tpu.memory_space<vmem>>
      %dma_wait3A_542 = arith.constant 0 : i32
      %dma_wait3A_543 = arith.constant 0 : i32
      %dma_wait3A_544 = tpu.memref_slice %arg9[%dma_wait3A_542, %dma_wait3A_543] : memref<80x128xf32, #tpu.memory_space<vmem>> -> memref<80x128xf32, #tpu.memory_space<vmem>>
      tpu.wait_dma2 semaphore(%run_scoped3A_532 : memref<!tpu.dma_semaphore, #tpu.memory_space<semaphore_mem>>) src(%arg5 : memref<80x128xf32, #tpu.memory_space<hbm>>) dst(%dma_wait3A_544 : memref<80x128xf32, #tpu.memory_space<vmem>>)
      tpu.yield
    }) : () -> ()
    %mul3A_1 = arith.constant 640 : i32
    %mul3A_2 = arith.muli %arg1, %mul3A_1 : i32
    %add3A_3 = arith.constant 0 : i32
    %add3A_4 = arith.addi %mul3A_2, %add3A_3 : i32
    %dma_start3A = arith.constant 0 : i32
    %dma_start3A_5 = arith.constant 0 : i32
    %dma_start3A_6 = tpu.memref_slice %arg9[%dma_start3A, %dma_start3A_5] : memref<80x128xf32, #tpu.memory_space<vmem>> -> memref<80x128xf32, #tpu.memory_space<vmem>>
    %dma_start3A_7 = arith.constant 0 : i32
    %dma_start3A_8 = tpu.memref_slice %arg11[%add3A_4, %dma_start3A_7] : memref<10240x128xf32, #tpu.memory_space<vmem_shared>> -> memref<80x128xf32, #tpu.memory_space<vmem_shared>>
    %dma_start3A_9 = arith.constant 0 : i32
    %dma_start3A_10 = tpu.memref_slice %arg11[%add3A_4, %dma_start3A_9] : memref<10240x128xf32, #tpu.memory_space<vmem_shared>> -> memref<80x128xf32, #tpu.memory_space<vmem_shared>>
    %dma_start3A_11 = arith.constant 0 : i32
    %dma_start3A_12 = arith.constant 0 : i32
    %dma_start3A_13 = tpu.memref_slice %arg9[%dma_start3A_11, %dma_start3A_12] : memref<80x128xf32, #tpu.memory_space<vmem>> -> memref<80x128xf32, #tpu.memory_space<vmem>>
    tpu.enqueue_dma source(%dma_start3A_13 : memref<80x128xf32, #tpu.memory_space<vmem>>) target(%dma_start3A_10 : memref<80x128xf32, #tpu.memory_space<vmem_shared>>) target_semaphore(%arg13 : memref<!tpu.dma_semaphore, #tpu.memory_space<semaphore_mem>>)
    %mul3A_14 = arith.constant 640 : i32
    %mul3A_15 = arith.muli %arg1, %mul3A_14 : i32
    %add3A_16 = arith.constant 80 : i32
    %add3A_17 = arith.addi %mul3A_15, %add3A_16 : i32
    %dma_start3A_18 = arith.constant 0 : i32
    %dma_start3A_19 = arith.constant 0 : i32
    %dma_start3A_20 = tpu.memref_slice %arg9[%dma_start3A_18, %dma_start3A_19] : memref<80x128xf32, #tpu.memory_space<vmem>> -> memref<80x128xf32, #tpu.memory_space<vmem>>
    %dma_start3A_21 = arith.constant 0 : i32
    %dma_start3A_22 = tpu.memref_slice %arg11[%add3A_17, %dma_start3A_21] : memref<10240x128xf32, #tpu.memory_space<vmem_shared>> -> memref<80x128xf32, #tpu.memory_space<vmem_shared>>
    %dma_start3A_23 = arith.constant 0 : i32
    %dma_start3A_24 = tpu.memref_slice %arg11[%add3A_17, %dma_start3A_23] : memref<10240x128xf32, #tpu.memory_space<vmem_shared>> -> memref<80x128xf32, #tpu.memory_space<vmem_shared>>
    %dma_start3A_25 = arith.constant 0 : i32
    %dma_start3A_26 = arith.constant 0 : i32
    %dma_start3A_27 = tpu.memref_slice %arg9[%dma_start3A_25, %dma_start3A_26] : memref<80x128xf32, #tpu.memory_space<vmem>> -> memref<80x128xf32, #tpu.memory_space<vmem>>
    tpu.enqueue_dma source(%dma_start3A_27 : memref<80x128xf32, #tpu.memory_space<vmem>>) target(%dma_start3A_24 : memref<80x128xf32, #tpu.memory_space<vmem_shared>>) target_semaphore(%arg13 : memref<!tpu.dma_semaphore, #tpu.memory_space<semaphore_mem>>)
    %mul3A_28 = arith.constant 640 : i32
    %mul3A_29 = arith.muli %arg1, %mul3A_28 : i32
    %add3A_30 = arith.constant 160 : i32
    %add3A_31 = arith.addi %mul3A_29, %add3A_30 : i32
    %dma_start3A_32 = arith.constant 0 : i32
    %dma_start3A_33 = arith.constant 0 : i32
    %dma_start3A_34 = tpu.memref_slice %arg9[%dma_start3A_32, %dma_start3A_33] : memref<80x128xf32, #tpu.memory_space<vmem>> -> memref<80x128xf32, #tpu.memory_space<vmem>>
    %dma_start3A_35 = arith.constant 0 : i32
    %dma_start3A_36 = tpu.memref_slice %arg11[%add3A_31, %dma_start3A_35] : memref<10240x128xf32, #tpu.memory_space<vmem_shared>> -> memref<80x128xf32, #tpu.memory_space<vmem_shared>>
    %dma_start3A_37 = arith.constant 0 : i32
    %dma_start3A_38 = tpu.memref_slice %arg11[%add3A_31, %dma_start3A_37] : memref<10240x128xf32, #tpu.memory_space<vmem_shared>> -> memref<80x128xf32, #tpu.memory_space<vmem_shared>>
    %dma_start3A_39 = arith.constant 0 : i32
    %dma_start3A_40 = arith.constant 0 : i32
    %dma_start3A_41 = tpu.memref_slice %arg9[%dma_start3A_39, %dma_start3A_40] : memref<80x128xf32, #tpu.memory_space<vmem>> -> memref<80x128xf32, #tpu.memory_space<vmem>>
    tpu.enqueue_dma source(%dma_start3A_41 : memref<80x128xf32, #tpu.memory_space<vmem>>) target(%dma_start3A_38 : memref<80x128xf32, #tpu.memory_space<vmem_shared>>) target_semaphore(%arg13 : memref<!tpu.dma_semaphore, #tpu.memory_space<semaphore_mem>>)
    %mul3A_42 = arith.constant 640 : i32
    %mul3A_43 = arith.muli %arg1, %mul3A_42 : i32
    %add3A_44 = arith.constant 240 : i32
    %add3A_45 = arith.addi %mul3A_43, %add3A_44 : i32
    %dma_start3A_46 = arith.constant 0 : i32
    %dma_start3A_47 = arith.constant 0 : i32
    %dma_start3A_48 = tpu.memref_slice %arg9[%dma_start3A_46, %dma_start3A_47] : memref<80x128xf32, #tpu.memory_space<vmem>> -> memref<80x128xf32, #tpu.memory_space<vmem>>
    %dma_start3A_49 = arith.constant 0 : i32
    %dma_start3A_50 = tpu.memref_slice %arg11[%add3A_45, %dma_start3A_49] : memref<10240x128xf32, #tpu.memory_space<vmem_shared>> -> memref<80x128xf32, #tpu.memory_space<vmem_shared>>
    %dma_start3A_51 = arith.constant 0 : i32
    %dma_start3A_52 = tpu.memref_slice %arg11[%add3A_45, %dma_start3A_51] : memref<10240x128xf32, #tpu.memory_space<vmem_shared>> -> memref<80x128xf32, #tpu.memory_space<vmem_shared>>
    %dma_start3A_53 = arith.constant 0 : i32
    %dma_start3A_54 = arith.constant 0 : i32
    %dma_start3A_55 = tpu.memref_slice %arg9[%dma_start3A_53, %dma_start3A_54] : memref<80x128xf32, #tpu.memory_space<vmem>> -> memref<80x128xf32, #tpu.memory_space<vmem>>
    tpu.enqueue_dma source(%dma_start3A_55 : memref<80x128xf32, #tpu.memory_space<vmem>>) target(%dma_start3A_52 : memref<80x128xf32, #tpu.memory_space<vmem_shared>>) target_semaphore(%arg13 : memref<!tpu.dma_semaphore, #tpu.memory_space<semaphore_mem>>)
    %mul3A_56 = arith.constant 640 : i32
    %mul3A_57 = arith.muli %arg1, %mul3A_56 : i32
    %add3A_58 = arith.constant 320 : i32
    %add3A_59 = arith.addi %mul3A_57, %add3A_58 : i32
    %dma_start3A_60 = arith.constant 0 : i32
    %dma_start3A_61 = arith.constant 0 : i32
    %dma_start3A_62 = tpu.memref_slice %arg9[%dma_start3A_60, %dma_start3A_61] : memref<80x128xf32, #tpu.memory_space<vmem>> -> memref<80x128xf32, #tpu.memory_space<vmem>>
    %dma_start3A_63 = arith.constant 0 : i32
    %dma_start3A_64 = tpu.memref_slice %arg11[%add3A_59, %dma_start3A_63] : memref<10240x128xf32, #tpu.memory_space<vmem_shared>> -> memref<80x128xf32, #tpu.memory_space<vmem_shared>>
    %dma_start3A_65 = arith.constant 0 : i32
    %dma_start3A_66 = tpu.memref_slice %arg11[%add3A_59, %dma_start3A_65] : memref<10240x128xf32, #tpu.memory_space<vmem_shared>> -> memref<80x128xf32, #tpu.memory_space<vmem_shared>>
    %dma_start3A_67 = arith.constant 0 : i32
    %dma_start3A_68 = arith.constant 0 : i32
    %dma_start3A_69 = tpu.memref_slice %arg9[%dma_start3A_67, %dma_start3A_68] : memref<80x128xf32, #tpu.memory_space<vmem>> -> memref<80x128xf32, #tpu.memory_space<vmem>>
    tpu.enqueue_dma source(%dma_start3A_69 : memref<80x128xf32, #tpu.memory_space<vmem>>) target(%dma_start3A_66 : memref<80x128xf32, #tpu.memory_space<vmem_shared>>) target_semaphore(%arg13 : memref<!tpu.dma_semaphore, #tpu.memory_space<semaphore_mem>>)
    %mul3A_70 = arith.constant 640 : i32
    %mul3A_71 = arith.muli %arg1, %mul3A_70 : i32
    %add3A_72 = arith.constant 400 : i32
    %add3A_73 = arith.addi %mul3A_71, %add3A_72 : i32
    %dma_start3A_74 = arith.constant 0 : i32
    %dma_start3A_75 = arith.constant 0 : i32
    %dma_start3A_76 = tpu.memref_slice %arg9[%dma_start3A_74, %dma_start3A_75] : memref<80x128xf32, #tpu.memory_space<vmem>> -> memref<80x128xf32, #tpu.memory_space<vmem>>
    %dma_start3A_77 = arith.constant 0 : i32
    %dma_start3A_78 = tpu.memref_slice %arg11[%add3A_73, %dma_start3A_77] : memref<10240x128xf32, #tpu.memory_space<vmem_shared>> -> memref<80x128xf32, #tpu.memory_space<vmem_shared>>
    %dma_start3A_79 = arith.constant 0 : i32
    %dma_start3A_80 = tpu.memref_slice %arg11[%add3A_73, %dma_start3A_79] : memref<10240x128xf32, #tpu.memory_space<vmem_shared>> -> memref<80x128xf32, #tpu.memory_space<vmem_shared>>
    %dma_start3A_81 = arith.constant 0 : i32
    %dma_start3A_82 = arith.constant 0 : i32
    %dma_start3A_83 = tpu.memref_slice %arg9[%dma_start3A_81, %dma_start3A_82] : memref<80x128xf32, #tpu.memory_space<vmem>> -> memref<80x128xf32, #tpu.memory_space<vmem>>
    tpu.enqueue_dma source(%dma_start3A_83 : memref<80x128xf32, #tpu.memory_space<vmem>>) target(%dma_start3A_80 : memref<80x128xf32, #tpu.memory_space<vmem_shared>>) target_semaphore(%arg13 : memref<!tpu.dma_semaphore, #tpu.memory_space<semaphore_mem>>)
    %mul3A_84 = arith.constant 640 : i32
    %mul3A_85 = arith.muli %arg1, %mul3A_84 : i32
    %add3A_86 = arith.constant 480 : i32
    %add3A_87 = arith.addi %mul3A_85, %add3A_86 : i32
    %dma_start3A_88 = arith.constant 0 : i32
    %dma_start3A_89 = arith.constant 0 : i32
    %dma_start3A_90 = tpu.memref_slice %arg9[%dma_start3A_88, %dma_start3A_89] : memref<80x128xf32, #tpu.memory_space<vmem>> -> memref<80x128xf32, #tpu.memory_space<vmem>>
    %dma_start3A_91 = arith.constant 0 : i32
    %dma_start3A_92 = tpu.memref_slice %arg11[%add3A_87, %dma_start3A_91] : memref<10240x128xf32, #tpu.memory_space<vmem_shared>> -> memref<80x128xf32, #tpu.memory_space<vmem_shared>>
    %dma_start3A_93 = arith.constant 0 : i32
    %dma_start3A_94 = tpu.memref_slice %arg11[%add3A_87, %dma_start3A_93] : memref<10240x128xf32, #tpu.memory_space<vmem_shared>> -> memref<80x128xf32, #tpu.memory_space<vmem_shared>>
    %dma_start3A_95 = arith.constant 0 : i32
    %dma_start3A_96 = arith.constant 0 : i32
    %dma_start3A_97 = tpu.memref_slice %arg9[%dma_start3A_95, %dma_start3A_96] : memref<80x128xf32, #tpu.memory_space<vmem>> -> memref<80x128xf32, #tpu.memory_space<vmem>>
    tpu.enqueue_dma source(%dma_start3A_97 : memref<80x128xf32, #tpu.memory_space<vmem>>) target(%dma_start3A_94 : memref<80x128xf32, #tpu.memory_space<vmem_shared>>) target_semaphore(%arg13 : memref<!tpu.dma_semaphore, #tpu.memory_space<semaphore_mem>>)
    %mul3A_98 = arith.constant 640 : i32
    %mul3A_99 = arith.muli %arg1, %mul3A_98 : i32
    %add3A_100 = arith.constant 560 : i32
    %add3A_101 = arith.addi %mul3A_99, %add3A_100 : i32
    %dma_start3A_102 = arith.constant 0 : i32
    %dma_start3A_103 = arith.constant 0 : i32
    %dma_start3A_104 = tpu.memref_slice %arg9[%dma_start3A_102, %dma_start3A_103] : memref<80x128xf32, #tpu.memory_space<vmem>> -> memref<80x128xf32, #tpu.memory_space<vmem>>
    %dma_start3A_105 = arith.constant 0 : i32
    %dma_start3A_106 = tpu.memref_slice %arg11[%add3A_101, %dma_start3A_105] : memref<10240x128xf32, #tpu.memory_space<vmem_shared>> -> memref<80x128xf32, #tpu.memory_space<vmem_shared>>
    %dma_start3A_107 = arith.constant 0 : i32
    %dma_start3A_108 = tpu.memref_slice %arg11[%add3A_101, %dma_start3A_107] : memref<10240x128xf32, #tpu.memory_space<vmem_shared>> -> memref<80x128xf32, #tpu.memory_space<vmem_shared>>
    %dma_start3A_109 = arith.constant 0 : i32
    %dma_start3A_110 = arith.constant 0 : i32
    %dma_start3A_111 = tpu.memref_slice %arg9[%dma_start3A_109, %dma_start3A_110] : memref<80x128xf32, #tpu.memory_space<vmem>> -> memref<80x128xf32, #tpu.memory_space<vmem>>
    tpu.enqueue_dma source(%dma_start3A_111 : memref<80x128xf32, #tpu.memory_space<vmem>>) target(%dma_start3A_108 : memref<80x128xf32, #tpu.memory_space<vmem_shared>>) target_semaphore(%arg13 : memref<!tpu.dma_semaphore, #tpu.memory_space<semaphore_mem>>)
    %mul3A_112 = arith.constant 640 : i32
    %mul3A_113 = arith.muli %arg1, %mul3A_112 : i32
    %add3A_114 = arith.constant 0 : i32
    %add3A_115 = arith.addi %mul3A_113, %add3A_114 : i32
    %dma_wait3A = arith.constant 0 : i32
    %dma_wait3A_116 = arith.constant 0 : i32
    %dma_wait3A_117 = tpu.memref_slice %arg9[%dma_wait3A, %dma_wait3A_116] : memref<80x128xf32, #tpu.memory_space<vmem>> -> memref<80x128xf32, #tpu.memory_space<vmem>>
    %dma_wait3A_118 = arith.constant 0 : i32
    %dma_wait3A_119 = tpu.memref_slice %arg11[%add3A_115, %dma_wait3A_118] : memref<10240x128xf32, #tpu.memory_space<vmem_shared>> -> memref<80x128xf32, #tpu.memory_space<vmem_shared>>
    %dma_wait3A_120 = arith.constant 0 : i32
    %dma_wait3A_121 = tpu.memref_slice %arg11[%add3A_115, %dma_wait3A_120] : memref<10240x128xf32, #tpu.memory_space<vmem_shared>> -> memref<80x128xf32, #tpu.memory_space<vmem_shared>>
    %dma_wait3A_122 = arith.constant 0 : i32
    %dma_wait3A_123 = arith.constant 0 : i32
    %dma_wait3A_124 = tpu.memref_slice %arg9[%dma_wait3A_122, %dma_wait3A_123] : memref<80x128xf32, #tpu.memory_space<vmem>> -> memref<80x128xf32, #tpu.memory_space<vmem>>
    tpu.wait_dma2 semaphore(%arg13 : memref<!tpu.dma_semaphore, #tpu.memory_space<semaphore_mem>>) src(%dma_wait3A_124 : memref<80x128xf32, #tpu.memory_space<vmem>>) dst(%dma_wait3A_121 : memref<80x128xf32, #tpu.memory_space<vmem_shared>>)
    %mul3A_125 = arith.constant 640 : i32
    %mul3A_126 = arith.muli %arg1, %mul3A_125 : i32
    %add3A_127 = arith.constant 80 : i32
    %add3A_128 = arith.addi %mul3A_126, %add3A_127 : i32
    %dma_wait3A_129 = arith.constant 0 : i32
    %dma_wait3A_130 = arith.constant 0 : i32
    %dma_wait3A_131 = tpu.memref_slice %arg9[%dma_wait3A_129, %dma_wait3A_130] : memref<80x128xf32, #tpu.memory_space<vmem>> -> memref<80x128xf32, #tpu.memory_space<vmem>>
    %dma_wait3A_132 = arith.constant 0 : i32
    %dma_wait3A_133 = tpu.memref_slice %arg11[%add3A_128, %dma_wait3A_132] : memref<10240x128xf32, #tpu.memory_space<vmem_shared>> -> memref<80x128xf32, #tpu.memory_space<vmem_shared>>
    %dma_wait3A_134 = arith.constant 0 : i32
    %dma_wait3A_135 = tpu.memref_slice %arg11[%add3A_128, %dma_wait3A_134] : memref<10240x128xf32, #tpu.memory_space<vmem_shared>> -> memref<80x128xf32, #tpu.memory_space<vmem_shared>>
    %dma_wait3A_136 = arith.constant 0 : i32
    %dma_wait3A_137 = arith.constant 0 : i32
    %dma_wait3A_138 = tpu.memref_slice %arg9[%dma_wait3A_136, %dma_wait3A_137] : memref<80x128xf32, #tpu.memory_space<vmem>> -> memref<80x128xf32, #tpu.memory_space<vmem>>
    tpu.wait_dma2 semaphore(%arg13 : memref<!tpu.dma_semaphore, #tpu.memory_space<semaphore_mem>>) src(%dma_wait3A_138 : memref<80x128xf32, #tpu.memory_space<vmem>>) dst(%dma_wait3A_135 : memref<80x128xf32, #tpu.memory_space<vmem_shared>>)
    %mul3A_139 = arith.constant 640 : i32
    %mul3A_140 = arith.muli %arg1, %mul3A_139 : i32
    %add3A_141 = arith.constant 160 : i32
    %add3A_142 = arith.addi %mul3A_140, %add3A_141 : i32
    %dma_wait3A_143 = arith.constant 0 : i32
    %dma_wait3A_144 = arith.constant 0 : i32
    %dma_wait3A_145 = tpu.memref_slice %arg9[%dma_wait3A_143, %dma_wait3A_144] : memref<80x128xf32, #tpu.memory_space<vmem>> -> memref<80x128xf32, #tpu.memory_space<vmem>>
    %dma_wait3A_146 = arith.constant 0 : i32
    %dma_wait3A_147 = tpu.memref_slice %arg11[%add3A_142, %dma_wait3A_146] : memref<10240x128xf32, #tpu.memory_space<vmem_shared>> -> memref<80x128xf32, #tpu.memory_space<vmem_shared>>
    %dma_wait3A_148 = arith.constant 0 : i32
    %dma_wait3A_149 = tpu.memref_slice %arg11[%add3A_142, %dma_wait3A_148] : memref<10240x128xf32, #tpu.memory_space<vmem_shared>> -> memref<80x128xf32, #tpu.memory_space<vmem_shared>>
    %dma_wait3A_150 = arith.constant 0 : i32
    %dma_wait3A_151 = arith.constant 0 : i32
    %dma_wait3A_152 = tpu.memref_slice %arg9[%dma_wait3A_150, %dma_wait3A_151] : memref<80x128xf32, #tpu.memory_space<vmem>> -> memref<80x128xf32, #tpu.memory_space<vmem>>
    tpu.wait_dma2 semaphore(%arg13 : memref<!tpu.dma_semaphore, #tpu.memory_space<semaphore_mem>>) src(%dma_wait3A_152 : memref<80x128xf32, #tpu.memory_space<vmem>>) dst(%dma_wait3A_149 : memref<80x128xf32, #tpu.memory_space<vmem_shared>>)
    %mul3A_153 = arith.constant 640 : i32
    %mul3A_154 = arith.muli %arg1, %mul3A_153 : i32
    %add3A_155 = arith.constant 240 : i32
    %add3A_156 = arith.addi %mul3A_154, %add3A_155 : i32
    %dma_wait3A_157 = arith.constant 0 : i32
    %dma_wait3A_158 = arith.constant 0 : i32
    %dma_wait3A_159 = tpu.memref_slice %arg9[%dma_wait3A_157, %dma_wait3A_158] : memref<80x128xf32, #tpu.memory_space<vmem>> -> memref<80x128xf32, #tpu.memory_space<vmem>>
    %dma_wait3A_160 = arith.constant 0 : i32
    %dma_wait3A_161 = tpu.memref_slice %arg11[%add3A_156, %dma_wait3A_160] : memref<10240x128xf32, #tpu.memory_space<vmem_shared>> -> memref<80x128xf32, #tpu.memory_space<vmem_shared>>
    %dma_wait3A_162 = arith.constant 0 : i32
    %dma_wait3A_163 = tpu.memref_slice %arg11[%add3A_156, %dma_wait3A_162] : memref<10240x128xf32, #tpu.memory_space<vmem_shared>> -> memref<80x128xf32, #tpu.memory_space<vmem_shared>>
    %dma_wait3A_164 = arith.constant 0 : i32
    %dma_wait3A_165 = arith.constant 0 : i32
    %dma_wait3A_166 = tpu.memref_slice %arg9[%dma_wait3A_164, %dma_wait3A_165] : memref<80x128xf32, #tpu.memory_space<vmem>> -> memref<80x128xf32, #tpu.memory_space<vmem>>
    tpu.wait_dma2 semaphore(%arg13 : memref<!tpu.dma_semaphore, #tpu.memory_space<semaphore_mem>>) src(%dma_wait3A_166 : memref<80x128xf32, #tpu.memory_space<vmem>>) dst(%dma_wait3A_163 : memref<80x128xf32, #tpu.memory_space<vmem_shared>>)
    %mul3A_167 = arith.constant 640 : i32
    %mul3A_168 = arith.muli %arg1, %mul3A_167 : i32
    %add3A_169 = arith.constant 320 : i32
    %add3A_170 = arith.addi %mul3A_168, %add3A_169 : i32
    %dma_wait3A_171 = arith.constant 0 : i32
    %dma_wait3A_172 = arith.constant 0 : i32
    %dma_wait3A_173 = tpu.memref_slice %arg9[%dma_wait3A_171, %dma_wait3A_172] : memref<80x128xf32, #tpu.memory_space<vmem>> -> memref<80x128xf32, #tpu.memory_space<vmem>>
    %dma_wait3A_174 = arith.constant 0 : i32
    %dma_wait3A_175 = tpu.memref_slice %arg11[%add3A_170, %dma_wait3A_174] : memref<10240x128xf32, #tpu.memory_space<vmem_shared>> -> memref<80x128xf32, #tpu.memory_space<vmem_shared>>
    %dma_wait3A_176 = arith.constant 0 : i32
    %dma_wait3A_177 = tpu.memref_slice %arg11[%add3A_170, %dma_wait3A_176] : memref<10240x128xf32, #tpu.memory_space<vmem_shared>> -> memref<80x128xf32, #tpu.memory_space<vmem_shared>>
    %dma_wait3A_178 = arith.constant 0 : i32
    %dma_wait3A_179 = arith.constant 0 : i32
    %dma_wait3A_180 = tpu.memref_slice %arg9[%dma_wait3A_178, %dma_wait3A_179] : memref<80x128xf32, #tpu.memory_space<vmem>> -> memref<80x128xf32, #tpu.memory_space<vmem>>
    tpu.wait_dma2 semaphore(%arg13 : memref<!tpu.dma_semaphore, #tpu.memory_space<semaphore_mem>>) src(%dma_wait3A_180 : memref<80x128xf32, #tpu.memory_space<vmem>>) dst(%dma_wait3A_177 : memref<80x128xf32, #tpu.memory_space<vmem_shared>>)
    %mul3A_181 = arith.constant 640 : i32
    %mul3A_182 = arith.muli %arg1, %mul3A_181 : i32
    %add3A_183 = arith.constant 400 : i32
    %add3A_184 = arith.addi %mul3A_182, %add3A_183 : i32
    %dma_wait3A_185 = arith.constant 0 : i32
    %dma_wait3A_186 = arith.constant 0 : i32
    %dma_wait3A_187 = tpu.memref_slice %arg9[%dma_wait3A_185, %dma_wait3A_186] : memref<80x128xf32, #tpu.memory_space<vmem>> -> memref<80x128xf32, #tpu.memory_space<vmem>>
    %dma_wait3A_188 = arith.constant 0 : i32
    %dma_wait3A_189 = tpu.memref_slice %arg11[%add3A_184, %dma_wait3A_188] : memref<10240x128xf32, #tpu.memory_space<vmem_shared>> -> memref<80x128xf32, #tpu.memory_space<vmem_shared>>
    %dma_wait3A_190 = arith.constant 0 : i32
    %dma_wait3A_191 = tpu.memref_slice %arg11[%add3A_184, %dma_wait3A_190] : memref<10240x128xf32, #tpu.memory_space<vmem_shared>> -> memref<80x128xf32, #tpu.memory_space<vmem_shared>>
    %dma_wait3A_192 = arith.constant 0 : i32
    %dma_wait3A_193 = arith.constant 0 : i32
    %dma_wait3A_194 = tpu.memref_slice %arg9[%dma_wait3A_192, %dma_wait3A_193] : memref<80x128xf32, #tpu.memory_space<vmem>> -> memref<80x128xf32, #tpu.memory_space<vmem>>
    tpu.wait_dma2 semaphore(%arg13 : memref<!tpu.dma_semaphore, #tpu.memory_space<semaphore_mem>>) src(%dma_wait3A_194 : memref<80x128xf32, #tpu.memory_space<vmem>>) dst(%dma_wait3A_191 : memref<80x128xf32, #tpu.memory_space<vmem_shared>>)
    %mul3A_195 = arith.constant 640 : i32
    %mul3A_196 = arith.muli %arg1, %mul3A_195 : i32
    %add3A_197 = arith.constant 480 : i32
    %add3A_198 = arith.addi %mul3A_196, %add3A_197 : i32
    %dma_wait3A_199 = arith.constant 0 : i32
    %dma_wait3A_200 = arith.constant 0 : i32
    %dma_wait3A_201 = tpu.memref_slice %arg9[%dma_wait3A_199, %dma_wait3A_200] : memref<80x128xf32, #tpu.memory_space<vmem>> -> memref<80x128xf32, #tpu.memory_space<vmem>>
    %dma_wait3A_202 = arith.constant 0 : i32
    %dma_wait3A_203 = tpu.memref_slice %arg11[%add3A_198, %dma_wait3A_202] : memref<10240x128xf32, #tpu.memory_space<vmem_shared>> -> memref<80x128xf32, #tpu.memory_space<vmem_shared>>
    %dma_wait3A_204 = arith.constant 0 : i32
    %dma_wait3A_205 = tpu.memref_slice %arg11[%add3A_198, %dma_wait3A_204] : memref<10240x128xf32, #tpu.memory_space<vmem_shared>> -> memref<80x128xf32, #tpu.memory_space<vmem_shared>>
    %dma_wait3A_206 = arith.constant 0 : i32
    %dma_wait3A_207 = arith.constant 0 : i32
    %dma_wait3A_208 = tpu.memref_slice %arg9[%dma_wait3A_206, %dma_wait3A_207] : memref<80x128xf32, #tpu.memory_space<vmem>> -> memref<80x128xf32, #tpu.memory_space<vmem>>
    tpu.wait_dma2 semaphore(%arg13 : memref<!tpu.dma_semaphore, #tpu.memory_space<semaphore_mem>>) src(%dma_wait3A_208 : memref<80x128xf32, #tpu.memory_space<vmem>>) dst(%dma_wait3A_205 : memref<80x128xf32, #tpu.memory_space<vmem_shared>>)
    %mul3A_209 = arith.constant 640 : i32
    %mul3A_210 = arith.muli %arg1, %mul3A_209 : i32
    %add3A_211 = arith.constant 560 : i32
    %add3A_212 = arith.addi %mul3A_210, %add3A_211 : i32
    %dma_wait3A_213 = arith.constant 0 : i32
    %dma_wait3A_214 = arith.constant 0 : i32
    %dma_wait3A_215 = tpu.memref_slice %arg9[%dma_wait3A_213, %dma_wait3A_214] : memref<80x128xf32, #tpu.memory_space<vmem>> -> memref<80x128xf32, #tpu.memory_space<vmem>>
    %dma_wait3A_216 = arith.constant 0 : i32
    %dma_wait3A_217 = tpu.memref_slice %arg11[%add3A_212, %dma_wait3A_216] : memref<10240x128xf32, #tpu.memory_space<vmem_shared>> -> memref<80x128xf32, #tpu.memory_space<vmem_shared>>
    %dma_wait3A_218 = arith.constant 0 : i32
    %dma_wait3A_219 = tpu.memref_slice %arg11[%add3A_212, %dma_wait3A_218] : memref<10240x128xf32, #tpu.memory_space<vmem_shared>> -> memref<80x128xf32, #tpu.memory_space<vmem_shared>>
    %dma_wait3A_220 = arith.constant 0 : i32
    %dma_wait3A_221 = arith.constant 0 : i32
    %dma_wait3A_222 = tpu.memref_slice %arg9[%dma_wait3A_220, %dma_wait3A_221] : memref<80x128xf32, #tpu.memory_space<vmem>> -> memref<80x128xf32, #tpu.memory_space<vmem>>
    tpu.wait_dma2 semaphore(%arg13 : memref<!tpu.dma_semaphore, #tpu.memory_space<semaphore_mem>>) src(%dma_wait3A_222 : memref<80x128xf32, #tpu.memory_space<vmem>>) dst(%dma_wait3A_219 : memref<80x128xf32, #tpu.memory_space<vmem_shared>>)
    "tpu.region"() ({
      %run_scoped3A_532 = tpu.sem_alloc : memref<!tpu.dma_semaphore, #tpu.memory_space<semaphore_mem>>
      %dma_start3A_533 = arith.constant 0 : i32
      %dma_start3A_534 = tpu.memref_slice %arg3[%add3A, %dma_start3A_533] : memref<32x10000xi32, #tpu.memory_space<hbm>> -> memref<1x10000xi32, #tpu.memory_space<hbm>>
      %dma_start3A_535 = tpu.memref_squeeze %dma_start3A_534 : memref<1x10000xi32, #tpu.memory_space<hbm>> -> memref<10000xi32, #tpu.memory_space<hbm>>
      %dma_start3A_536 = arith.constant 0 : i32
      %dma_start3A_537 = tpu.memref_slice %arg3[%add3A, %dma_start3A_536] : memref<32x10000xi32, #tpu.memory_space<hbm>> -> memref<1x10000xi32, #tpu.memory_space<hbm>>
      %dma_start3A_538 = tpu.memref_squeeze %dma_start3A_537 : memref<1x10000xi32, #tpu.memory_space<hbm>> -> memref<10000xi32, #tpu.memory_space<hbm>>
      tpu.enqueue_dma source(%dma_start3A_538 : memref<10000xi32, #tpu.memory_space<hbm>>) target(%arg7 : memref<10000xi32, #tpu.memory_space<vmem>>) target_semaphore(%run_scoped3A_532 : memref<!tpu.dma_semaphore, #tpu.memory_space<semaphore_mem>>)
      %dma_wait3A_539 = arith.constant 0 : i32
      %dma_wait3A_540 = tpu.memref_slice %arg3[%add3A, %dma_wait3A_539] : memref<32x10000xi32, #tpu.memory_space<hbm>> -> memref<1x10000xi32, #tpu.memory_space<hbm>>
      %dma_wait3A_541 = tpu.memref_squeeze %dma_wait3A_540 : memref<1x10000xi32, #tpu.memory_space<hbm>> -> memref<10000xi32, #tpu.memory_space<hbm>>
      %dma_wait3A_542 = arith.constant 0 : i32
      %dma_wait3A_543 = tpu.memref_slice %arg3[%add3A, %dma_wait3A_542] : memref<32x10000xi32, #tpu.memory_space<hbm>> -> memref<1x10000xi32, #tpu.memory_space<hbm>>
      %dma_wait3A_544 = tpu.memref_squeeze %dma_wait3A_543 : memref<1x10000xi32, #tpu.memory_space<hbm>> -> memref<10000xi32, #tpu.memory_space<hbm>>
      tpu.wait_dma2 semaphore(%run_scoped3A_532 : memref<!tpu.dma_semaphore, #tpu.memory_space<semaphore_mem>>) src(%dma_wait3A_544 : memref<10000xi32, #tpu.memory_space<hbm>>) dst(%arg7 : memref<10000xi32, #tpu.memory_space<vmem>>)
      tpu.yield
    }) : () -> ()
    "tpu.region"() ({
      %run_scoped3A_532 = tpu.sem_alloc : memref<!tpu.dma_semaphore, #tpu.memory_space<semaphore_mem>>
      %dma_start3A_533 = arith.constant 0 : i32
      %dma_start3A_534 = arith.constant 0 : i32
      %dma_start3A_535 = tpu.memref_slice %arg4[%add3A, %dma_start3A_533, %dma_start3A_534] : memref<32x125x80xi32, #tpu.memory_space<hbm>> -> memref<1x125x80xi32, #tpu.memory_space<hbm>>
      %dma_start3A_536 = tpu.memref_squeeze %dma_start3A_535 : memref<1x125x80xi32, #tpu.memory_space<hbm>> -> memref<125x80xi32, #tpu.memory_space<hbm>>
      %dma_start3A_537 = arith.constant 0 : i32
      %dma_start3A_538 = arith.constant 0 : i32
      %dma_start3A_539 = tpu.memref_slice %arg4[%add3A, %dma_start3A_537, %dma_start3A_538] : memref<32x125x80xi32, #tpu.memory_space<hbm>> -> memref<1x125x80xi32, #tpu.memory_space<hbm>>
      %dma_start3A_540 = tpu.memref_squeeze %dma_start3A_539 : memref<1x125x80xi32, #tpu.memory_space<hbm>> -> memref<125x80xi32, #tpu.memory_space<hbm>>
      tpu.enqueue_dma source(%dma_start3A_540 : memref<125x80xi32, #tpu.memory_space<hbm>>) target(%arg8 : memref<125x80xi32, #tpu.memory_space<vmem>>) target_semaphore(%run_scoped3A_532 : memref<!tpu.dma_semaphore, #tpu.memory_space<semaphore_mem>>)
      %dma_wait3A_541 = arith.constant 0 : i32
      %dma_wait3A_542 = arith.constant 0 : i32
      %dma_wait3A_543 = tpu.memref_slice %arg4[%add3A, %dma_wait3A_541, %dma_wait3A_542] : memref<32x125x80xi32, #tpu.memory_space<hbm>> -> memref<1x125x80xi32, #tpu.memory_space<hbm>>
      %dma_wait3A_544 = tpu.memref_squeeze %dma_wait3A_543 : memref<1x125x80xi32, #tpu.memory_space<hbm>> -> memref<125x80xi32, #tpu.memory_space<hbm>>
      %dma_wait3A_545 = arith.constant 0 : i32
      %dma_wait3A_546 = arith.constant 0 : i32
      %dma_wait3A_547 = tpu.memref_slice %arg4[%add3A, %dma_wait3A_545, %dma_wait3A_546] : memref<32x125x80xi32, #tpu.memory_space<hbm>> -> memref<1x125x80xi32, #tpu.memory_space<hbm>>
      %dma_wait3A_548 = tpu.memref_squeeze %dma_wait3A_547 : memref<1x125x80xi32, #tpu.memory_space<hbm>> -> memref<125x80xi32, #tpu.memory_space<hbm>>
      tpu.wait_dma2 semaphore(%run_scoped3A_532 : memref<!tpu.dma_semaphore, #tpu.memory_space<semaphore_mem>>) src(%dma_wait3A_548 : memref<125x80xi32, #tpu.memory_space<hbm>>) dst(%arg8 : memref<125x80xi32, #tpu.memory_space<vmem>>)
      tpu.yield
    }) : () -> ()
    %dma_start3A_223 = arith.constant 0 : i32
    %dma_start3A_224 = tpu.memref_slice %arg7[%dma_start3A_223] : memref<10000xi32, #tpu.memory_space<vmem>> -> memref<80xi32, #tpu.memory_space<vmem>>
    %dma_start3A_225 = arith.constant 0 : i32
    %dma_start3A_226 = arith.constant 0 : i32
    %dma_start3A_227 = tpu.memref_slice %arg2[%dma_start3A_225, %dma_start3A_226] : memref<10240x128xf32, #tpu.memory_space<hbm>> -> memref<10240x128xf32, #tpu.memory_space<hbm>>
    tpu.enqueue_indirect_dma source(%dma_start3A_227 : memref<10240x128xf32, #tpu.memory_space<hbm>>) target(%arg9 : memref<80x128xf32, #tpu.memory_space<vmem>>) offsets(%dma_start3A_224 : memref<80xi32, #tpu.memory_space<vmem>>) semaphore(%arg12 : memref<!tpu.dma_semaphore, #tpu.memory_space<semaphore_mem>>)
    %dma_start3A_228 = arith.constant 80 : i32
    %dma_start3A_229 = tpu.memref_slice %arg7[%dma_start3A_228] : memref<10000xi32, #tpu.memory_space<vmem>> -> memref<80xi32, #tpu.memory_space<vmem>>
    %dma_start3A_230 = arith.constant 0 : i32
    %dma_start3A_231 = arith.constant 0 : i32
    %dma_start3A_232 = tpu.memref_slice %arg2[%dma_start3A_230, %dma_start3A_231] : memref<10240x128xf32, #tpu.memory_space<hbm>> -> memref<10240x128xf32, #tpu.memory_space<hbm>>
    tpu.enqueue_indirect_dma source(%dma_start3A_232 : memref<10240x128xf32, #tpu.memory_space<hbm>>) target(%arg10 : memref<80x128xf32, #tpu.memory_space<vmem>>) offsets(%dma_start3A_229 : memref<80xi32, #tpu.memory_space<vmem>>) semaphore(%arg13 : memref<!tpu.dma_semaphore, #tpu.memory_space<semaphore_mem>>)
    %barrier3A = arith.constant 0 : index
    tpu.barrier barrier_id(%barrier3A)
    %scan3A = arith.constant 0 : i32
    %scan3A_233 = arith.constant 0 : i32
    %scan3A_234 = arith.constant 62 : i32
    %scan3A_235 = arith.addi %scan3A_233, %scan3A_234 : i32
    %scan3A_236 = arith.constant 1 : i32
    scf.for %scan3A_532 = %scan3A_233 to %scan3A_235 step %scan3A_236  : i32 {
      %mul3A_533 = arith.constant 2 : i32
      %mul3A_534 = arith.muli %mul3A_533, %scan3A_532 : i32
      %mul3A_535 = arith.constant 80 : i32
      %mul3A_536 = arith.muli %mul3A_534, %mul3A_535 : i32
      %dma_wait3A_537 = tpu.memref_slice %arg7[%mul3A_536] : memref<10000xi32, #tpu.memory_space<vmem>> -> memref<80xi32, #tpu.memory_space<vmem>>
      %dma_wait3A_538 = arith.constant 0 : i32
      %dma_wait3A_539 = arith.constant 0 : i32
      %dma_wait3A_540 = tpu.memref_slice %arg2[%dma_wait3A_538, %dma_wait3A_539] : memref<10240x128xf32, #tpu.memory_space<hbm>> -> memref<10240x128xf32, #tpu.memory_space<hbm>>
      tpu.wait_indirect_dma semaphore(%arg12 : memref<!tpu.dma_semaphore, #tpu.memory_space<semaphore_mem>>) src(%dma_wait3A_540 : memref<10240x128xf32, #tpu.memory_space<hbm>>) dst(%arg9 : memref<80x128xf32, #tpu.memory_space<vmem>>)
      "tpu.region"() ({
        %run_scoped3A_561 = tpu.sem_alloc : memref<!tpu.dma_semaphore, #tpu.memory_space<semaphore_mem>>
        %dma_start3A_562 = arith.constant 0 : i32
        %dma_start3A_563 = tpu.memref_slice %arg8[%mul3A_534, %dma_start3A_562] : memref<125x80xi32, #tpu.memory_space<vmem>> -> memref<1x80xi32, #tpu.memory_space<vmem>>
        %dma_start3A_564 = tpu.memref_squeeze %dma_start3A_563 : memref<1x80xi32, #tpu.memory_space<vmem>> -> memref<80xi32, #tpu.memory_space<vmem>>
        %dma_start3A_565 = arith.constant 0 : i32
        %dma_start3A_566 = arith.constant 0 : i32
        %dma_start3A_567 = tpu.memref_slice %arg11[%dma_start3A_565, %dma_start3A_566] : memref<10240x128xf32, #tpu.memory_space<vmem_shared>> -> memref<10240x128xf32, #tpu.memory_space<vmem_shared>>
        tpu.enqueue_indirect_dma source(%arg9 : memref<80x128xf32, #tpu.memory_space<vmem>>) target(%dma_start3A_567 : memref<10240x128xf32, #tpu.memory_space<vmem_shared>>) offsets(%dma_start3A_564 : memref<80xi32, #tpu.memory_space<vmem>>) semaphore(%run_scoped3A_561 : memref<!tpu.dma_semaphore, #tpu.memory_space<semaphore_mem>>) {add = true}
        %dma_wait3A_568 = arith.constant 0 : i32
        %dma_wait3A_569 = tpu.memref_slice %arg8[%mul3A_534, %dma_wait3A_568] : memref<125x80xi32, #tpu.memory_space<vmem>> -> memref<1x80xi32, #tpu.memory_space<vmem>>
        %dma_wait3A_570 = tpu.memref_squeeze %dma_wait3A_569 : memref<1x80xi32, #tpu.memory_space<vmem>> -> memref<80xi32, #tpu.memory_space<vmem>>
        %dma_wait3A_571 = arith.constant 0 : i32
        %dma_wait3A_572 = arith.constant 0 : i32
        %dma_wait3A_573 = tpu.memref_slice %arg11[%dma_wait3A_571, %dma_wait3A_572] : memref<10240x128xf32, #tpu.memory_space<vmem_shared>> -> memref<10240x128xf32, #tpu.memory_space<vmem_shared>>
        tpu.wait_indirect_dma semaphore(%run_scoped3A_561 : memref<!tpu.dma_semaphore, #tpu.memory_space<semaphore_mem>>) src(%arg9 : memref<80x128xf32, #tpu.memory_space<vmem>>) dst(%dma_wait3A_573 : memref<10240x128xf32, #tpu.memory_space<vmem_shared>>)
        tpu.yield
      }) : () -> ()
      %add3A_541 = arith.constant 2 : i32
      %add3A_542 = arith.addi %mul3A_534, %add3A_541 : i32
      %mul3A_543 = arith.constant 80 : i32
      %mul3A_544 = arith.muli %add3A_542, %mul3A_543 : i32
      %dma_start3A_545 = tpu.memref_slice %arg7[%mul3A_544] : memref<10000xi32, #tpu.memory_space<vmem>> -> memref<80xi32, #tpu.memory_space<vmem>>
      %dma_start3A_546 = arith.constant 0 : i32
      %dma_start3A_547 = arith.constant 0 : i32
      %dma_start3A_548 = tpu.memref_slice %arg2[%dma_start3A_546, %dma_start3A_547] : memref<10240x128xf32, #tpu.memory_space<hbm>> -> memref<10240x128xf32, #tpu.memory_space<hbm>>
      tpu.enqueue_indirect_dma source(%dma_start3A_548 : memref<10240x128xf32, #tpu.memory_space<hbm>>) target(%arg9 : memref<80x128xf32, #tpu.memory_space<vmem>>) offsets(%dma_start3A_545 : memref<80xi32, #tpu.memory_space<vmem>>) semaphore(%arg12 : memref<!tpu.dma_semaphore, #tpu.memory_space<semaphore_mem>>)
      %add3A_549 = arith.constant 1 : i32
      %add3A_550 = arith.addi %mul3A_534, %add3A_549 : i32
      %mul3A_551 = arith.constant 80 : i32
      %mul3A_552 = arith.muli %add3A_550, %mul3A_551 : i32
      %dma_wait3A_553 = tpu.memref_slice %arg7[%mul3A_552] : memref<10000xi32, #tpu.memory_space<vmem>> -> memref<80xi32, #tpu.memory_space<vmem>>
      %dma_wait3A_554 = arith.constant 0 : i32
      %dma_wait3A_555 = arith.constant 0 : i32
      %dma_wait3A_556 = tpu.memref_slice %arg2[%dma_wait3A_554, %dma_wait3A_555] : memref<10240x128xf32, #tpu.memory_space<hbm>> -> memref<10240x128xf32, #tpu.memory_space<hbm>>
      tpu.wait_indirect_dma semaphore(%arg13 : memref<!tpu.dma_semaphore, #tpu.memory_space<semaphore_mem>>) src(%dma_wait3A_556 : memref<10240x128xf32, #tpu.memory_space<hbm>>) dst(%arg10 : memref<80x128xf32, #tpu.memory_space<vmem>>)
      %add3A_557 = arith.constant 1 : i32
      %add3A_558 = arith.addi %mul3A_534, %add3A_557 : i32
      "tpu.region"() ({
        %run_scoped3A_561 = tpu.sem_alloc : memref<!tpu.dma_semaphore, #tpu.memory_space<semaphore_mem>>
        %dma_start3A_562 = arith.constant 0 : i32
        %dma_start3A_563 = tpu.memref_slice %arg8[%add3A_558, %dma_start3A_562] : memref<125x80xi32, #tpu.memory_space<vmem>> -> memref<1x80xi32, #tpu.memory_space<vmem>>
        %dma_start3A_564 = tpu.memref_squeeze %dma_start3A_563 : memref<1x80xi32, #tpu.memory_space<vmem>> -> memref<80xi32, #tpu.memory_space<vmem>>
        %dma_start3A_565 = arith.constant 0 : i32
        %dma_start3A_566 = arith.constant 0 : i32
        %dma_start3A_567 = tpu.memref_slice %arg11[%dma_start3A_565, %dma_start3A_566] : memref<10240x128xf32, #tpu.memory_space<vmem_shared>> -> memref<10240x128xf32, #tpu.memory_space<vmem_shared>>
        tpu.enqueue_indirect_dma source(%arg10 : memref<80x128xf32, #tpu.memory_space<vmem>>) target(%dma_start3A_567 : memref<10240x128xf32, #tpu.memory_space<vmem_shared>>) offsets(%dma_start3A_564 : memref<80xi32, #tpu.memory_space<vmem>>) semaphore(%run_scoped3A_561 : memref<!tpu.dma_semaphore, #tpu.memory_space<semaphore_mem>>) {add = true}
        %dma_wait3A_568 = arith.constant 0 : i32
        %dma_wait3A_569 = tpu.memref_slice %arg8[%add3A_558, %dma_wait3A_568] : memref<125x80xi32, #tpu.memory_space<vmem>> -> memref<1x80xi32, #tpu.memory_space<vmem>>
        %dma_wait3A_570 = tpu.memref_squeeze %dma_wait3A_569 : memref<1x80xi32, #tpu.memory_space<vmem>> -> memref<80xi32, #tpu.memory_space<vmem>>
        %dma_wait3A_571 = arith.constant 0 : i32
        %dma_wait3A_572 = arith.constant 0 : i32
        %dma_wait3A_573 = tpu.memref_slice %arg11[%dma_wait3A_571, %dma_wait3A_572] : memref<10240x128xf32, #tpu.memory_space<vmem_shared>> -> memref<10240x128xf32, #tpu.memory_space<vmem_shared>>
        tpu.wait_indirect_dma semaphore(%run_scoped3A_561 : memref<!tpu.dma_semaphore, #tpu.memory_space<semaphore_mem>>) src(%arg10 : memref<80x128xf32, #tpu.memory_space<vmem>>) dst(%dma_wait3A_573 : memref<10240x128xf32, #tpu.memory_space<vmem_shared>>)
        tpu.yield
      }) : () -> ()
      %lt3A = arith.constant 61 : i32
      %lt3A_559 = arith.cmpi slt, %scan3A_532, %lt3A : i32
      %convert_element_type3A = arith.extui %lt3A_559 : i1 to i32
      %cond3A = arith.constant 0 : i32
      %cond3A_560 = arith.cmpi ne, %convert_element_type3A, %cond3A : i32
      scf.if %cond3A_560 {
        %add3A_561 = arith.constant 3 : i32
        %add3A_562 = arith.addi %mul3A_534, %add3A_561 : i32
        %mul3A_563 = arith.constant 80 : i32
        %mul3A_564 = arith.muli %add3A_562, %mul3A_563 : i32
        %dma_start3A_565 = tpu.memref_slice %arg7[%mul3A_564] : memref<10000xi32, #tpu.memory_space<vmem>> -> memref<80xi32, #tpu.memory_space<vmem>>
        %dma_start3A_566 = arith.constant 0 : i32
        %dma_start3A_567 = arith.constant 0 : i32
        %dma_start3A_568 = tpu.memref_slice %arg2[%dma_start3A_566, %dma_start3A_567] : memref<10240x128xf32, #tpu.memory_space<hbm>> -> memref<10240x128xf32, #tpu.memory_space<hbm>>
        tpu.enqueue_indirect_dma source(%dma_start3A_568 : memref<10240x128xf32, #tpu.memory_space<hbm>>) target(%arg10 : memref<80x128xf32, #tpu.memory_space<vmem>>) offsets(%dma_start3A_565 : memref<80xi32, #tpu.memory_space<vmem>>) semaphore(%arg13 : memref<!tpu.dma_semaphore, #tpu.memory_space<semaphore_mem>>)
      } else {
      }
    }
    %scan3A_237 = arith.constant 62 : i32
    %dma_wait3A_238 = arith.constant 9920 : i32
    %dma_wait3A_239 = tpu.memref_slice %arg7[%dma_wait3A_238] : memref<10000xi32, #tpu.memory_space<vmem>> -> memref<80xi32, #tpu.memory_space<vmem>>
    %dma_wait3A_240 = arith.constant 0 : i32
    %dma_wait3A_241 = arith.constant 0 : i32
    %dma_wait3A_242 = tpu.memref_slice %arg2[%dma_wait3A_240, %dma_wait3A_241] : memref<10240x128xf32, #tpu.memory_space<hbm>> -> memref<10240x128xf32, #tpu.memory_space<hbm>>
    tpu.wait_indirect_dma semaphore(%arg12 : memref<!tpu.dma_semaphore, #tpu.memory_space<semaphore_mem>>) src(%dma_wait3A_242 : memref<10240x128xf32, #tpu.memory_space<hbm>>) dst(%arg9 : memref<80x128xf32, #tpu.memory_space<vmem>>)
    %run_scoped3A = arith.constant 124 : i32
    "tpu.region"() ({
      %run_scoped3A_532 = tpu.sem_alloc : memref<!tpu.dma_semaphore, #tpu.memory_space<semaphore_mem>>
      %dma_start3A_533 = arith.constant 0 : i32
      %dma_start3A_534 = tpu.memref_slice %arg8[%run_scoped3A, %dma_start3A_533] : memref<125x80xi32, #tpu.memory_space<vmem>> -> memref<1x80xi32, #tpu.memory_space<vmem>>
      %dma_start3A_535 = tpu.memref_squeeze %dma_start3A_534 : memref<1x80xi32, #tpu.memory_space<vmem>> -> memref<80xi32, #tpu.memory_space<vmem>>
      %dma_start3A_536 = arith.constant 0 : i32
      %dma_start3A_537 = arith.constant 0 : i32
      %dma_start3A_538 = tpu.memref_slice %arg11[%dma_start3A_536, %dma_start3A_537] : memref<10240x128xf32, #tpu.memory_space<vmem_shared>> -> memref<10240x128xf32, #tpu.memory_space<vmem_shared>>
      tpu.enqueue_indirect_dma source(%arg9 : memref<80x128xf32, #tpu.memory_space<vmem>>) target(%dma_start3A_538 : memref<10240x128xf32, #tpu.memory_space<vmem_shared>>) offsets(%dma_start3A_535 : memref<80xi32, #tpu.memory_space<vmem>>) semaphore(%run_scoped3A_532 : memref<!tpu.dma_semaphore, #tpu.memory_space<semaphore_mem>>) {add = true}
      %dma_wait3A_539 = arith.constant 0 : i32
      %dma_wait3A_540 = tpu.memref_slice %arg8[%run_scoped3A, %dma_wait3A_539] : memref<125x80xi32, #tpu.memory_space<vmem>> -> memref<1x80xi32, #tpu.memory_space<vmem>>
      %dma_wait3A_541 = tpu.memref_squeeze %dma_wait3A_540 : memref<1x80xi32, #tpu.memory_space<vmem>> -> memref<80xi32, #tpu.memory_space<vmem>>
      %dma_wait3A_542 = arith.constant 0 : i32
      %dma_wait3A_543 = arith.constant 0 : i32
      %dma_wait3A_544 = tpu.memref_slice %arg11[%dma_wait3A_542, %dma_wait3A_543] : memref<10240x128xf32, #tpu.memory_space<vmem_shared>> -> memref<10240x128xf32, #tpu.memory_space<vmem_shared>>
      tpu.wait_indirect_dma semaphore(%run_scoped3A_532 : memref<!tpu.dma_semaphore, #tpu.memory_space<semaphore_mem>>) src(%arg9 : memref<80x128xf32, #tpu.memory_space<vmem>>) dst(%dma_wait3A_544 : memref<10240x128xf32, #tpu.memory_space<vmem_shared>>)
      tpu.yield
    }) : () -> ()
    %barrier3A_243 = arith.constant 0 : index
    tpu.barrier barrier_id(%barrier3A_243)
    %mul3A_244 = arith.constant 640 : i32
    %mul3A_245 = arith.muli %arg1, %mul3A_244 : i32
    %add3A_246 = arith.constant 0 : i32
    %add3A_247 = arith.addi %mul3A_245, %add3A_246 : i32
    %mul3A_248 = arith.constant 640 : i32
    %mul3A_249 = arith.muli %arg1, %mul3A_248 : i32
    %add3A_250 = arith.constant 0 : i32
    %add3A_251 = arith.addi %mul3A_249, %add3A_250 : i32
    "tpu.region"() ({
      %run_scoped3A_532 = tpu.sem_alloc : memref<!tpu.dma_semaphore, #tpu.memory_space<semaphore_mem>>
      %dma_start3A_533 = arith.constant 0 : i32
      %dma_start3A_534 = arith.constant 0 : i32
      %dma_start3A_535 = tpu.memref_slice %arg9[%dma_start3A_533, %dma_start3A_534] : memref<80x128xf32, #tpu.memory_space<vmem>> -> memref<80x128xf32, #tpu.memory_space<vmem>>
      %dma_start3A_536 = arith.constant 0 : i32
      %dma_start3A_537 = tpu.memref_slice %arg11[%add3A_251, %dma_start3A_536] : memref<10240x128xf32, #tpu.memory_space<vmem_shared>> -> memref<80x128xf32, #tpu.memory_space<vmem_shared>>
      %dma_start3A_538 = arith.constant 0 : i32
      %dma_start3A_539 = arith.constant 0 : i32
      %dma_start3A_540 = tpu.memref_slice %arg9[%dma_start3A_538, %dma_start3A_539] : memref<80x128xf32, #tpu.memory_space<vmem>> -> memref<80x128xf32, #tpu.memory_space<vmem>>
      %dma_start3A_541 = arith.constant 0 : i32
      %dma_start3A_542 = tpu.memref_slice %arg11[%add3A_251, %dma_start3A_541] : memref<10240x128xf32, #tpu.memory_space<vmem_shared>> -> memref<80x128xf32, #tpu.memory_space<vmem_shared>>
      tpu.enqueue_dma source(%dma_start3A_542 : memref<80x128xf32, #tpu.memory_space<vmem_shared>>) target(%dma_start3A_540 : memref<80x128xf32, #tpu.memory_space<vmem>>) target_semaphore(%run_scoped3A_532 : memref<!tpu.dma_semaphore, #tpu.memory_space<semaphore_mem>>)
      %dma_wait3A_543 = arith.constant 0 : i32
      %dma_wait3A_544 = arith.constant 0 : i32
      %dma_wait3A_545 = tpu.memref_slice %arg9[%dma_wait3A_543, %dma_wait3A_544] : memref<80x128xf32, #tpu.memory_space<vmem>> -> memref<80x128xf32, #tpu.memory_space<vmem>>
      %dma_wait3A_546 = arith.constant 0 : i32
      %dma_wait3A_547 = tpu.memref_slice %arg11[%add3A_251, %dma_wait3A_546] : memref<10240x128xf32, #tpu.memory_space<vmem_shared>> -> memref<80x128xf32, #tpu.memory_space<vmem_shared>>
      %dma_wait3A_548 = arith.constant 0 : i32
      %dma_wait3A_549 = arith.constant 0 : i32
      %dma_wait3A_550 = tpu.memref_slice %arg9[%dma_wait3A_548, %dma_wait3A_549] : memref<80x128xf32, #tpu.memory_space<vmem>> -> memref<80x128xf32, #tpu.memory_space<vmem>>
      %dma_wait3A_551 = arith.constant 0 : i32
      %dma_wait3A_552 = tpu.memref_slice %arg11[%add3A_251, %dma_wait3A_551] : memref<10240x128xf32, #tpu.memory_space<vmem_shared>> -> memref<80x128xf32, #tpu.memory_space<vmem_shared>>
      tpu.wait_dma2 semaphore(%run_scoped3A_532 : memref<!tpu.dma_semaphore, #tpu.memory_space<semaphore_mem>>) src(%dma_wait3A_552 : memref<80x128xf32, #tpu.memory_space<vmem_shared>>) dst(%dma_wait3A_550 : memref<80x128xf32, #tpu.memory_space<vmem>>)
      tpu.yield
    }) : () -> ()
    %dma_start3A_252 = arith.constant 0 : i32
    %dma_start3A_253 = arith.constant 0 : i32
    %dma_start3A_254 = tpu.memref_slice %arg9[%dma_start3A_252, %dma_start3A_253] : memref<80x128xf32, #tpu.memory_space<vmem>> -> memref<80x128xf32, #tpu.memory_space<vmem>>
    %dma_start3A_255 = arith.constant 0 : i32
    %dma_start3A_256 = tpu.memref_slice %arg6[%arg0, %add3A_247, %dma_start3A_255] : memref<2x10240x128xf32, #tpu.memory_space<hbm>> -> memref<1x80x128xf32, #tpu.memory_space<hbm>>
    %dma_start3A_257 = tpu.memref_squeeze %dma_start3A_256 : memref<1x80x128xf32, #tpu.memory_space<hbm>> -> memref<80x128xf32, #tpu.memory_space<hbm>>
    %dma_start3A_258 = arith.constant 0 : i32
    %dma_start3A_259 = tpu.memref_slice %arg6[%arg0, %add3A_247, %dma_start3A_258] : memref<2x10240x128xf32, #tpu.memory_space<hbm>> -> memref<1x80x128xf32, #tpu.memory_space<hbm>>
    %dma_start3A_260 = tpu.memref_squeeze %dma_start3A_259 : memref<1x80x128xf32, #tpu.memory_space<hbm>> -> memref<80x128xf32, #tpu.memory_space<hbm>>
    %dma_start3A_261 = arith.constant 0 : i32
    %dma_start3A_262 = arith.constant 0 : i32
    %dma_start3A_263 = tpu.memref_slice %arg9[%dma_start3A_261, %dma_start3A_262] : memref<80x128xf32, #tpu.memory_space<vmem>> -> memref<80x128xf32, #tpu.memory_space<vmem>>
    tpu.enqueue_dma source(%dma_start3A_263 : memref<80x128xf32, #tpu.memory_space<vmem>>) target(%dma_start3A_260 : memref<80x128xf32, #tpu.memory_space<hbm>>) target_semaphore(%arg12 : memref<!tpu.dma_semaphore, #tpu.memory_space<semaphore_mem>>)
    %mul3A_264 = arith.constant 640 : i32
    %mul3A_265 = arith.muli %arg1, %mul3A_264 : i32
    %add3A_266 = arith.constant 80 : i32
    %add3A_267 = arith.addi %mul3A_265, %add3A_266 : i32
    %mul3A_268 = arith.constant 640 : i32
    %mul3A_269 = arith.muli %arg1, %mul3A_268 : i32
    %add3A_270 = arith.constant 80 : i32
    %add3A_271 = arith.addi %mul3A_269, %add3A_270 : i32
    "tpu.region"() ({
      %run_scoped3A_532 = tpu.sem_alloc : memref<!tpu.dma_semaphore, #tpu.memory_space<semaphore_mem>>
      %dma_start3A_533 = arith.constant 0 : i32
      %dma_start3A_534 = arith.constant 0 : i32
      %dma_start3A_535 = tpu.memref_slice %arg10[%dma_start3A_533, %dma_start3A_534] : memref<80x128xf32, #tpu.memory_space<vmem>> -> memref<80x128xf32, #tpu.memory_space<vmem>>
      %dma_start3A_536 = arith.constant 0 : i32
      %dma_start3A_537 = tpu.memref_slice %arg11[%add3A_271, %dma_start3A_536] : memref<10240x128xf32, #tpu.memory_space<vmem_shared>> -> memref<80x128xf32, #tpu.memory_space<vmem_shared>>
      %dma_start3A_538 = arith.constant 0 : i32
      %dma_start3A_539 = arith.constant 0 : i32
      %dma_start3A_540 = tpu.memref_slice %arg10[%dma_start3A_538, %dma_start3A_539] : memref<80x128xf32, #tpu.memory_space<vmem>> -> memref<80x128xf32, #tpu.memory_space<vmem>>
      %dma_start3A_541 = arith.constant 0 : i32
      %dma_start3A_542 = tpu.memref_slice %arg11[%add3A_271, %dma_start3A_541] : memref<10240x128xf32, #tpu.memory_space<vmem_shared>> -> memref<80x128xf32, #tpu.memory_space<vmem_shared>>
      tpu.enqueue_dma source(%dma_start3A_542 : memref<80x128xf32, #tpu.memory_space<vmem_shared>>) target(%dma_start3A_540 : memref<80x128xf32, #tpu.memory_space<vmem>>) target_semaphore(%run_scoped3A_532 : memref<!tpu.dma_semaphore, #tpu.memory_space<semaphore_mem>>)
      %dma_wait3A_543 = arith.constant 0 : i32
      %dma_wait3A_544 = arith.constant 0 : i32
      %dma_wait3A_545 = tpu.memref_slice %arg10[%dma_wait3A_543, %dma_wait3A_544] : memref<80x128xf32, #tpu.memory_space<vmem>> -> memref<80x128xf32, #tpu.memory_space<vmem>>
      %dma_wait3A_546 = arith.constant 0 : i32
      %dma_wait3A_547 = tpu.memref_slice %arg11[%add3A_271, %dma_wait3A_546] : memref<10240x128xf32, #tpu.memory_space<vmem_shared>> -> memref<80x128xf32, #tpu.memory_space<vmem_shared>>
      %dma_wait3A_548 = arith.constant 0 : i32
      %dma_wait3A_549 = arith.constant 0 : i32
      %dma_wait3A_550 = tpu.memref_slice %arg10[%dma_wait3A_548, %dma_wait3A_549] : memref<80x128xf32, #tpu.memory_space<vmem>> -> memref<80x128xf32, #tpu.memory_space<vmem>>
      %dma_wait3A_551 = arith.constant 0 : i32
      %dma_wait3A_552 = tpu.memref_slice %arg11[%add3A_271, %dma_wait3A_551] : memref<10240x128xf32, #tpu.memory_space<vmem_shared>> -> memref<80x128xf32, #tpu.memory_space<vmem_shared>>
      tpu.wait_dma2 semaphore(%run_scoped3A_532 : memref<!tpu.dma_semaphore, #tpu.memory_space<semaphore_mem>>) src(%dma_wait3A_552 : memref<80x128xf32, #tpu.memory_space<vmem_shared>>) dst(%dma_wait3A_550 : memref<80x128xf32, #tpu.memory_space<vmem>>)
      tpu.yield
    }) : () -> ()
    %dma_start3A_272 = arith.constant 0 : i32
    %dma_start3A_273 = arith.constant 0 : i32
    %dma_start3A_274 = tpu.memref_slice %arg10[%dma_start3A_272, %dma_start3A_273] : memref<80x128xf32, #tpu.memory_space<vmem>> -> memref<80x128xf32, #tpu.memory_space<vmem>>
    %dma_start3A_275 = arith.constant 0 : i32
    %dma_start3A_276 = tpu.memref_slice %arg6[%arg0, %add3A_267, %dma_start3A_275] : memref<2x10240x128xf32, #tpu.memory_space<hbm>> -> memref<1x80x128xf32, #tpu.memory_space<hbm>>
    %dma_start3A_277 = tpu.memref_squeeze %dma_start3A_276 : memref<1x80x128xf32, #tpu.memory_space<hbm>> -> memref<80x128xf32, #tpu.memory_space<hbm>>
    %dma_start3A_278 = arith.constant 0 : i32
    %dma_start3A_279 = tpu.memref_slice %arg6[%arg0, %add3A_267, %dma_start3A_278] : memref<2x10240x128xf32, #tpu.memory_space<hbm>> -> memref<1x80x128xf32, #tpu.memory_space<hbm>>
    %dma_start3A_280 = tpu.memref_squeeze %dma_start3A_279 : memref<1x80x128xf32, #tpu.memory_space<hbm>> -> memref<80x128xf32, #tpu.memory_space<hbm>>
    %dma_start3A_281 = arith.constant 0 : i32
    %dma_start3A_282 = arith.constant 0 : i32
    %dma_start3A_283 = tpu.memref_slice %arg10[%dma_start3A_281, %dma_start3A_282] : memref<80x128xf32, #tpu.memory_space<vmem>> -> memref<80x128xf32, #tpu.memory_space<vmem>>
    tpu.enqueue_dma source(%dma_start3A_283 : memref<80x128xf32, #tpu.memory_space<vmem>>) target(%dma_start3A_280 : memref<80x128xf32, #tpu.memory_space<hbm>>) target_semaphore(%arg13 : memref<!tpu.dma_semaphore, #tpu.memory_space<semaphore_mem>>)
    %mul3A_284 = arith.constant 640 : i32
    %mul3A_285 = arith.muli %arg1, %mul3A_284 : i32
    %add3A_286 = arith.constant 160 : i32
    %add3A_287 = arith.addi %mul3A_285, %add3A_286 : i32
    %mul3A_288 = arith.constant 640 : i32
    %mul3A_289 = arith.muli %arg1, %mul3A_288 : i32
    %add3A_290 = arith.constant 0 : i32
    %add3A_291 = arith.addi %mul3A_289, %add3A_290 : i32
    %dma_wait3A_292 = arith.constant 0 : i32
    %dma_wait3A_293 = arith.constant 0 : i32
    %dma_wait3A_294 = tpu.memref_slice %arg9[%dma_wait3A_292, %dma_wait3A_293] : memref<80x128xf32, #tpu.memory_space<vmem>> -> memref<80x128xf32, #tpu.memory_space<vmem>>
    %dma_wait3A_295 = arith.constant 0 : i32
    %dma_wait3A_296 = tpu.memref_slice %arg6[%arg0, %add3A_291, %dma_wait3A_295] : memref<2x10240x128xf32, #tpu.memory_space<hbm>> -> memref<1x80x128xf32, #tpu.memory_space<hbm>>
    %dma_wait3A_297 = tpu.memref_squeeze %dma_wait3A_296 : memref<1x80x128xf32, #tpu.memory_space<hbm>> -> memref<80x128xf32, #tpu.memory_space<hbm>>
    %dma_wait3A_298 = arith.constant 0 : i32
    %dma_wait3A_299 = tpu.memref_slice %arg6[%arg0, %add3A_291, %dma_wait3A_298] : memref<2x10240x128xf32, #tpu.memory_space<hbm>> -> memref<1x80x128xf32, #tpu.memory_space<hbm>>
    %dma_wait3A_300 = tpu.memref_squeeze %dma_wait3A_299 : memref<1x80x128xf32, #tpu.memory_space<hbm>> -> memref<80x128xf32, #tpu.memory_space<hbm>>
    %dma_wait3A_301 = arith.constant 0 : i32
    %dma_wait3A_302 = arith.constant 0 : i32
    %dma_wait3A_303 = tpu.memref_slice %arg9[%dma_wait3A_301, %dma_wait3A_302] : memref<80x128xf32, #tpu.memory_space<vmem>> -> memref<80x128xf32, #tpu.memory_space<vmem>>
    tpu.wait_dma2 semaphore(%arg12 : memref<!tpu.dma_semaphore, #tpu.memory_space<semaphore_mem>>) src(%dma_wait3A_303 : memref<80x128xf32, #tpu.memory_space<vmem>>) dst(%dma_wait3A_300 : memref<80x128xf32, #tpu.memory_space<hbm>>)
    %mul3A_304 = arith.constant 640 : i32
    %mul3A_305 = arith.muli %arg1, %mul3A_304 : i32
    %add3A_306 = arith.constant 160 : i32
    %add3A_307 = arith.addi %mul3A_305, %add3A_306 : i32
    "tpu.region"() ({
      %run_scoped3A_532 = tpu.sem_alloc : memref<!tpu.dma_semaphore, #tpu.memory_space<semaphore_mem>>
      %dma_start3A_533 = arith.constant 0 : i32
      %dma_start3A_534 = arith.constant 0 : i32
      %dma_start3A_535 = tpu.memref_slice %arg9[%dma_start3A_533, %dma_start3A_534] : memref<80x128xf32, #tpu.memory_space<vmem>> -> memref<80x128xf32, #tpu.memory_space<vmem>>
      %dma_start3A_536 = arith.constant 0 : i32
      %dma_start3A_537 = tpu.memref_slice %arg11[%add3A_307, %dma_start3A_536] : memref<10240x128xf32, #tpu.memory_space<vmem_shared>> -> memref<80x128xf32, #tpu.memory_space<vmem_shared>>
      %dma_start3A_538 = arith.constant 0 : i32
      %dma_start3A_539 = arith.constant 0 : i32
      %dma_start3A_540 = tpu.memref_slice %arg9[%dma_start3A_538, %dma_start3A_539] : memref<80x128xf32, #tpu.memory_space<vmem>> -> memref<80x128xf32, #tpu.memory_space<vmem>>
      %dma_start3A_541 = arith.constant 0 : i32
      %dma_start3A_542 = tpu.memref_slice %arg11[%add3A_307, %dma_start3A_541] : memref<10240x128xf32, #tpu.memory_space<vmem_shared>> -> memref<80x128xf32, #tpu.memory_space<vmem_shared>>
      tpu.enqueue_dma source(%dma_start3A_542 : memref<80x128xf32, #tpu.memory_space<vmem_shared>>) target(%dma_start3A_540 : memref<80x128xf32, #tpu.memory_space<vmem>>) target_semaphore(%run_scoped3A_532 : memref<!tpu.dma_semaphore, #tpu.memory_space<semaphore_mem>>)
      %dma_wait3A_543 = arith.constant 0 : i32
      %dma_wait3A_544 = arith.constant 0 : i32
      %dma_wait3A_545 = tpu.memref_slice %arg9[%dma_wait3A_543, %dma_wait3A_544] : memref<80x128xf32, #tpu.memory_space<vmem>> -> memref<80x128xf32, #tpu.memory_space<vmem>>
      %dma_wait3A_546 = arith.constant 0 : i32
      %dma_wait3A_547 = tpu.memref_slice %arg11[%add3A_307, %dma_wait3A_546] : memref<10240x128xf32, #tpu.memory_space<vmem_shared>> -> memref<80x128xf32, #tpu.memory_space<vmem_shared>>
      %dma_wait3A_548 = arith.constant 0 : i32
      %dma_wait3A_549 = arith.constant 0 : i32
      %dma_wait3A_550 = tpu.memref_slice %arg9[%dma_wait3A_548, %dma_wait3A_549] : memref<80x128xf32, #tpu.memory_space<vmem>> -> memref<80x128xf32, #tpu.memory_space<vmem>>
      %dma_wait3A_551 = arith.constant 0 : i32
      %dma_wait3A_552 = tpu.memref_slice %arg11[%add3A_307, %dma_wait3A_551] : memref<10240x128xf32, #tpu.memory_space<vmem_shared>> -> memref<80x128xf32, #tpu.memory_space<vmem_shared>>
      tpu.wait_dma2 semaphore(%run_scoped3A_532 : memref<!tpu.dma_semaphore, #tpu.memory_space<semaphore_mem>>) src(%dma_wait3A_552 : memref<80x128xf32, #tpu.memory_space<vmem_shared>>) dst(%dma_wait3A_550 : memref<80x128xf32, #tpu.memory_space<vmem>>)
      tpu.yield
    }) : () -> ()
    %dma_start3A_308 = arith.constant 0 : i32
    %dma_start3A_309 = arith.constant 0 : i32
    %dma_start3A_310 = tpu.memref_slice %arg9[%dma_start3A_308, %dma_start3A_309] : memref<80x128xf32, #tpu.memory_space<vmem>> -> memref<80x128xf32, #tpu.memory_space<vmem>>
    %dma_start3A_311 = arith.constant 0 : i32
    %dma_start3A_312 = tpu.memref_slice %arg6[%arg0, %add3A_287, %dma_start3A_311] : memref<2x10240x128xf32, #tpu.memory_space<hbm>> -> memref<1x80x128xf32, #tpu.memory_space<hbm>>
    %dma_start3A_313 = tpu.memref_squeeze %dma_start3A_312 : memref<1x80x128xf32, #tpu.memory_space<hbm>> -> memref<80x128xf32, #tpu.memory_space<hbm>>
    %dma_start3A_314 = arith.constant 0 : i32
    %dma_start3A_315 = tpu.memref_slice %arg6[%arg0, %add3A_287, %dma_start3A_314] : memref<2x10240x128xf32, #tpu.memory_space<hbm>> -> memref<1x80x128xf32, #tpu.memory_space<hbm>>
    %dma_start3A_316 = tpu.memref_squeeze %dma_start3A_315 : memref<1x80x128xf32, #tpu.memory_space<hbm>> -> memref<80x128xf32, #tpu.memory_space<hbm>>
    %dma_start3A_317 = arith.constant 0 : i32
    %dma_start3A_318 = arith.constant 0 : i32
    %dma_start3A_319 = tpu.memref_slice %arg9[%dma_start3A_317, %dma_start3A_318] : memref<80x128xf32, #tpu.memory_space<vmem>> -> memref<80x128xf32, #tpu.memory_space<vmem>>
    tpu.enqueue_dma source(%dma_start3A_319 : memref<80x128xf32, #tpu.memory_space<vmem>>) target(%dma_start3A_316 : memref<80x128xf32, #tpu.memory_space<hbm>>) target_semaphore(%arg12 : memref<!tpu.dma_semaphore, #tpu.memory_space<semaphore_mem>>)
    %mul3A_320 = arith.constant 640 : i32
    %mul3A_321 = arith.muli %arg1, %mul3A_320 : i32
    %add3A_322 = arith.constant 240 : i32
    %add3A_323 = arith.addi %mul3A_321, %add3A_322 : i32
    %mul3A_324 = arith.constant 640 : i32
    %mul3A_325 = arith.muli %arg1, %mul3A_324 : i32
    %add3A_326 = arith.constant 80 : i32
    %add3A_327 = arith.addi %mul3A_325, %add3A_326 : i32
    %dma_wait3A_328 = arith.constant 0 : i32
    %dma_wait3A_329 = arith.constant 0 : i32
    %dma_wait3A_330 = tpu.memref_slice %arg10[%dma_wait3A_328, %dma_wait3A_329] : memref<80x128xf32, #tpu.memory_space<vmem>> -> memref<80x128xf32, #tpu.memory_space<vmem>>
    %dma_wait3A_331 = arith.constant 0 : i32
    %dma_wait3A_332 = tpu.memref_slice %arg6[%arg0, %add3A_327, %dma_wait3A_331] : memref<2x10240x128xf32, #tpu.memory_space<hbm>> -> memref<1x80x128xf32, #tpu.memory_space<hbm>>
    %dma_wait3A_333 = tpu.memref_squeeze %dma_wait3A_332 : memref<1x80x128xf32, #tpu.memory_space<hbm>> -> memref<80x128xf32, #tpu.memory_space<hbm>>
    %dma_wait3A_334 = arith.constant 0 : i32
    %dma_wait3A_335 = tpu.memref_slice %arg6[%arg0, %add3A_327, %dma_wait3A_334] : memref<2x10240x128xf32, #tpu.memory_space<hbm>> -> memref<1x80x128xf32, #tpu.memory_space<hbm>>
    %dma_wait3A_336 = tpu.memref_squeeze %dma_wait3A_335 : memref<1x80x128xf32, #tpu.memory_space<hbm>> -> memref<80x128xf32, #tpu.memory_space<hbm>>
    %dma_wait3A_337 = arith.constant 0 : i32
    %dma_wait3A_338 = arith.constant 0 : i32
    %dma_wait3A_339 = tpu.memref_slice %arg10[%dma_wait3A_337, %dma_wait3A_338] : memref<80x128xf32, #tpu.memory_space<vmem>> -> memref<80x128xf32, #tpu.memory_space<vmem>>
    tpu.wait_dma2 semaphore(%arg13 : memref<!tpu.dma_semaphore, #tpu.memory_space<semaphore_mem>>) src(%dma_wait3A_339 : memref<80x128xf32, #tpu.memory_space<vmem>>) dst(%dma_wait3A_336 : memref<80x128xf32, #tpu.memory_space<hbm>>)
    %mul3A_340 = arith.constant 640 : i32
    %mul3A_341 = arith.muli %arg1, %mul3A_340 : i32
    %add3A_342 = arith.constant 240 : i32
    %add3A_343 = arith.addi %mul3A_341, %add3A_342 : i32
    "tpu.region"() ({
      %run_scoped3A_532 = tpu.sem_alloc : memref<!tpu.dma_semaphore, #tpu.memory_space<semaphore_mem>>
      %dma_start3A_533 = arith.constant 0 : i32
      %dma_start3A_534 = arith.constant 0 : i32
      %dma_start3A_535 = tpu.memref_slice %arg10[%dma_start3A_533, %dma_start3A_534] : memref<80x128xf32, #tpu.memory_space<vmem>> -> memref<80x128xf32, #tpu.memory_space<vmem>>
      %dma_start3A_536 = arith.constant 0 : i32
      %dma_start3A_537 = tpu.memref_slice %arg11[%add3A_343, %dma_start3A_536] : memref<10240x128xf32, #tpu.memory_space<vmem_shared>> -> memref<80x128xf32, #tpu.memory_space<vmem_shared>>
      %dma_start3A_538 = arith.constant 0 : i32
      %dma_start3A_539 = arith.constant 0 : i32
      %dma_start3A_540 = tpu.memref_slice %arg10[%dma_start3A_538, %dma_start3A_539] : memref<80x128xf32, #tpu.memory_space<vmem>> -> memref<80x128xf32, #tpu.memory_space<vmem>>
      %dma_start3A_541 = arith.constant 0 : i32
      %dma_start3A_542 = tpu.memref_slice %arg11[%add3A_343, %dma_start3A_541] : memref<10240x128xf32, #tpu.memory_space<vmem_shared>> -> memref<80x128xf32, #tpu.memory_space<vmem_shared>>
      tpu.enqueue_dma source(%dma_start3A_542 : memref<80x128xf32, #tpu.memory_space<vmem_shared>>) target(%dma_start3A_540 : memref<80x128xf32, #tpu.memory_space<vmem>>) target_semaphore(%run_scoped3A_532 : memref<!tpu.dma_semaphore, #tpu.memory_space<semaphore_mem>>)
      %dma_wait3A_543 = arith.constant 0 : i32
      %dma_wait3A_544 = arith.constant 0 : i32
      %dma_wait3A_545 = tpu.memref_slice %arg10[%dma_wait3A_543, %dma_wait3A_544] : memref<80x128xf32, #tpu.memory_space<vmem>> -> memref<80x128xf32, #tpu.memory_space<vmem>>
      %dma_wait3A_546 = arith.constant 0 : i32
      %dma_wait3A_547 = tpu.memref_slice %arg11[%add3A_343, %dma_wait3A_546] : memref<10240x128xf32, #tpu.memory_space<vmem_shared>> -> memref<80x128xf32, #tpu.memory_space<vmem_shared>>
      %dma_wait3A_548 = arith.constant 0 : i32
      %dma_wait3A_549 = arith.constant 0 : i32
      %dma_wait3A_550 = tpu.memref_slice %arg10[%dma_wait3A_548, %dma_wait3A_549] : memref<80x128xf32, #tpu.memory_space<vmem>> -> memref<80x128xf32, #tpu.memory_space<vmem>>
      %dma_wait3A_551 = arith.constant 0 : i32
      %dma_wait3A_552 = tpu.memref_slice %arg11[%add3A_343, %dma_wait3A_551] : memref<10240x128xf32, #tpu.memory_space<vmem_shared>> -> memref<80x128xf32, #tpu.memory_space<vmem_shared>>
      tpu.wait_dma2 semaphore(%run_scoped3A_532 : memref<!tpu.dma_semaphore, #tpu.memory_space<semaphore_mem>>) src(%dma_wait3A_552 : memref<80x128xf32, #tpu.memory_space<vmem_shared>>) dst(%dma_wait3A_550 : memref<80x128xf32, #tpu.memory_space<vmem>>)
      tpu.yield
    }) : () -> ()
    %dma_start3A_344 = arith.constant 0 : i32
    %dma_start3A_345 = arith.constant 0 : i32
    %dma_start3A_346 = tpu.memref_slice %arg10[%dma_start3A_344, %dma_start3A_345] : memref<80x128xf32, #tpu.memory_space<vmem>> -> memref<80x128xf32, #tpu.memory_space<vmem>>
    %dma_start3A_347 = arith.constant 0 : i32
    %dma_start3A_348 = tpu.memref_slice %arg6[%arg0, %add3A_323, %dma_start3A_347] : memref<2x10240x128xf32, #tpu.memory_space<hbm>> -> memref<1x80x128xf32, #tpu.memory_space<hbm>>
    %dma_start3A_349 = tpu.memref_squeeze %dma_start3A_348 : memref<1x80x128xf32, #tpu.memory_space<hbm>> -> memref<80x128xf32, #tpu.memory_space<hbm>>
    %dma_start3A_350 = arith.constant 0 : i32
    %dma_start3A_351 = tpu.memref_slice %arg6[%arg0, %add3A_323, %dma_start3A_350] : memref<2x10240x128xf32, #tpu.memory_space<hbm>> -> memref<1x80x128xf32, #tpu.memory_space<hbm>>
    %dma_start3A_352 = tpu.memref_squeeze %dma_start3A_351 : memref<1x80x128xf32, #tpu.memory_space<hbm>> -> memref<80x128xf32, #tpu.memory_space<hbm>>
    %dma_start3A_353 = arith.constant 0 : i32
    %dma_start3A_354 = arith.constant 0 : i32
    %dma_start3A_355 = tpu.memref_slice %arg10[%dma_start3A_353, %dma_start3A_354] : memref<80x128xf32, #tpu.memory_space<vmem>> -> memref<80x128xf32, #tpu.memory_space<vmem>>
    tpu.enqueue_dma source(%dma_start3A_355 : memref<80x128xf32, #tpu.memory_space<vmem>>) target(%dma_start3A_352 : memref<80x128xf32, #tpu.memory_space<hbm>>) target_semaphore(%arg13 : memref<!tpu.dma_semaphore, #tpu.memory_space<semaphore_mem>>)
    %mul3A_356 = arith.constant 640 : i32
    %mul3A_357 = arith.muli %arg1, %mul3A_356 : i32
    %add3A_358 = arith.constant 320 : i32
    %add3A_359 = arith.addi %mul3A_357, %add3A_358 : i32
    %mul3A_360 = arith.constant 640 : i32
    %mul3A_361 = arith.muli %arg1, %mul3A_360 : i32
    %add3A_362 = arith.constant 160 : i32
    %add3A_363 = arith.addi %mul3A_361, %add3A_362 : i32
    %dma_wait3A_364 = arith.constant 0 : i32
    %dma_wait3A_365 = arith.constant 0 : i32
    %dma_wait3A_366 = tpu.memref_slice %arg9[%dma_wait3A_364, %dma_wait3A_365] : memref<80x128xf32, #tpu.memory_space<vmem>> -> memref<80x128xf32, #tpu.memory_space<vmem>>
    %dma_wait3A_367 = arith.constant 0 : i32
    %dma_wait3A_368 = tpu.memref_slice %arg6[%arg0, %add3A_363, %dma_wait3A_367] : memref<2x10240x128xf32, #tpu.memory_space<hbm>> -> memref<1x80x128xf32, #tpu.memory_space<hbm>>
    %dma_wait3A_369 = tpu.memref_squeeze %dma_wait3A_368 : memref<1x80x128xf32, #tpu.memory_space<hbm>> -> memref<80x128xf32, #tpu.memory_space<hbm>>
    %dma_wait3A_370 = arith.constant 0 : i32
    %dma_wait3A_371 = tpu.memref_slice %arg6[%arg0, %add3A_363, %dma_wait3A_370] : memref<2x10240x128xf32, #tpu.memory_space<hbm>> -> memref<1x80x128xf32, #tpu.memory_space<hbm>>
    %dma_wait3A_372 = tpu.memref_squeeze %dma_wait3A_371 : memref<1x80x128xf32, #tpu.memory_space<hbm>> -> memref<80x128xf32, #tpu.memory_space<hbm>>
    %dma_wait3A_373 = arith.constant 0 : i32
    %dma_wait3A_374 = arith.constant 0 : i32
    %dma_wait3A_375 = tpu.memref_slice %arg9[%dma_wait3A_373, %dma_wait3A_374] : memref<80x128xf32, #tpu.memory_space<vmem>> -> memref<80x128xf32, #tpu.memory_space<vmem>>
    tpu.wait_dma2 semaphore(%arg12 : memref<!tpu.dma_semaphore, #tpu.memory_space<semaphore_mem>>) src(%dma_wait3A_375 : memref<80x128xf32, #tpu.memory_space<vmem>>) dst(%dma_wait3A_372 : memref<80x128xf32, #tpu.memory_space<hbm>>)
    %mul3A_376 = arith.constant 640 : i32
    %mul3A_377 = arith.muli %arg1, %mul3A_376 : i32
    %add3A_378 = arith.constant 320 : i32
    %add3A_379 = arith.addi %mul3A_377, %add3A_378 : i32
    "tpu.region"() ({
      %run_scoped3A_532 = tpu.sem_alloc : memref<!tpu.dma_semaphore, #tpu.memory_space<semaphore_mem>>
      %dma_start3A_533 = arith.constant 0 : i32
      %dma_start3A_534 = arith.constant 0 : i32
      %dma_start3A_535 = tpu.memref_slice %arg9[%dma_start3A_533, %dma_start3A_534] : memref<80x128xf32, #tpu.memory_space<vmem>> -> memref<80x128xf32, #tpu.memory_space<vmem>>
      %dma_start3A_536 = arith.constant 0 : i32
      %dma_start3A_537 = tpu.memref_slice %arg11[%add3A_379, %dma_start3A_536] : memref<10240x128xf32, #tpu.memory_space<vmem_shared>> -> memref<80x128xf32, #tpu.memory_space<vmem_shared>>
      %dma_start3A_538 = arith.constant 0 : i32
      %dma_start3A_539 = arith.constant 0 : i32
      %dma_start3A_540 = tpu.memref_slice %arg9[%dma_start3A_538, %dma_start3A_539] : memref<80x128xf32, #tpu.memory_space<vmem>> -> memref<80x128xf32, #tpu.memory_space<vmem>>
      %dma_start3A_541 = arith.constant 0 : i32
      %dma_start3A_542 = tpu.memref_slice %arg11[%add3A_379, %dma_start3A_541] : memref<10240x128xf32, #tpu.memory_space<vmem_shared>> -> memref<80x128xf32, #tpu.memory_space<vmem_shared>>
      tpu.enqueue_dma source(%dma_start3A_542 : memref<80x128xf32, #tpu.memory_space<vmem_shared>>) target(%dma_start3A_540 : memref<80x128xf32, #tpu.memory_space<vmem>>) target_semaphore(%run_scoped3A_532 : memref<!tpu.dma_semaphore, #tpu.memory_space<semaphore_mem>>)
      %dma_wait3A_543 = arith.constant 0 : i32
      %dma_wait3A_544 = arith.constant 0 : i32
      %dma_wait3A_545 = tpu.memref_slice %arg9[%dma_wait3A_543, %dma_wait3A_544] : memref<80x128xf32, #tpu.memory_space<vmem>> -> memref<80x128xf32, #tpu.memory_space<vmem>>
      %dma_wait3A_546 = arith.constant 0 : i32
      %dma_wait3A_547 = tpu.memref_slice %arg11[%add3A_379, %dma_wait3A_546] : memref<10240x128xf32, #tpu.memory_space<vmem_shared>> -> memref<80x128xf32, #tpu.memory_space<vmem_shared>>
      %dma_wait3A_548 = arith.constant 0 : i32
      %dma_wait3A_549 = arith.constant 0 : i32
      %dma_wait3A_550 = tpu.memref_slice %arg9[%dma_wait3A_548, %dma_wait3A_549] : memref<80x128xf32, #tpu.memory_space<vmem>> -> memref<80x128xf32, #tpu.memory_space<vmem>>
      %dma_wait3A_551 = arith.constant 0 : i32
      %dma_wait3A_552 = tpu.memref_slice %arg11[%add3A_379, %dma_wait3A_551] : memref<10240x128xf32, #tpu.memory_space<vmem_shared>> -> memref<80x128xf32, #tpu.memory_space<vmem_shared>>
      tpu.wait_dma2 semaphore(%run_scoped3A_532 : memref<!tpu.dma_semaphore, #tpu.memory_space<semaphore_mem>>) src(%dma_wait3A_552 : memref<80x128xf32, #tpu.memory_space<vmem_shared>>) dst(%dma_wait3A_550 : memref<80x128xf32, #tpu.memory_space<vmem>>)
      tpu.yield
    }) : () -> ()
    %dma_start3A_380 = arith.constant 0 : i32
    %dma_start3A_381 = arith.constant 0 : i32
    %dma_start3A_382 = tpu.memref_slice %arg9[%dma_start3A_380, %dma_start3A_381] : memref<80x128xf32, #tpu.memory_space<vmem>> -> memref<80x128xf32, #tpu.memory_space<vmem>>
    %dma_start3A_383 = arith.constant 0 : i32
    %dma_start3A_384 = tpu.memref_slice %arg6[%arg0, %add3A_359, %dma_start3A_383] : memref<2x10240x128xf32, #tpu.memory_space<hbm>> -> memref<1x80x128xf32, #tpu.memory_space<hbm>>
    %dma_start3A_385 = tpu.memref_squeeze %dma_start3A_384 : memref<1x80x128xf32, #tpu.memory_space<hbm>> -> memref<80x128xf32, #tpu.memory_space<hbm>>
    %dma_start3A_386 = arith.constant 0 : i32
    %dma_start3A_387 = tpu.memref_slice %arg6[%arg0, %add3A_359, %dma_start3A_386] : memref<2x10240x128xf32, #tpu.memory_space<hbm>> -> memref<1x80x128xf32, #tpu.memory_space<hbm>>
    %dma_start3A_388 = tpu.memref_squeeze %dma_start3A_387 : memref<1x80x128xf32, #tpu.memory_space<hbm>> -> memref<80x128xf32, #tpu.memory_space<hbm>>
    %dma_start3A_389 = arith.constant 0 : i32
    %dma_start3A_390 = arith.constant 0 : i32
    %dma_start3A_391 = tpu.memref_slice %arg9[%dma_start3A_389, %dma_start3A_390] : memref<80x128xf32, #tpu.memory_space<vmem>> -> memref<80x128xf32, #tpu.memory_space<vmem>>
    tpu.enqueue_dma source(%dma_start3A_391 : memref<80x128xf32, #tpu.memory_space<vmem>>) target(%dma_start3A_388 : memref<80x128xf32, #tpu.memory_space<hbm>>) target_semaphore(%arg12 : memref<!tpu.dma_semaphore, #tpu.memory_space<semaphore_mem>>)
    %mul3A_392 = arith.constant 640 : i32
    %mul3A_393 = arith.muli %arg1, %mul3A_392 : i32
    %add3A_394 = arith.constant 400 : i32
    %add3A_395 = arith.addi %mul3A_393, %add3A_394 : i32
    %mul3A_396 = arith.constant 640 : i32
    %mul3A_397 = arith.muli %arg1, %mul3A_396 : i32
    %add3A_398 = arith.constant 240 : i32
    %add3A_399 = arith.addi %mul3A_397, %add3A_398 : i32
    %dma_wait3A_400 = arith.constant 0 : i32
    %dma_wait3A_401 = arith.constant 0 : i32
    %dma_wait3A_402 = tpu.memref_slice %arg10[%dma_wait3A_400, %dma_wait3A_401] : memref<80x128xf32, #tpu.memory_space<vmem>> -> memref<80x128xf32, #tpu.memory_space<vmem>>
    %dma_wait3A_403 = arith.constant 0 : i32
    %dma_wait3A_404 = tpu.memref_slice %arg6[%arg0, %add3A_399, %dma_wait3A_403] : memref<2x10240x128xf32, #tpu.memory_space<hbm>> -> memref<1x80x128xf32, #tpu.memory_space<hbm>>
    %dma_wait3A_405 = tpu.memref_squeeze %dma_wait3A_404 : memref<1x80x128xf32, #tpu.memory_space<hbm>> -> memref<80x128xf32, #tpu.memory_space<hbm>>
    %dma_wait3A_406 = arith.constant 0 : i32
    %dma_wait3A_407 = tpu.memref_slice %arg6[%arg0, %add3A_399, %dma_wait3A_406] : memref<2x10240x128xf32, #tpu.memory_space<hbm>> -> memref<1x80x128xf32, #tpu.memory_space<hbm>>
    %dma_wait3A_408 = tpu.memref_squeeze %dma_wait3A_407 : memref<1x80x128xf32, #tpu.memory_space<hbm>> -> memref<80x128xf32, #tpu.memory_space<hbm>>
    %dma_wait3A_409 = arith.constant 0 : i32
    %dma_wait3A_410 = arith.constant 0 : i32
    %dma_wait3A_411 = tpu.memref_slice %arg10[%dma_wait3A_409, %dma_wait3A_410] : memref<80x128xf32, #tpu.memory_space<vmem>> -> memref<80x128xf32, #tpu.memory_space<vmem>>
    tpu.wait_dma2 semaphore(%arg13 : memref<!tpu.dma_semaphore, #tpu.memory_space<semaphore_mem>>) src(%dma_wait3A_411 : memref<80x128xf32, #tpu.memory_space<vmem>>) dst(%dma_wait3A_408 : memref<80x128xf32, #tpu.memory_space<hbm>>)
    %mul3A_412 = arith.constant 640 : i32
    %mul3A_413 = arith.muli %arg1, %mul3A_412 : i32
    %add3A_414 = arith.constant 400 : i32
    %add3A_415 = arith.addi %mul3A_413, %add3A_414 : i32
    "tpu.region"() ({
      %run_scoped3A_532 = tpu.sem_alloc : memref<!tpu.dma_semaphore, #tpu.memory_space<semaphore_mem>>
      %dma_start3A_533 = arith.constant 0 : i32
      %dma_start3A_534 = arith.constant 0 : i32
      %dma_start3A_535 = tpu.memref_slice %arg10[%dma_start3A_533, %dma_start3A_534] : memref<80x128xf32, #tpu.memory_space<vmem>> -> memref<80x128xf32, #tpu.memory_space<vmem>>
      %dma_start3A_536 = arith.constant 0 : i32
      %dma_start3A_537 = tpu.memref_slice %arg11[%add3A_415, %dma_start3A_536] : memref<10240x128xf32, #tpu.memory_space<vmem_shared>> -> memref<80x128xf32, #tpu.memory_space<vmem_shared>>
      %dma_start3A_538 = arith.constant 0 : i32
      %dma_start3A_539 = arith.constant 0 : i32
      %dma_start3A_540 = tpu.memref_slice %arg10[%dma_start3A_538, %dma_start3A_539] : memref<80x128xf32, #tpu.memory_space<vmem>> -> memref<80x128xf32, #tpu.memory_space<vmem>>
      %dma_start3A_541 = arith.constant 0 : i32
      %dma_start3A_542 = tpu.memref_slice %arg11[%add3A_415, %dma_start3A_541] : memref<10240x128xf32, #tpu.memory_space<vmem_shared>> -> memref<80x128xf32, #tpu.memory_space<vmem_shared>>
      tpu.enqueue_dma source(%dma_start3A_542 : memref<80x128xf32, #tpu.memory_space<vmem_shared>>) target(%dma_start3A_540 : memref<80x128xf32, #tpu.memory_space<vmem>>) target_semaphore(%run_scoped3A_532 : memref<!tpu.dma_semaphore, #tpu.memory_space<semaphore_mem>>)
      %dma_wait3A_543 = arith.constant 0 : i32
      %dma_wait3A_544 = arith.constant 0 : i32
      %dma_wait3A_545 = tpu.memref_slice %arg10[%dma_wait3A_543, %dma_wait3A_544] : memref<80x128xf32, #tpu.memory_space<vmem>> -> memref<80x128xf32, #tpu.memory_space<vmem>>
      %dma_wait3A_546 = arith.constant 0 : i32
      %dma_wait3A_547 = tpu.memref_slice %arg11[%add3A_415, %dma_wait3A_546] : memref<10240x128xf32, #tpu.memory_space<vmem_shared>> -> memref<80x128xf32, #tpu.memory_space<vmem_shared>>
      %dma_wait3A_548 = arith.constant 0 : i32
      %dma_wait3A_549 = arith.constant 0 : i32
      %dma_wait3A_550 = tpu.memref_slice %arg10[%dma_wait3A_548, %dma_wait3A_549] : memref<80x128xf32, #tpu.memory_space<vmem>> -> memref<80x128xf32, #tpu.memory_space<vmem>>
      %dma_wait3A_551 = arith.constant 0 : i32
      %dma_wait3A_552 = tpu.memref_slice %arg11[%add3A_415, %dma_wait3A_551] : memref<10240x128xf32, #tpu.memory_space<vmem_shared>> -> memref<80x128xf32, #tpu.memory_space<vmem_shared>>
      tpu.wait_dma2 semaphore(%run_scoped3A_532 : memref<!tpu.dma_semaphore, #tpu.memory_space<semaphore_mem>>) src(%dma_wait3A_552 : memref<80x128xf32, #tpu.memory_space<vmem_shared>>) dst(%dma_wait3A_550 : memref<80x128xf32, #tpu.memory_space<vmem>>)
      tpu.yield
    }) : () -> ()
    %dma_start3A_416 = arith.constant 0 : i32
    %dma_start3A_417 = arith.constant 0 : i32
    %dma_start3A_418 = tpu.memref_slice %arg10[%dma_start3A_416, %dma_start3A_417] : memref<80x128xf32, #tpu.memory_space<vmem>> -> memref<80x128xf32, #tpu.memory_space<vmem>>
    %dma_start3A_419 = arith.constant 0 : i32
    %dma_start3A_420 = tpu.memref_slice %arg6[%arg0, %add3A_395, %dma_start3A_419] : memref<2x10240x128xf32, #tpu.memory_space<hbm>> -> memref<1x80x128xf32, #tpu.memory_space<hbm>>
    %dma_start3A_421 = tpu.memref_squeeze %dma_start3A_420 : memref<1x80x128xf32, #tpu.memory_space<hbm>> -> memref<80x128xf32, #tpu.memory_space<hbm>>
    %dma_start3A_422 = arith.constant 0 : i32
    %dma_start3A_423 = tpu.memref_slice %arg6[%arg0, %add3A_395, %dma_start3A_422] : memref<2x10240x128xf32, #tpu.memory_space<hbm>> -> memref<1x80x128xf32, #tpu.memory_space<hbm>>
    %dma_start3A_424 = tpu.memref_squeeze %dma_start3A_423 : memref<1x80x128xf32, #tpu.memory_space<hbm>> -> memref<80x128xf32, #tpu.memory_space<hbm>>
    %dma_start3A_425 = arith.constant 0 : i32
    %dma_start3A_426 = arith.constant 0 : i32
    %dma_start3A_427 = tpu.memref_slice %arg10[%dma_start3A_425, %dma_start3A_426] : memref<80x128xf32, #tpu.memory_space<vmem>> -> memref<80x128xf32, #tpu.memory_space<vmem>>
    tpu.enqueue_dma source(%dma_start3A_427 : memref<80x128xf32, #tpu.memory_space<vmem>>) target(%dma_start3A_424 : memref<80x128xf32, #tpu.memory_space<hbm>>) target_semaphore(%arg13 : memref<!tpu.dma_semaphore, #tpu.memory_space<semaphore_mem>>)
    %mul3A_428 = arith.constant 640 : i32
    %mul3A_429 = arith.muli %arg1, %mul3A_428 : i32
    %add3A_430 = arith.constant 480 : i32
    %add3A_431 = arith.addi %mul3A_429, %add3A_430 : i32
    %mul3A_432 = arith.constant 640 : i32
    %mul3A_433 = arith.muli %arg1, %mul3A_432 : i32
    %add3A_434 = arith.constant 320 : i32
    %add3A_435 = arith.addi %mul3A_433, %add3A_434 : i32
    %dma_wait3A_436 = arith.constant 0 : i32
    %dma_wait3A_437 = arith.constant 0 : i32
    %dma_wait3A_438 = tpu.memref_slice %arg9[%dma_wait3A_436, %dma_wait3A_437] : memref<80x128xf32, #tpu.memory_space<vmem>> -> memref<80x128xf32, #tpu.memory_space<vmem>>
    %dma_wait3A_439 = arith.constant 0 : i32
    %dma_wait3A_440 = tpu.memref_slice %arg6[%arg0, %add3A_435, %dma_wait3A_439] : memref<2x10240x128xf32, #tpu.memory_space<hbm>> -> memref<1x80x128xf32, #tpu.memory_space<hbm>>
    %dma_wait3A_441 = tpu.memref_squeeze %dma_wait3A_440 : memref<1x80x128xf32, #tpu.memory_space<hbm>> -> memref<80x128xf32, #tpu.memory_space<hbm>>
    %dma_wait3A_442 = arith.constant 0 : i32
    %dma_wait3A_443 = tpu.memref_slice %arg6[%arg0, %add3A_435, %dma_wait3A_442] : memref<2x10240x128xf32, #tpu.memory_space<hbm>> -> memref<1x80x128xf32, #tpu.memory_space<hbm>>
    %dma_wait3A_444 = tpu.memref_squeeze %dma_wait3A_443 : memref<1x80x128xf32, #tpu.memory_space<hbm>> -> memref<80x128xf32, #tpu.memory_space<hbm>>
    %dma_wait3A_445 = arith.constant 0 : i32
    %dma_wait3A_446 = arith.constant 0 : i32
    %dma_wait3A_447 = tpu.memref_slice %arg9[%dma_wait3A_445, %dma_wait3A_446] : memref<80x128xf32, #tpu.memory_space<vmem>> -> memref<80x128xf32, #tpu.memory_space<vmem>>
    tpu.wait_dma2 semaphore(%arg12 : memref<!tpu.dma_semaphore, #tpu.memory_space<semaphore_mem>>) src(%dma_wait3A_447 : memref<80x128xf32, #tpu.memory_space<vmem>>) dst(%dma_wait3A_444 : memref<80x128xf32, #tpu.memory_space<hbm>>)
    %mul3A_448 = arith.constant 640 : i32
    %mul3A_449 = arith.muli %arg1, %mul3A_448 : i32
    %add3A_450 = arith.constant 480 : i32
    %add3A_451 = arith.addi %mul3A_449, %add3A_450 : i32
    "tpu.region"() ({
      %run_scoped3A_532 = tpu.sem_alloc : memref<!tpu.dma_semaphore, #tpu.memory_space<semaphore_mem>>
      %dma_start3A_533 = arith.constant 0 : i32
      %dma_start3A_534 = arith.constant 0 : i32
      %dma_start3A_535 = tpu.memref_slice %arg9[%dma_start3A_533, %dma_start3A_534] : memref<80x128xf32, #tpu.memory_space<vmem>> -> memref<80x128xf32, #tpu.memory_space<vmem>>
      %dma_start3A_536 = arith.constant 0 : i32
      %dma_start3A_537 = tpu.memref_slice %arg11[%add3A_451, %dma_start3A_536] : memref<10240x128xf32, #tpu.memory_space<vmem_shared>> -> memref<80x128xf32, #tpu.memory_space<vmem_shared>>
      %dma_start3A_538 = arith.constant 0 : i32
      %dma_start3A_539 = arith.constant 0 : i32
      %dma_start3A_540 = tpu.memref_slice %arg9[%dma_start3A_538, %dma_start3A_539] : memref<80x128xf32, #tpu.memory_space<vmem>> -> memref<80x128xf32, #tpu.memory_space<vmem>>
      %dma_start3A_541 = arith.constant 0 : i32
      %dma_start3A_542 = tpu.memref_slice %arg11[%add3A_451, %dma_start3A_541] : memref<10240x128xf32, #tpu.memory_space<vmem_shared>> -> memref<80x128xf32, #tpu.memory_space<vmem_shared>>
      tpu.enqueue_dma source(%dma_start3A_542 : memref<80x128xf32, #tpu.memory_space<vmem_shared>>) target(%dma_start3A_540 : memref<80x128xf32, #tpu.memory_space<vmem>>) target_semaphore(%run_scoped3A_532 : memref<!tpu.dma_semaphore, #tpu.memory_space<semaphore_mem>>)
      %dma_wait3A_543 = arith.constant 0 : i32
      %dma_wait3A_544 = arith.constant 0 : i32
      %dma_wait3A_545 = tpu.memref_slice %arg9[%dma_wait3A_543, %dma_wait3A_544] : memref<80x128xf32, #tpu.memory_space<vmem>> -> memref<80x128xf32, #tpu.memory_space<vmem>>
      %dma_wait3A_546 = arith.constant 0 : i32
      %dma_wait3A_547 = tpu.memref_slice %arg11[%add3A_451, %dma_wait3A_546] : memref<10240x128xf32, #tpu.memory_space<vmem_shared>> -> memref<80x128xf32, #tpu.memory_space<vmem_shared>>
      %dma_wait3A_548 = arith.constant 0 : i32
      %dma_wait3A_549 = arith.constant 0 : i32
      %dma_wait3A_550 = tpu.memref_slice %arg9[%dma_wait3A_548, %dma_wait3A_549] : memref<80x128xf32, #tpu.memory_space<vmem>> -> memref<80x128xf32, #tpu.memory_space<vmem>>
      %dma_wait3A_551 = arith.constant 0 : i32
      %dma_wait3A_552 = tpu.memref_slice %arg11[%add3A_451, %dma_wait3A_551] : memref<10240x128xf32, #tpu.memory_space<vmem_shared>> -> memref<80x128xf32, #tpu.memory_space<vmem_shared>>
      tpu.wait_dma2 semaphore(%run_scoped3A_532 : memref<!tpu.dma_semaphore, #tpu.memory_space<semaphore_mem>>) src(%dma_wait3A_552 : memref<80x128xf32, #tpu.memory_space<vmem_shared>>) dst(%dma_wait3A_550 : memref<80x128xf32, #tpu.memory_space<vmem>>)
      tpu.yield
    }) : () -> ()
    %dma_start3A_452 = arith.constant 0 : i32
    %dma_start3A_453 = arith.constant 0 : i32
    %dma_start3A_454 = tpu.memref_slice %arg9[%dma_start3A_452, %dma_start3A_453] : memref<80x128xf32, #tpu.memory_space<vmem>> -> memref<80x128xf32, #tpu.memory_space<vmem>>
    %dma_start3A_455 = arith.constant 0 : i32
    %dma_start3A_456 = tpu.memref_slice %arg6[%arg0, %add3A_431, %dma_start3A_455] : memref<2x10240x128xf32, #tpu.memory_space<hbm>> -> memref<1x80x128xf32, #tpu.memory_space<hbm>>
    %dma_start3A_457 = tpu.memref_squeeze %dma_start3A_456 : memref<1x80x128xf32, #tpu.memory_space<hbm>> -> memref<80x128xf32, #tpu.memory_space<hbm>>
    %dma_start3A_458 = arith.constant 0 : i32
    %dma_start3A_459 = tpu.memref_slice %arg6[%arg0, %add3A_431, %dma_start3A_458] : memref<2x10240x128xf32, #tpu.memory_space<hbm>> -> memref<1x80x128xf32, #tpu.memory_space<hbm>>
    %dma_start3A_460 = tpu.memref_squeeze %dma_start3A_459 : memref<1x80x128xf32, #tpu.memory_space<hbm>> -> memref<80x128xf32, #tpu.memory_space<hbm>>
    %dma_start3A_461 = arith.constant 0 : i32
    %dma_start3A_462 = arith.constant 0 : i32
    %dma_start3A_463 = tpu.memref_slice %arg9[%dma_start3A_461, %dma_start3A_462] : memref<80x128xf32, #tpu.memory_space<vmem>> -> memref<80x128xf32, #tpu.memory_space<vmem>>
    tpu.enqueue_dma source(%dma_start3A_463 : memref<80x128xf32, #tpu.memory_space<vmem>>) target(%dma_start3A_460 : memref<80x128xf32, #tpu.memory_space<hbm>>) target_semaphore(%arg12 : memref<!tpu.dma_semaphore, #tpu.memory_space<semaphore_mem>>)
    %mul3A_464 = arith.constant 640 : i32
    %mul3A_465 = arith.muli %arg1, %mul3A_464 : i32
    %add3A_466 = arith.constant 560 : i32
    %add3A_467 = arith.addi %mul3A_465, %add3A_466 : i32
    %mul3A_468 = arith.constant 640 : i32
    %mul3A_469 = arith.muli %arg1, %mul3A_468 : i32
    %add3A_470 = arith.constant 400 : i32
    %add3A_471 = arith.addi %mul3A_469, %add3A_470 : i32
    %dma_wait3A_472 = arith.constant 0 : i32
    %dma_wait3A_473 = arith.constant 0 : i32
    %dma_wait3A_474 = tpu.memref_slice %arg10[%dma_wait3A_472, %dma_wait3A_473] : memref<80x128xf32, #tpu.memory_space<vmem>> -> memref<80x128xf32, #tpu.memory_space<vmem>>
    %dma_wait3A_475 = arith.constant 0 : i32
    %dma_wait3A_476 = tpu.memref_slice %arg6[%arg0, %add3A_471, %dma_wait3A_475] : memref<2x10240x128xf32, #tpu.memory_space<hbm>> -> memref<1x80x128xf32, #tpu.memory_space<hbm>>
    %dma_wait3A_477 = tpu.memref_squeeze %dma_wait3A_476 : memref<1x80x128xf32, #tpu.memory_space<hbm>> -> memref<80x128xf32, #tpu.memory_space<hbm>>
    %dma_wait3A_478 = arith.constant 0 : i32
    %dma_wait3A_479 = tpu.memref_slice %arg6[%arg0, %add3A_471, %dma_wait3A_478] : memref<2x10240x128xf32, #tpu.memory_space<hbm>> -> memref<1x80x128xf32, #tpu.memory_space<hbm>>
    %dma_wait3A_480 = tpu.memref_squeeze %dma_wait3A_479 : memref<1x80x128xf32, #tpu.memory_space<hbm>> -> memref<80x128xf32, #tpu.memory_space<hbm>>
    %dma_wait3A_481 = arith.constant 0 : i32
    %dma_wait3A_482 = arith.constant 0 : i32
    %dma_wait3A_483 = tpu.memref_slice %arg10[%dma_wait3A_481, %dma_wait3A_482] : memref<80x128xf32, #tpu.memory_space<vmem>> -> memref<80x128xf32, #tpu.memory_space<vmem>>
    tpu.wait_dma2 semaphore(%arg13 : memref<!tpu.dma_semaphore, #tpu.memory_space<semaphore_mem>>) src(%dma_wait3A_483 : memref<80x128xf32, #tpu.memory_space<vmem>>) dst(%dma_wait3A_480 : memref<80x128xf32, #tpu.memory_space<hbm>>)
    %mul3A_484 = arith.constant 640 : i32
    %mul3A_485 = arith.muli %arg1, %mul3A_484 : i32
    %add3A_486 = arith.constant 560 : i32
    %add3A_487 = arith.addi %mul3A_485, %add3A_486 : i32
    "tpu.region"() ({
      %run_scoped3A_532 = tpu.sem_alloc : memref<!tpu.dma_semaphore, #tpu.memory_space<semaphore_mem>>
      %dma_start3A_533 = arith.constant 0 : i32
      %dma_start3A_534 = arith.constant 0 : i32
      %dma_start3A_535 = tpu.memref_slice %arg10[%dma_start3A_533, %dma_start3A_534] : memref<80x128xf32, #tpu.memory_space<vmem>> -> memref<80x128xf32, #tpu.memory_space<vmem>>
      %dma_start3A_536 = arith.constant 0 : i32
      %dma_start3A_537 = tpu.memref_slice %arg11[%add3A_487, %dma_start3A_536] : memref<10240x128xf32, #tpu.memory_space<vmem_shared>> -> memref<80x128xf32, #tpu.memory_space<vmem_shared>>
      %dma_start3A_538 = arith.constant 0 : i32
      %dma_start3A_539 = arith.constant 0 : i32
      %dma_start3A_540 = tpu.memref_slice %arg10[%dma_start3A_538, %dma_start3A_539] : memref<80x128xf32, #tpu.memory_space<vmem>> -> memref<80x128xf32, #tpu.memory_space<vmem>>
      %dma_start3A_541 = arith.constant 0 : i32
      %dma_start3A_542 = tpu.memref_slice %arg11[%add3A_487, %dma_start3A_541] : memref<10240x128xf32, #tpu.memory_space<vmem_shared>> -> memref<80x128xf32, #tpu.memory_space<vmem_shared>>
      tpu.enqueue_dma source(%dma_start3A_542 : memref<80x128xf32, #tpu.memory_space<vmem_shared>>) target(%dma_start3A_540 : memref<80x128xf32, #tpu.memory_space<vmem>>) target_semaphore(%run_scoped3A_532 : memref<!tpu.dma_semaphore, #tpu.memory_space<semaphore_mem>>)
      %dma_wait3A_543 = arith.constant 0 : i32
      %dma_wait3A_544 = arith.constant 0 : i32
      %dma_wait3A_545 = tpu.memref_slice %arg10[%dma_wait3A_543, %dma_wait3A_544] : memref<80x128xf32, #tpu.memory_space<vmem>> -> memref<80x128xf32, #tpu.memory_space<vmem>>
      %dma_wait3A_546 = arith.constant 0 : i32
      %dma_wait3A_547 = tpu.memref_slice %arg11[%add3A_487, %dma_wait3A_546] : memref<10240x128xf32, #tpu.memory_space<vmem_shared>> -> memref<80x128xf32, #tpu.memory_space<vmem_shared>>
      %dma_wait3A_548 = arith.constant 0 : i32
      %dma_wait3A_549 = arith.constant 0 : i32
      %dma_wait3A_550 = tpu.memref_slice %arg10[%dma_wait3A_548, %dma_wait3A_549] : memref<80x128xf32, #tpu.memory_space<vmem>> -> memref<80x128xf32, #tpu.memory_space<vmem>>
      %dma_wait3A_551 = arith.constant 0 : i32
      %dma_wait3A_552 = tpu.memref_slice %arg11[%add3A_487, %dma_wait3A_551] : memref<10240x128xf32, #tpu.memory_space<vmem_shared>> -> memref<80x128xf32, #tpu.memory_space<vmem_shared>>
      tpu.wait_dma2 semaphore(%run_scoped3A_532 : memref<!tpu.dma_semaphore, #tpu.memory_space<semaphore_mem>>) src(%dma_wait3A_552 : memref<80x128xf32, #tpu.memory_space<vmem_shared>>) dst(%dma_wait3A_550 : memref<80x128xf32, #tpu.memory_space<vmem>>)
      tpu.yield
    }) : () -> ()
    %dma_start3A_488 = arith.constant 0 : i32
    %dma_start3A_489 = arith.constant 0 : i32
    %dma_start3A_490 = tpu.memref_slice %arg10[%dma_start3A_488, %dma_start3A_489] : memref<80x128xf32, #tpu.memory_space<vmem>> -> memref<80x128xf32, #tpu.memory_space<vmem>>
    %dma_start3A_491 = arith.constant 0 : i32
    %dma_start3A_492 = tpu.memref_slice %arg6[%arg0, %add3A_467, %dma_start3A_491] : memref<2x10240x128xf32, #tpu.memory_space<hbm>> -> memref<1x80x128xf32, #tpu.memory_space<hbm>>
    %dma_start3A_493 = tpu.memref_squeeze %dma_start3A_492 : memref<1x80x128xf32, #tpu.memory_space<hbm>> -> memref<80x128xf32, #tpu.memory_space<hbm>>
    %dma_start3A_494 = arith.constant 0 : i32
    %dma_start3A_495 = tpu.memref_slice %arg6[%arg0, %add3A_467, %dma_start3A_494] : memref<2x10240x128xf32, #tpu.memory_space<hbm>> -> memref<1x80x128xf32, #tpu.memory_space<hbm>>
    %dma_start3A_496 = tpu.memref_squeeze %dma_start3A_495 : memref<1x80x128xf32, #tpu.memory_space<hbm>> -> memref<80x128xf32, #tpu.memory_space<hbm>>
    %dma_start3A_497 = arith.constant 0 : i32
    %dma_start3A_498 = arith.constant 0 : i32
    %dma_start3A_499 = tpu.memref_slice %arg10[%dma_start3A_497, %dma_start3A_498] : memref<80x128xf32, #tpu.memory_space<vmem>> -> memref<80x128xf32, #tpu.memory_space<vmem>>
    tpu.enqueue_dma source(%dma_start3A_499 : memref<80x128xf32, #tpu.memory_space<vmem>>) target(%dma_start3A_496 : memref<80x128xf32, #tpu.memory_space<hbm>>) target_semaphore(%arg13 : memref<!tpu.dma_semaphore, #tpu.memory_space<semaphore_mem>>)
    %mul3A_500 = arith.constant 640 : i32
    %mul3A_501 = arith.muli %arg1, %mul3A_500 : i32
    %add3A_502 = arith.constant 480 : i32
    %add3A_503 = arith.addi %mul3A_501, %add3A_502 : i32
    %dma_wait3A_504 = arith.constant 0 : i32
    %dma_wait3A_505 = arith.constant 0 : i32
    %dma_wait3A_506 = tpu.memref_slice %arg9[%dma_wait3A_504, %dma_wait3A_505] : memref<80x128xf32, #tpu.memory_space<vmem>> -> memref<80x128xf32, #tpu.memory_space<vmem>>
    %dma_wait3A_507 = arith.constant 0 : i32
    %dma_wait3A_508 = tpu.memref_slice %arg6[%arg0, %add3A_503, %dma_wait3A_507] : memref<2x10240x128xf32, #tpu.memory_space<hbm>> -> memref<1x80x128xf32, #tpu.memory_space<hbm>>
    %dma_wait3A_509 = tpu.memref_squeeze %dma_wait3A_508 : memref<1x80x128xf32, #tpu.memory_space<hbm>> -> memref<80x128xf32, #tpu.memory_space<hbm>>
    %dma_wait3A_510 = arith.constant 0 : i32
    %dma_wait3A_511 = tpu.memref_slice %arg6[%arg0, %add3A_503, %dma_wait3A_510] : memref<2x10240x128xf32, #tpu.memory_space<hbm>> -> memref<1x80x128xf32, #tpu.memory_space<hbm>>
    %dma_wait3A_512 = tpu.memref_squeeze %dma_wait3A_511 : memref<1x80x128xf32, #tpu.memory_space<hbm>> -> memref<80x128xf32, #tpu.memory_space<hbm>>
    %dma_wait3A_513 = arith.constant 0 : i32
    %dma_wait3A_514 = arith.constant 0 : i32
    %dma_wait3A_515 = tpu.memref_slice %arg9[%dma_wait3A_513, %dma_wait3A_514] : memref<80x128xf32, #tpu.memory_space<vmem>> -> memref<80x128xf32, #tpu.memory_space<vmem>>
    tpu.wait_dma2 semaphore(%arg12 : memref<!tpu.dma_semaphore, #tpu.memory_space<semaphore_mem>>) src(%dma_wait3A_515 : memref<80x128xf32, #tpu.memory_space<vmem>>) dst(%dma_wait3A_512 : memref<80x128xf32, #tpu.memory_space<hbm>>)
    %mul3A_516 = arith.constant 640 : i32
    %mul3A_517 = arith.muli %arg1, %mul3A_516 : i32
    %add3A_518 = arith.constant 560 : i32
    %add3A_519 = arith.addi %mul3A_517, %add3A_518 : i32
    %dma_wait3A_520 = arith.constant 0 : i32
    %dma_wait3A_521 = arith.constant 0 : i32
    %dma_wait3A_522 = tpu.memref_slice %arg10[%dma_wait3A_520, %dma_wait3A_521] : memref<80x128xf32, #tpu.memory_space<vmem>> -> memref<80x128xf32, #tpu.memory_space<vmem>>
    %dma_wait3A_523 = arith.constant 0 : i32
    %dma_wait3A_524 = tpu.memref_slice %arg6[%arg0, %add3A_519, %dma_wait3A_523] : memref<2x10240x128xf32, #tpu.memory_space<hbm>> -> memref<1x80x128xf32, #tpu.memory_space<hbm>>
    %dma_wait3A_525 = tpu.memref_squeeze %dma_wait3A_524 : memref<1x80x128xf32, #tpu.memory_space<hbm>> -> memref<80x128xf32, #tpu.memory_space<hbm>>
    %dma_wait3A_526 = arith.constant 0 : i32
    %dma_wait3A_527 = tpu.memref_slice %arg6[%arg0, %add3A_519, %dma_wait3A_526] : memref<2x10240x128xf32, #tpu.memory_space<hbm>> -> memref<1x80x128xf32, #tpu.memory_space<hbm>>
    %dma_wait3A_528 = tpu.memref_squeeze %dma_wait3A_527 : memref<1x80x128xf32, #tpu.memory_space<hbm>> -> memref<80x128xf32, #tpu.memory_space<hbm>>
    %dma_wait3A_529 = arith.constant 0 : i32
    %dma_wait3A_530 = arith.constant 0 : i32
    %dma_wait3A_531 = tpu.memref_slice %arg10[%dma_wait3A_529, %dma_wait3A_530] : memref<80x128xf32, #tpu.memory_space<vmem>> -> memref<80x128xf32, #tpu.memory_space<vmem>>
    tpu.wait_dma2 semaphore(%arg13 : memref<!tpu.dma_semaphore, #tpu.memory_space<semaphore_mem>>) src(%dma_wait3A_531 : memref<80x128xf32, #tpu.memory_space<vmem>>) dst(%dma_wait3A_528 : memref<80x128xf32, #tpu.memory_space<hbm>>)
    return
  }
}

module attributes {stable_mosaic.version = 14 : i64} {
  func.func @_tc_pre_body(%arg0: i32, %arg1: memref<10240x128xf32, #tpu.memory_space<vmem>>, %arg2: memref<10240x128xf32, #tpu.memory_space<vmem>>, %arg3: memref<1x128x128xf32, #tpu.memory_space<vmem>>, %arg4: memref<1x1x128xf32, #tpu.memory_space<vmem>>, %arg5: memref<1x128x128xf32, #tpu.memory_space<vmem>>, %arg6: memref<1x1x128xf32, #tpu.memory_space<vmem>>, %arg7: memref<10240x128xf32, #tpu.memory_space<vmem>>, %arg8: memref<10240x128xf32, #tpu.memory_space<vmem>>) attributes {dimension_semantics = [#tpu.dimension_semantics<arbitrary>], iteration_bounds = array<i64: 1>, scalar_prefetch = 0 : i64, scratch_operands = 0 : i64, tpu.core_type = #tpu.core_type<tc>, window_params = [{pipeline_mode = #tpu.pipeline_mode<synchronous>, transform_indices = @transform_0, window_bounds = array<i64: 10240, 128>}, {pipeline_mode = #tpu.pipeline_mode<synchronous>, transform_indices = @transform_1, window_bounds = array<i64: 10240, 128>}, {transform_indices = @transform_2, window_bounds = array<i64: 1, 128, 128>}, {transform_indices = @transform_3, window_bounds = array<i64: 1, 1, 128>}, {transform_indices = @transform_4, window_bounds = array<i64: 1, 128, 128>}, {transform_indices = @transform_5, window_bounds = array<i64: 1, 1, 128>}, {pipeline_mode = #tpu.pipeline_mode<synchronous>, transform_indices = @transform_6, window_bounds = array<i64: 10240, 128>}, {pipeline_mode = #tpu.pipeline_mode<synchronous>, transform_indices = @transform_7, window_bounds = array<i64: 10240, 128>}]} {
    %get3A = arith.constant 0 : index
    %get3A_0 = arith.constant 0 : index
    %get3A_1 = vector.load %arg1[%get3A, %get3A_0] : memref<10240x128xf32, #tpu.memory_space<vmem>>, vector<10240x128xf32>
    %get3A_2 = arith.constant 0 : index
    %get3A_3 = arith.constant 0 : index
    %get3A_4 = vector.load %arg2[%get3A_2, %get3A_3] : memref<10240x128xf32, #tpu.memory_space<vmem>>, vector<10240x128xf32>
    %add3A = arith.addf %get3A_1, %get3A_4 : vector<10240x128xf32>
    %get3A_5 = arith.constant 0 : index
    %get3A_6 = arith.constant 0 : index
    %get3A_7 = arith.constant 0 : index
    %get3A_8 = vector.load %arg3[%get3A_5, %get3A_6, %get3A_7] : memref<1x128x128xf32, #tpu.memory_space<vmem>>, vector<1x128x128xf32>
    %get3A_9 = vector.shape_cast %get3A_8 : vector<1x128x128xf32> to vector<128x128xf32>
    %dot_general3A = arith.constant dense<0.000000e+00> : vector<10240x128xf32>
    %dot_general3A_10 = tpu.matmul %add3A, %get3A_9, %dot_general3A {dimension_numbers = #tpu.dot_dimension_numbers<[1], [0], [0], [1], [0, 0, 1, 1], [], []>, transpose_lhs_hint = false} : vector<10240x128xf32>, vector<128x128xf32>, vector<10240x128xf32> -> vector<10240x128xf32>
    %get3A_11 = arith.constant 0 : index
    %get3A_12 = arith.constant 0 : index
    %get3A_13 = arith.constant 0 : index
    %get3A_14 = vector.load %arg4[%get3A_11, %get3A_12, %get3A_13] : memref<1x1x128xf32, #tpu.memory_space<vmem>>, vector<1x1x128xf32>
    %get3A_15 = vector.shape_cast %get3A_14 : vector<1x1x128xf32> to vector<1x128xf32>
    %add3A_16 = vector.broadcast %get3A_15 : vector<1x128xf32> to vector<10240x128xf32>
    %add3A_17 = arith.addf %dot_general3A_10, %add3A_16 : vector<10240x128xf32>
    %swap3A = arith.constant 0 : index
    %swap3A_18 = arith.constant 0 : index
    %swap3A_19 = vector.load %arg7[%swap3A, %swap3A_18] : memref<10240x128xf32, #tpu.memory_space<vmem>>, vector<10240x128xf32>
    tpu.vector_store %arg7[%swap3A, %swap3A_18], %add3A_17 {strides = array<i32>} : memref<10240x128xf32, #tpu.memory_space<vmem>>, vector<10240x128xf32>,
    %get3A_20 = arith.constant 0 : index
    %get3A_21 = arith.constant 0 : index
    %get3A_22 = arith.constant 0 : index
    %get3A_23 = vector.load %arg5[%get3A_20, %get3A_21, %get3A_22] : memref<1x128x128xf32, #tpu.memory_space<vmem>>, vector<1x128x128xf32>
    %get3A_24 = vector.shape_cast %get3A_23 : vector<1x128x128xf32> to vector<128x128xf32>
    %dot_general3A_25 = arith.constant dense<0.000000e+00> : vector<10240x128xf32>
    %dot_general3A_26 = tpu.matmul %add3A, %get3A_24, %dot_general3A_25 {dimension_numbers = #tpu.dot_dimension_numbers<[1], [0], [0], [1], [0, 0, 1, 1], [], []>, transpose_lhs_hint = false} : vector<10240x128xf32>, vector<128x128xf32>, vector<10240x128xf32> -> vector<10240x128xf32>
    %get3A_27 = arith.constant 0 : index
    %get3A_28 = arith.constant 0 : index
    %get3A_29 = arith.constant 0 : index
    %get3A_30 = vector.load %arg6[%get3A_27, %get3A_28, %get3A_29] : memref<1x1x128xf32, #tpu.memory_space<vmem>>, vector<1x1x128xf32>
    %get3A_31 = vector.shape_cast %get3A_30 : vector<1x1x128xf32> to vector<1x128xf32>
    %add3A_32 = vector.broadcast %get3A_31 : vector<1x128xf32> to vector<10240x128xf32>
    %add3A_33 = arith.addf %dot_general3A_26, %add3A_32 : vector<10240x128xf32>
    %swap3A_34 = arith.constant 0 : index
    %swap3A_35 = arith.constant 0 : index
    %swap3A_36 = vector.load %arg8[%swap3A_34, %swap3A_35] : memref<10240x128xf32, #tpu.memory_space<vmem>>, vector<10240x128xf32>
    tpu.vector_store %arg8[%swap3A_34, %swap3A_35], %add3A_33 {strides = array<i32>} : memref<10240x128xf32, #tpu.memory_space<vmem>>, vector<10240x128xf32>,
    return
  }
  func.func @transform_0(%arg0: i32) -> (i32, i32) {
    %c0_i32 = arith.constant 0 : i32
    %c0_i32_0 = arith.constant 0 : i32
    %c0_i32_1 = arith.constant 0 : i32
    return %c0_i32, %c0_i32_0 : i32, i32
  }
  func.func @transform_1(%arg0: i32) -> (i32, i32) {
    %c0_i32 = arith.constant 0 : i32
    %c0_i32_0 = arith.constant 0 : i32
    %c0_i32_1 = arith.constant 0 : i32
    return %c0_i32, %c0_i32_0 : i32, i32
  }
  func.func @transform_2(%arg0: i32) -> (i32, i32, i32) {
    %c0_i32 = arith.constant 0 : i32
    %c0_i32_0 = arith.constant 0 : i32
    %c0_i32_1 = arith.constant 0 : i32
    %c0_i32_2 = arith.constant 0 : i32
    return %c0_i32, %c0_i32_0, %c0_i32_1 : i32, i32, i32
  }
  func.func @transform_3(%arg0: i32) -> (i32, i32, i32) {
    %c0_i32 = arith.constant 0 : i32
    %c0_i32_0 = arith.constant 0 : i32
    %c0_i32_1 = arith.constant 0 : i32
    %c0_i32_2 = arith.constant 0 : i32
    return %c0_i32, %c0_i32_0, %c0_i32_1 : i32, i32, i32
  }
  func.func @transform_4(%arg0: i32) -> (i32, i32, i32) {
    %c0_i32 = arith.constant 0 : i32
    %c0_i32_0 = arith.constant 0 : i32
    %c0_i32_1 = arith.constant 0 : i32
    %c0_i32_2 = arith.constant 0 : i32
    return %c0_i32, %c0_i32_0, %c0_i32_1 : i32, i32, i32
  }
  func.func @transform_5(%arg0: i32) -> (i32, i32, i32) {
    %c0_i32 = arith.constant 0 : i32
    %c0_i32_0 = arith.constant 0 : i32
    %c0_i32_1 = arith.constant 0 : i32
    %c0_i32_2 = arith.constant 0 : i32
    return %c0_i32, %c0_i32_0, %c0_i32_1 : i32, i32, i32
  }
  func.func @transform_6(%arg0: i32) -> (i32, i32) {
    %c0_i32 = arith.constant 0 : i32
    %c0_i32_0 = arith.constant 0 : i32
    %c0_i32_1 = arith.constant 0 : i32
    return %c0_i32, %c0_i32_0 : i32, i32
  }
  func.func @transform_7(%arg0: i32) -> (i32, i32) {
    %c0_i32 = arith.constant 0 : i32
    %c0_i32_0 = arith.constant 0 : i32
    %c0_i32_1 = arith.constant 0 : i32
    return %c0_i32, %c0_i32_0 : i32, i32
  }
}

module attributes {stable_mosaic.version = 14 : i64} {
  func.func @_tc_mid_body(%arg0: i32, %arg1: memref<10240x128xf32, #tpu.memory_space<vmem>>, %arg2: memref<2x10240x128xf32, #tpu.memory_space<vmem>>, %arg3: memref<128x128xf32, #tpu.memory_space<vmem>>, %arg4: memref<1x128xf32, #tpu.memory_space<vmem>>, %arg5: memref<1x128x128xf32, #tpu.memory_space<vmem>>, %arg6: memref<1x1x128xf32, #tpu.memory_space<vmem>>, %arg7: memref<1x128x128xf32, #tpu.memory_space<vmem>>, %arg8: memref<1x1x128xf32, #tpu.memory_space<vmem>>, %arg9: memref<10240x128xf32, #tpu.memory_space<vmem>>, %arg10: memref<10240x128xf32, #tpu.memory_space<vmem>>) attributes {dimension_semantics = [#tpu.dimension_semantics<arbitrary>], iteration_bounds = array<i64: 1>, scalar_prefetch = 0 : i64, scratch_operands = 0 : i64, tpu.core_type = #tpu.core_type<tc>, window_params = [{pipeline_mode = #tpu.pipeline_mode<synchronous>, transform_indices = @transform_0, window_bounds = array<i64: 10240, 128>}, {pipeline_mode = #tpu.pipeline_mode<synchronous>, transform_indices = @transform_1, window_bounds = array<i64: 2, 10240, 128>}, {pipeline_mode = #tpu.pipeline_mode<synchronous>, transform_indices = @transform_2, window_bounds = array<i64: 128, 128>}, {pipeline_mode = #tpu.pipeline_mode<synchronous>, transform_indices = @transform_3, window_bounds = array<i64: 1, 128>}, {transform_indices = @transform_4, window_bounds = array<i64: 1, 128, 128>}, {transform_indices = @transform_5, window_bounds = array<i64: 1, 1, 128>}, {transform_indices = @transform_6, window_bounds = array<i64: 1, 128, 128>}, {transform_indices = @transform_7, window_bounds = array<i64: 1, 1, 128>}, {pipeline_mode = #tpu.pipeline_mode<synchronous>, transform_indices = @transform_8, window_bounds = array<i64: 10240, 128>}, {pipeline_mode = #tpu.pipeline_mode<synchronous>, transform_indices = @transform_9, window_bounds = array<i64: 10240, 128>}]} {
    %get3A = arith.constant 0 : index
    %get3A_0 = arith.constant 0 : index
    %get3A_1 = vector.load %arg1[%get3A, %get3A_0] : memref<10240x128xf32, #tpu.memory_space<vmem>>, vector<10240x128xf32>
    %get3A_2 = arith.constant 0 : index
    %get3A_3 = arith.constant 0 : index
    %get3A_4 = arith.constant 0 : index
    %get3A_5 = vector.load %arg2[%get3A_2, %get3A_3, %get3A_4] : memref<2x10240x128xf32, #tpu.memory_space<vmem>>, vector<1x10240x128xf32>
    %get3A_6 = vector.shape_cast %get3A_5 : vector<1x10240x128xf32> to vector<10240x128xf32>
    %add3A = arith.addf %get3A_1, %get3A_6 : vector<10240x128xf32>
    %get3A_7 = arith.constant 1 : index
    %get3A_8 = arith.constant 0 : index
    %get3A_9 = arith.constant 0 : index
    %get3A_10 = vector.load %arg2[%get3A_7, %get3A_8, %get3A_9] : memref<2x10240x128xf32, #tpu.memory_space<vmem>>, vector<1x10240x128xf32>
    %get3A_11 = vector.shape_cast %get3A_10 : vector<1x10240x128xf32> to vector<10240x128xf32>
    %add3A_12 = arith.addf %add3A, %get3A_11 : vector<10240x128xf32>
    %max3A = arith.constant 0.000000e+00 : f32
    %max3A_13 = vector.broadcast %max3A : f32 to vector<10240x128xf32>
    %max3A_14 = arith.maximumf %add3A_12, %max3A_13 : vector<10240x128xf32>
    %get3A_15 = arith.constant 0 : index
    %get3A_16 = arith.constant 0 : index
    %get3A_17 = vector.load %arg3[%get3A_15, %get3A_16] : memref<128x128xf32, #tpu.memory_space<vmem>>, vector<128x128xf32>
    %dot_general3A = arith.constant dense<0.000000e+00> : vector<10240x128xf32>
    %dot_general3A_18 = tpu.matmul %max3A_14, %get3A_17, %dot_general3A {dimension_numbers = #tpu.dot_dimension_numbers<[1], [0], [0], [1], [0, 0, 1, 1], [], []>, transpose_lhs_hint = false} : vector<10240x128xf32>, vector<128x128xf32>, vector<10240x128xf32> -> vector<10240x128xf32>
    %get3A_19 = arith.constant 0 : index
    %get3A_20 = arith.constant 0 : index
    %get3A_21 = vector.load %arg4[%get3A_19, %get3A_20] : memref<1x128xf32, #tpu.memory_space<vmem>>, vector<1x128xf32>
    %add3A_22 = vector.broadcast %get3A_21 : vector<1x128xf32> to vector<10240x128xf32>
    %add3A_23 = arith.addf %dot_general3A_18, %add3A_22 : vector<10240x128xf32>
    %max3A_24 = arith.constant 0.000000e+00 : f32
    %max3A_25 = vector.broadcast %max3A_24 : f32 to vector<10240x128xf32>
    %max3A_26 = arith.maximumf %add3A_23, %max3A_25 : vector<10240x128xf32>
    %get3A_27 = arith.constant 0 : index
    %get3A_28 = arith.constant 0 : index
    %get3A_29 = arith.constant 0 : index
    %get3A_30 = vector.load %arg5[%get3A_27, %get3A_28, %get3A_29] : memref<1x128x128xf32, #tpu.memory_space<vmem>>, vector<1x128x128xf32>
    %get3A_31 = vector.shape_cast %get3A_30 : vector<1x128x128xf32> to vector<128x128xf32>
    %dot_general3A_32 = arith.constant dense<0.000000e+00> : vector<10240x128xf32>
    %dot_general3A_33 = tpu.matmul %max3A_26, %get3A_31, %dot_general3A_32 {dimension_numbers = #tpu.dot_dimension_numbers<[1], [0], [0], [1], [0, 0, 1, 1], [], []>, transpose_lhs_hint = false} : vector<10240x128xf32>, vector<128x128xf32>, vector<10240x128xf32> -> vector<10240x128xf32>
    %get3A_34 = arith.constant 0 : index
    %get3A_35 = arith.constant 0 : index
    %get3A_36 = arith.constant 0 : index
    %get3A_37 = vector.load %arg6[%get3A_34, %get3A_35, %get3A_36] : memref<1x1x128xf32, #tpu.memory_space<vmem>>, vector<1x1x128xf32>
    %get3A_38 = vector.shape_cast %get3A_37 : vector<1x1x128xf32> to vector<1x128xf32>
    %add3A_39 = vector.broadcast %get3A_38 : vector<1x128xf32> to vector<10240x128xf32>
    %add3A_40 = arith.addf %dot_general3A_33, %add3A_39 : vector<10240x128xf32>
    %swap3A = arith.constant 0 : index
    %swap3A_41 = arith.constant 0 : index
    %swap3A_42 = vector.load %arg9[%swap3A, %swap3A_41] : memref<10240x128xf32, #tpu.memory_space<vmem>>, vector<10240x128xf32>
    tpu.vector_store %arg9[%swap3A, %swap3A_41], %add3A_40 {strides = array<i32>} : memref<10240x128xf32, #tpu.memory_space<vmem>>, vector<10240x128xf32>,
    %get3A_43 = arith.constant 0 : index
    %get3A_44 = arith.constant 0 : index
    %get3A_45 = arith.constant 0 : index
    %get3A_46 = vector.load %arg7[%get3A_43, %get3A_44, %get3A_45] : memref<1x128x128xf32, #tpu.memory_space<vmem>>, vector<1x128x128xf32>
    %get3A_47 = vector.shape_cast %get3A_46 : vector<1x128x128xf32> to vector<128x128xf32>
    %dot_general3A_48 = arith.constant dense<0.000000e+00> : vector<10240x128xf32>
    %dot_general3A_49 = tpu.matmul %max3A_26, %get3A_47, %dot_general3A_48 {dimension_numbers = #tpu.dot_dimension_numbers<[1], [0], [0], [1], [0, 0, 1, 1], [], []>, transpose_lhs_hint = false} : vector<10240x128xf32>, vector<128x128xf32>, vector<10240x128xf32> -> vector<10240x128xf32>
    %get3A_50 = arith.constant 0 : index
    %get3A_51 = arith.constant 0 : index
    %get3A_52 = arith.constant 0 : index
    %get3A_53 = vector.load %arg8[%get3A_50, %get3A_51, %get3A_52] : memref<1x1x128xf32, #tpu.memory_space<vmem>>, vector<1x1x128xf32>
    %get3A_54 = vector.shape_cast %get3A_53 : vector<1x1x128xf32> to vector<1x128xf32>
    %add3A_55 = vector.broadcast %get3A_54 : vector<1x128xf32> to vector<10240x128xf32>
    %add3A_56 = arith.addf %dot_general3A_49, %add3A_55 : vector<10240x128xf32>
    %swap3A_57 = arith.constant 0 : index
    %swap3A_58 = arith.constant 0 : index
    %swap3A_59 = vector.load %arg10[%swap3A_57, %swap3A_58] : memref<10240x128xf32, #tpu.memory_space<vmem>>, vector<10240x128xf32>
    tpu.vector_store %arg10[%swap3A_57, %swap3A_58], %add3A_56 {strides = array<i32>} : memref<10240x128xf32, #tpu.memory_space<vmem>>, vector<10240x128xf32>,
    return
  }
  func.func @transform_0(%arg0: i32) -> (i32, i32) {
    %c0_i32 = arith.constant 0 : i32
    %c0_i32_0 = arith.constant 0 : i32
    %c0_i32_1 = arith.constant 0 : i32
    return %c0_i32, %c0_i32_0 : i32, i32
  }
  func.func @transform_1(%arg0: i32) -> (i32, i32, i32) {
    %c0_i32 = arith.constant 0 : i32
    %c0_i32_0 = arith.constant 0 : i32
    %c0_i32_1 = arith.constant 0 : i32
    %c0_i32_2 = arith.constant 0 : i32
    return %c0_i32, %c0_i32_0, %c0_i32_1 : i32, i32, i32
  }
  func.func @transform_2(%arg0: i32) -> (i32, i32) {
    %c0_i32 = arith.constant 0 : i32
    %c0_i32_0 = arith.constant 0 : i32
    %c0_i32_1 = arith.constant 0 : i32
    return %c0_i32, %c0_i32_0 : i32, i32
  }
  func.func @transform_3(%arg0: i32) -> (i32, i32) {
    %c0_i32 = arith.constant 0 : i32
    %c0_i32_0 = arith.constant 0 : i32
    %c0_i32_1 = arith.constant 0 : i32
    return %c0_i32, %c0_i32_0 : i32, i32
  }
  func.func @transform_4(%arg0: i32) -> (i32, i32, i32) {
    %c1_i32 = arith.constant 1 : i32
    %c0_i32 = arith.constant 0 : i32
    %c0_i32_0 = arith.constant 0 : i32
    %c0_i32_1 = arith.constant 0 : i32
    return %c1_i32, %c0_i32, %c0_i32_0 : i32, i32, i32
  }
  func.func @transform_5(%arg0: i32) -> (i32, i32, i32) {
    %c1_i32 = arith.constant 1 : i32
    %c0_i32 = arith.constant 0 : i32
    %c0_i32_0 = arith.constant 0 : i32
    %c0_i32_1 = arith.constant 0 : i32
    return %c1_i32, %c0_i32, %c0_i32_0 : i32, i32, i32
  }
  func.func @transform_6(%arg0: i32) -> (i32, i32, i32) {
    %c1_i32 = arith.constant 1 : i32
    %c0_i32 = arith.constant 0 : i32
    %c0_i32_0 = arith.constant 0 : i32
    %c0_i32_1 = arith.constant 0 : i32
    return %c1_i32, %c0_i32, %c0_i32_0 : i32, i32, i32
  }
  func.func @transform_7(%arg0: i32) -> (i32, i32, i32) {
    %c1_i32 = arith.constant 1 : i32
    %c0_i32 = arith.constant 0 : i32
    %c0_i32_0 = arith.constant 0 : i32
    %c0_i32_1 = arith.constant 0 : i32
    return %c1_i32, %c0_i32, %c0_i32_0 : i32, i32, i32
  }
  func.func @transform_8(%arg0: i32) -> (i32, i32) {
    %c0_i32 = arith.constant 0 : i32
    %c0_i32_0 = arith.constant 0 : i32
    %c0_i32_1 = arith.constant 0 : i32
    return %c0_i32, %c0_i32_0 : i32, i32
  }
  func.func @transform_9(%arg0: i32) -> (i32, i32) {
    %c0_i32 = arith.constant 0 : i32
    %c0_i32_0 = arith.constant 0 : i32
    %c0_i32_1 = arith.constant 0 : i32
    return %c0_i32, %c0_i32_0 : i32, i32
  }
}

module attributes {stable_mosaic.version = 14 : i64} {
  func.func @_tc_out_body(%arg0: memref<10240x128xf32, #tpu.memory_space<vmem>>, %arg1: memref<2x10240x128xf32, #tpu.memory_space<vmem>>, %arg2: memref<128x128xf32, #tpu.memory_space<vmem>>, %arg3: memref<1x128xf32, #tpu.memory_space<vmem>>, %arg4: memref<128x64xf32, #tpu.memory_space<vmem>>, %arg5: memref<10000x64xf32, #tpu.memory_space<vmem>>) attributes {dimension_semantics = [], scalar_prefetch = 0 : i64, scratch_operands = 0 : i64, tpu.core_type = #tpu.core_type<tc>} {
    %get3A = arith.constant 0 : index
    %get3A_0 = arith.constant 0 : index
    %get3A_1 = vector.load %arg0[%get3A, %get3A_0] : memref<10240x128xf32, #tpu.memory_space<vmem>>, vector<10000x128xf32>
    %get3A_2 = arith.constant 0 : index
    %get3A_3 = arith.constant 0 : index
    %get3A_4 = arith.constant 0 : index
    %get3A_5 = vector.load %arg1[%get3A_2, %get3A_3, %get3A_4] : memref<2x10240x128xf32, #tpu.memory_space<vmem>>, vector<1x10000x128xf32>
    %get3A_6 = vector.shape_cast %get3A_5 : vector<1x10000x128xf32> to vector<10000x128xf32>
    %add3A = arith.addf %get3A_1, %get3A_6 : vector<10000x128xf32>
    %get3A_7 = arith.constant 1 : index
    %get3A_8 = arith.constant 0 : index
    %get3A_9 = arith.constant 0 : index
    %get3A_10 = vector.load %arg1[%get3A_7, %get3A_8, %get3A_9] : memref<2x10240x128xf32, #tpu.memory_space<vmem>>, vector<1x10000x128xf32>
    %get3A_11 = vector.shape_cast %get3A_10 : vector<1x10000x128xf32> to vector<10000x128xf32>
    %add3A_12 = arith.addf %add3A, %get3A_11 : vector<10000x128xf32>
    %max3A = arith.constant 0.000000e+00 : f32
    %max3A_13 = vector.broadcast %max3A : f32 to vector<10000x128xf32>
    %max3A_14 = arith.maximumf %add3A_12, %max3A_13 : vector<10000x128xf32>
    %get3A_15 = arith.constant 0 : index
    %get3A_16 = arith.constant 0 : index
    %get3A_17 = vector.load %arg2[%get3A_15, %get3A_16] : memref<128x128xf32, #tpu.memory_space<vmem>>, vector<128x128xf32>
    %dot_general3A = arith.constant dense<0.000000e+00> : vector<10000x128xf32>
    %dot_general3A_18 = tpu.matmul %max3A_14, %get3A_17, %dot_general3A {dimension_numbers = #tpu.dot_dimension_numbers<[1], [0], [0], [1], [0, 0, 1, 1], [], []>, transpose_lhs_hint = false} : vector<10000x128xf32>, vector<128x128xf32>, vector<10000x128xf32> -> vector<10000x128xf32>
    %get3A_19 = arith.constant 0 : index
    %get3A_20 = arith.constant 0 : index
    %get3A_21 = vector.load %arg3[%get3A_19, %get3A_20] : memref<1x128xf32, #tpu.memory_space<vmem>>, vector<1x128xf32>
    %add3A_22 = vector.broadcast %get3A_21 : vector<1x128xf32> to vector<10000x128xf32>
    %add3A_23 = arith.addf %dot_general3A_18, %add3A_22 : vector<10000x128xf32>
    %max3A_24 = arith.constant 0.000000e+00 : f32
    %max3A_25 = vector.broadcast %max3A_24 : f32 to vector<10000x128xf32>
    %max3A_26 = arith.maximumf %add3A_23, %max3A_25 : vector<10000x128xf32>
    %get3A_27 = arith.constant 0 : index
    %get3A_28 = arith.constant 0 : index
    %get3A_29 = vector.load %arg4[%get3A_27, %get3A_28] : memref<128x64xf32, #tpu.memory_space<vmem>>, vector<128x64xf32>
    %dot_general3A_30 = arith.constant dense<0.000000e+00> : vector<10000x64xf32>
    %dot_general3A_31 = tpu.matmul %max3A_26, %get3A_29, %dot_general3A_30 {dimension_numbers = #tpu.dot_dimension_numbers<[1], [0], [0], [1], [0, 0, 1, 1], [], []>, transpose_lhs_hint = false} : vector<10000x128xf32>, vector<128x64xf32>, vector<10000x64xf32> -> vector<10000x64xf32>
    %swap3A = arith.constant 0 : index
    %swap3A_32 = arith.constant 0 : index
    %swap3A_33 = vector.load %arg5[%swap3A, %swap3A_32] : memref<10000x64xf32, #tpu.memory_space<vmem>>, vector<10000x64xf32>
    tpu.vector_store %arg5[%swap3A, %swap3A_32], %dot_general3A_31 {strides = array<i32>} : memref<10000x64xf32, #tpu.memory_space<vmem>>, vector<10000x64xf32>,
    return
  }
}

</mosaic_0001>

<sc_bundles>
// kernel: kernel.11.cloned.1.call-start
scs
__scs_entry_jumppad:
0x0: {  	(pc) =	sbr.rel $0x88, $3  }
0x1: {  	(tag) =	ssettag $0x0;
	lr =	simm.s32 $0x1  }
0x2: {  	[smem:$0x3F96] =	sst lr;
	_ =	strace $0xD0000000  }
0x3: {  	_ = 	snop  }
0x4: {  	_ = 	snop  }
0x5: {  	_ = 	snop  }
0x6: {  	_ = 	snop  }
0x7: {  	_ = 	snop  }
__scs_overlays_trampoline_lowered:
0x8: {  	[smem:$0x3FA5] =	sst s0  }
0x9: {  	[smem:$0x3FA6] =	sst s1  }
0xa: {  	[smem:$0x3FA7] =	sst s2  }
0xb: {  	[smem:$0x3FA8] =	sst s3  }
0xc: {  	[smem:$0x3FA9] =	sst s4  }
0xd: {  	[smem:$0x3FAA] =	sst s5  }
0xe: {  	[smem:$0x3FAB] =	sst s6  }
0xf: {  	[smem:$0x3FAC] =	sst s7  }
0x10: {  	[smem:$0x3FAD] =	sst s8  }
0x11: {  	[smem:$0x3FAE] =	sst s9;
	s0 =	simm.s32 @!p0 $0x0  }
0x12: {  	s1 =	sld [smem:$0x3F94];
	s0 =	simm.s32 @p0 $0x1  }
0x13: {  	[smem:$0x3FAF] =	sst s0;
	s0 =	simm.s32 @!p1 $0x0  }
0x14: {  	s2 =	sld [smem:$0x3F93];
	s0 =	simm.s32 @p1 $0x1  }
0x15: {  	[smem:$0x3FB0] =	sst s0;
	s0 =	simm.s32 @!p2 $0x0  }
0x16: {  	s3 =	sld [smem:$0x3FDB];
	s0 =	simm.s32 @p2 $0x1  }
0x17: {  	s4 =	simm.s32 $0x1BF5;
	[smem:$0x3FB2] =	sst s0  }
0x18: {  	s0 =	sld [smem:$0x3F95];
	_ =	swait.ge [sflag:s4], $0x0  }
0x19: {  	s7 =	sld [smem:$0x3F96]  }
0x1a: {  	s8 =	sadd.s32 $0xFFFFE003, lr  }
0x1b: {  	s9 =	sadd.s32 $0xFFFFFEF7, lr;
	s5 =	simm.s32 $0xFFFFFFFF;
	p2 =	slt.u32 s8, $0xFFFFF086  }
0x1c: {  	p1 =	slt.u32 s9, $0xF7A;
	s5 =	simm.s32 @!p2 $0x0  }
0x1d: {  	s5 =	simm.s32 @p1 $0x1;
	p0 =	seq.s32 s7, s2  }
0x1e: {  	s7 =	smul.u32 @!p0 $0xF7A, s2;
	p2 =	seq.s32 @!p0 s5, $0x0  }
0x1f: {  	s9 =	smul.u32 $0xF7A, s1;
	s8 =	simm.s32 @!p0 $0x1BF5;
	p2 =	por !p2, p0  }
0x20: {  	[sflag:s8] =	ssyncset.s32 @!p0 $0xFFFFF086;
	s6 =	sadd.s32 @!p0 s3, s7;
	s7 =	simm.s32 @!p0 $0x108  }
0x21: {  	s3 =	sadd.s32 s3, s9;
	s6 =	sadd.s32 @!p0 $0x88, s6;
	s7 =	simm.s32 @p2 $0x1082  }
0x22: {  	[simem:s7], [sflag:s8] =	dma.local @!p0 [hbm:s6], $0xF7A  }
0x23: {  	s9 =	sor.u32 $0xD0000000, s2;
	s6 =	simm.s32 $0x108;
	_ =	swait.ge @!p0 [sflag:s8], $0x0  }
0x24: {  	s3 =	sadd.s32 $0x88, s3;
	s6 =	simm.s32 @!p1 $0x1082;
	[sflag:s4] =	ssyncset.s32 $0xFFFFF086  }
0x25: {  	[simem:s6], [sflag:s4] =	dma.local [hbm:s3], $0xF7A  }
0x26: {  	[smem:$0x3F96] =	sst s1;
	(tag) =	ssettag s2;
	_ =	strace s9  }
0x27: {  	s1 =	sld [smem:$0x3FA6]  }
0x28: {  	s2 =	sld [smem:$0x3FA7]  }
0x29: {  	s4 =	sld [smem:$0x3FA9]  }
0x2a: {  	p0 =	seq.s32 s5, $0x0;
	s5 =	sld [smem:$0x3FAA]  }
0x2b: {  	s6 =	sld [smem:$0x3FAB]  }
0x2c: {  	s7 =	sld [smem:$0x3FAC]  }
0x2d: {  	s3 =	simm.s32 $0x108;
	s8 =	sld [smem:$0x3FAD]  }
0x2e: {  	s3 =	simm.s32 @!p0 $0x1082;
	s9 =	sld [smem:$0x3FAE]  }
0x2f: {  	lr =	sadd.s32 s0, s3;
	s0 =	sld [smem:$0x3FA5]  }
0x30: {  	s3 =	sld [smem:$0x3FA8]  }
0x31: {  	[smem:$0x3FB1] =	sst s10  }
0x32: {  	s10 =	sld [smem:$0x3FAF];
	_ =	sdelay $0x3  }
0x33: {  	p0 =	seq.s32 s10, $0x1;
	s10 =	sld [smem:$0x3FB1];
	_ =	sdelay $0x3  }
0x34: {  	[smem:$0x3FB1] =	sst s10  }
0x35: {  	s10 =	sld [smem:$0x3FB0];
	_ =	sdelay $0x3  }
0x36: {  	p1 =	seq.s32 s10, $0x1;
	s10 =	sld [smem:$0x3FB1];
	_ =	sdelay $0x3  }
0x37: {  	[smem:$0x3FB1] =	sst s10  }
0x38: {  	s10 =	sld [smem:$0x3FB2]  }
0x39: {  	_ = 	snop;
	(pc) =	sbr.ind lr, $3  }
0x3a: {  	_ = 	snop  }
0x3b: {  	_ = 	snop  }
0x3c: {  	p2 =	seq.s32 s10, $0x1;
	s10 =	sld [smem:$0x3FB1]  }
0x3d: {  	_ =	shalt  }
0x3e: {  	_ =	shalt  }
0x3f: {  	_ =	shalt  }
0x40: {  	_ =	shalt  }
0x41: {  	_ =	shalt  }
0x42: {  	_ =	shalt  }
0x43: {  	_ =	shalt  }
0x44: {  	_ =	shalt  }
0x45: {  	_ =	shalt  }
0x46: {  	_ =	shalt  }
0x47: {  	_ =	shalt  }
0x48: {  	_ =	shalt  }
0x49: {  	_ =	shalt  }
0x4a: {  	_ =	shalt  }
0x4b: {  	_ =	shalt  }
0x4c: {  	_ =	shalt  }
0x4d: {  	_ =	shalt  }
0x4e: {  	_ =	shalt  }
0x4f: {  	_ =	shalt  }
0x50: {  	_ =	shalt  }
0x51: {  	_ =	shalt  }
0x52: {  	_ =	shalt  }
0x53: {  	_ =	shalt  }
0x54: {  	_ =	shalt  }
0x55: {  	_ =	shalt  }
0x56: {  	_ =	shalt  }
0x57: {  	_ =	shalt  }
0x58: {  	_ =	shalt  }
0x59: {  	_ =	shalt  }
0x5a: {  	_ =	shalt  }
0x5b: {  	_ =	shalt  }
0x5c: {  	_ =	shalt  }
0x5d: {  	_ =	shalt  }
0x5e: {  	_ =	shalt  }
0x5f: {  	_ =	shalt  }
0x60: {  	_ =	shalt  }
0x61: {  	_ =	shalt  }
0x62: {  	_ =	shalt  }
0x63: {  	_ =	shalt  }
0x64: {  	_ =	shalt  }
0x65: {  	_ =	shalt  }
0x66: {  	_ =	shalt  }
0x67: {  	_ =	shalt  }
0x68: {  	_ =	shalt  }
0x69: {  	_ =	shalt  }
0x6a: {  	_ =	shalt  }
0x6b: {  	_ =	shalt  }
0x6c: {  	_ =	shalt  }
0x6d: {  	_ =	shalt  }
0x6e: {  	_ =	shalt  }
0x6f: {  	_ =	shalt  }
0x70: {  	_ =	shalt  }
0x71: {  	_ =	shalt  }
0x72: {  	_ =	shalt  }
0x73: {  	_ =	shalt  }
0x74: {  	_ =	shalt  }
0x75: {  	_ =	shalt  }
0x76: {  	_ =	shalt  }
0x77: {  	_ =	shalt  }
0x78: {  	_ =	shalt  }
0x79: {  	_ =	shalt  }
0x7a: {  	_ =	shalt  }
0x7b: {  	_ =	shalt  }
0x7c: {  	_ =	shalt  }
0x7d: {  	_ =	shalt  }
0x7e: {  	_ =	shalt  }
0x7f: {  	_ =	shalt  }
0x80: {  	_ =	shalt  }
0x81: {  	_ =	shalt  }
0x82: {  	_ =	shalt  }
0x83: {  	_ =	shalt  }
0x84: {  	_ =	shalt  }
0x85: {  	_ =	shalt  }
0x86: {  	_ =	shalt  }
0x87: {  	_ =	shalt  }
.Lfunc_end0:
.L_simem_size_0:
called_computation.1_lowered:
.L_overlay_start_0:
0x88: {  	s2 =	sld [smem:$0x3FD9]  }
0x89: {  	s3 =	sld [smem:$0x3FFE];
	_ =	sdelay $0x1  }
0x8a: {  	s1 =	srdreg.scid  }
0x8b: {  	s0 =	sand.u32 $0x1, s1  }
0x8c: {  	s17 =	sshll.u32 s0, $0xA;
	s2 =	sadd.s32 s3, s2  }
0x8d: {  	s2 =	sadd.s32 s2, s17  }
0x8e: {  	[smem:$0x3FBD] =	sst s2  }
0x8f: {  	_ = 	snop  }
0x90: {  	s2 =	sld [smem:$0x3FD0];
	(tm) =	ssettm $0x1  }
0x91: {  	s18 =	sld [smem:$0x3FFB];
	_ =	sdelay $0x3  }
0x92: {  	_ =	strace s18  }
0x93: {  	s3 =	sld [smem:$0x3FFC];
	_ =	sdelay $0x3  }
0x94: {  	_ =	strace s3  }
0x95: {  	s3 =	sld [smem:$0x3FFD];
	_ =	sdelay $0x3  }
0x96: {  	_ =	strace s3  }
0x97: {  	_ =	strace $0x8FFFFFFF  }
0x98: {  	s19 =	sld [smem:$0x3FDB];
	_ =	sdelay $0x1  }
0x99: {  	s4 =	simm.s32 $_scs_section_size  }
0x9a: {  	s5 =	simm.s32 $_size__tile_overlayer_lowered;
	s6 =	simm.s32 $_tile_overlayer_lowered  }
0x9b: {  	s22 =	simm.s32 $0x1BFF;
	s21 =	sshll.u32 s6, $0x1;
	s3 =	sadd.s32 s4, s19  }
0x9c: {  	s7 =	simm.s32 $0x0;
	s20 =	sshll.u32 s5, $0x1;
	s5 =	sadd.s32 s21, s3  }
0x9d: {  	[timem:s7], [sflag:s22] =	dma.local [hbm:s5], s20  }
0x9e: {  	_ =	swait.ge [sflag:s22], s20  }
0x9f: {  	s4 =	ssub.s32 $0x0, s20;
	[sflag:s22] =	ssyncset.done $0x0  }
0xa0: {  	[sflag:s22] =	ssyncadd.s32 s4;
	_ =	sdelay $0x1  }
0xa1: {  	s23 =	simm.s32 $0x1B8B  }
0xa2: {  	_ =	swait.ge [sflag:s23], $0x1  }
0xa3: {  	[sflag:s23] =	ssyncset.done $0x0  }
0xa4: {  	s25 =	simm.s32 $0x1B8E;
	s24 =	sld [smem:$0x3FFE];
	[sflag:s23] =	ssyncadd.s32 $0xFFFFFFFF  }
0xa5: {  	s26 =	simm.s32 $execute0_lowered;
	[smem:$0x3FD2] =	sst s25  }
0xa6: {  	s5 =	sshll.u32 s26, $0x1;
	_ =	strace $0x80000049;
	[dreg:$0x1] =	wrdreg $0xFFFFFFFF  }
0xa7: {  	s28 =	simm.s32 $_size_execute0_lowered;
	s3 =	sadd.s32 s3, s5;
	[dreg:$0x0] =	wrdreg $0x0  }
0xa8: {  	s5 =	sshll.u32 s28, $0x1;
	[dreg:$0x2] =	wrdreg s3  }
0xa9: {  	[dreg:$0x3] =	wrdreg s5  }
0xaa: {  	[dreg:$0x4] =	wrdreg $0xC0  }
0xab: {  	_ =	task [dreg:s7], $0x5FFFF  }
0xac: {  	[dreg:$0x1] =	wrdreg $0xFFFFFFFF  }
0xad: {  	[dreg:$0x0] =	wrdreg $0x60  }
0xae: {  	[dreg:$0x2] =	wrdreg s24  }
0xaf: {  	[dreg:$0x3] =	wrdreg s2  }
0xb0: {  	[dreg:$0x4] =	wrdreg $0xB7800  }
0xb1: {  	[dreg:$0x5] =	wrdreg $0x9  }
0xb2: {  	_ =	task.clear_ibuf [dreg:s7], $0x6FFFF;
	_ =	strace $0x90000049  }
0xb3: {  	s29 =	simm.s32 $0x9;
	_ =	strace $0x8000004B  }
0xb4: {  	_ =	swait.ge [sflag:s29], $0x1  }
0xb5: {  	[sflag:s29] =	ssyncadd.s32 $0xFFFFFFFF  }
0xb6: {  	_ =	strace $0x9000004B  }
0xb7: {  	_ =	sfence  }
0xb8: {  	s30 =	sld [smem:$0x0];
	_ =	sdelay $0x2  }
0xb9: {  	s31 =	sshll.u32 s1, $0xD;
	s1 =	sshrl.u32 s1, $0x2  }
0xba: {  	s3 =	sand.u32 $0x4000, s31;
	s1 =	sadd.s32 s1, s30  }
0xbb: {  	s0 =	sor.u32 s3, s0;
	s1 =	sshll.u32 s1, $0x11  }
0xbc: {  	s0 =	sor.u32 s1, s0  }
0xbd: {  	s0 =	sadd.s32 $0x8F2B, s0  }
0xbe: {  	[sflag:s0] =	ssyncadd.remote.s32 $0x1  }
0xbf: {  	_ =	sfence.sel $0xFFFF  }
0xc0: {  	[dreg:$0x0] =	wrdreg $0xFFFFFFFF;
	(pc) =	sbr.abs _section_cstart, $3  }
0xc1: {  	[dreg:$0x1] =	wrdreg $0xFFFFFFFF  }
0xc2: {  	_ =	task.clear_ibuf [dreg:s7], $0x2FFFF;
	_ =	strace $0x9FFFFFFF  }
0xc3: {  	(tm) =	ssettm $0x7FFFFFFF  }
tec
execute0_lowered:
.L_overlay_start_1:
0x0: {  	(tag) =	ssettag $0x1  }
0x1: {  	s0 =	rddreg [dreg:$0x0]  }
0x2: {  	s1 =	rddreg [dreg:$0x1]  }
0x3: {  	s3 =	srdreg.scid;
	s8 =	stileid.u32  }
0x4: {  	s2 =	rddreg [dreg:$0x2];
	s28 =	simm.s32 $0x2;
	s29 =	simm.s32 $0x1  }
0x5: {  	s30 =	simm.s32 $0x0;
	s5 =	sand.u32 $0x1, s3;
	s16 =	sshll.u32 s8, $0x1  }
0x6: {  	s4 =	sshrl.u32 s8, $0x2;
	s3 =	simm.s32 $0x0;
	s7 =	smul.u32 $0x50000, s8  }
0x7: {  	s14 =	smul.u32 $0x14000, s8;
	s18 =	sadd.s32 $0x29C00, s0;
	s11 =	sor.u32 s5, s16  }
0x8: {  	s4 =	smul.u32 $0x13C00, s4;
	[smem:$0x7FF] =	sst s3;
	s17 =	ssub.s32 $0x2, s5  }
0x9: {  	s5 =	smul.u32 $0x140000, s5;
	s6 =	sshll.u32 s11, $0x7;
	_ =	strace $0x8000004A  }
0xa: {  	[dreg:$0x4] =	wrdreg s18;
	s19 =	sshrl.u32 s17, $0x1;
	s20 =	sshrl.u32 s7, $0x2  }
0xb: {  	s15 =	sor.u32 $0x2800, s14;
	s16 =	sadd.s32 $0x5000, s14;
	s18 =	sadd.s32 $0xA000, s14  }
0xc: {  	s21 =	sshll.u32 s11, $0xB;
	s6 =	sand.u32 $0x380, s6;
	s24 =	ssub.s32 s17, s19  }
0xd: {  	s7 =	sadd.s32 s15, s2;
	s8 =	sadd.s32 s16, s2;
	s17 =	sadd.s32 $0x7800, s14  }
0xe: {  	s10 =	sadd.s32 s18, s2;
	s19 =	sadd.s32 $0xC800, s14;
	s1 =	sadd.s32 s1, s21  }
0xf: {  	s21 =	sadd.s32 $0x11800, s14;
	s31 =	sadd.s32 s14, s5;
	s15 =	sadd.s32 s5, s15  }
0x10: {  	s22 =	sadd.s32 s5, s16;
	s18 =	sadd.s32 s5, s18;
	s6 =	sor.u32 s4, s6  }
0x11: {  	s4 =	sadd.s32 $0x1C00, s0;
	s9 =	sadd.s32 s17, s2;
	s11 =	sadd.s32 s19, s2  }
0x12: {  	[dreg:$0x5] =	wrdreg s1;
	s23 =	sadd.s32 s5, s17;
	s25 =	sadd.s32 s5, s19  }
0x13: {  	s19 =	sshrl.u32 s31, $0x3;
	s24 =	smax.u32 s24, $0x1;
	s6 =	sshrl.u32 s6, $0x3  }
0x14: {  	s25 =	sshrl.u32 s25, $0x3;
	s13 =	sadd.s32 s6, s0;
	s0 =	sadd.s32 $0x5CA00, s0  }
0x15: {  	s6 =	sadd.s32 s20, s2;
	s20 =	sadd.s32 $0xF000, s14;
	s14 =	sadd.s32 s21, s2  }
0x16: {  	s12 =	sadd.s32 s20, s2;
	s26 =	sadd.s32 s5, s20;
	s5 =	sadd.s32 s5, s21  }
0x17: {  	s20 =	sshrl.u32 s15, $0x3;
	s13 =	sadd.s32 $0x52C00, s13;
	s1 =	sadd.s32 s0, s19  }
0x18: {  	s21 =	sshrl.u32 s22, $0x3;
	s22 =	sshrl.u32 s23, $0x3;
	[dreg:$0x6] =	wrdreg s13  }
0x19: {  	s23 =	sshrl.u32 s18, $0x3;
	[dreg:$0x7] =	wrdreg s1;
	s17 =	sadd.s32 s0, s20  }
0x1a: {  	s18 =	sadd.s32 s0, s21;
	s19 =	sadd.s32 s0, s22;
	s20 =	sadd.s32 s0, s23  }
0x1b: {  	s31 =	sshrl.u32 s26, $0x3;
	s5 =	sshrl.u32 s5, $0x3;
	s21 =	sadd.s32 s0, s25  }
0x1c: {  	s25 =	simm.s32 $0x6780;
	s26 =	simm.s32 $0x3;
	s1 =	simm.s32 $0x50  }
0x1d: {  	s22 =	sadd.s32 s0, s31;
	s23 =	sadd.s32 s0, s5;
	s0 =	simm.s32 $0x8F80  }
.LBB2_1:
0x1e: {  	s5 =	rddreg [dreg:$0x4]  }
0x1f: {  	[tilespmem:s25], [sflag:$0x3] =	stream.linear.gather [hbm4b:s5+s3], $0x2800, $0x38;
	[tilespmem:$0x1F780] =	vst v63  }
0x20: {  	_ =	swait.ge [sflag:s26], $0x2800  }
0x21: {  	[sflag:s26] =	ssyncset.done $0x0  }
0x22: {  	[sflag:s26] =	ssyncadd.s32 $0xFFFFD800  }
0x23: {  	[spmem:s6] =	stream.linear.scatter [tilespmem:s25], [sflag:$0x2], $0x2800, $0x38;
	[tilespmem:$0x1F780] =	vst v63  }
0x24: {  	_ = 	snop  }
0x25: {  	[spmem:s7] =	stream.linear.scatter [tilespmem:s25], [sflag:$0x2], $0x2800, $0x38;
	[tilespmem:$0x1F780] =	vst v63  }
0x26: {  	_ = 	snop  }
0x27: {  	[spmem:s8] =	stream.linear.scatter [tilespmem:s25], [sflag:$0x2], $0x2800, $0x38;
	[tilespmem:$0x1F780] =	vst v63  }
0x28: {  	_ = 	snop  }
0x29: {  	[spmem:s9] =	stream.linear.scatter [tilespmem:s25], [sflag:$0x2], $0x2800, $0x38;
	[tilespmem:$0x1F780] =	vst v63  }
0x2a: {  	_ = 	snop  }
0x2b: {  	[spmem:s10] =	stream.linear.scatter [tilespmem:s25], [sflag:$0x2], $0x2800, $0x38;
	[tilespmem:$0x1F780] =	vst v63  }
0x2c: {  	_ = 	snop  }
0x2d: {  	[spmem:s11] =	stream.linear.scatter [tilespmem:s25], [sflag:$0x2], $0x2800, $0x38;
	[tilespmem:$0x1F780] =	vst v63  }
0x2e: {  	_ = 	snop  }
0x2f: {  	[spmem:s12] =	stream.linear.scatter [tilespmem:s25], [sflag:$0x2], $0x2800, $0x38;
	[tilespmem:$0x1F780] =	vst v63  }
0x30: {  	_ = 	snop  }
0x31: {  	[spmem:s14] =	stream.linear.scatter [tilespmem:s25], [sflag:$0x2], $0x2800, $0x38;
	[tilespmem:$0x1F780] =	vst v63  }
0x32: {  	_ =	swait.ge [sflag:s28], $0x2800  }
0x33: {  	[sflag:s28] =	ssyncset.done $0x0  }
0x34: {  	[sflag:s28] =	ssyncadd.s32 $0xFFFFD800  }
0x35: {  	_ =	swait.ge [sflag:s28], $0x2800  }
0x36: {  	[sflag:s28] =	ssyncset.done $0x0  }
0x37: {  	[sflag:s28] =	ssyncadd.s32 $0xFFFFD800  }
0x38: {  	_ =	swait.ge [sflag:s28], $0x2800  }
0x39: {  	[sflag:s28] =	ssyncset.done $0x0  }
0x3a: {  	[sflag:s28] =	ssyncadd.s32 $0xFFFFD800  }
0x3b: {  	_ =	swait.ge [sflag:s28], $0x2800  }
0x3c: {  	[sflag:s28] =	ssyncset.done $0x0  }
0x3d: {  	[sflag:s28] =	ssyncadd.s32 $0xFFFFD800  }
0x3e: {  	_ =	swait.ge [sflag:s28], $0x2800  }
0x3f: {  	[sflag:s28] =	ssyncset.done $0x0  }
0x40: {  	[sflag:s28] =	ssyncadd.s32 $0xFFFFD800  }
0x41: {  	_ =	swait.ge [sflag:s28], $0x2800  }
0x42: {  	[sflag:s28] =	ssyncset.done $0x0  }
0x43: {  	[sflag:s28] =	ssyncadd.s32 $0xFFFFD800  }
0x44: {  	_ =	swait.ge [sflag:s28], $0x2800  }
0x45: {  	[sflag:s28] =	ssyncset.done $0x0  }
0x46: {  	[sflag:s28] =	ssyncadd.s32 $0xFFFFD800  }
0x47: {  	_ =	swait.ge [sflag:s28], $0x2800  }
0x48: {  	s13 =	simm.s32 $0x80;
	[sflag:s28] =	ssyncset.done $0x0  }
0x49: {  	s15 =	simm.s32 $0x400;
	s16 =	rddreg [dreg:$0x6];
	[sflag:s28] =	ssyncadd.s32 $0xFFFFD800  }
0x4a: {  	[tilespmem:s3], [sflag:$0x3] =	stream.strided.gather [hbm4b:s16+s13], $0x2780, s15, s13, $0x38;
	[tilespmem:$0x1F780] =	vst v63  }
0x4b: {  	_ =	swait.ge [sflag:s26], $0x2780  }
0x4c: {  	[sflag:s26] =	ssyncset.done $0x0  }
0x4d: {  	s16 =	simm.s32 $0x2780;
	s15 =	rddreg [dreg:$0x5];
	[sflag:s26] =	ssyncadd.s32 $0xFFFFD880  }
0x4e: {  	[tilespmem:s16], [sflag:$0x3] =	stream.linear.gather [hbm4b:s15+s3], $0x3E80, $0x38;
	[tilespmem:$0x1F780] =	vst v63  }
0x4f: {  	_ =	swait.ge [sflag:s26], $0x3E80  }
0x50: {  	[sflag:s26] =	ssyncset.done $0x0  }
0x51: {  	[sflag:s26] =	ssyncadd.s32 $0xFFFFC180  }
0x52: {  	[tilespmem:s25], [sflag:$0x1] =	stream.indirect.gather [hbm4b:s4+s1], $0x80, s3, s1, $0xb8;
	[tilespmem:$0x1F780] =	vst v63  }
0x53: {  	_ = 	snop  }
0x54: {  	[tilespmem:s0], [sflag:$0x2] =	stream.indirect.gather [hbm4b:s4+s1], $0x80, s1, s1, $0xb8;
	[tilespmem:$0x1F780] =	vst v63  }
0x55: {  	[bflag:$0x0] =	sbarrier.arrive $0xFFFF  }
0x56: {  	_ =	swait.ge [sflag:s29], $0x2800  }
0x57: {  	[sflag:s29] =	ssyncset.done $0x0  }
0x58: {  	s13 =	simm.s32 $0x2780;
	[sflag:s29] =	ssyncadd.s32 $0xFFFFD800  }
0x59: {  	[spmem:s2] =	stream.indirect.scatter.add.f32 [tilespmem:s25], [sflag:$0x3], $0x80, s13, s1, $0xb8;
	[tilespmem:$0x1F780] =	vst v63  }
0x5a: {  	_ =	swait.ge [sflag:s26], $0x2800  }
0x5b: {  	[sflag:s26] =	ssyncset.done $0x0  }
0x5c: {  	s15 =	simm.s32 $0xA0;
	[sflag:s26] =	ssyncadd.s32 $0xFFFFD800  }
0x5d: {  	[tilespmem:s25], [sflag:$0x1] =	stream.indirect.gather [hbm4b:s4+s1], $0x80, s15, s1, $0xb8;
	[tilespmem:$0x1F780] =	vst v63  }
0x5e: {  	_ =	swait.ge [sflag:s28], $0x2800  }
0x5f: {  	[sflag:s28] =	ssyncset.done $0x0  }
0x60: {  	s16 =	simm.s32 $0x2800;
	[sflag:s28] =	ssyncadd.s32 $0xFFFFD800  }
0x61: {  	[spmem:s2] =	stream.indirect.scatter.add.f32 [tilespmem:s0], [sflag:$0x3], $0x80, s16, s1, $0xb8;
	[tilespmem:$0x1F780] =	vst v63  }
0x62: {  	_ =	swait.ge [sflag:s26], $0x2800  }
0x63: {  	s31 =	simm.s32 $0xF0;
	[sflag:s26] =	ssyncset.done $0x0  }
0x64: {  	s5 =	simm.s32 $0x400;
	s13 =	simm.s32 $0x190;
	[sflag:s26] =	ssyncadd.s32 $0xFFFFD800  }
.LBB2_2:
0x65: {  	[tilespmem:s0], [sflag:$0x2] =	stream.indirect.gather [hbm4b:s4+s1], $0x80, s31, s1, $0xb8;
	[tilespmem:$0x1F780] =	vst v63  }
0x66: {  	s15 =	smov.u32 s5;
	s31 =	smov.u32 s13  }
0x67: {  	p0 =	sne.s32 s5, $0xF000;
	s5 =	sadd.s32 $0x400, s5;
	_ =	swait.ge [sflag:s29], $0x2800  }
0x68: {  	s15 =	sshra.s32 s15, $0x2;
	[sflag:s29] =	ssyncset.done $0x0  }
0x69: {  	s16 =	sadd.s32 $0x2780, s15;
	[sflag:s29] =	ssyncadd.s32 $0xFFFFD800  }
0x6a: {  	[spmem:s2] =	stream.indirect.scatter.add.f32 [tilespmem:s25], [sflag:$0x3], $0x80, s16, s1, $0xb8;
	[tilespmem:$0x1F780] =	vst v63  }
0x6b: {  	_ =	swait.ge [sflag:s26], $0x2800  }
0x6c: {  	[sflag:s26] =	ssyncset.done $0x0  }
0x6d: {  	s16 =	sadd.s32 $0xFFFFFFB0, s13;
	[sflag:s26] =	ssyncadd.s32 $0xFFFFD800  }
0x6e: {  	[tilespmem:s25], [sflag:$0x1] =	stream.indirect.gather [hbm4b:s4+s1], $0x80, s16, s1, $0xb8;
	[tilespmem:$0x1F780] =	vst v63  }
0x6f: {  	_ =	swait.ge [sflag:s28], $0x2800  }
0x70: {  	[sflag:s28] =	ssyncset.done $0x0  }
.Ltmp0:
0x71: {  	s15 =	sadd.s32 $0x2800, s15;
	[sflag:s28] =	ssyncadd.s32 $0xFFFFD800;
	(pc) =	sbr.rel @p0 .LBB2_2-.Ltmp0, $4  }
0x72: {  	[spmem:s2] =	stream.indirect.scatter.add.f32 [tilespmem:s0], [sflag:$0x3], $0x80, s15, s1, $0xb8;
	[tilespmem:$0x1F780] =	vst v63  }
0x73: {  	_ =	swait.ge [sflag:s26], $0x2800  }
0x74: {  	[sflag:s26] =	ssyncset.done $0x0  }
0x75: {  	s13 =	sadd.s32 $0xA0, s13;
	[sflag:s26] =	ssyncadd.s32 $0xFFFFD800  }
0x76: {  	[tilespmem:s0], [sflag:$0x2] =	stream.indirect.gather [hbm4b:s4+s1], $0x80, s31, s1, $0xb8;
	[tilespmem:$0x1F780] =	vst v63  }
0x77: {  	_ =	swait.ge [sflag:s29], $0x2800  }
0x78: {  	[sflag:s29] =	ssyncset.done $0x0  }
0x79: {  	s5 =	simm.s32 $0x6480;
	[sflag:s29] =	ssyncadd.s32 $0xFFFFD800  }
0x7a: {  	[spmem:s2] =	stream.indirect.scatter.add.f32 [tilespmem:s25], [sflag:$0x3], $0x80, s5, s1, $0xb8;
	[tilespmem:$0x1F780] =	vst v63  }
0x7b: {  	_ =	swait.ge [sflag:s26], $0x2800  }
0x7c: {  	[sflag:s26] =	ssyncset.done $0x0  }
0x7d: {  	s13 =	simm.s32 $0x26C0;
	[sflag:s26] =	ssyncadd.s32 $0xFFFFD800  }
0x7e: {  	[tilespmem:s25], [sflag:$0x1] =	stream.indirect.gather [hbm4b:s4+s1], $0x80, s13, s1, $0xb8;
	[tilespmem:$0x1F780] =	vst v63  }
0x7f: {  	_ =	swait.ge [sflag:s28], $0x2800  }
0x80: {  	[sflag:s28] =	ssyncset.done $0x0  }
0x81: {  	s15 =	simm.s32 $0x6500;
	[sflag:s28] =	ssyncadd.s32 $0xFFFFD800  }
0x82: {  	[spmem:s2] =	stream.indirect.scatter.add.f32 [tilespmem:s0], [sflag:$0x3], $0x80, s15, s1, $0xb8;
	[tilespmem:$0x1F780] =	vst v63  }
0x83: {  	_ =	swait.ge [sflag:s26], $0x2800  }
0x84: {  	[sflag:s26] =	ssyncset.done $0x0  }
0x85: {  	[sflag:s26] =	ssyncadd.s32 $0xFFFFD800  }
0x86: {  	_ =	swait.ge [sflag:s29], $0x2800  }
0x87: {  	[sflag:s29] =	ssyncset.done $0x0  }
0x88: {  	s16 =	simm.s32 $0x6580;
	[sflag:s29] =	ssyncadd.s32 $0xFFFFD800  }
0x89: {  	[spmem:s2] =	stream.indirect.scatter.add.f32 [tilespmem:s25], [sflag:$0x3], $0x80, s16, s1, $0xb8;
	[tilespmem:$0x1F780] =	vst v63  }
0x8a: {  	_ =	swait.ge [sflag:s26], $0x2800  }
0x8b: {  	[sflag:s26] =	ssyncset.done $0x0  }
0x8c: {  	[sflag:s26] =	ssyncadd.s32 $0xFFFFD800  }
0x8d: {  	[bflag:$0x0] =	sbarrier.arrive $0xFFFF  }
0x8e: {  	[tilespmem:s25], [sflag:$0x3] =	stream.linear.gather [spmem:s6], $0x2800, $0x38;
	[tilespmem:$0x1F780] =	vst v63  }
0x8f: {  	_ =	swait.ge [sflag:s26], $0x2800  }
0x90: {  	[sflag:s26] =	ssyncset.done $0x0  }
0x91: {  	s31 =	rddreg [dreg:$0x7];
	[sflag:s26] =	ssyncadd.s32 $0xFFFFD800  }
0x92: {  	[hbm4b:s31+s3] =	stream.linear.scatter [tilespmem:s25], [sflag:$0x1], $0x2800, $0x38;
	[tilespmem:$0x1F780] =	vst v63  }
0x93: {  	_ = 	snop  }
0x94: {  	[tilespmem:s0], [sflag:$0x3] =	stream.linear.gather [spmem:s7], $0x2800, $0x38;
	[tilespmem:$0x1F780] =	vst v63  }
0x95: {  	_ =	swait.ge [sflag:s26], $0x2800  }
0x96: {  	[sflag:s26] =	ssyncset.done $0x0  }
0x97: {  	[sflag:s26] =	ssyncadd.s32 $0xFFFFD800  }
0x98: {  	[hbm4b:s17+s3] =	stream.linear.scatter [tilespmem:s0], [sflag:$0x2], $0x2800, $0x38;
	[tilespmem:$0x1F780] =	vst v63  }
0x99: {  	_ =	swait.ge [sflag:s29], $0x2800  }
0x9a: {  	[sflag:s29] =	ssyncset.done $0x0  }
0x9b: {  	[sflag:s29] =	ssyncadd.s32 $0xFFFFD800  }
0x9c: {  	[tilespmem:s25], [sflag:$0x3] =	stream.linear.gather [spmem:s8], $0x2800, $0x38;
	[tilespmem:$0x1F780] =	vst v63  }
0x9d: {  	_ =	swait.ge [sflag:s26], $0x2800  }
0x9e: {  	[sflag:s26] =	ssyncset.done $0x0  }
0x9f: {  	[sflag:s26] =	ssyncadd.s32 $0xFFFFD800  }
0xa0: {  	[hbm4b:s18+s3] =	stream.linear.scatter [tilespmem:s25], [sflag:$0x1], $0x2800, $0x38;
	[tilespmem:$0x1F780] =	vst v63  }
0xa1: {  	_ =	swait.ge [sflag:s28], $0x2800  }
0xa2: {  	[sflag:s28] =	ssyncset.done $0x0  }
0xa3: {  	[sflag:s28] =	ssyncadd.s32 $0xFFFFD800  }
0xa4: {  	[tilespmem:s0], [sflag:$0x3] =	stream.linear.gather [spmem:s9], $0x2800, $0x38;
	[tilespmem:$0x1F780] =	vst v63  }
0xa5: {  	_ =	swait.ge [sflag:s26], $0x2800  }
0xa6: {  	[sflag:s26] =	ssyncset.done $0x0  }
0xa7: {  	[sflag:s26] =	ssyncadd.s32 $0xFFFFD800  }
0xa8: {  	[hbm4b:s19+s3] =	stream.linear.scatter [tilespmem:s0], [sflag:$0x2], $0x2800, $0x38;
	[tilespmem:$0x1F780] =	vst v63  }
0xa9: {  	_ =	swait.ge [sflag:s29], $0x2800  }
0xaa: {  	[sflag:s29] =	ssyncset.done $0x0  }
0xab: {  	[sflag:s29] =	ssyncadd.s32 $0xFFFFD800  }
0xac: {  	[tilespmem:s25], [sflag:$0x3] =	stream.linear.gather [spmem:s10], $0x2800, $0x38;
	[tilespmem:$0x1F780] =	vst v63  }
0xad: {  	_ =	swait.ge [sflag:s26], $0x2800  }
0xae: {  	[sflag:s26] =	ssyncset.done $0x0  }
0xaf: {  	[sflag:s26] =	ssyncadd.s32 $0xFFFFD800  }
0xb0: {  	[hbm4b:s20+s3] =	stream.linear.scatter [tilespmem:s25], [sflag:$0x1], $0x2800, $0x38;
	[tilespmem:$0x1F780] =	vst v63  }
0xb1: {  	_ =	swait.ge [sflag:s28], $0x2800  }
0xb2: {  	[sflag:s28] =	ssyncset.done $0x0  }
0xb3: {  	[sflag:s28] =	ssyncadd.s32 $0xFFFFD800  }
0xb4: {  	[tilespmem:s0], [sflag:$0x3] =	stream.linear.gather [spmem:s11], $0x2800, $0x38;
	[tilespmem:$0x1F780] =	vst v63  }
0xb5: {  	_ =	swait.ge [sflag:s26], $0x2800  }
0xb6: {  	[sflag:s26] =	ssyncset.done $0x0  }
0xb7: {  	[sflag:s26] =	ssyncadd.s32 $0xFFFFD800  }
0xb8: {  	[hbm4b:s21+s3] =	stream.linear.scatter [tilespmem:s0], [sflag:$0x2], $0x2800, $0x38;
	[tilespmem:$0x1F780] =	vst v63  }
0xb9: {  	_ =	swait.ge [sflag:s29], $0x2800  }
0xba: {  	[sflag:s29] =	ssyncset.done $0x0  }
0xbb: {  	[sflag:s29] =	ssyncadd.s32 $0xFFFFD800  }
0xbc: {  	[tilespmem:s25], [sflag:$0x3] =	stream.linear.gather [spmem:s12], $0x2800, $0x38;
	[tilespmem:$0x1F780] =	vst v63  }
0xbd: {  	_ =	swait.ge [sflag:s26], $0x2800  }
0xbe: {  	[sflag:s26] =	ssyncset.done $0x0  }
0xbf: {  	[sflag:s26] =	ssyncadd.s32 $0xFFFFD800  }
0xc0: {  	[hbm4b:s22+s3] =	stream.linear.scatter [tilespmem:s25], [sflag:$0x1], $0x2800, $0x38;
	[tilespmem:$0x1F780] =	vst v63  }
0xc1: {  	_ =	swait.ge [sflag:s28], $0x2800  }
0xc2: {  	[sflag:s28] =	ssyncset.done $0x0  }
0xc3: {  	[sflag:s28] =	ssyncadd.s32 $0xFFFFD800  }
0xc4: {  	[tilespmem:s0], [sflag:$0x3] =	stream.linear.gather [spmem:s14], $0x2800, $0x38;
	[tilespmem:$0x1F780] =	vst v63  }
0xc5: {  	_ =	swait.ge [sflag:s26], $0x2800  }
0xc6: {  	[sflag:s26] =	ssyncset.done $0x0  }
0xc7: {  	s30 =	sadd.s32 $0x1, s30;
	[sflag:s26] =	ssyncadd.s32 $0xFFFFD800  }
0xc8: {  	[hbm4b:s23+s3] =	stream.linear.scatter [tilespmem:s0], [sflag:$0x2], $0x2800, $0x38;
	[tilespmem:$0x1F780] =	vst v63  }
0xc9: {  	p0 =	sne.s32 s30, s24;
	_ =	swait.ge [sflag:s29], $0x2800  }
.Ltmp1:
0xca: {  	[sflag:s29] =	ssyncset.done $0x0;
	(pc) =	sbr.rel @p0 .LBB2_1-.Ltmp1, $4  }
0xcb: {  	[sflag:s29] =	ssyncadd.s32 $0xFFFFD800  }
0xcc: {  	_ =	swait.ge [sflag:s28], $0x2800  }
0xcd: {  	[sflag:s28] =	ssyncset.done $0x0  }
0xce: {  	[sflag:s28] =	ssyncadd.s32 $0xFFFFD800  }
0xcf: {  	_ =	sfence.sel $0x180000  }
0xd0: {  	[bflag:$0x0] =	sbarrier.arrive $0xFFFF  }
0xd1: {  	_ =	strace $0x9000004A  }
0xd2: {  	s0 =	stileid.u32;
	[bflag:$0x2] =	sbarrier.arrive $0xFFFF  }
0xd3: {  	p0 =	sne.s32 s0, $0x0;
	s0 =	rddreg [dreg:$0x3]  }
0xd4: {  	s0 =	sadd.s32 @!p0 $0x100000, s0  }
0xd5: {  	[sflag:s0] =	ssyncadd.tile.s32 @!p0 $0x1;
	_ =	shalt  }
.Lfunc_end2:
_tile_overlayer_lowered:
.L_overlay_start_2:
0xd6: {  	(tag) =	ssettag $0x2  }
0xd7: {  	s0 =	rddreg [dreg:$0x0];
	s2 =	stileid.u32  }
0xd8: {  	s1 =	rddreg [dreg:$0x1];
	p0 =	sne.s32 s2, $0x0  }
0xd9: {  	s3 =	rddreg [dreg:$0x2];
	[bflag:$0x3] =	sbarrier.arrive $0xFFFF;
	s2 =	simm.s32 @!p0 $0x1C03  }
0xda: {  	[timem:s3], [sflag:s2] =	dma.local @!p0 [hbm:s0], s1  }
0xdb: {  	s0 =	simm.s32 @!p0 $0x3  }
0xdc: {  	_ =	swait.ge @!p0 [sflag:s0], s1  }
0xdd: {  	s1 =	ssub.s32 @!p0 $0x0, s1;
	[sflag:s0] =	ssyncset.done @!p0 $0x0  }
0xde: {  	[sflag:s0] =	ssyncadd.s32 @!p0 s1  }
0xdf: {  	[bflag:$0x3] =	sbarrier.arrive $0xFFFF  }
0xe0: {  	_ =	shalt  }

// kernel: kernel.14.cloned.1.call-start
scs
__scs_entry_jumppad:
0x0: {  	(pc) =	sbr.rel $0x88, $3  }
0x1: {  	(tag) =	ssettag $0x0;
	lr =	simm.s32 $0x1  }
0x2: {  	[smem:$0x3F96] =	sst lr;
	_ =	strace $0xD0000000  }
0x3: {  	_ = 	snop  }
0x4: {  	_ = 	snop  }
0x5: {  	_ = 	snop  }
0x6: {  	_ = 	snop  }
0x7: {  	_ = 	snop  }
__scs_overlays_trampoline_lowered:
0x8: {  	[smem:$0x3FA5] =	sst s0  }
0x9: {  	[smem:$0x3FA6] =	sst s1  }
0xa: {  	[smem:$0x3FA7] =	sst s2  }
0xb: {  	[smem:$0x3FA8] =	sst s3  }
0xc: {  	[smem:$0x3FA9] =	sst s4  }
0xd: {  	[smem:$0x3FAA] =	sst s5  }
0xe: {  	[smem:$0x3FAB] =	sst s6  }
0xf: {  	[smem:$0x3FAC] =	sst s7  }
0x10: {  	[smem:$0x3FAD] =	sst s8  }
0x11: {  	[smem:$0x3FAE] =	sst s9;
	s0 =	simm.s32 @!p0 $0x0  }
0x12: {  	s1 =	sld [smem:$0x3F94];
	s0 =	simm.s32 @p0 $0x1  }
0x13: {  	[smem:$0x3FAF] =	sst s0;
	s0 =	simm.s32 @!p1 $0x0  }
0x14: {  	s2 =	sld [smem:$0x3F93];
	s0 =	simm.s32 @p1 $0x1  }
0x15: {  	[smem:$0x3FB0] =	sst s0;
	s0 =	simm.s32 @!p2 $0x0  }
0x16: {  	s3 =	sld [smem:$0x3FDB];
	s0 =	simm.s32 @p2 $0x1  }
0x17: {  	s4 =	simm.s32 $0x1BF5;
	[smem:$0x3FB2] =	sst s0  }
0x18: {  	s0 =	sld [smem:$0x3F95];
	_ =	swait.ge [sflag:s4], $0x0  }
0x19: {  	s7 =	sld [smem:$0x3F96]  }
0x1a: {  	s8 =	sadd.s32 $0xFFFFE003, lr  }
0x1b: {  	s9 =	sadd.s32 $0xFFFFFEF7, lr;
	s5 =	simm.s32 $0xFFFFFFFF;
	p2 =	slt.u32 s8, $0xFFFFF086  }
0x1c: {  	p1 =	slt.u32 s9, $0xF7A;
	s5 =	simm.s32 @!p2 $0x0  }
0x1d: {  	s5 =	simm.s32 @p1 $0x1;
	p0 =	seq.s32 s7, s2  }
0x1e: {  	s7 =	smul.u32 @!p0 $0xF7A, s2;
	p2 =	seq.s32 @!p0 s5, $0x0  }
0x1f: {  	s9 =	smul.u32 $0xF7A, s1;
	s8 =	simm.s32 @!p0 $0x1BF5;
	p2 =	por !p2, p0  }
0x20: {  	[sflag:s8] =	ssyncset.s32 @!p0 $0xFFFFF086;
	s6 =	sadd.s32 @!p0 s3, s7;
	s7 =	simm.s32 @!p0 $0x108  }
0x21: {  	s3 =	sadd.s32 s3, s9;
	s6 =	sadd.s32 @!p0 $0x88, s6;
	s7 =	simm.s32 @p2 $0x1082  }
0x22: {  	[simem:s7], [sflag:s8] =	dma.local @!p0 [hbm:s6], $0xF7A  }
0x23: {  	s9 =	sor.u32 $0xD0000000, s2;
	s6 =	simm.s32 $0x108;
	_ =	swait.ge @!p0 [sflag:s8], $0x0  }
0x24: {  	s3 =	sadd.s32 $0x88, s3;
	s6 =	simm.s32 @!p1 $0x1082;
	[sflag:s4] =	ssyncset.s32 $0xFFFFF086  }
0x25: {  	[simem:s6], [sflag:s4] =	dma.local [hbm:s3], $0xF7A  }
0x26: {  	[smem:$0x3F96] =	sst s1;
	(tag) =	ssettag s2;
	_ =	strace s9  }
0x27: {  	s1 =	sld [smem:$0x3FA6]  }
0x28: {  	s2 =	sld [smem:$0x3FA7]  }
0x29: {  	s4 =	sld [smem:$0x3FA9]  }
0x2a: {  	p0 =	seq.s32 s5, $0x0;
	s5 =	sld [smem:$0x3FAA]  }
0x2b: {  	s6 =	sld [smem:$0x3FAB]  }
0x2c: {  	s7 =	sld [smem:$0x3FAC]  }
0x2d: {  	s3 =	simm.s32 $0x108;
	s8 =	sld [smem:$0x3FAD]  }
0x2e: {  	s3 =	simm.s32 @!p0 $0x1082;
	s9 =	sld [smem:$0x3FAE]  }
0x2f: {  	lr =	sadd.s32 s0, s3;
	s0 =	sld [smem:$0x3FA5]  }
0x30: {  	s3 =	sld [smem:$0x3FA8]  }
0x31: {  	[smem:$0x3FB1] =	sst s10  }
0x32: {  	s10 =	sld [smem:$0x3FAF];
	_ =	sdelay $0x3  }
0x33: {  	p0 =	seq.s32 s10, $0x1;
	s10 =	sld [smem:$0x3FB1];
	_ =	sdelay $0x3  }
0x34: {  	[smem:$0x3FB1] =	sst s10  }
0x35: {  	s10 =	sld [smem:$0x3FB0];
	_ =	sdelay $0x3  }
0x36: {  	p1 =	seq.s32 s10, $0x1;
	s10 =	sld [smem:$0x3FB1];
	_ =	sdelay $0x3  }
0x37: {  	[smem:$0x3FB1] =	sst s10  }
0x38: {  	s10 =	sld [smem:$0x3FB2]  }
0x39: {  	_ = 	snop;
	(pc) =	sbr.ind lr, $3  }
0x3a: {  	_ = 	snop  }
0x3b: {  	_ = 	snop  }
0x3c: {  	p2 =	seq.s32 s10, $0x1;
	s10 =	sld [smem:$0x3FB1]  }
0x3d: {  	_ =	shalt  }
0x3e: {  	_ =	shalt  }
0x3f: {  	_ =	shalt  }
0x40: {  	_ =	shalt  }
0x41: {  	_ =	shalt  }
0x42: {  	_ =	shalt  }
0x43: {  	_ =	shalt  }
0x44: {  	_ =	shalt  }
0x45: {  	_ =	shalt  }
0x46: {  	_ =	shalt  }
0x47: {  	_ =	shalt  }
0x48: {  	_ =	shalt  }
0x49: {  	_ =	shalt  }
0x4a: {  	_ =	shalt  }
0x4b: {  	_ =	shalt  }
0x4c: {  	_ =	shalt  }
0x4d: {  	_ =	shalt  }
0x4e: {  	_ =	shalt  }
0x4f: {  	_ =	shalt  }
0x50: {  	_ =	shalt  }
0x51: {  	_ =	shalt  }
0x52: {  	_ =	shalt  }
0x53: {  	_ =	shalt  }
0x54: {  	_ =	shalt  }
0x55: {  	_ =	shalt  }
0x56: {  	_ =	shalt  }
0x57: {  	_ =	shalt  }
0x58: {  	_ =	shalt  }
0x59: {  	_ =	shalt  }
0x5a: {  	_ =	shalt  }
0x5b: {  	_ =	shalt  }
0x5c: {  	_ =	shalt  }
0x5d: {  	_ =	shalt  }
0x5e: {  	_ =	shalt  }
0x5f: {  	_ =	shalt  }
0x60: {  	_ =	shalt  }
0x61: {  	_ =	shalt  }
0x62: {  	_ =	shalt  }
0x63: {  	_ =	shalt  }
0x64: {  	_ =	shalt  }
0x65: {  	_ =	shalt  }
0x66: {  	_ =	shalt  }
0x67: {  	_ =	shalt  }
0x68: {  	_ =	shalt  }
0x69: {  	_ =	shalt  }
0x6a: {  	_ =	shalt  }
0x6b: {  	_ =	shalt  }
0x6c: {  	_ =	shalt  }
0x6d: {  	_ =	shalt  }
0x6e: {  	_ =	shalt  }
0x6f: {  	_ =	shalt  }
0x70: {  	_ =	shalt  }
0x71: {  	_ =	shalt  }
0x72: {  	_ =	shalt  }
0x73: {  	_ =	shalt  }
0x74: {  	_ =	shalt  }
0x75: {  	_ =	shalt  }
0x76: {  	_ =	shalt  }
0x77: {  	_ =	shalt  }
0x78: {  	_ =	shalt  }
0x79: {  	_ =	shalt  }
0x7a: {  	_ =	shalt  }
0x7b: {  	_ =	shalt  }
0x7c: {  	_ =	shalt  }
0x7d: {  	_ =	shalt  }
0x7e: {  	_ =	shalt  }
0x7f: {  	_ =	shalt  }
0x80: {  	_ =	shalt  }
0x81: {  	_ =	shalt  }
0x82: {  	_ =	shalt  }
0x83: {  	_ =	shalt  }
0x84: {  	_ =	shalt  }
0x85: {  	_ =	shalt  }
0x86: {  	_ =	shalt  }
0x87: {  	_ =	shalt  }
.Lfunc_end0:
.L_simem_size_0:
called_computation.2_lowered:
.L_overlay_start_0:
0x88: {  	s2 =	sld [smem:$0x3FD9]  }
0x89: {  	s3 =	sld [smem:$0x3FFE];
	_ =	sdelay $0x1  }
0x8a: {  	s1 =	srdreg.scid  }
0x8b: {  	s0 =	sand.u32 $0x1, s1  }
0x8c: {  	s17 =	sshll.u32 s0, $0xA;
	s2 =	sadd.s32 s3, s2  }
0x8d: {  	s2 =	sadd.s32 s2, s17  }
0x8e: {  	[smem:$0x3FBD] =	sst s2  }
0x8f: {  	_ = 	snop  }
0x90: {  	s2 =	sld [smem:$0x3FD0];
	(tm) =	ssettm $0x1  }
0x91: {  	s18 =	sld [smem:$0x3FFB];
	_ =	sdelay $0x3  }
0x92: {  	_ =	strace s18  }
0x93: {  	s3 =	sld [smem:$0x3FFC];
	_ =	sdelay $0x3  }
0x94: {  	_ =	strace s3  }
0x95: {  	s3 =	sld [smem:$0x3FFD];
	_ =	sdelay $0x3  }
0x96: {  	_ =	strace s3  }
0x97: {  	_ =	strace $0x8FFFFFFF  }
0x98: {  	s19 =	sld [smem:$0x3FDB];
	_ =	sdelay $0x1  }
0x99: {  	s4 =	simm.s32 $_scs_section_size  }
0x9a: {  	s5 =	simm.s32 $_size__tile_overlayer_lowered;
	s6 =	simm.s32 $_tile_overlayer_lowered  }
0x9b: {  	s22 =	simm.s32 $0x1BFF;
	s21 =	sshll.u32 s6, $0x1;
	s3 =	sadd.s32 s4, s19  }
0x9c: {  	s7 =	simm.s32 $0x0;
	s20 =	sshll.u32 s5, $0x1;
	s5 =	sadd.s32 s21, s3  }
0x9d: {  	[timem:s7], [sflag:s22] =	dma.local [hbm:s5], s20  }
0x9e: {  	_ =	swait.ge [sflag:s22], s20  }
0x9f: {  	s4 =	ssub.s32 $0x0, s20;
	[sflag:s22] =	ssyncset.done $0x0  }
0xa0: {  	[sflag:s22] =	ssyncadd.s32 s4;
	_ =	sdelay $0x1  }
0xa1: {  	s23 =	simm.s32 $0x1B8B  }
0xa2: {  	_ =	swait.ge [sflag:s23], $0x1  }
0xa3: {  	[sflag:s23] =	ssyncset.done $0x0  }
0xa4: {  	s25 =	simm.s32 $0x1B8E;
	s24 =	sld [smem:$0x3FFE];
	[sflag:s23] =	ssyncadd.s32 $0xFFFFFFFF  }
0xa5: {  	s26 =	simm.s32 $execute0_lowered;
	[smem:$0x3FD2] =	sst s25  }
0xa6: {  	s5 =	sshll.u32 s26, $0x1;
	_ =	strace $0x8000004C;
	[dreg:$0x1] =	wrdreg $0xFFFFFFFF  }
0xa7: {  	s28 =	simm.s32 $_size_execute0_lowered;
	s3 =	sadd.s32 s3, s5;
	[dreg:$0x0] =	wrdreg $0x0  }
0xa8: {  	s5 =	sshll.u32 s28, $0x1;
	[dreg:$0x2] =	wrdreg s3  }
0xa9: {  	[dreg:$0x3] =	wrdreg s5  }
0xaa: {  	[dreg:$0x4] =	wrdreg $0xC0  }
0xab: {  	_ =	task [dreg:s7], $0x5FFFF  }
0xac: {  	[dreg:$0x1] =	wrdreg $0xFFFFFFFF  }
0xad: {  	[dreg:$0x0] =	wrdreg $0x60  }
0xae: {  	[dreg:$0x2] =	wrdreg s24  }
0xaf: {  	[dreg:$0x3] =	wrdreg s2  }
0xb0: {  	[dreg:$0x4] =	wrdreg $0xB7800  }
0xb1: {  	[dreg:$0x5] =	wrdreg $0x9  }
0xb2: {  	_ =	task.clear_ibuf [dreg:s7], $0x6FFFF;
	_ =	strace $0x9000004C  }
0xb3: {  	s29 =	simm.s32 $0x9;
	_ =	strace $0x8000004E  }
0xb4: {  	_ =	swait.ge [sflag:s29], $0x1  }
0xb5: {  	[sflag:s29] =	ssyncadd.s32 $0xFFFFFFFF  }
0xb6: {  	_ =	strace $0x9000004E  }
0xb7: {  	_ =	sfence  }
0xb8: {  	s30 =	sld [smem:$0x0];
	_ =	sdelay $0x2  }
0xb9: {  	s31 =	sshll.u32 s1, $0xD;
	s1 =	sshrl.u32 s1, $0x2  }
0xba: {  	s3 =	sand.u32 $0x4000, s31;
	s1 =	sadd.s32 s1, s30  }
0xbb: {  	s0 =	sor.u32 s3, s0;
	s1 =	sshll.u32 s1, $0x11  }
0xbc: {  	s0 =	sor.u32 s1, s0  }
0xbd: {  	s0 =	sadd.s32 $0x8F2B, s0  }
0xbe: {  	[sflag:s0] =	ssyncadd.remote.s32 $0x1  }
0xbf: {  	_ =	sfence.sel $0xFFFF  }
0xc0: {  	[dreg:$0x0] =	wrdreg $0xFFFFFFFF;
	(pc) =	sbr.abs _section_cstart, $3  }
0xc1: {  	[dreg:$0x1] =	wrdreg $0xFFFFFFFF  }
0xc2: {  	_ =	task.clear_ibuf [dreg:s7], $0x2FFFF;
	_ =	strace $0x9FFFFFFF  }
0xc3: {  	(tm) =	ssettm $0x7FFFFFFF  }
tec
execute0_lowered:
.L_overlay_start_1:
0x0: {  	(tag) =	ssettag $0x1  }
0x1: {  	s0 =	rddreg [dreg:$0x0]  }
0x2: {  	s1 =	rddreg [dreg:$0x1]  }
0x3: {  	s3 =	srdreg.scid;
	s8 =	stileid.u32  }
0x4: {  	s2 =	rddreg [dreg:$0x2];
	s28 =	simm.s32 $0x2;
	s29 =	simm.s32 $0x1  }
0x5: {  	s30 =	simm.s32 $0x0;
	s5 =	sand.u32 $0x1, s3;
	s16 =	sshll.u32 s8, $0x1  }
0x6: {  	s4 =	sshrl.u32 s8, $0x2;
	s3 =	simm.s32 $0x0;
	s7 =	smul.u32 $0x50000, s8  }
0x7: {  	s14 =	smul.u32 $0x14000, s8;
	s18 =	sadd.s32 $0x29C00, s0;
	s11 =	sor.u32 s5, s16  }
0x8: {  	s4 =	smul.u32 $0x13C00, s4;
	[smem:$0x7FF] =	sst s3;
	s17 =	ssub.s32 $0x2, s5  }
0x9: {  	s5 =	smul.u32 $0x140000, s5;
	s6 =	sshll.u32 s11, $0x7;
	_ =	strace $0x8000004D  }
0xa: {  	[dreg:$0x4] =	wrdreg s18;
	s19 =	sshrl.u32 s17, $0x1;
	s20 =	sshrl.u32 s7, $0x2  }
0xb: {  	s15 =	sor.u32 $0x2800, s14;
	s16 =	sadd.s32 $0x5000, s14;
	s18 =	sadd.s32 $0xA000, s14  }
0xc: {  	s21 =	sshll.u32 s11, $0xB;
	s6 =	sand.u32 $0x380, s6;
	s24 =	ssub.s32 s17, s19  }
0xd: {  	s7 =	sadd.s32 s15, s2;
	s8 =	sadd.s32 s16, s2;
	s17 =	sadd.s32 $0x7800, s14  }
0xe: {  	s10 =	sadd.s32 s18, s2;
	s19 =	sadd.s32 $0xC800, s14;
	s1 =	sadd.s32 s1, s21  }
0xf: {  	s21 =	sadd.s32 $0x11800, s14;
	s31 =	sadd.s32 s14, s5;
	s15 =	sadd.s32 s5, s15  }
0x10: {  	s22 =	sadd.s32 s5, s16;
	s18 =	sadd.s32 s5, s18;
	s6 =	sor.u32 s4, s6  }
0x11: {  	s4 =	sadd.s32 $0x1C00, s0;
	s9 =	sadd.s32 s17, s2;
	s11 =	sadd.s32 s19, s2  }
0x12: {  	[dreg:$0x5] =	wrdreg s1;
	s23 =	sadd.s32 s5, s17;
	s25 =	sadd.s32 s5, s19  }
0x13: {  	s19 =	sshrl.u32 s31, $0x3;
	s24 =	smax.u32 s24, $0x1;
	s6 =	sshrl.u32 s6, $0x3  }
0x14: {  	s25 =	sshrl.u32 s25, $0x3;
	s13 =	sadd.s32 s6, s0;
	s0 =	sadd.s32 $0x5CA00, s0  }
0x15: {  	s6 =	sadd.s32 s20, s2;
	s20 =	sadd.s32 $0xF000, s14;
	s14 =	sadd.s32 s21, s2  }
0x16: {  	s12 =	sadd.s32 s20, s2;
	s26 =	sadd.s32 s5, s20;
	s5 =	sadd.s32 s5, s21  }
0x17: {  	s20 =	sshrl.u32 s15, $0x3;
	s13 =	sadd.s32 $0x52C00, s13;
	s1 =	sadd.s32 s0, s19  }
0x18: {  	s21 =	sshrl.u32 s22, $0x3;
	s22 =	sshrl.u32 s23, $0x3;
	[dreg:$0x6] =	wrdreg s13  }
0x19: {  	s23 =	sshrl.u32 s18, $0x3;
	[dreg:$0x7] =	wrdreg s1;
	s17 =	sadd.s32 s0, s20  }
0x1a: {  	s18 =	sadd.s32 s0, s21;
	s19 =	sadd.s32 s0, s22;
	s20 =	sadd.s32 s0, s23  }
0x1b: {  	s31 =	sshrl.u32 s26, $0x3;
	s5 =	sshrl.u32 s5, $0x3;
	s21 =	sadd.s32 s0, s25  }
0x1c: {  	s25 =	simm.s32 $0x6780;
	s26 =	simm.s32 $0x3;
	s1 =	simm.s32 $0x50  }
0x1d: {  	s22 =	sadd.s32 s0, s31;
	s23 =	sadd.s32 s0, s5;
	s0 =	simm.s32 $0x8F80  }
.LBB2_1:
0x1e: {  	s5 =	rddreg [dreg:$0x4]  }
0x1f: {  	[tilespmem:s25], [sflag:$0x3] =	stream.linear.gather [hbm4b:s5+s3], $0x2800, $0x38;
	[tilespmem:$0x1F780] =	vst v63  }
0x20: {  	_ =	swait.ge [sflag:s26], $0x2800  }
0x21: {  	[sflag:s26] =	ssyncset.done $0x0  }
0x22: {  	[sflag:s26] =	ssyncadd.s32 $0xFFFFD800  }
0x23: {  	[spmem:s6] =	stream.linear.scatter [tilespmem:s25], [sflag:$0x2], $0x2800, $0x38;
	[tilespmem:$0x1F780] =	vst v63  }
0x24: {  	_ = 	snop  }
0x25: {  	[spmem:s7] =	stream.linear.scatter [tilespmem:s25], [sflag:$0x2], $0x2800, $0x38;
	[tilespmem:$0x1F780] =	vst v63  }
0x26: {  	_ = 	snop  }
0x27: {  	[spmem:s8] =	stream.linear.scatter [tilespmem:s25], [sflag:$0x2], $0x2800, $0x38;
	[tilespmem:$0x1F780] =	vst v63  }
0x28: {  	_ = 	snop  }
0x29: {  	[spmem:s9] =	stream.linear.scatter [tilespmem:s25], [sflag:$0x2], $0x2800, $0x38;
	[tilespmem:$0x1F780] =	vst v63  }
0x2a: {  	_ = 	snop  }
0x2b: {  	[spmem:s10] =	stream.linear.scatter [tilespmem:s25], [sflag:$0x2], $0x2800, $0x38;
	[tilespmem:$0x1F780] =	vst v63  }
0x2c: {  	_ = 	snop  }
0x2d: {  	[spmem:s11] =	stream.linear.scatter [tilespmem:s25], [sflag:$0x2], $0x2800, $0x38;
	[tilespmem:$0x1F780] =	vst v63  }
0x2e: {  	_ = 	snop  }
0x2f: {  	[spmem:s12] =	stream.linear.scatter [tilespmem:s25], [sflag:$0x2], $0x2800, $0x38;
	[tilespmem:$0x1F780] =	vst v63  }
0x30: {  	_ = 	snop  }
0x31: {  	[spmem:s14] =	stream.linear.scatter [tilespmem:s25], [sflag:$0x2], $0x2800, $0x38;
	[tilespmem:$0x1F780] =	vst v63  }
0x32: {  	_ =	swait.ge [sflag:s28], $0x2800  }
0x33: {  	[sflag:s28] =	ssyncset.done $0x0  }
0x34: {  	[sflag:s28] =	ssyncadd.s32 $0xFFFFD800  }
0x35: {  	_ =	swait.ge [sflag:s28], $0x2800  }
0x36: {  	[sflag:s28] =	ssyncset.done $0x0  }
0x37: {  	[sflag:s28] =	ssyncadd.s32 $0xFFFFD800  }
0x38: {  	_ =	swait.ge [sflag:s28], $0x2800  }
0x39: {  	[sflag:s28] =	ssyncset.done $0x0  }
0x3a: {  	[sflag:s28] =	ssyncadd.s32 $0xFFFFD800  }
0x3b: {  	_ =	swait.ge [sflag:s28], $0x2800  }
0x3c: {  	[sflag:s28] =	ssyncset.done $0x0  }
0x3d: {  	[sflag:s28] =	ssyncadd.s32 $0xFFFFD800  }
0x3e: {  	_ =	swait.ge [sflag:s28], $0x2800  }
0x3f: {  	[sflag:s28] =	ssyncset.done $0x0  }
0x40: {  	[sflag:s28] =	ssyncadd.s32 $0xFFFFD800  }
0x41: {  	_ =	swait.ge [sflag:s28], $0x2800  }
0x42: {  	[sflag:s28] =	ssyncset.done $0x0  }
0x43: {  	[sflag:s28] =	ssyncadd.s32 $0xFFFFD800  }
0x44: {  	_ =	swait.ge [sflag:s28], $0x2800  }
0x45: {  	[sflag:s28] =	ssyncset.done $0x0  }
0x46: {  	[sflag:s28] =	ssyncadd.s32 $0xFFFFD800  }
0x47: {  	_ =	swait.ge [sflag:s28], $0x2800  }
0x48: {  	s13 =	simm.s32 $0x80;
	[sflag:s28] =	ssyncset.done $0x0  }
0x49: {  	s15 =	simm.s32 $0x400;
	s16 =	rddreg [dreg:$0x6];
	[sflag:s28] =	ssyncadd.s32 $0xFFFFD800  }
0x4a: {  	[tilespmem:s3], [sflag:$0x3] =	stream.strided.gather [hbm4b:s16+s13], $0x2780, s15, s13, $0x38;
	[tilespmem:$0x1F780] =	vst v63  }
0x4b: {  	_ =	swait.ge [sflag:s26], $0x2780  }
0x4c: {  	[sflag:s26] =	ssyncset.done $0x0  }
0x4d: {  	s16 =	simm.s32 $0x2780;
	s15 =	rddreg [dreg:$0x5];
	[sflag:s26] =	ssyncadd.s32 $0xFFFFD880  }
0x4e: {  	[tilespmem:s16], [sflag:$0x3] =	stream.linear.gather [hbm4b:s15+s3], $0x3E80, $0x38;
	[tilespmem:$0x1F780] =	vst v63  }
0x4f: {  	_ =	swait.ge [sflag:s26], $0x3E80  }
0x50: {  	[sflag:s26] =	ssyncset.done $0x0  }
0x51: {  	[sflag:s26] =	ssyncadd.s32 $0xFFFFC180  }
0x52: {  	[tilespmem:s25], [sflag:$0x1] =	stream.indirect.gather [hbm4b:s4+s1], $0x80, s3, s1, $0xb8;
	[tilespmem:$0x1F780] =	vst v63  }
0x53: {  	_ = 	snop  }
0x54: {  	[tilespmem:s0], [sflag:$0x2] =	stream.indirect.gather [hbm4b:s4+s1], $0x80, s1, s1, $0xb8;
	[tilespmem:$0x1F780] =	vst v63  }
0x55: {  	[bflag:$0x0] =	sbarrier.arrive $0xFFFF  }
0x56: {  	_ =	swait.ge [sflag:s29], $0x2800  }
0x57: {  	[sflag:s29] =	ssyncset.done $0x0  }
0x58: {  	s13 =	simm.s32 $0x2780;
	[sflag:s29] =	ssyncadd.s32 $0xFFFFD800  }
0x59: {  	[spmem:s2] =	stream.indirect.scatter.add.f32 [tilespmem:s25], [sflag:$0x3], $0x80, s13, s1, $0xb8;
	[tilespmem:$0x1F780] =	vst v63  }
0x5a: {  	_ =	swait.ge [sflag:s26], $0x2800  }
0x5b: {  	[sflag:s26] =	ssyncset.done $0x0  }
0x5c: {  	s15 =	simm.s32 $0xA0;
	[sflag:s26] =	ssyncadd.s32 $0xFFFFD800  }
0x5d: {  	[tilespmem:s25], [sflag:$0x1] =	stream.indirect.gather [hbm4b:s4+s1], $0x80, s15, s1, $0xb8;
	[tilespmem:$0x1F780] =	vst v63  }
0x5e: {  	_ =	swait.ge [sflag:s28], $0x2800  }
0x5f: {  	[sflag:s28] =	ssyncset.done $0x0  }
0x60: {  	s16 =	simm.s32 $0x2800;
	[sflag:s28] =	ssyncadd.s32 $0xFFFFD800  }
0x61: {  	[spmem:s2] =	stream.indirect.scatter.add.f32 [tilespmem:s0], [sflag:$0x3], $0x80, s16, s1, $0xb8;
	[tilespmem:$0x1F780] =	vst v63  }
0x62: {  	_ =	swait.ge [sflag:s26], $0x2800  }
0x63: {  	s31 =	simm.s32 $0xF0;
	[sflag:s26] =	ssyncset.done $0x0  }
0x64: {  	s5 =	simm.s32 $0x400;
	s13 =	simm.s32 $0x190;
	[sflag:s26] =	ssyncadd.s32 $0xFFFFD800  }
.LBB2_2:
0x65: {  	[tilespmem:s0], [sflag:$0x2] =	stream.indirect.gather [hbm4b:s4+s1], $0x80, s31, s1, $0xb8;
	[tilespmem:$0x1F780] =	vst v63  }
0x66: {  	s15 =	smov.u32 s5;
	s31 =	smov.u32 s13  }
0x67: {  	p0 =	sne.s32 s5, $0xF000;
	s5 =	sadd.s32 $0x400, s5;
	_ =	swait.ge [sflag:s29], $0x2800  }
0x68: {  	s15 =	sshra.s32 s15, $0x2;
	[sflag:s29] =	ssyncset.done $0x0  }
0x69: {  	s16 =	sadd.s32 $0x2780, s15;
	[sflag:s29] =	ssyncadd.s32 $0xFFFFD800  }
0x6a: {  	[spmem:s2] =	stream.indirect.scatter.add.f32 [tilespmem:s25], [sflag:$0x3], $0x80, s16, s1, $0xb8;
	[tilespmem:$0x1F780] =	vst v63  }
0x6b: {  	_ =	swait.ge [sflag:s26], $0x2800  }
0x6c: {  	[sflag:s26] =	ssyncset.done $0x0  }
0x6d: {  	s16 =	sadd.s32 $0xFFFFFFB0, s13;
	[sflag:s26] =	ssyncadd.s32 $0xFFFFD800  }
0x6e: {  	[tilespmem:s25], [sflag:$0x1] =	stream.indirect.gather [hbm4b:s4+s1], $0x80, s16, s1, $0xb8;
	[tilespmem:$0x1F780] =	vst v63  }
0x6f: {  	_ =	swait.ge [sflag:s28], $0x2800  }
0x70: {  	[sflag:s28] =	ssyncset.done $0x0  }
.Ltmp0:
0x71: {  	s15 =	sadd.s32 $0x2800, s15;
	[sflag:s28] =	ssyncadd.s32 $0xFFFFD800;
	(pc) =	sbr.rel @p0 .LBB2_2-.Ltmp0, $4  }
0x72: {  	[spmem:s2] =	stream.indirect.scatter.add.f32 [tilespmem:s0], [sflag:$0x3], $0x80, s15, s1, $0xb8;
	[tilespmem:$0x1F780] =	vst v63  }
0x73: {  	_ =	swait.ge [sflag:s26], $0x2800  }
0x74: {  	[sflag:s26] =	ssyncset.done $0x0  }
0x75: {  	s13 =	sadd.s32 $0xA0, s13;
	[sflag:s26] =	ssyncadd.s32 $0xFFFFD800  }
0x76: {  	[tilespmem:s0], [sflag:$0x2] =	stream.indirect.gather [hbm4b:s4+s1], $0x80, s31, s1, $0xb8;
	[tilespmem:$0x1F780] =	vst v63  }
0x77: {  	_ =	swait.ge [sflag:s29], $0x2800  }
0x78: {  	[sflag:s29] =	ssyncset.done $0x0  }
0x79: {  	s5 =	simm.s32 $0x6480;
	[sflag:s29] =	ssyncadd.s32 $0xFFFFD800  }
0x7a: {  	[spmem:s2] =	stream.indirect.scatter.add.f32 [tilespmem:s25], [sflag:$0x3], $0x80, s5, s1, $0xb8;
	[tilespmem:$0x1F780] =	vst v63  }
0x7b: {  	_ =	swait.ge [sflag:s26], $0x2800  }
0x7c: {  	[sflag:s26] =	ssyncset.done $0x0  }
0x7d: {  	s13 =	simm.s32 $0x26C0;
	[sflag:s26] =	ssyncadd.s32 $0xFFFFD800  }
0x7e: {  	[tilespmem:s25], [sflag:$0x1] =	stream.indirect.gather [hbm4b:s4+s1], $0x80, s13, s1, $0xb8;
	[tilespmem:$0x1F780] =	vst v63  }
0x7f: {  	_ =	swait.ge [sflag:s28], $0x2800  }
0x80: {  	[sflag:s28] =	ssyncset.done $0x0  }
0x81: {  	s15 =	simm.s32 $0x6500;
	[sflag:s28] =	ssyncadd.s32 $0xFFFFD800  }
0x82: {  	[spmem:s2] =	stream.indirect.scatter.add.f32 [tilespmem:s0], [sflag:$0x3], $0x80, s15, s1, $0xb8;
	[tilespmem:$0x1F780] =	vst v63  }
0x83: {  	_ =	swait.ge [sflag:s26], $0x2800  }
0x84: {  	[sflag:s26] =	ssyncset.done $0x0  }
0x85: {  	[sflag:s26] =	ssyncadd.s32 $0xFFFFD800  }
0x86: {  	_ =	swait.ge [sflag:s29], $0x2800  }
0x87: {  	[sflag:s29] =	ssyncset.done $0x0  }
0x88: {  	s16 =	simm.s32 $0x6580;
	[sflag:s29] =	ssyncadd.s32 $0xFFFFD800  }
0x89: {  	[spmem:s2] =	stream.indirect.scatter.add.f32 [tilespmem:s25], [sflag:$0x3], $0x80, s16, s1, $0xb8;
	[tilespmem:$0x1F780] =	vst v63  }
0x8a: {  	_ =	swait.ge [sflag:s26], $0x2800  }
0x8b: {  	[sflag:s26] =	ssyncset.done $0x0  }
0x8c: {  	[sflag:s26] =	ssyncadd.s32 $0xFFFFD800  }
0x8d: {  	[bflag:$0x0] =	sbarrier.arrive $0xFFFF  }
0x8e: {  	[tilespmem:s25], [sflag:$0x3] =	stream.linear.gather [spmem:s6], $0x2800, $0x38;
	[tilespmem:$0x1F780] =	vst v63  }
0x8f: {  	_ =	swait.ge [sflag:s26], $0x2800  }
0x90: {  	[sflag:s26] =	ssyncset.done $0x0  }
0x91: {  	s31 =	rddreg [dreg:$0x7];
	[sflag:s26] =	ssyncadd.s32 $0xFFFFD800  }
0x92: {  	[hbm4b:s31+s3] =	stream.linear.scatter [tilespmem:s25], [sflag:$0x1], $0x2800, $0x38;
	[tilespmem:$0x1F780] =	vst v63  }
0x93: {  	_ = 	snop  }
0x94: {  	[tilespmem:s0], [sflag:$0x3] =	stream.linear.gather [spmem:s7], $0x2800, $0x38;
	[tilespmem:$0x1F780] =	vst v63  }
0x95: {  	_ =	swait.ge [sflag:s26], $0x2800  }
0x96: {  	[sflag:s26] =	ssyncset.done $0x0  }
0x97: {  	[sflag:s26] =	ssyncadd.s32 $0xFFFFD800  }
0x98: {  	[hbm4b:s17+s3] =	stream.linear.scatter [tilespmem:s0], [sflag:$0x2], $0x2800, $0x38;
	[tilespmem:$0x1F780] =	vst v63  }
0x99: {  	_ =	swait.ge [sflag:s29], $0x2800  }
0x9a: {  	[sflag:s29] =	ssyncset.done $0x0  }
0x9b: {  	[sflag:s29] =	ssyncadd.s32 $0xFFFFD800  }
0x9c: {  	[tilespmem:s25], [sflag:$0x3] =	stream.linear.gather [spmem:s8], $0x2800, $0x38;
	[tilespmem:$0x1F780] =	vst v63  }
0x9d: {  	_ =	swait.ge [sflag:s26], $0x2800  }
0x9e: {  	[sflag:s26] =	ssyncset.done $0x0  }
0x9f: {  	[sflag:s26] =	ssyncadd.s32 $0xFFFFD800  }
0xa0: {  	[hbm4b:s18+s3] =	stream.linear.scatter [tilespmem:s25], [sflag:$0x1], $0x2800, $0x38;
	[tilespmem:$0x1F780] =	vst v63  }
0xa1: {  	_ =	swait.ge [sflag:s28], $0x2800  }
0xa2: {  	[sflag:s28] =	ssyncset.done $0x0  }
0xa3: {  	[sflag:s28] =	ssyncadd.s32 $0xFFFFD800  }
0xa4: {  	[tilespmem:s0], [sflag:$0x3] =	stream.linear.gather [spmem:s9], $0x2800, $0x38;
	[tilespmem:$0x1F780] =	vst v63  }
0xa5: {  	_ =	swait.ge [sflag:s26], $0x2800  }
0xa6: {  	[sflag:s26] =	ssyncset.done $0x0  }
0xa7: {  	[sflag:s26] =	ssyncadd.s32 $0xFFFFD800  }
0xa8: {  	[hbm4b:s19+s3] =	stream.linear.scatter [tilespmem:s0], [sflag:$0x2], $0x2800, $0x38;
	[tilespmem:$0x1F780] =	vst v63  }
0xa9: {  	_ =	swait.ge [sflag:s29], $0x2800  }
0xaa: {  	[sflag:s29] =	ssyncset.done $0x0  }
0xab: {  	[sflag:s29] =	ssyncadd.s32 $0xFFFFD800  }
0xac: {  	[tilespmem:s25], [sflag:$0x3] =	stream.linear.gather [spmem:s10], $0x2800, $0x38;
	[tilespmem:$0x1F780] =	vst v63  }
0xad: {  	_ =	swait.ge [sflag:s26], $0x2800  }
0xae: {  	[sflag:s26] =	ssyncset.done $0x0  }
0xaf: {  	[sflag:s26] =	ssyncadd.s32 $0xFFFFD800  }
0xb0: {  	[hbm4b:s20+s3] =	stream.linear.scatter [tilespmem:s25], [sflag:$0x1], $0x2800, $0x38;
	[tilespmem:$0x1F780] =	vst v63  }
0xb1: {  	_ =	swait.ge [sflag:s28], $0x2800  }
0xb2: {  	[sflag:s28] =	ssyncset.done $0x0  }
0xb3: {  	[sflag:s28] =	ssyncadd.s32 $0xFFFFD800  }
0xb4: {  	[tilespmem:s0], [sflag:$0x3] =	stream.linear.gather [spmem:s11], $0x2800, $0x38;
	[tilespmem:$0x1F780] =	vst v63  }
0xb5: {  	_ =	swait.ge [sflag:s26], $0x2800  }
0xb6: {  	[sflag:s26] =	ssyncset.done $0x0  }
0xb7: {  	[sflag:s26] =	ssyncadd.s32 $0xFFFFD800  }
0xb8: {  	[hbm4b:s21+s3] =	stream.linear.scatter [tilespmem:s0], [sflag:$0x2], $0x2800, $0x38;
	[tilespmem:$0x1F780] =	vst v63  }
0xb9: {  	_ =	swait.ge [sflag:s29], $0x2800  }
0xba: {  	[sflag:s29] =	ssyncset.done $0x0  }
0xbb: {  	[sflag:s29] =	ssyncadd.s32 $0xFFFFD800  }
0xbc: {  	[tilespmem:s25], [sflag:$0x3] =	stream.linear.gather [spmem:s12], $0x2800, $0x38;
	[tilespmem:$0x1F780] =	vst v63  }
0xbd: {  	_ =	swait.ge [sflag:s26], $0x2800  }
0xbe: {  	[sflag:s26] =	ssyncset.done $0x0  }
0xbf: {  	[sflag:s26] =	ssyncadd.s32 $0xFFFFD800  }
0xc0: {  	[hbm4b:s22+s3] =	stream.linear.scatter [tilespmem:s25], [sflag:$0x1], $0x2800, $0x38;
	[tilespmem:$0x1F780] =	vst v63  }
0xc1: {  	_ =	swait.ge [sflag:s28], $0x2800  }
0xc2: {  	[sflag:s28] =	ssyncset.done $0x0  }
0xc3: {  	[sflag:s28] =	ssyncadd.s32 $0xFFFFD800  }
0xc4: {  	[tilespmem:s0], [sflag:$0x3] =	stream.linear.gather [spmem:s14], $0x2800, $0x38;
	[tilespmem:$0x1F780] =	vst v63  }
0xc5: {  	_ =	swait.ge [sflag:s26], $0x2800  }
0xc6: {  	[sflag:s26] =	ssyncset.done $0x0  }
0xc7: {  	s30 =	sadd.s32 $0x1, s30;
	[sflag:s26] =	ssyncadd.s32 $0xFFFFD800  }
0xc8: {  	[hbm4b:s23+s3] =	stream.linear.scatter [tilespmem:s0], [sflag:$0x2], $0x2800, $0x38;
	[tilespmem:$0x1F780] =	vst v63  }
0xc9: {  	p0 =	sne.s32 s30, s24;
	_ =	swait.ge [sflag:s29], $0x2800  }
.Ltmp1:
0xca: {  	[sflag:s29] =	ssyncset.done $0x0;
	(pc) =	sbr.rel @p0 .LBB2_1-.Ltmp1, $4  }
0xcb: {  	[sflag:s29] =	ssyncadd.s32 $0xFFFFD800  }
0xcc: {  	_ =	swait.ge [sflag:s28], $0x2800  }
0xcd: {  	[sflag:s28] =	ssyncset.done $0x0  }
0xce: {  	[sflag:s28] =	ssyncadd.s32 $0xFFFFD800  }
0xcf: {  	_ =	sfence.sel $0x180000  }
0xd0: {  	[bflag:$0x0] =	sbarrier.arrive $0xFFFF  }
0xd1: {  	_ =	strace $0x9000004D  }
0xd2: {  	s0 =	stileid.u32;
	[bflag:$0x2] =	sbarrier.arrive $0xFFFF  }
0xd3: {  	p0 =	sne.s32 s0, $0x0;
	s0 =	rddreg [dreg:$0x3]  }
0xd4: {  	s0 =	sadd.s32 @!p0 $0x100000, s0  }
0xd5: {  	[sflag:s0] =	ssyncadd.tile.s32 @!p0 $0x1;
	_ =	shalt  }
.Lfunc_end2:
_tile_overlayer_lowered:
.L_overlay_start_2:
0xd6: {  	(tag) =	ssettag $0x2  }
0xd7: {  	s0 =	rddreg [dreg:$0x0];
	s2 =	stileid.u32  }
0xd8: {  	s1 =	rddreg [dreg:$0x1];
	p0 =	sne.s32 s2, $0x0  }
0xd9: {  	s3 =	rddreg [dreg:$0x2];
	[bflag:$0x3] =	sbarrier.arrive $0xFFFF;
	s2 =	simm.s32 @!p0 $0x1C03  }
0xda: {  	[timem:s3], [sflag:s2] =	dma.local @!p0 [hbm:s0], s1  }
0xdb: {  	s0 =	simm.s32 @!p0 $0x3  }
0xdc: {  	_ =	swait.ge @!p0 [sflag:s0], s1  }
0xdd: {  	s1 =	ssub.s32 @!p0 $0x0, s1;
	[sflag:s0] =	ssyncset.done @!p0 $0x0  }
0xde: {  	[sflag:s0] =	ssyncadd.s32 @!p0 s1  }
0xdf: {  	[bflag:$0x3] =	sbarrier.arrive $0xFFFF  }
0xe0: {  	_ =	shalt  }

// kernel: kernel.8.cloned.1.call-start
scs
__scs_entry_jumppad:
0x0: {  	(pc) =	sbr.rel $0x88, $3  }
0x1: {  	(tag) =	ssettag $0x0;
	lr =	simm.s32 $0x1  }
0x2: {  	[smem:$0x3F96] =	sst lr;
	_ =	strace $0xD0000000  }
0x3: {  	_ = 	snop  }
0x4: {  	_ = 	snop  }
0x5: {  	_ = 	snop  }
0x6: {  	_ = 	snop  }
0x7: {  	_ = 	snop  }
__scs_overlays_trampoline_lowered:
0x8: {  	[smem:$0x3FA5] =	sst s0  }
0x9: {  	[smem:$0x3FA6] =	sst s1  }
0xa: {  	[smem:$0x3FA7] =	sst s2  }
0xb: {  	[smem:$0x3FA8] =	sst s3  }
0xc: {  	[smem:$0x3FA9] =	sst s4  }
0xd: {  	[smem:$0x3FAA] =	sst s5  }
0xe: {  	[smem:$0x3FAB] =	sst s6  }
0xf: {  	[smem:$0x3FAC] =	sst s7  }
0x10: {  	[smem:$0x3FAD] =	sst s8  }
0x11: {  	[smem:$0x3FAE] =	sst s9;
	s0 =	simm.s32 @!p0 $0x0  }
0x12: {  	s1 =	sld [smem:$0x3F94];
	s0 =	simm.s32 @p0 $0x1  }
0x13: {  	[smem:$0x3FAF] =	sst s0;
	s0 =	simm.s32 @!p1 $0x0  }
0x14: {  	s2 =	sld [smem:$0x3F93];
	s0 =	simm.s32 @p1 $0x1  }
0x15: {  	[smem:$0x3FB0] =	sst s0;
	s0 =	simm.s32 @!p2 $0x0  }
0x16: {  	s3 =	sld [smem:$0x3FDB];
	s0 =	simm.s32 @p2 $0x1  }
0x17: {  	s4 =	simm.s32 $0x1BF5;
	[smem:$0x3FB2] =	sst s0  }
0x18: {  	s0 =	sld [smem:$0x3F95];
	_ =	swait.ge [sflag:s4], $0x0  }
0x19: {  	s7 =	sld [smem:$0x3F96]  }
0x1a: {  	s8 =	sadd.s32 $0xFFFFE003, lr  }
0x1b: {  	s9 =	sadd.s32 $0xFFFFFEF7, lr;
	s5 =	simm.s32 $0xFFFFFFFF;
	p2 =	slt.u32 s8, $0xFFFFF086  }
0x1c: {  	p1 =	slt.u32 s9, $0xF7A;
	s5 =	simm.s32 @!p2 $0x0  }
0x1d: {  	s5 =	simm.s32 @p1 $0x1;
	p0 =	seq.s32 s7, s2  }
0x1e: {  	s7 =	smul.u32 @!p0 $0xF7A, s2;
	p2 =	seq.s32 @!p0 s5, $0x0  }
0x1f: {  	s9 =	smul.u32 $0xF7A, s1;
	s8 =	simm.s32 @!p0 $0x1BF5;
	p2 =	por !p2, p0  }
0x20: {  	[sflag:s8] =	ssyncset.s32 @!p0 $0xFFFFF086;
	s6 =	sadd.s32 @!p0 s3, s7;
	s7 =	simm.s32 @!p0 $0x108  }
0x21: {  	s3 =	sadd.s32 s3, s9;
	s6 =	sadd.s32 @!p0 $0x88, s6;
	s7 =	simm.s32 @p2 $0x1082  }
0x22: {  	[simem:s7], [sflag:s8] =	dma.local @!p0 [hbm:s6], $0xF7A  }
0x23: {  	s9 =	sor.u32 $0xD0000000, s2;
	s6 =	simm.s32 $0x108;
	_ =	swait.ge @!p0 [sflag:s8], $0x0  }
0x24: {  	s3 =	sadd.s32 $0x88, s3;
	s6 =	simm.s32 @!p1 $0x1082;
	[sflag:s4] =	ssyncset.s32 $0xFFFFF086  }
0x25: {  	[simem:s6], [sflag:s4] =	dma.local [hbm:s3], $0xF7A  }
0x26: {  	[smem:$0x3F96] =	sst s1;
	(tag) =	ssettag s2;
	_ =	strace s9  }
0x27: {  	s1 =	sld [smem:$0x3FA6]  }
0x28: {  	s2 =	sld [smem:$0x3FA7]  }
0x29: {  	s4 =	sld [smem:$0x3FA9]  }
0x2a: {  	p0 =	seq.s32 s5, $0x0;
	s5 =	sld [smem:$0x3FAA]  }
0x2b: {  	s6 =	sld [smem:$0x3FAB]  }
0x2c: {  	s7 =	sld [smem:$0x3FAC]  }
0x2d: {  	s3 =	simm.s32 $0x108;
	s8 =	sld [smem:$0x3FAD]  }
0x2e: {  	s3 =	simm.s32 @!p0 $0x1082;
	s9 =	sld [smem:$0x3FAE]  }
0x2f: {  	lr =	sadd.s32 s0, s3;
	s0 =	sld [smem:$0x3FA5]  }
0x30: {  	s3 =	sld [smem:$0x3FA8]  }
0x31: {  	[smem:$0x3FB1] =	sst s10  }
0x32: {  	s10 =	sld [smem:$0x3FAF];
	_ =	sdelay $0x3  }
0x33: {  	p0 =	seq.s32 s10, $0x1;
	s10 =	sld [smem:$0x3FB1];
	_ =	sdelay $0x3  }
0x34: {  	[smem:$0x3FB1] =	sst s10  }
0x35: {  	s10 =	sld [smem:$0x3FB0];
	_ =	sdelay $0x3  }
0x36: {  	p1 =	seq.s32 s10, $0x1;
	s10 =	sld [smem:$0x3FB1];
	_ =	sdelay $0x3  }
0x37: {  	[smem:$0x3FB1] =	sst s10  }
0x38: {  	s10 =	sld [smem:$0x3FB2]  }
0x39: {  	_ = 	snop;
	(pc) =	sbr.ind lr, $3  }
0x3a: {  	_ = 	snop  }
0x3b: {  	_ = 	snop  }
0x3c: {  	p2 =	seq.s32 s10, $0x1;
	s10 =	sld [smem:$0x3FB1]  }
0x3d: {  	_ =	shalt  }
0x3e: {  	_ =	shalt  }
0x3f: {  	_ =	shalt  }
0x40: {  	_ =	shalt  }
0x41: {  	_ =	shalt  }
0x42: {  	_ =	shalt  }
0x43: {  	_ =	shalt  }
0x44: {  	_ =	shalt  }
0x45: {  	_ =	shalt  }
0x46: {  	_ =	shalt  }
0x47: {  	_ =	shalt  }
0x48: {  	_ =	shalt  }
0x49: {  	_ =	shalt  }
0x4a: {  	_ =	shalt  }
0x4b: {  	_ =	shalt  }
0x4c: {  	_ =	shalt  }
0x4d: {  	_ =	shalt  }
0x4e: {  	_ =	shalt  }
0x4f: {  	_ =	shalt  }
0x50: {  	_ =	shalt  }
0x51: {  	_ =	shalt  }
0x52: {  	_ =	shalt  }
0x53: {  	_ =	shalt  }
0x54: {  	_ =	shalt  }
0x55: {  	_ =	shalt  }
0x56: {  	_ =	shalt  }
0x57: {  	_ =	shalt  }
0x58: {  	_ =	shalt  }
0x59: {  	_ =	shalt  }
0x5a: {  	_ =	shalt  }
0x5b: {  	_ =	shalt  }
0x5c: {  	_ =	shalt  }
0x5d: {  	_ =	shalt  }
0x5e: {  	_ =	shalt  }
0x5f: {  	_ =	shalt  }
0x60: {  	_ =	shalt  }
0x61: {  	_ =	shalt  }
0x62: {  	_ =	shalt  }
0x63: {  	_ =	shalt  }
0x64: {  	_ =	shalt  }
0x65: {  	_ =	shalt  }
0x66: {  	_ =	shalt  }
0x67: {  	_ =	shalt  }
0x68: {  	_ =	shalt  }
0x69: {  	_ =	shalt  }
0x6a: {  	_ =	shalt  }
0x6b: {  	_ =	shalt  }
0x6c: {  	_ =	shalt  }
0x6d: {  	_ =	shalt  }
0x6e: {  	_ =	shalt  }
0x6f: {  	_ =	shalt  }
0x70: {  	_ =	shalt  }
0x71: {  	_ =	shalt  }
0x72: {  	_ =	shalt  }
0x73: {  	_ =	shalt  }
0x74: {  	_ =	shalt  }
0x75: {  	_ =	shalt  }
0x76: {  	_ =	shalt  }
0x77: {  	_ =	shalt  }
0x78: {  	_ =	shalt  }
0x79: {  	_ =	shalt  }
0x7a: {  	_ =	shalt  }
0x7b: {  	_ =	shalt  }
0x7c: {  	_ =	shalt  }
0x7d: {  	_ =	shalt  }
0x7e: {  	_ =	shalt  }
0x7f: {  	_ =	shalt  }
0x80: {  	_ =	shalt  }
0x81: {  	_ =	shalt  }
0x82: {  	_ =	shalt  }
0x83: {  	_ =	shalt  }
0x84: {  	_ =	shalt  }
0x85: {  	_ =	shalt  }
0x86: {  	_ =	shalt  }
0x87: {  	_ =	shalt  }
.Lfunc_end0:
.L_simem_size_0:
called_computation_lowered:
.L_overlay_start_0:
0x88: {  	s2 =	sld [smem:$0x3FD9]  }
0x89: {  	s3 =	sld [smem:$0x3FFE];
	_ =	sdelay $0x1  }
0x8a: {  	s1 =	srdreg.scid  }
0x8b: {  	s0 =	sand.u32 $0x1, s1  }
0x8c: {  	s17 =	sshll.u32 s0, $0xA;
	s2 =	sadd.s32 s3, s2  }
0x8d: {  	s2 =	sadd.s32 s2, s17  }
0x8e: {  	[smem:$0x3FBD] =	sst s2  }
0x8f: {  	_ = 	snop  }
0x90: {  	s2 =	sld [smem:$0x3FC7]  }
0x91: {  	s18 =	sld [smem:$0x3FC6];
	(tm) =	ssettm $0x1  }
0x92: {  	s4 =	sld [smem:$0x3FFB];
	_ =	sdelay $0x3  }
0x93: {  	_ =	strace s4  }
0x94: {  	s4 =	sld [smem:$0x3FFC];
	_ =	sdelay $0x3  }
0x95: {  	_ =	strace s4  }
0x96: {  	s4 =	sld [smem:$0x3FFD];
	_ =	sdelay $0x3  }
0x97: {  	_ =	strace s4  }
0x98: {  	_ =	strace $0x8FFFFFFF  }
0x99: {  	s19 =	sld [smem:$0x3FDB];
	_ =	sdelay $0x1  }
0x9a: {  	s5 =	simm.s32 $_scs_section_size  }
0x9b: {  	s6 =	simm.s32 $_size__tile_overlayer_lowered;
	s7 =	simm.s32 $_tile_overlayer_lowered  }
0x9c: {  	s22 =	simm.s32 $0x1BFF;
	s21 =	sshll.u32 s7, $0x1;
	s4 =	sadd.s32 s5, s19  }
0x9d: {  	s8 =	simm.s32 $0x0;
	s20 =	sshll.u32 s6, $0x1;
	s6 =	sadd.s32 s21, s4  }
0x9e: {  	[timem:s8], [sflag:s22] =	dma.local [hbm:s6], s20  }
0x9f: {  	_ =	swait.ge [sflag:s22], s20  }
0xa0: {  	s5 =	ssub.s32 $0x0, s20;
	[sflag:s22] =	ssyncset.done $0x0  }
0xa1: {  	[sflag:s22] =	ssyncadd.s32 s5;
	_ =	sdelay $0x1  }
0xa2: {  	s23 =	simm.s32 $0x1B8B  }
0xa3: {  	_ =	swait.ge [sflag:s23], $0x1  }
0xa4: {  	[sflag:s23] =	ssyncset.done $0x0  }
0xa5: {  	s25 =	simm.s32 $0x1B8E;
	s24 =	sld [smem:$0x3FFE];
	[sflag:s23] =	ssyncadd.s32 $0xFFFFFFFF  }
0xa6: {  	s26 =	simm.s32 $execute0_lowered;
	[smem:$0x3FD2] =	sst s25  }
0xa7: {  	s6 =	sshll.u32 s26, $0x1;
	_ =	strace $0x80000046;
	[dreg:$0x1] =	wrdreg $0xFFFFFFFF  }
0xa8: {  	s28 =	simm.s32 $_size_execute0_lowered;
	s4 =	sadd.s32 s4, s6;
	[dreg:$0x0] =	wrdreg $0x0  }
0xa9: {  	s6 =	sshll.u32 s28, $0x1;
	[dreg:$0x2] =	wrdreg s4  }
0xaa: {  	[dreg:$0x3] =	wrdreg s6  }
0xab: {  	[dreg:$0x4] =	wrdreg $0xC0  }
0xac: {  	_ =	task [dreg:s8], $0x5FFFF  }
0xad: {  	[dreg:$0x1] =	wrdreg $0xFFFFFFFF  }
0xae: {  	[dreg:$0x0] =	wrdreg $0x60  }
0xaf: {  	[dreg:$0x2] =	wrdreg s24  }
0xb0: {  	[dreg:$0x3] =	wrdreg s2  }
0xb1: {  	[dreg:$0x4] =	wrdreg s18  }
0xb2: {  	[dreg:$0x5] =	wrdreg $0x9  }
0xb3: {  	_ =	task.clear_ibuf [dreg:s8], $0x6FFFF;
	_ =	strace $0x90000046  }
0xb4: {  	s29 =	simm.s32 $0x9;
	_ =	strace $0x80000048  }
0xb5: {  	_ =	swait.ge [sflag:s29], $0x1  }
0xb6: {  	[sflag:s29] =	ssyncadd.s32 $0xFFFFFFFF  }
0xb7: {  	_ =	strace $0x90000048  }
0xb8: {  	_ =	sfence  }
0xb9: {  	s30 =	sld [smem:$0x0];
	_ =	sdelay $0x2  }
0xba: {  	s31 =	sshll.u32 s1, $0xD;
	s1 =	sshrl.u32 s1, $0x2  }
0xbb: {  	s3 =	sand.u32 $0x4000, s31;
	s1 =	sadd.s32 s1, s30  }
0xbc: {  	s0 =	sor.u32 s3, s0;
	s1 =	sshll.u32 s1, $0x11  }
0xbd: {  	s0 =	sor.u32 s1, s0  }
0xbe: {  	s0 =	sadd.s32 $0x8F2B, s0  }
0xbf: {  	[sflag:s0] =	ssyncadd.remote.s32 $0x1  }
0xc0: {  	_ =	sfence.sel $0xFFFF  }
0xc1: {  	[dreg:$0x0] =	wrdreg $0xFFFFFFFF;
	(pc) =	sbr.abs _section_cstart, $3  }
0xc2: {  	[dreg:$0x1] =	wrdreg $0xFFFFFFFF  }
0xc3: {  	_ =	task.clear_ibuf [dreg:s8], $0x2FFFF;
	_ =	strace $0x9FFFFFFF  }
0xc4: {  	(tm) =	ssettm $0x7FFFFFFF  }
0xc5: {  	_ =	shalt  }
tec
execute0_lowered:
.L_overlay_start_1:
0x0: {  	(tag) =	ssettag $0x1  }
0x1: {  	s0 =	rddreg [dreg:$0x0]  }
0x2: {  	s3 =	rddreg [dreg:$0x1];
	s1 =	srdreg.scid  }
0x3: {  	s2 =	stileid.u32;
	s9 =	rddreg [dreg:$0x2]  }
0x4: {  	s24 =	simm.s32 $0x3;
	s23 =	simm.s32 $0x200;
	s22 =	simm.s32 $0x50  }
0x5: {  	s13 =	simm.s32 $0x400;
	s14 =	simm.s32 $0xA400;
	s25 =	simm.s32 $0x80  }
0x6: {  	s15 =	simm.s32 $0x2C00;
	s26 =	simm.s32 $0x280;
	s16 =	simm.s32 $0xCC00  }
0x7: {  	s28 =	simm.s32 $0x100;
	s17 =	simm.s32 $0x5400;
	s29 =	simm.s32 $0x300  }
0x8: {  	p0 =	por $0x0, $0x0;
	s30 =	simm.s32 $0x180;
	s31 =	simm.s32 $0x380  }
0x9: {  	s1 =	sand.u32 $0x1, s1;
	s4 =	sshll.u32 s2, $0x1;
	s2 =	simm.s32 $0x0  }
0xa: {  	s8 =	sadd.s32 $0x2C00, s0;
	s4 =	sor.u32 s1, s4;
	[smem:$0x7FF] =	sst s2  }
0xb: {  	s1 =	ssub.s32 $0x2, s1;
	s5 =	sshll.u32 s4, $0x6;
	s6 =	smul.u32 $0x1400, s4  }
0xc: {  	_ =	strace $0x80000047;
	s4 =	smul.u32 $0xA000, s4;
	s5 =	sadd.s32 s5, s0  }
0xd: {  	s10 =	sshrl.u32 s1, $0x1;
	s0 =	sadd.s32 $0x2AC00, s0;
	s7 =	sadd.s32 $0x1C00, s5  }
0xe: {  	s1 =	ssub.s32 s1, s10;
	s5 =	sadd.s32 $0x2400, s5;
	[dreg:$0x4] =	wrdreg s7  }
0xf: {  	s18 =	sadd.s32 s8, s6;
	s11 =	sshrl.u32 s4, $0x3;
	[dreg:$0x5] =	wrdreg s5  }
0x10: {  	s4 =	sadd.s32 s0, s6;
	s21 =	smax.u32 s1, $0x1;
	[dreg:$0x6] =	wrdreg s18  }
0x11: {  	s19 =	sadd.s32 $0x500, s11;
	s20 =	sadd.s32 $0xA00, s11;
	p1 =	sne.s32 s21, $0x1  }
.Ltmp0:
0x12: {  	s12 =	sadd.s32 $0xF00, s11;
	s18 =	simm.s32 $0xF400;
	(pc) =	sbr.rel @!p1 .LBB2_3-.Ltmp0, $4  }
0x13: {  	s1 =	sadd.s32 $0xFFFFFFFF, s21;
	s21 =	simm.s32 $0x1;
	s5 =	sadd.s32 s8, s19  }
0x14: {  	s6 =	sadd.s32 s0, s19;
	s7 =	sadd.s32 s8, s20;
	s10 =	sadd.s32 s0, s20  }
0x15: {  	s11 =	sadd.s32 s8, s12;
	s12 =	sadd.s32 s0, s12;
	s19 =	simm.s32 $0x7C00  }
0x16: {  	s20 =	simm.s32 $0x11C00;
	s8 =	simm.s32 $0x2;
	s0 =	rddreg [dreg:$0x4]  }
0x17: {  	[tilespmem:s2], [sflag:$0x3] =	stream.linear.gather [hbm4b:s0+s2], $0x200, $0x38;
	[tilespmem:$0x14400] =	vst v63  }
0x18: {  	_ =	swait.ge [sflag:s24], $0x200  }
0x19: {  	[sflag:s24] =	ssyncset.done $0x0  }
0x1a: {  	s0 =	rddreg [dreg:$0x5];
	[sflag:s24] =	ssyncadd.s32 $0xFFFFFE00  }
0x1b: {  	[tilespmem:s23], [sflag:$0x3] =	stream.linear.gather [hbm4b:s0+s2], $0x200, $0x38;
	[tilespmem:$0x14400] =	vst v63  }
0x1c: {  	_ =	swait.ge [sflag:s24], $0x200  }
0x1d: {  	[sflag:s24] =	ssyncset.done $0x0  }
0x1e: {  	[sflag:s24] =	ssyncadd.s32 $0xFFFFFE00  }
0x1f: {  	[tilespmem:s13], [sflag:$0x1] =	stream.indirect.gather [hbm4b:s3+s22], $0x80, s2, s22, $0xb8;
	[tilespmem:$0x14400] =	vst v63  }
0x20: {  	_ = 	snop  }
0x21: {  	[tilespmem:s14], [sflag:$0x1] =	stream.indirect.gather [hbm4b:s9+s22], $0x80, s23, s22, $0xb8;
	[tilespmem:$0x14400] =	vst v63  }
0x22: {  	_ = 	snop  }
0x23: {  	[tilespmem:s15], [sflag:$0x1] =	stream.indirect.gather [hbm4b:s3+s22], $0x80, s25, s22, $0xb8;
	[tilespmem:$0x14400] =	vst v63  }
0x24: {  	_ = 	snop  }
0x25: {  	[tilespmem:s16], [sflag:$0x1] =	stream.indirect.gather [hbm4b:s9+s22], $0x80, s26, s22, $0xb8;
	[tilespmem:$0x14400] =	vst v63  }
0x26: {  	_ = 	snop  }
0x27: {  	[tilespmem:s17], [sflag:$0x1] =	stream.indirect.gather [hbm4b:s3+s22], $0x80, s28, s22, $0xb8;
	[tilespmem:$0x14400] =	vst v63  }
0x28: {  	_ = 	snop  }
0x29: {  	[tilespmem:s18], [sflag:$0x1] =	stream.indirect.gather [hbm4b:s9+s22], $0x80, s29, s22, $0xb8;
	[tilespmem:$0x14400] =	vst v63  }
0x2a: {  	_ = 	snop  }
0x2b: {  	[tilespmem:s19], [sflag:$0x1] =	stream.indirect.gather [hbm4b:s3+s22], $0x80, s30, s22, $0xb8;
	[tilespmem:$0x14400] =	vst v63  }
0x2c: {  	_ = 	snop  }
0x2d: {  	[tilespmem:s20], [sflag:$0x1] =	stream.indirect.gather [hbm4b:s9+s22], $0x80, s31, s22, $0xb8;
	[tilespmem:$0x14400] =	vst v63  }
0x2e: {  	_ =	swait.ge [sflag:s21], $0x2800  }
0x2f: {  	[sflag:s21] =	ssyncset.done $0x0  }
0x30: {  	[sflag:s21] =	ssyncadd.s32 $0xFFFFD800  }
0x31: {  	_ =	swait.ge [sflag:s21], $0x2800  }
0x32: {  	[sflag:s21] =	ssyncset.done $0x0  }
0x33: {  	[sflag:s21] =	ssyncadd.s32 $0xFFFFD800  }
0x34: {  	_ =	swait.ge [sflag:s21], $0x2800  }
0x35: {  	[sflag:s21] =	ssyncset.done $0x0  }
0x36: {  	[sflag:s21] =	ssyncadd.s32 $0xFFFFD800  }
0x37: {  	_ =	swait.ge [sflag:s21], $0x2800  }
0x38: {  	[sflag:s21] =	ssyncset.done $0x0  }
0x39: {  	[sflag:s21] =	ssyncadd.s32 $0xFFFFD800  }
0x3a: {  	_ =	swait.ge [sflag:s21], $0x2800  }
0x3b: {  	[sflag:s21] =	ssyncset.done $0x0  }
0x3c: {  	[sflag:s21] =	ssyncadd.s32 $0xFFFFD800  }
0x3d: {  	_ =	swait.ge [sflag:s21], $0x2800  }
0x3e: {  	[sflag:s21] =	ssyncset.done $0x0  }
0x3f: {  	[sflag:s21] =	ssyncadd.s32 $0xFFFFD800  }
0x40: {  	_ =	swait.ge [sflag:s21], $0x2800  }
0x41: {  	[sflag:s21] =	ssyncset.done $0x0  }
0x42: {  	[sflag:s21] =	ssyncadd.s32 $0xFFFFD800  }
0x43: {  	_ =	swait.ge [sflag:s21], $0x2800  }
0x44: {  	[sflag:s21] =	ssyncset.done $0x0  }
0x45: {  	s0 =	rddreg [dreg:$0x6];
	[sflag:s21] =	ssyncadd.s32 $0xFFFFD800  }
0x46: {  	[hbm4b:s0+s2] =	stream.linear.scatter [tilespmem:s13], [sflag:$0x2], $0x2800, $0x38;
	[tilespmem:$0x14400] =	vst v63  }
0x47: {  	_ = 	snop  }
0x48: {  	[hbm4b:s4+s2] =	stream.linear.scatter [tilespmem:s14], [sflag:$0x2], $0x2800, $0x38;
	[tilespmem:$0x14400] =	vst v63  }
0x49: {  	_ = 	snop  }
0x4a: {  	[hbm4b:s5+s2] =	stream.linear.scatter [tilespmem:s15], [sflag:$0x2], $0x2800, $0x38;
	[tilespmem:$0x14400] =	vst v63  }
0x4b: {  	_ = 	snop  }
0x4c: {  	[hbm4b:s6+s2] =	stream.linear.scatter [tilespmem:s16], [sflag:$0x2], $0x2800, $0x38;
	[tilespmem:$0x14400] =	vst v63  }
0x4d: {  	_ = 	snop  }
0x4e: {  	[hbm4b:s7+s2] =	stream.linear.scatter [tilespmem:s17], [sflag:$0x2], $0x2800, $0x38;
	[tilespmem:$0x14400] =	vst v63  }
0x4f: {  	_ = 	snop  }
0x50: {  	[hbm4b:s10+s2] =	stream.linear.scatter [tilespmem:s18], [sflag:$0x2], $0x2800, $0x38;
	[tilespmem:$0x14400] =	vst v63  }
0x51: {  	_ = 	snop  }
0x52: {  	[hbm4b:s11+s2] =	stream.linear.scatter [tilespmem:s19], [sflag:$0x2], $0x2800, $0x38;
	[tilespmem:$0x14400] =	vst v63  }
0x53: {  	_ = 	snop  }
0x54: {  	[hbm4b:s12+s2] =	stream.linear.scatter [tilespmem:s20], [sflag:$0x2], $0x2800, $0x38;
	[tilespmem:$0x14400] =	vst v63  }
0x55: {  	_ =	swait.ge [sflag:s8], $0x2800  }
0x56: {  	[sflag:s8] =	ssyncset.done $0x0  }
0x57: {  	[sflag:s8] =	ssyncadd.s32 $0xFFFFD800  }
0x58: {  	_ =	swait.ge [sflag:s8], $0x2800  }
0x59: {  	[sflag:s8] =	ssyncset.done $0x0  }
0x5a: {  	[sflag:s8] =	ssyncadd.s32 $0xFFFFD800  }
0x5b: {  	_ =	swait.ge [sflag:s8], $0x2800  }
0x5c: {  	[sflag:s8] =	ssyncset.done $0x0  }
0x5d: {  	[sflag:s8] =	ssyncadd.s32 $0xFFFFD800  }
0x5e: {  	_ =	swait.ge [sflag:s8], $0x2800  }
0x5f: {  	[sflag:s8] =	ssyncset.done $0x0  }
0x60: {  	[sflag:s8] =	ssyncadd.s32 $0xFFFFD800  }
0x61: {  	_ =	swait.ge [sflag:s8], $0x2800  }
0x62: {  	[sflag:s8] =	ssyncset.done $0x0  }
0x63: {  	[sflag:s8] =	ssyncadd.s32 $0xFFFFD800  }
0x64: {  	_ =	swait.ge [sflag:s8], $0x2800  }
0x65: {  	[sflag:s8] =	ssyncset.done $0x0  }
0x66: {  	p1 =	sne.s32 s1, $0x1;
	[sflag:s8] =	ssyncadd.s32 $0xFFFFD800  }
.Ltmp1:
0x67: {  	_ =	swait.ge [sflag:s8], $0x2800;
	(pc) =	sbr.rel @!p1 .LBB2_3-.Ltmp1, $4  }
0x68: {  	[sflag:s8] =	ssyncset.done $0x0  }
0x69: {  	[sflag:s8] =	ssyncadd.s32 $0xFFFFD800  }
0x6a: {  	s1 =	sadd.s32 $0xFFFFFFFF, s1;
	_ =	swait.ge [sflag:s8], $0x2800  }
0x6b: {  	p0 =	por $0x1, $0x1;
	s0 =	rddreg [dreg:$0x4];
	[sflag:s8] =	ssyncset.done $0x0  }
.LBB2_2:
0x6c: {  	[sflag:s8] =	ssyncadd.s32 $0xFFFFD800  }
0x6d: {  	[tilespmem:s2], [sflag:$0x3] =	stream.linear.gather [hbm4b:s0+s2], $0x200, $0x38;
	[tilespmem:$0x14400] =	vst v63  }
0x6e: {  	_ =	swait.ge [sflag:s24], $0x200  }
0x6f: {  	[sflag:s24] =	ssyncset.done $0x0  }
0x70: {  	s0 =	rddreg [dreg:$0x5];
	[sflag:s24] =	ssyncadd.s32 $0xFFFFFE00  }
0x71: {  	[tilespmem:s23], [sflag:$0x3] =	stream.linear.gather [hbm4b:s0+s2], $0x200, $0x38;
	[tilespmem:$0x14400] =	vst v63  }
0x72: {  	_ =	swait.ge [sflag:s24], $0x200  }
0x73: {  	[sflag:s24] =	ssyncset.done $0x0  }
0x74: {  	[sflag:s24] =	ssyncadd.s32 $0xFFFFFE00  }
0x75: {  	[tilespmem:s13], [sflag:$0x1] =	stream.indirect.gather [hbm4b:s3+s22], $0x80, s2, s22, $0xb8;
	[tilespmem:$0x14400] =	vst v63  }
0x76: {  	_ = 	snop  }
0x77: {  	[tilespmem:s14], [sflag:$0x1] =	stream.indirect.gather [hbm4b:s9+s22], $0x80, s23, s22, $0xb8;
	[tilespmem:$0x14400] =	vst v63  }
0x78: {  	_ = 	snop  }
0x79: {  	[tilespmem:s15], [sflag:$0x1] =	stream.indirect.gather [hbm4b:s3+s22], $0x80, s25, s22, $0xb8;
	[tilespmem:$0x14400] =	vst v63  }
0x7a: {  	_ = 	snop  }
0x7b: {  	[tilespmem:s16], [sflag:$0x1] =	stream.indirect.gather [hbm4b:s9+s22], $0x80, s26, s22, $0xb8;
	[tilespmem:$0x14400] =	vst v63  }
0x7c: {  	_ = 	snop  }
0x7d: {  	[tilespmem:s17], [sflag:$0x1] =	stream.indirect.gather [hbm4b:s3+s22], $0x80, s28, s22, $0xb8;
	[tilespmem:$0x14400] =	vst v63  }
0x7e: {  	_ = 	snop  }
0x7f: {  	[tilespmem:s18], [sflag:$0x1] =	stream.indirect.gather [hbm4b:s9+s22], $0x80, s29, s22, $0xb8;
	[tilespmem:$0x14400] =	vst v63  }
0x80: {  	_ = 	snop  }
0x81: {  	[tilespmem:s19], [sflag:$0x1] =	stream.indirect.gather [hbm4b:s3+s22], $0x80, s30, s22, $0xb8;
	[tilespmem:$0x14400] =	vst v63  }
0x82: {  	_ = 	snop  }
0x83: {  	[tilespmem:s20], [sflag:$0x1] =	stream.indirect.gather [hbm4b:s9+s22], $0x80, s31, s22, $0xb8;
	[tilespmem:$0x14400] =	vst v63  }
0x84: {  	_ =	swait.ge [sflag:s21], $0x2800  }
0x85: {  	[sflag:s21] =	ssyncset.done $0x0  }
0x86: {  	[sflag:s21] =	ssyncadd.s32 $0xFFFFD800  }
0x87: {  	_ =	swait.ge [sflag:s21], $0x2800  }
0x88: {  	[sflag:s21] =	ssyncset.done $0x0  }
0x89: {  	[sflag:s21] =	ssyncadd.s32 $0xFFFFD800  }
0x8a: {  	_ =	swait.ge [sflag:s21], $0x2800  }
0x8b: {  	[sflag:s21] =	ssyncset.done $0x0  }
0x8c: {  	[sflag:s21] =	ssyncadd.s32 $0xFFFFD800  }
0x8d: {  	_ =	swait.ge [sflag:s21], $0x2800  }
0x8e: {  	[sflag:s21] =	ssyncset.done $0x0  }
0x8f: {  	[sflag:s21] =	ssyncadd.s32 $0xFFFFD800  }
0x90: {  	_ =	swait.ge [sflag:s21], $0x2800  }
0x91: {  	[sflag:s21] =	ssyncset.done $0x0  }
0x92: {  	[sflag:s21] =	ssyncadd.s32 $0xFFFFD800  }
0x93: {  	_ =	swait.ge [sflag:s21], $0x2800  }
0x94: {  	[sflag:s21] =	ssyncset.done $0x0  }
0x95: {  	[sflag:s21] =	ssyncadd.s32 $0xFFFFD800  }
0x96: {  	_ =	swait.ge [sflag:s21], $0x2800  }
0x97: {  	[sflag:s21] =	ssyncset.done $0x0  }
0x98: {  	[sflag:s21] =	ssyncadd.s32 $0xFFFFD800  }
0x99: {  	_ =	swait.ge [sflag:s21], $0x2800  }
0x9a: {  	[sflag:s21] =	ssyncset.done $0x0  }
0x9b: {  	s0 =	rddreg [dreg:$0x6];
	[sflag:s21] =	ssyncadd.s32 $0xFFFFD800  }
0x9c: {  	[hbm4b:s0+s2] =	stream.linear.scatter [tilespmem:s13], [sflag:$0x2], $0x2800, $0x38;
	[tilespmem:$0x14400] =	vst v63  }
0x9d: {  	_ = 	snop  }
0x9e: {  	[hbm4b:s4+s2] =	stream.linear.scatter [tilespmem:s14], [sflag:$0x2], $0x2800, $0x38;
	[tilespmem:$0x14400] =	vst v63  }
0x9f: {  	_ = 	snop  }
0xa0: {  	[hbm4b:s5+s2] =	stream.linear.scatter [tilespmem:s15], [sflag:$0x2], $0x2800, $0x38;
	[tilespmem:$0x14400] =	vst v63  }
0xa1: {  	_ = 	snop  }
0xa2: {  	[hbm4b:s6+s2] =	stream.linear.scatter [tilespmem:s16], [sflag:$0x2], $0x2800, $0x38;
	[tilespmem:$0x14400] =	vst v63  }
0xa3: {  	_ = 	snop  }
0xa4: {  	[hbm4b:s7+s2] =	stream.linear.scatter [tilespmem:s17], [sflag:$0x2], $0x2800, $0x38;
	[tilespmem:$0x14400] =	vst v63  }
0xa5: {  	_ = 	snop  }
0xa6: {  	[hbm4b:s10+s2] =	stream.linear.scatter [tilespmem:s18], [sflag:$0x2], $0x2800, $0x38;
	[tilespmem:$0x14400] =	vst v63  }
0xa7: {  	_ = 	snop  }
0xa8: {  	[hbm4b:s11+s2] =	stream.linear.scatter [tilespmem:s19], [sflag:$0x2], $0x2800, $0x38;
	[tilespmem:$0x14400] =	vst v63  }
0xa9: {  	_ = 	snop  }
0xaa: {  	[hbm4b:s12+s2] =	stream.linear.scatter [tilespmem:s20], [sflag:$0x2], $0x2800, $0x38;
	[tilespmem:$0x14400] =	vst v63  }
0xab: {  	_ =	swait.ge [sflag:s8], $0x2800  }
0xac: {  	[sflag:s8] =	ssyncset.done $0x0  }
0xad: {  	[sflag:s8] =	ssyncadd.s32 $0xFFFFD800  }
0xae: {  	_ =	swait.ge [sflag:s8], $0x2800  }
0xaf: {  	[sflag:s8] =	ssyncset.done $0x0  }
0xb0: {  	[sflag:s8] =	ssyncadd.s32 $0xFFFFD800  }
0xb1: {  	_ =	swait.ge [sflag:s8], $0x2800  }
0xb2: {  	[sflag:s8] =	ssyncset.done $0x0  }
0xb3: {  	[sflag:s8] =	ssyncadd.s32 $0xFFFFD800  }
0xb4: {  	_ =	swait.ge [sflag:s8], $0x2800  }
0xb5: {  	[sflag:s8] =	ssyncset.done $0x0  }
0xb6: {  	[sflag:s8] =	ssyncadd.s32 $0xFFFFD800  }
0xb7: {  	_ =	swait.ge [sflag:s8], $0x2800  }
0xb8: {  	[sflag:s8] =	ssyncset.done $0x0  }
0xb9: {  	[sflag:s8] =	ssyncadd.s32 $0xFFFFD800  }
0xba: {  	_ =	swait.ge [sflag:s8], $0x2800  }
0xbb: {  	[sflag:s8] =	ssyncset.done $0x0  }
0xbc: {  	p1 =	sne.s32 s1, $0x1;
	[sflag:s8] =	ssyncadd.s32 $0xFFFFD800  }
.Ltmp2:
0xbd: {  	_ =	swait.ge [sflag:s8], $0x2800;
	(pc) =	sbr.rel @p1 .LBB2_2-.Ltmp2, $4  }
0xbe: {  	[sflag:s8] =	ssyncset.done $0x0  }
0xbf: {  	[sflag:s8] =	ssyncadd.s32 $0xFFFFD800  }
0xc0: {  	_ =	swait.ge [sflag:s8], $0x2800  }
0xc1: {  	s1 =	sadd.s32 $0xFFFFFFFF, s1;
	s0 =	rddreg [dreg:$0x4];
	[sflag:s8] =	ssyncset.done $0x0  }
.LBB2_3:
0xc2: {  	[sflag:s8] =	ssyncadd.s32 @p0 $0xFFFFD800  }
0xc3: {  	[tilespmem:s2], [sflag:$0x3] =	stream.linear.gather [hbm4b:s0+s2], $0x200, $0x38;
	[tilespmem:$0x14400] =	vst v63  }
0xc4: {  	_ =	swait.ge [sflag:s24], $0x200  }
0xc5: {  	[sflag:s24] =	ssyncset.done $0x0  }
0xc6: {  	s1 =	rddreg [dreg:$0x5];
	[sflag:s24] =	ssyncadd.s32 $0xFFFFFE00  }
0xc7: {  	[tilespmem:s23], [sflag:$0x3] =	stream.linear.gather [hbm4b:s1+s2], $0x200, $0x38;
	[tilespmem:$0x14400] =	vst v63  }
0xc8: {  	_ =	swait.ge [sflag:s24], $0x200  }
0xc9: {  	[sflag:s24] =	ssyncset.done $0x0  }
0xca: {  	[sflag:s24] =	ssyncadd.s32 $0xFFFFFE00  }
0xcb: {  	[tilespmem:s13], [sflag:$0x1] =	stream.indirect.gather [hbm4b:s3+s22], $0x80, s2, s22, $0xb8;
	[tilespmem:$0x14400] =	vst v63  }
0xcc: {  	_ = 	snop  }
0xcd: {  	[tilespmem:s14], [sflag:$0x1] =	stream.indirect.gather [hbm4b:s9+s22], $0x80, s23, s22, $0xb8;
	[tilespmem:$0x14400] =	vst v63  }
0xce: {  	_ = 	snop  }
0xcf: {  	[tilespmem:s15], [sflag:$0x1] =	stream.indirect.gather [hbm4b:s3+s22], $0x80, s25, s22, $0xb8;
	[tilespmem:$0x14400] =	vst v63  }
0xd0: {  	_ = 	snop  }
0xd1: {  	[tilespmem:s16], [sflag:$0x1] =	stream.indirect.gather [hbm4b:s9+s22], $0x80, s26, s22, $0xb8;
	[tilespmem:$0x14400] =	vst v63  }
0xd2: {  	_ = 	snop  }
0xd3: {  	[tilespmem:s17], [sflag:$0x1] =	stream.indirect.gather [hbm4b:s3+s22], $0x80, s28, s22, $0xb8;
	[tilespmem:$0x14400] =	vst v63  }
0xd4: {  	_ = 	snop  }
0xd5: {  	[tilespmem:s18], [sflag:$0x1] =	stream.indirect.gather [hbm4b:s9+s22], $0x80, s29, s22, $0xb8;
	[tilespmem:$0x14400] =	vst v63  }
0xd6: {  	_ = 	snop  }
0xd7: {  	[tilespmem:s19], [sflag:$0x1] =	stream.indirect.gather [hbm4b:s3+s22], $0x80, s30, s22, $0xb8;
	[tilespmem:$0x14400] =	vst v63  }
0xd8: {  	_ = 	snop  }
0xd9: {  	[tilespmem:s20], [sflag:$0x1] =	stream.indirect.gather [hbm4b:s9+s22], $0x80, s31, s22, $0xb8;
	[tilespmem:$0x14400] =	vst v63  }
0xda: {  	_ =	swait.ge [sflag:s21], $0x2800  }
0xdb: {  	[sflag:s21] =	ssyncset.done $0x0  }
0xdc: {  	[sflag:s21] =	ssyncadd.s32 $0xFFFFD800  }
0xdd: {  	_ =	swait.ge [sflag:s21], $0x2800  }
0xde: {  	[sflag:s21] =	ssyncset.done $0x0  }
0xdf: {  	[sflag:s21] =	ssyncadd.s32 $0xFFFFD800  }
0xe0: {  	_ =	swait.ge [sflag:s21], $0x2800  }
0xe1: {  	[sflag:s21] =	ssyncset.done $0x0  }
0xe2: {  	[sflag:s21] =	ssyncadd.s32 $0xFFFFD800  }
0xe3: {  	_ =	swait.ge [sflag:s21], $0x2800  }
0xe4: {  	[sflag:s21] =	ssyncset.done $0x0  }
0xe5: {  	[sflag:s21] =	ssyncadd.s32 $0xFFFFD800  }
0xe6: {  	_ =	swait.ge [sflag:s21], $0x2800  }
0xe7: {  	[sflag:s21] =	ssyncset.done $0x0  }
0xe8: {  	[sflag:s21] =	ssyncadd.s32 $0xFFFFD800  }
0xe9: {  	_ =	swait.ge [sflag:s21], $0x2800  }
0xea: {  	[sflag:s21] =	ssyncset.done $0x0  }
0xeb: {  	[sflag:s21] =	ssyncadd.s32 $0xFFFFD800  }
0xec: {  	_ =	swait.ge [sflag:s21], $0x2800  }
0xed: {  	[sflag:s21] =	ssyncset.done $0x0  }
0xee: {  	[sflag:s21] =	ssyncadd.s32 $0xFFFFD800  }
0xef: {  	_ =	swait.ge [sflag:s21], $0x2800  }
0xf0: {  	[sflag:s21] =	ssyncset.done $0x0  }
0xf1: {  	s30 =	rddreg [dreg:$0x6];
	[sflag:s21] =	ssyncadd.s32 $0xFFFFD800  }
0xf2: {  	[hbm4b:s30+s2] =	stream.linear.scatter [tilespmem:s13], [sflag:$0x2], $0x2800, $0x38;
	[tilespmem:$0x14400] =	vst v63  }
0xf3: {  	_ = 	snop  }
0xf4: {  	[hbm4b:s4+s2] =	stream.linear.scatter [tilespmem:s14], [sflag:$0x2], $0x2800, $0x38;
	[tilespmem:$0x14400] =	vst v63  }
0xf5: {  	_ = 	snop  }
0xf6: {  	[hbm4b:s5+s2] =	stream.linear.scatter [tilespmem:s15], [sflag:$0x2], $0x2800, $0x38;
	[tilespmem:$0x14400] =	vst v63  }
0xf7: {  	_ = 	snop  }
0xf8: {  	[hbm4b:s6+s2] =	stream.linear.scatter [tilespmem:s16], [sflag:$0x2], $0x2800, $0x38;
	[tilespmem:$0x14400] =	vst v63  }
0xf9: {  	_ = 	snop  }
0xfa: {  	[hbm4b:s7+s2] =	stream.linear.scatter [tilespmem:s17], [sflag:$0x2], $0x2800, $0x38;
	[tilespmem:$0x14400] =	vst v63  }
0xfb: {  	_ = 	snop  }
0xfc: {  	[hbm4b:s10+s2] =	stream.linear.scatter [tilespmem:s18], [sflag:$0x2], $0x2800, $0x38;
	[tilespmem:$0x14400] =	vst v63  }
0xfd: {  	_ = 	snop  }
0xfe: {  	[hbm4b:s11+s2] =	stream.linear.scatter [tilespmem:s19], [sflag:$0x2], $0x2800, $0x38;
	[tilespmem:$0x14400] =	vst v63  }
0xff: {  	_ = 	snop  }
0x100: {  	[hbm4b:s12+s2] =	stream.linear.scatter [tilespmem:s20], [sflag:$0x2], $0x2800, $0x38;
	[tilespmem:$0x14400] =	vst v63  }
0x101: {  	_ =	swait.ge [sflag:s8], $0x2800  }
0x102: {  	[sflag:s8] =	ssyncset.done $0x0  }
0x103: {  	[sflag:s8] =	ssyncadd.s32 $0xFFFFD800  }
0x104: {  	_ =	swait.ge [sflag:s8], $0x2800  }
0x105: {  	[sflag:s8] =	ssyncset.done $0x0  }
0x106: {  	[sflag:s8] =	ssyncadd.s32 $0xFFFFD800  }
0x107: {  	_ =	swait.ge [sflag:s8], $0x2800  }
0x108: {  	[sflag:s8] =	ssyncset.done $0x0  }
0x109: {  	[sflag:s8] =	ssyncadd.s32 $0xFFFFD800  }
0x10a: {  	_ =	swait.ge [sflag:s8], $0x2800  }
0x10b: {  	[sflag:s8] =	ssyncset.done $0x0  }
0x10c: {  	[sflag:s8] =	ssyncadd.s32 $0xFFFFD800  }
0x10d: {  	_ =	swait.ge [sflag:s8], $0x2800  }
0x10e: {  	[sflag:s8] =	ssyncset.done $0x0  }
0x10f: {  	[sflag:s8] =	ssyncadd.s32 $0xFFFFD800  }
0x110: {  	_ =	swait.ge [sflag:s8], $0x2800  }
0x111: {  	[sflag:s8] =	ssyncset.done $0x0  }
0x112: {  	[sflag:s8] =	ssyncadd.s32 $0xFFFFD800  }
0x113: {  	_ =	swait.ge [sflag:s8], $0x2800  }
0x114: {  	[sflag:s8] =	ssyncset.done $0x0  }
0x115: {  	[sflag:s8] =	ssyncadd.s32 $0xFFFFD800  }
0x116: {  	_ =	swait.ge [sflag:s8], $0x2800  }
0x117: {  	[sflag:s8] =	ssyncset.done $0x0  }
0x118: {  	[sflag:s8] =	ssyncadd.s32 $0xFFFFD800  }
0x119: {  	_ =	sfence.sel $0x180000  }
0x11a: {  	[bflag:$0x0] =	sbarrier.arrive $0xFFFF  }
0x11b: {  	_ =	strace $0x90000047  }
0x11c: {  	s31 =	stileid.u32;
	[bflag:$0x2] =	sbarrier.arrive $0xFFFF  }
0x11d: {  	p0 =	sne.s32 s31, $0x0;
	s0 =	rddreg [dreg:$0x3]  }
0x11e: {  	s0 =	sadd.s32 @!p0 $0x100000, s0  }
0x11f: {  	[sflag:s0] =	ssyncadd.tile.s32 @!p0 $0x1;
	_ =	shalt  }
.Lfunc_end2:
_tile_overlayer_lowered:
.L_overlay_start_2:
0x120: {  	(tag) =	ssettag $0x2  }
0x121: {  	s0 =	rddreg [dreg:$0x0];
	s2 =	stileid.u32  }
0x122: {  	s1 =	rddreg [dreg:$0x1];
	p0 =	sne.s32 s2, $0x0  }
0x123: {  	s3 =	rddreg [dreg:$0x2];
	[bflag:$0x3] =	sbarrier.arrive $0xFFFF;
	s2 =	simm.s32 @!p0 $0x1C03  }
0x124: {  	[timem:s3], [sflag:s2] =	dma.local @!p0 [hbm:s0], s1  }
0x125: {  	s0 =	simm.s32 @!p0 $0x3  }
0x126: {  	_ =	swait.ge @!p0 [sflag:s0], s1  }
0x127: {  	s1 =	ssub.s32 @!p0 $0x0, s1;
	[sflag:s0] =	ssyncset.done @!p0 $0x0  }
0x128: {  	[sflag:s0] =	ssyncadd.s32 @!p0 s1  }
0x129: {  	[bflag:$0x3] =	sbarrier.arrive $0xFFFF  }
0x12a: {  	_ =	shalt  }

</sc_bundles>
